<compile_context>
chip_gen: v7x
topology: tpu7x:2x2x1
jax: 0.10.2.dev20260603
libtpu: 0.0.44.dev20260713+nightly
codegen_flags: <defaults>
</compile_context>

<pallas_src>
import functools

import jax
import jax.numpy as jnp
from jax import lax
from jax.experimental import pallas as pl
from jax.experimental.pallas import tpu as pltpu
from jax.experimental.pallas import tpu_sc as plsc

F32 = jnp.float32
NC = 2
NS = 16
BLK = 128
CW = 128


def _mesh():
    return plsc.VectorSubcoreMesh(core_axis_name="c", subcore_axis_name="s",
                                  num_cores=NC, num_subcores=NS)


def _copy_rows(src_ref, dst_ref, s, n_rows, add=False):
    main = (n_rows // NS) & ~7
    rem = n_rows - NS * main
    pltpu.sync_copy(src_ref.at[pl.ds(s * main, main)],
                    dst_ref.at[pl.ds(s * main, main)], add=add)
    if rem:
        @pl.when(s == 0)
        def _():
            pltpu.sync_copy(src_ref.at[pl.ds(NS * main, rem)],
                            dst_ref.at[pl.ds(NS * main, rem)], add=add)


@functools.lru_cache(maxsize=None)
def _make_degree_kernel(EP, NPAD):
    blocks = EP // (NC * NS * BLK)

    @functools.partial(
        pl.kernel,
        mesh=_mesh(),
        out_type=jax.ShapeDtypeStruct((NC, 1, NPAD), F32),
        scratch_types=[
            pltpu.VMEM((BLK,), jnp.int32),
            pltpu.VMEM((BLK,), F32),
            pltpu.VMEM_SHARED((NPAD,), F32),
        ],
    )
    def deg_kernel(dst_hbm, zeros_hbm, ones_hbm, out_hbm, didx, ones_v, acc):
        c = lax.axis_index("c")
        s = lax.axis_index("s")

        @pl.when(s == 0)
        def _():
            pltpu.sync_copy(zeros_hbm, acc)

        pltpu.sync_copy(ones_hbm, ones_v)
        plsc.subcore_barrier()
        base = (c * NS + s) * blocks

        def body(j, carry):
            off = pl.multiple_of((base + j) * BLK, BLK)
            pltpu.sync_copy(dst_hbm.at[pl.ds(off, BLK)], didx)
            pltpu.sync_copy(ones_v, acc.at[didx], add=True)
            return carry

        lax.fori_loop(0, blocks, body, 0)
        plsc.subcore_barrier()

        @pl.when(s == 0)
        def _():
            pltpu.sync_copy(acc, out_hbm.at[c, 0])

    return deg_kernel


@functools.lru_cache(maxsize=None)
def _make_agg_kernel(n_chunks, EP, NPAD, N):
    ABLK = 64
    NBUF = 4
    PK = ABLK // 2
    blocks = EP // (NS * ABLK)
    chunks_per_core = n_chunks // NC

    @functools.partial(
        pl.kernel,
        mesh=_mesh(),
        out_type=jax.ShapeDtypeStruct((n_chunks, N, CW), F32),
        scratch_types=[
            pltpu.VMEM((blocks * PK,), jnp.int32),
            pltpu.VMEM((blocks * PK,), jnp.int32),
            [pltpu.VMEM((ABLK,), jnp.int32)] * NBUF,
            [pltpu.VMEM((ABLK,), jnp.int32)] * NBUF,
            [pltpu.VMEM((ABLK, CW), F32)] * NBUF,
            [pltpu.SemaphoreType.DMA] * NBUF,
            [pltpu.SemaphoreType.DMA] * NBUF,
            pltpu.VMEM_SHARED((NPAD, CW), F32),
        ],
    )
    def agg_kernel(xs_hbm, spk_hbm, dpk_hbm, out_hbm,
                   spk, dpk, sstag, dstag, rows, gsems, ssems, acc):
        c = lax.axis_index("c")
        s = lax.axis_index("s")
        pltpu.sync_copy(spk_hbm.at[pl.ds(s * blocks * PK, blocks * PK)], spk)
        pltpu.sync_copy(dpk_hbm.at[pl.ds(s * blocks * PK, blocks * PK)], dpk)

        def unpack(pk, stag, blk):
            for u in range(PK // 16):
                w = pk[pl.ds(blk * PK + u * 16, 16)]
                stag[pl.ds(u * 16, 16)] = w & jnp.int32(0xFFFF)
                stag[pl.ds(PK + u * 16, 16)] = lax.shift_right_logical(w, 16)

        for cc in range(chunks_per_core):
            chunk = c * chunks_per_core + cc
            _copy_rows(xs_hbm.at[chunk], acc, s, N)
            plsc.subcore_barrier()

            for b in range(NBUF):
                unpack(spk, sstag[b], b)
                pltpu.async_copy(xs_hbm.at[chunk].at[sstag[b]],
                                 rows[b], gsems[b])

            def body(j, carry):
                for b in range(NBUF):
                    blk = NBUF * j + b
                    unpack(dpk, dstag[b], blk)
                    pltpu.make_async_copy(xs_hbm.at[chunk].at[sstag[b]],
                                          rows[b], gsems[b]).wait()
                    pltpu.async_copy(rows[b], acc.at[dstag[b]], ssems[b],
                                     add=True)
                    nxt = lax.min(blk + NBUF, blocks - 1)
                    unpack(spk, sstag[b], nxt)
                    pltpu.make_async_copy(rows[b], acc.at[dstag[b]],
                                          ssems[b]).wait()
                    pltpu.async_copy(xs_hbm.at[chunk].at[sstag[b]],
                                     rows[b], gsems[b])
                return carry

            lax.fori_loop(0, blocks // NBUF, body, 0)
            for b in range(NBUF):
                pltpu.make_async_copy(xs_hbm.at[chunk].at[sstag[b]],
                                      rows[b], gsems[b]).wait()
            plsc.subcore_barrier()
            _copy_rows(acc, out_hbm.at[chunk], s, N)
            plsc.subcore_barrier()

    return agg_kernel


def _xw_kernel(x, ind0, ind1, W, N, NPAD):
    TN = 2000
    DIN = x.shape[1]
    KC = DIN // CW
    DO = W.shape[1]
    JC = DO // CW

    def body(ind0_ref, ind1_ref, x_ref, w_ref, out_ref):
        k = pl.program_id(2)
        part = jnp.dot(x_ref[...], w_ref[...], preferred_element_type=F32)

        @pl.when(k == 0)
        def _():
            out_ref[...] = part[None]

        @pl.when(k > 0)
        def _():
            out_ref[...] += part[None]

        @pl.when(k == KC - 1)
        def _():
            dinv = lax.rsqrt(ind0_ref[...] + ind1_ref[...] + 1.0)
            out_ref[...] = (dinv * out_ref[0])[None]

    return pl.pallas_call(
        body,
        grid=(N // TN, JC, KC),
        in_specs=[
            pl.BlockSpec((TN, 1), lambda i, j, k: (i, 0)),
            pl.BlockSpec((TN, 1), lambda i, j, k: (i, 0)),
            pl.BlockSpec((TN, CW), lambda i, j, k: (i, k)),
            pl.BlockSpec((CW, CW), lambda i, j, k: (k, j)),
        ],
        out_specs=pl.BlockSpec((1, TN, CW), lambda i, j, k: (j, i, 0)),
        out_shape=jax.ShapeDtypeStruct((JC, NPAD, CW), F32),
    )(ind0, ind1, x, W)


def _mid_kernel(y, ind0, ind1, b, W, N, NPAD):
    TN = 2000
    KC = y.shape[0]
    DO = W.shape[1]
    JC = DO // CW
    b2d = b.reshape(1, KC * CW)

    def body(y_ref, ind0_ref, ind1_ref, b_ref, w_ref, out_ref):
        k = pl.program_id(2)
        dinv = lax.rsqrt(ind0_ref[...] + ind1_ref[...] + 1.0)
        h = jnp.maximum(dinv * y_ref[0] + b_ref[...], 0.0)
        part = jnp.dot(h, w_ref[...], preferred_element_type=F32)

        @pl.when(k == 0)
        def _():
            out_ref[...] = part[None]

        @pl.when(k > 0)
        def _():
            out_ref[...] += part[None]

        @pl.when(k == KC - 1)
        def _():
            out_ref[...] = (dinv * out_ref[0])[None]

    return pl.pallas_call(
        body,
        grid=(N // TN, JC, KC),
        in_specs=[
            pl.BlockSpec((1, TN, CW), lambda i, j, k: (k, i, 0)),
            pl.BlockSpec((TN, 1), lambda i, j, k: (i, 0)),
            pl.BlockSpec((TN, 1), lambda i, j, k: (i, 0)),
            pl.BlockSpec((1, CW), lambda i, j, k: (0, k)),
            pl.BlockSpec((CW, CW), lambda i, j, k: (k, j)),
        ],
        out_specs=pl.BlockSpec((1, TN, CW), lambda i, j, k: (j, i, 0)),
        out_shape=jax.ShapeDtypeStruct((JC, NPAD, CW), F32),
    )(y, ind0, ind1, b2d, W)


def _final_kernel(y, ind0, ind1, b, fcW, fcb, batchf, N, G):
    TN = 2000
    KC = y.shape[0]
    b2d = b.reshape(1, KC * CW)
    fcb2d = fcb.reshape(1, 1)
    NI = N // TN

    def body(y_ref, ind0_ref, ind1_ref, b_ref, fcw_ref, fcb_ref, batch_ref,
             out_ref, pooled_s, counts_s):
        i = pl.program_id(0)
        k = pl.program_id(1)
        dinv = lax.rsqrt(ind0_ref[...] + ind1_ref[...] + 1.0)
        h = jnp.maximum(dinv * y_ref[0] + b_ref[...], 0.0)
        gids = lax.broadcasted_iota(jnp.int32, (1, G), 1).astype(F32)
        onehot = (batch_ref[...] == gids).astype(F32)
        ppart = lax.dot_general(onehot, h, (((0,), (0,)), ((), ())),
                                precision=lax.Precision.HIGHEST)

        @pl.when(i == 0)
        def _():
            pooled_s[k] = ppart

        @pl.when(i > 0)
        def _():
            pooled_s[k] += ppart

        @pl.when(k == 0)
        def _():
            cpart = jnp.broadcast_to(jnp.sum(onehot, axis=0)[:, None], (G, CW))

            @pl.when(i == 0)
            def _():
                counts_s[...] = cpart

            @pl.when(i > 0)
            def _():
                counts_s[...] += cpart

        @pl.when(i == NI - 1)
        def _():
            mean_k = pooled_s[k] / jnp.maximum(counts_s[...], 1.0)
            opart = jnp.dot(mean_k, fcw_ref[...], preferred_element_type=F32)

            @pl.when(k == 0)
            def _():
                out_ref[...] = opart

            @pl.when(k > 0)
            def _():
                out_ref[...] += opart

            @pl.when(k == KC - 1)
            def _():
                out_ref[...] += fcb_ref[...]

    return pl.pallas_call(
        body,
        grid=(NI, KC),
        in_specs=[
            pl.BlockSpec((1, TN, CW), lambda i, k: (k, i, 0)),
            pl.BlockSpec((TN, 1), lambda i, k: (i, 0)),
            pl.BlockSpec((TN, 1), lambda i, k: (i, 0)),
            pl.BlockSpec((1, CW), lambda i, k: (0, k)),
            pl.BlockSpec((CW, 1), lambda i, k: (k, 0)),
            pl.BlockSpec((1, 1), lambda i, k: (0, 0)),
            pl.BlockSpec((TN, 1), lambda i, k: (i, 0)),
        ],
        out_specs=pl.BlockSpec((G, 1), lambda i, k: (0, 0)),
        out_shape=jax.ShapeDtypeStruct((G, 1), F32),
        scratch_shapes=[pltpu.VMEM((KC, G, CW), F32),
                        pltpu.VMEM((G, CW), F32)],
    )(y, ind0, ind1, b2d, fcW, fcb2d, batchf)


def kernel(x, edge_index, batch, W1, b1, W2, b2, fcW, fcb):
    N, DIN = x.shape
    DH = W1.shape[1]
    G = 64
    NPAD = N + 8
    E = edge_index.shape[1]

    step = NC * NS * BLK
    EP = ((E + step - 1) // step) * step
    pad = EP - E
    src = jnp.concatenate([edge_index[0], jnp.full((pad,), N, jnp.int32)])
    dst = jnp.concatenate([edge_index[1], jnp.full((pad,), N, jnp.int32)])

    def pack_idx(a):
        b2 = a.reshape(-1, 2, 32)
        return (b2[:, 0, :] | (b2[:, 1, :] << 16)).reshape(-1)

    spk = pack_idx(src)
    dpk = pack_idx(dst)

    deg_k = _make_degree_kernel(EP, NPAD)
    indeg2 = deg_k(dst, jnp.zeros((NPAD,), F32), jnp.ones((BLK,), F32))
    ind0 = indeg2[0, 0, :N][:, None]
    ind1 = indeg2[1, 0, :N][:, None]

    agg = _make_agg_kernel(DH // CW, EP, NPAD, N)

    xs1 = _xw_kernel(x, ind0, ind1, W1, N, NPAD)
    y1 = agg(xs1, spk, dpk)

    xs2 = _mid_kernel(y1, ind0, ind1, b1, W2, N, NPAD)
    y2 = agg(xs2, spk, dpk)

    batchf = batch.astype(F32).reshape(N, 1)
    return _final_kernel(y2, ind0, ind1, b2, fcW, fcb, batchf, N, G)

# --- scband reference (transcript-rebuilt; emitter-appended) ---
"""Pipeline reference for scband-gcn-1546188227007 (READ-ONLY COPY).

The authoritative reference and input builder live on the scoring server;
editing this copy changes nothing except your own understanding.
"""

import jax, jax.numpy as jnp
import numpy as np

N = 10000
E = 160000
DIN = 256
DH = 512
DOUT = 1
G = 64


def setup_inputs(seed: int = 0) -> dict:
    key = jax.random.key(seed)
    ks = jax.random.split(key, 10)
    x = jax.random.normal(ks[0], (N, DIN), dtype=jnp.float32)
    edge_index = jax.random.randint(ks[1], (2, E), 0, N, dtype=jnp.int32)
    batch = jnp.sort(jax.random.randint(ks[2], (N,), 0, G, dtype=jnp.int32))
    W1 = jax.random.normal(ks[3], (DIN, DH), dtype=jnp.float32) * 0.05
    b1 = jnp.zeros((DH,), dtype=jnp.float32)
    W2 = jax.random.normal(ks[4], (DH, DH), dtype=jnp.float32) * 0.05
    b2 = jnp.zeros((DH,), dtype=jnp.float32)
    fcW = jax.random.normal(ks[5], (DH, DOUT), dtype=jnp.float32) * 0.05
    fcb = jnp.zeros((DOUT,), dtype=jnp.float32)
    return {"x": x, "edge_index": edge_index, "batch": batch,
            "W1": W1, "b1": b1, "W2": W2, "b2": b2, "fcW": fcW, "fcb": fcb}


def _gcn_conv(x, edge_index, W, b):
    # PyG GCNConv: add self-loops, symmetric normalization, linear transform,
    # sum aggregation at dst, add bias.
    loop = jnp.arange(N, dtype=edge_index.dtype)
    src = jnp.concatenate([edge_index[0], loop])
    dst = jnp.concatenate([edge_index[1], loop])
    ones = jnp.ones(src.shape[0], dtype=x.dtype)
    deg = jax.ops.segment_sum(ones, dst, num_segments=N)
    deg_inv_sqrt = jnp.where(deg > 0, deg ** -0.5, 0.0)
    norm = deg_inv_sqrt[src] * deg_inv_sqrt[dst]
    h = x @ W
    msg = norm[:, None] * jnp.take(h, src, axis=0)
    out = jax.ops.segment_sum(msg, dst, num_segments=N)
    return out + b


def reference(x, edge_index, batch, W1, b1, W2, b2, fcW, fcb):
    h = _gcn_conv(x, edge_index, W1, b1)
    h = jax.nn.relu(h)
    # dropout p=0.0 -> identity (eval mode)
    h = _gcn_conv(h, edge_index, W2, b2)
    h = jax.nn.relu(h)
    # global mean pool over graphs in batch
    counts = jax.ops.segment_sum(jnp.ones((N,), dtype=h.dtype), batch, num_segments=G)
    pooled = jax.ops.segment_sum(h, batch, num_segments=G)
    pooled = pooled / jnp.maximum(counts, 1.0)[:, None]
    out = pooled @ fcW + fcb
    return out

if __name__ == "__main__":
    import jax
    _d = setup_inputs()
    print(jax.jit(kernel)(*tuple(_d.values())))

</pallas_src>

<mosaic_0001>
#map = affine_map<(d0, d1) -> (0, 0, 0)>
#map1 = affine_map<(d0, d1) -> (0)>
module attributes {stable_mosaic.version = 14 : i64} {
  func.func @agg_kernel(%arg0: i32, %arg1: i32, %arg2: memref<4x10008x128xf32, #tpu.memory_space<hbm>>, %arg3: memref<81920xi32, #tpu.memory_space<hbm>>, %arg4: memref<81920xi32, #tpu.memory_space<hbm>>, %arg5: memref<4x10000x128xf32, #tpu.memory_space<hbm>>, %arg6: memref<5120xi32, #tpu.memory_space<vmem>>, %arg7: memref<5120xi32, #tpu.memory_space<vmem>>, %arg8: memref<64xi32, #tpu.memory_space<vmem>>, %arg9: memref<64xi32, #tpu.memory_space<vmem>>, %arg10: memref<64xi32, #tpu.memory_space<vmem>>, %arg11: memref<64xi32, #tpu.memory_space<vmem>>, %arg12: memref<64xi32, #tpu.memory_space<vmem>>, %arg13: memref<64xi32, #tpu.memory_space<vmem>>, %arg14: memref<64xi32, #tpu.memory_space<vmem>>, %arg15: memref<64xi32, #tpu.memory_space<vmem>>, %arg16: memref<64x128xf32, #tpu.memory_space<vmem>>, %arg17: memref<64x128xf32, #tpu.memory_space<vmem>>, %arg18: memref<64x128xf32, #tpu.memory_space<vmem>>, %arg19: memref<64x128xf32, #tpu.memory_space<vmem>>, %arg20: memref<!tpu.dma_semaphore, #tpu.memory_space<semaphore_mem>>, %arg21: memref<!tpu.dma_semaphore, #tpu.memory_space<semaphore_mem>>, %arg22: memref<!tpu.dma_semaphore, #tpu.memory_space<semaphore_mem>>, %arg23: memref<!tpu.dma_semaphore, #tpu.memory_space<semaphore_mem>>, %arg24: memref<!tpu.dma_semaphore, #tpu.memory_space<semaphore_mem>>, %arg25: memref<!tpu.dma_semaphore, #tpu.memory_space<semaphore_mem>>, %arg26: memref<!tpu.dma_semaphore, #tpu.memory_space<semaphore_mem>>, %arg27: memref<!tpu.dma_semaphore, #tpu.memory_space<semaphore_mem>>, %arg28: memref<10008x128xf32, #tpu.memory_space<vmem_shared>>) attributes {dimension_semantics = [#tpu.dimension_semantics<core_parallel>, #tpu.dimension_semantics<subcore_parallel>], iteration_bounds = array<i64: 2, 16>, scalar_prefetch = 0 : i64, scratch_operands = 23 : i64, tpu.core_type = #tpu.core_type<sc_vector_subcore>, window_params = [{transform_indices = #map}, {transform_indices = #map1}, {transform_indices = #map1}, {transform_indices = #map}]} {
    %mul3A = arith.constant 160 : i32
    %mul3A_0 = arith.muli %arg1, %mul3A : i32
    %mul3A_1 = arith.constant 32 : i32
    %mul3A_2 = arith.muli %mul3A_0, %mul3A_1 : i32
    "tpu.region"() ({
      %run_scoped3A = tpu.sem_alloc : memref<!tpu.dma_semaphore, #tpu.memory_space<semaphore_mem>>
      %dma_start3A_441 = tpu.memref_slice %arg3[%mul3A_2] : memref<81920xi32, #tpu.memory_space<hbm>> -> memref<5120xi32, #tpu.memory_space<hbm>>
      %dma_start3A_442 = tpu.memref_slice %arg3[%mul3A_2] : memref<81920xi32, #tpu.memory_space<hbm>> -> memref<5120xi32, #tpu.memory_space<hbm>>
      tpu.enqueue_dma source(%dma_start3A_442 : memref<5120xi32, #tpu.memory_space<hbm>>) target(%arg6 : memref<5120xi32, #tpu.memory_space<vmem>>) target_semaphore(%run_scoped3A : memref<!tpu.dma_semaphore, #tpu.memory_space<semaphore_mem>>)
      %dma_wait3A_443 = tpu.memref_slice %arg3[%mul3A_2] : memref<81920xi32, #tpu.memory_space<hbm>> -> memref<5120xi32, #tpu.memory_space<hbm>>
      %dma_wait3A_444 = tpu.memref_slice %arg3[%mul3A_2] : memref<81920xi32, #tpu.memory_space<hbm>> -> memref<5120xi32, #tpu.memory_space<hbm>>
      tpu.wait_dma2 semaphore(%run_scoped3A : memref<!tpu.dma_semaphore, #tpu.memory_space<semaphore_mem>>) src(%dma_wait3A_444 : memref<5120xi32, #tpu.memory_space<hbm>>) dst(%arg6 : memref<5120xi32, #tpu.memory_space<vmem>>)
      tpu.yield
    }) : () -> ()
    %mul3A_3 = arith.constant 160 : i32
    %mul3A_4 = arith.muli %arg1, %mul3A_3 : i32
    %mul3A_5 = arith.constant 32 : i32
    %mul3A_6 = arith.muli %mul3A_4, %mul3A_5 : i32
    "tpu.region"() ({
      %run_scoped3A = tpu.sem_alloc : memref<!tpu.dma_semaphore, #tpu.memory_space<semaphore_mem>>
      %dma_start3A_441 = tpu.memref_slice %arg4[%mul3A_6] : memref<81920xi32, #tpu.memory_space<hbm>> -> memref<5120xi32, #tpu.memory_space<hbm>>
      %dma_start3A_442 = tpu.memref_slice %arg4[%mul3A_6] : memref<81920xi32, #tpu.memory_space<hbm>> -> memref<5120xi32, #tpu.memory_space<hbm>>
      tpu.enqueue_dma source(%dma_start3A_442 : memref<5120xi32, #tpu.memory_space<hbm>>) target(%arg7 : memref<5120xi32, #tpu.memory_space<vmem>>) target_semaphore(%run_scoped3A : memref<!tpu.dma_semaphore, #tpu.memory_space<semaphore_mem>>)
      %dma_wait3A_443 = tpu.memref_slice %arg4[%mul3A_6] : memref<81920xi32, #tpu.memory_space<hbm>> -> memref<5120xi32, #tpu.memory_space<hbm>>
      %dma_wait3A_444 = tpu.memref_slice %arg4[%mul3A_6] : memref<81920xi32, #tpu.memory_space<hbm>> -> memref<5120xi32, #tpu.memory_space<hbm>>
      tpu.wait_dma2 semaphore(%run_scoped3A : memref<!tpu.dma_semaphore, #tpu.memory_space<semaphore_mem>>) src(%dma_wait3A_444 : memref<5120xi32, #tpu.memory_space<hbm>>) dst(%arg7 : memref<5120xi32, #tpu.memory_space<vmem>>)
      tpu.yield
    }) : () -> ()
    %mul3A_7 = arith.constant 2 : i32
    %mul3A_8 = arith.muli %arg0, %mul3A_7 : i32
    %add3A = arith.constant 0 : i32
    %add3A_9 = arith.addi %mul3A_8, %add3A : i32
    %mul3A_10 = arith.constant 624 : i32
    %mul3A_11 = arith.muli %arg1, %mul3A_10 : i32
    %mul3A_12 = arith.constant 624 : i32
    %mul3A_13 = arith.muli %arg1, %mul3A_12 : i32
    "tpu.region"() ({
      %run_scoped3A = tpu.sem_alloc : memref<!tpu.dma_semaphore, #tpu.memory_space<semaphore_mem>>
      %dma_start3A_441 = arith.constant 0 : i32
      %dma_start3A_442 = tpu.memref_slice %arg28[%mul3A_13, %dma_start3A_441] : memref<10008x128xf32, #tpu.memory_space<vmem_shared>> -> memref<624x128xf32, #tpu.memory_space<vmem_shared>>
      %dma_start3A_443 = arith.constant 0 : i32
      %dma_start3A_444 = arith.constant 0 : i32
      %dma_start3A_445 = tpu.memref_slice %arg2[%add3A_9, %dma_start3A_443, %dma_start3A_444] : memref<4x10008x128xf32, #tpu.memory_space<hbm>> -> memref<1x10008x128xf32, #tpu.memory_space<hbm>>
      %dma_start3A_446 = tpu.memref_squeeze %dma_start3A_445 : memref<1x10008x128xf32, #tpu.memory_space<hbm>> -> memref<10008x128xf32, #tpu.memory_space<hbm>>
      %dma_start3A_447 = arith.constant 0 : i32
      %dma_start3A_448 = tpu.memref_slice %dma_start3A_446[%mul3A_11, %dma_start3A_447] : memref<10008x128xf32, #tpu.memory_space<hbm>> -> memref<624x128xf32, #tpu.memory_space<hbm>>
      tpu.enqueue_dma source(%dma_start3A_448 : memref<624x128xf32, #tpu.memory_space<hbm>>) target(%dma_start3A_442 : memref<624x128xf32, #tpu.memory_space<vmem_shared>>) target_semaphore(%run_scoped3A : memref<!tpu.dma_semaphore, #tpu.memory_space<semaphore_mem>>)
      %dma_wait3A_449 = arith.constant 0 : i32
      %dma_wait3A_450 = tpu.memref_slice %arg28[%mul3A_13, %dma_wait3A_449] : memref<10008x128xf32, #tpu.memory_space<vmem_shared>> -> memref<624x128xf32, #tpu.memory_space<vmem_shared>>
      %dma_wait3A_451 = arith.constant 0 : i32
      %dma_wait3A_452 = arith.constant 0 : i32
      %dma_wait3A_453 = tpu.memref_slice %arg2[%add3A_9, %dma_wait3A_451, %dma_wait3A_452] : memref<4x10008x128xf32, #tpu.memory_space<hbm>> -> memref<1x10008x128xf32, #tpu.memory_space<hbm>>
      %dma_wait3A_454 = tpu.memref_squeeze %dma_wait3A_453 : memref<1x10008x128xf32, #tpu.memory_space<hbm>> -> memref<10008x128xf32, #tpu.memory_space<hbm>>
      %dma_wait3A_455 = arith.constant 0 : i32
      %dma_wait3A_456 = tpu.memref_slice %dma_wait3A_454[%mul3A_11, %dma_wait3A_455] : memref<10008x128xf32, #tpu.memory_space<hbm>> -> memref<624x128xf32, #tpu.memory_space<hbm>>
      tpu.wait_dma2 semaphore(%run_scoped3A : memref<!tpu.dma_semaphore, #tpu.memory_space<semaphore_mem>>) src(%dma_wait3A_456 : memref<624x128xf32, #tpu.memory_space<hbm>>) dst(%dma_wait3A_450 : memref<624x128xf32, #tpu.memory_space<vmem_shared>>)
      tpu.yield
    }) : () -> ()
    %eq3A = arith.constant 0 : i32
    %eq3A_14 = arith.cmpi eq, %arg1, %eq3A : i32
    %convert_element_type3A = arith.extui %eq3A_14 : i1 to i32
    %cond3A = arith.constant 0 : i32
    %cond3A_15 = arith.cmpi ne, %convert_element_type3A, %cond3A : i32
    scf.if %cond3A_15 {
      "tpu.region"() ({
        %run_scoped3A = tpu.sem_alloc : memref<!tpu.dma_semaphore, #tpu.memory_space<semaphore_mem>>
        %dma_start3A_441 = arith.constant 9984 : i32
        %dma_start3A_442 = arith.constant 0 : i32
        %dma_start3A_443 = tpu.memref_slice %arg28[%dma_start3A_441, %dma_start3A_442] : memref<10008x128xf32, #tpu.memory_space<vmem_shared>> -> memref<16x128xf32, #tpu.memory_space<vmem_shared>>
        %dma_start3A_444 = arith.constant 0 : i32
        %dma_start3A_445 = arith.constant 0 : i32
        %dma_start3A_446 = tpu.memref_slice %arg2[%add3A_9, %dma_start3A_444, %dma_start3A_445] : memref<4x10008x128xf32, #tpu.memory_space<hbm>> -> memref<1x10008x128xf32, #tpu.memory_space<hbm>>
        %dma_start3A_447 = tpu.memref_squeeze %dma_start3A_446 : memref<1x10008x128xf32, #tpu.memory_space<hbm>> -> memref<10008x128xf32, #tpu.memory_space<hbm>>
        %dma_start3A_448 = arith.constant 9984 : i32
        %dma_start3A_449 = arith.constant 0 : i32
        %dma_start3A_450 = tpu.memref_slice %dma_start3A_447[%dma_start3A_448, %dma_start3A_449] : memref<10008x128xf32, #tpu.memory_space<hbm>> -> memref<16x128xf32, #tpu.memory_space<hbm>>
        tpu.enqueue_dma source(%dma_start3A_450 : memref<16x128xf32, #tpu.memory_space<hbm>>) target(%dma_start3A_443 : memref<16x128xf32, #tpu.memory_space<vmem_shared>>) target_semaphore(%run_scoped3A : memref<!tpu.dma_semaphore, #tpu.memory_space<semaphore_mem>>)
        %dma_wait3A_451 = arith.constant 9984 : i32
        %dma_wait3A_452 = arith.constant 0 : i32
        %dma_wait3A_453 = tpu.memref_slice %arg28[%dma_wait3A_451, %dma_wait3A_452] : memref<10008x128xf32, #tpu.memory_space<vmem_shared>> -> memref<16x128xf32, #tpu.memory_space<vmem_shared>>
        %dma_wait3A_454 = arith.constant 0 : i32
        %dma_wait3A_455 = arith.constant 0 : i32
        %dma_wait3A_456 = tpu.memref_slice %arg2[%add3A_9, %dma_wait3A_454, %dma_wait3A_455] : memref<4x10008x128xf32, #tpu.memory_space<hbm>> -> memref<1x10008x128xf32, #tpu.memory_space<hbm>>
        %dma_wait3A_457 = tpu.memref_squeeze %dma_wait3A_456 : memref<1x10008x128xf32, #tpu.memory_space<hbm>> -> memref<10008x128xf32, #tpu.memory_space<hbm>>
        %dma_wait3A_458 = arith.constant 9984 : i32
        %dma_wait3A_459 = arith.constant 0 : i32
        %dma_wait3A_460 = tpu.memref_slice %dma_wait3A_457[%dma_wait3A_458, %dma_wait3A_459] : memref<10008x128xf32, #tpu.memory_space<hbm>> -> memref<16x128xf32, #tpu.memory_space<hbm>>
        tpu.wait_dma2 semaphore(%run_scoped3A : memref<!tpu.dma_semaphore, #tpu.memory_space<semaphore_mem>>) src(%dma_wait3A_460 : memref<16x128xf32, #tpu.memory_space<hbm>>) dst(%dma_wait3A_453 : memref<16x128xf32, #tpu.memory_space<vmem_shared>>)
        tpu.yield
      }) : () -> ()
    } else {
    }
    %barrier3A = arith.constant 0 : index
    tpu.barrier barrier_id(%barrier3A)
    %get3A = arith.constant 0 : index
    %get3A_16 = tpu.vector_load %arg6[%get3A] {strides = array<i32>} : memref<5120xi32, #tpu.memory_space<vmem>>, vector<16xi32>,
    %get3A_17 = vector.shape_cast %get3A_16 : vector<16xi32> to vector<16xi32>
    %and3A = arith.constant 65535 : i32
    %and3A_18 = vector.broadcast %and3A : i32 to vector<16xi32>
    %and3A_19 = arith.andi %get3A_17, %and3A_18 : vector<16xi32>
    %swap3A = arith.constant 0 : index
    %swap3A_20 = tpu.vector_load %arg8[%swap3A] {strides = array<i32>} : memref<64xi32, #tpu.memory_space<vmem>>, vector<16xi32>,
    %swap3A_21 = vector.shape_cast %swap3A_20 : vector<16xi32> to vector<16xi32>
    %swap3A_22 = vector.shape_cast %and3A_19 : vector<16xi32> to vector<16xi32>
    tpu.vector_store %arg8[%swap3A], %swap3A_22 {strides = array<i32>} : memref<64xi32, #tpu.memory_space<vmem>>, vector<16xi32>,
    %shift_right_logical3A = arith.constant 16 : i32
    %shift_right_logical3A_23 = vector.broadcast %shift_right_logical3A : i32 to vector<16xi32>
    %shift_right_logical3A_24 = arith.shrui %get3A_17, %shift_right_logical3A_23 : vector<16xi32>
    %swap3A_25 = arith.constant 32 : index
    %swap3A_26 = tpu.vector_load %arg8[%swap3A_25] {strides = array<i32>} : memref<64xi32, #tpu.memory_space<vmem>>, vector<16xi32>,
    %swap3A_27 = vector.shape_cast %swap3A_26 : vector<16xi32> to vector<16xi32>
    %swap3A_28 = vector.shape_cast %shift_right_logical3A_24 : vector<16xi32> to vector<16xi32>
    tpu.vector_store %arg8[%swap3A_25], %swap3A_28 {strides = array<i32>} : memref<64xi32, #tpu.memory_space<vmem>>, vector<16xi32>,
    %get3A_29 = arith.constant 16 : index
    %get3A_30 = tpu.vector_load %arg6[%get3A_29] {strides = array<i32>} : memref<5120xi32, #tpu.memory_space<vmem>>, vector<16xi32>,
    %get3A_31 = vector.shape_cast %get3A_30 : vector<16xi32> to vector<16xi32>
    %and3A_32 = arith.constant 65535 : i32
    %and3A_33 = vector.broadcast %and3A_32 : i32 to vector<16xi32>
    %and3A_34 = arith.andi %get3A_31, %and3A_33 : vector<16xi32>
    %swap3A_35 = arith.constant 16 : index
    %swap3A_36 = tpu.vector_load %arg8[%swap3A_35] {strides = array<i32>} : memref<64xi32, #tpu.memory_space<vmem>>, vector<16xi32>,
    %swap3A_37 = vector.shape_cast %swap3A_36 : vector<16xi32> to vector<16xi32>
    %swap3A_38 = vector.shape_cast %and3A_34 : vector<16xi32> to vector<16xi32>
    tpu.vector_store %arg8[%swap3A_35], %swap3A_38 {strides = array<i32>} : memref<64xi32, #tpu.memory_space<vmem>>, vector<16xi32>,
    %shift_right_logical3A_39 = arith.constant 16 : i32
    %shift_right_logical3A_40 = vector.broadcast %shift_right_logical3A_39 : i32 to vector<16xi32>
    %shift_right_logical3A_41 = arith.shrui %get3A_31, %shift_right_logical3A_40 : vector<16xi32>
    %swap3A_42 = arith.constant 48 : index
    %swap3A_43 = tpu.vector_load %arg8[%swap3A_42] {strides = array<i32>} : memref<64xi32, #tpu.memory_space<vmem>>, vector<16xi32>,
    %swap3A_44 = vector.shape_cast %swap3A_43 : vector<16xi32> to vector<16xi32>
    %swap3A_45 = vector.shape_cast %shift_right_logical3A_41 : vector<16xi32> to vector<16xi32>
    tpu.vector_store %arg8[%swap3A_42], %swap3A_45 {strides = array<i32>} : memref<64xi32, #tpu.memory_space<vmem>>, vector<16xi32>,
    %dma_start3A = arith.constant 0 : i32
    %dma_start3A_46 = arith.constant 0 : i32
    %dma_start3A_47 = tpu.memref_slice %arg2[%add3A_9, %dma_start3A, %dma_start3A_46] : memref<4x10008x128xf32, #tpu.memory_space<hbm>> -> memref<1x10008x128xf32, #tpu.memory_space<hbm>>
    %dma_start3A_48 = tpu.memref_squeeze %dma_start3A_47 : memref<1x10008x128xf32, #tpu.memory_space<hbm>> -> memref<10008x128xf32, #tpu.memory_space<hbm>>
    %dma_start3A_49 = arith.constant 0 : i32
    %dma_start3A_50 = arith.constant 0 : i32
    %dma_start3A_51 = tpu.memref_slice %dma_start3A_48[%dma_start3A_49, %dma_start3A_50] : memref<10008x128xf32, #tpu.memory_space<hbm>> -> memref<10008x128xf32, #tpu.memory_space<hbm>>
    tpu.enqueue_indirect_dma source(%dma_start3A_51 : memref<10008x128xf32, #tpu.memory_space<hbm>>) target(%arg16 : memref<64x128xf32, #tpu.memory_space<vmem>>) offsets(%arg8 : memref<64xi32, #tpu.memory_space<vmem>>) semaphore(%arg20 : memref<!tpu.dma_semaphore, #tpu.memory_space<semaphore_mem>>)
    %get3A_52 = arith.constant 32 : index
    %get3A_53 = tpu.vector_load %arg6[%get3A_52] {strides = array<i32>} : memref<5120xi32, #tpu.memory_space<vmem>>, vector<16xi32>,
    %get3A_54 = vector.shape_cast %get3A_53 : vector<16xi32> to vector<16xi32>
    %and3A_55 = arith.constant 65535 : i32
    %and3A_56 = vector.broadcast %and3A_55 : i32 to vector<16xi32>
    %and3A_57 = arith.andi %get3A_54, %and3A_56 : vector<16xi32>
    %swap3A_58 = arith.constant 0 : index
    %swap3A_59 = tpu.vector_load %arg9[%swap3A_58] {strides = array<i32>} : memref<64xi32, #tpu.memory_space<vmem>>, vector<16xi32>,
    %swap3A_60 = vector.shape_cast %swap3A_59 : vector<16xi32> to vector<16xi32>
    %swap3A_61 = vector.shape_cast %and3A_57 : vector<16xi32> to vector<16xi32>
    tpu.vector_store %arg9[%swap3A_58], %swap3A_61 {strides = array<i32>} : memref<64xi32, #tpu.memory_space<vmem>>, vector<16xi32>,
    %shift_right_logical3A_62 = arith.constant 16 : i32
    %shift_right_logical3A_63 = vector.broadcast %shift_right_logical3A_62 : i32 to vector<16xi32>
    %shift_right_logical3A_64 = arith.shrui %get3A_54, %shift_right_logical3A_63 : vector<16xi32>
    %swap3A_65 = arith.constant 32 : index
    %swap3A_66 = tpu.vector_load %arg9[%swap3A_65] {strides = array<i32>} : memref<64xi32, #tpu.memory_space<vmem>>, vector<16xi32>,
    %swap3A_67 = vector.shape_cast %swap3A_66 : vector<16xi32> to vector<16xi32>
    %swap3A_68 = vector.shape_cast %shift_right_logical3A_64 : vector<16xi32> to vector<16xi32>
    tpu.vector_store %arg9[%swap3A_65], %swap3A_68 {strides = array<i32>} : memref<64xi32, #tpu.memory_space<vmem>>, vector<16xi32>,
    %get3A_69 = arith.constant 48 : index
    %get3A_70 = tpu.vector_load %arg6[%get3A_69] {strides = array<i32>} : memref<5120xi32, #tpu.memory_space<vmem>>, vector<16xi32>,
    %get3A_71 = vector.shape_cast %get3A_70 : vector<16xi32> to vector<16xi32>
    %and3A_72 = arith.constant 65535 : i32
    %and3A_73 = vector.broadcast %and3A_72 : i32 to vector<16xi32>
    %and3A_74 = arith.andi %get3A_71, %and3A_73 : vector<16xi32>
    %swap3A_75 = arith.constant 16 : index
    %swap3A_76 = tpu.vector_load %arg9[%swap3A_75] {strides = array<i32>} : memref<64xi32, #tpu.memory_space<vmem>>, vector<16xi32>,
    %swap3A_77 = vector.shape_cast %swap3A_76 : vector<16xi32> to vector<16xi32>
    %swap3A_78 = vector.shape_cast %and3A_74 : vector<16xi32> to vector<16xi32>
    tpu.vector_store %arg9[%swap3A_75], %swap3A_78 {strides = array<i32>} : memref<64xi32, #tpu.memory_space<vmem>>, vector<16xi32>,
    %shift_right_logical3A_79 = arith.constant 16 : i32
    %shift_right_logical3A_80 = vector.broadcast %shift_right_logical3A_79 : i32 to vector<16xi32>
    %shift_right_logical3A_81 = arith.shrui %get3A_71, %shift_right_logical3A_80 : vector<16xi32>
    %swap3A_82 = arith.constant 48 : index
    %swap3A_83 = tpu.vector_load %arg9[%swap3A_82] {strides = array<i32>} : memref<64xi32, #tpu.memory_space<vmem>>, vector<16xi32>,
    %swap3A_84 = vector.shape_cast %swap3A_83 : vector<16xi32> to vector<16xi32>
    %swap3A_85 = vector.shape_cast %shift_right_logical3A_81 : vector<16xi32> to vector<16xi32>
    tpu.vector_store %arg9[%swap3A_82], %swap3A_85 {strides = array<i32>} : memref<64xi32, #tpu.memory_space<vmem>>, vector<16xi32>,
    %dma_start3A_86 = arith.constant 0 : i32
    %dma_start3A_87 = arith.constant 0 : i32
    %dma_start3A_88 = tpu.memref_slice %arg2[%add3A_9, %dma_start3A_86, %dma_start3A_87] : memref<4x10008x128xf32, #tpu.memory_space<hbm>> -> memref<1x10008x128xf32, #tpu.memory_space<hbm>>
    %dma_start3A_89 = tpu.memref_squeeze %dma_start3A_88 : memref<1x10008x128xf32, #tpu.memory_space<hbm>> -> memref<10008x128xf32, #tpu.memory_space<hbm>>
    %dma_start3A_90 = arith.constant 0 : i32
    %dma_start3A_91 = arith.constant 0 : i32
    %dma_start3A_92 = tpu.memref_slice %dma_start3A_89[%dma_start3A_90, %dma_start3A_91] : memref<10008x128xf32, #tpu.memory_space<hbm>> -> memref<10008x128xf32, #tpu.memory_space<hbm>>
    tpu.enqueue_indirect_dma source(%dma_start3A_92 : memref<10008x128xf32, #tpu.memory_space<hbm>>) target(%arg17 : memref<64x128xf32, #tpu.memory_space<vmem>>) offsets(%arg9 : memref<64xi32, #tpu.memory_space<vmem>>) semaphore(%arg21 : memref<!tpu.dma_semaphore, #tpu.memory_space<semaphore_mem>>)
    %get3A_93 = arith.constant 64 : index
    %get3A_94 = tpu.vector_load %arg6[%get3A_93] {strides = array<i32>} : memref<5120xi32, #tpu.memory_space<vmem>>, vector<16xi32>,
    %get3A_95 = vector.shape_cast %get3A_94 : vector<16xi32> to vector<16xi32>
    %and3A_96 = arith.constant 65535 : i32
    %and3A_97 = vector.broadcast %and3A_96 : i32 to vector<16xi32>
    %and3A_98 = arith.andi %get3A_95, %and3A_97 : vector<16xi32>
    %swap3A_99 = arith.constant 0 : index
    %swap3A_100 = tpu.vector_load %arg10[%swap3A_99] {strides = array<i32>} : memref<64xi32, #tpu.memory_space<vmem>>, vector<16xi32>,
    %swap3A_101 = vector.shape_cast %swap3A_100 : vector<16xi32> to vector<16xi32>
    %swap3A_102 = vector.shape_cast %and3A_98 : vector<16xi32> to vector<16xi32>
    tpu.vector_store %arg10[%swap3A_99], %swap3A_102 {strides = array<i32>} : memref<64xi32, #tpu.memory_space<vmem>>, vector<16xi32>,
    %shift_right_logical3A_103 = arith.constant 16 : i32
    %shift_right_logical3A_104 = vector.broadcast %shift_right_logical3A_103 : i32 to vector<16xi32>
    %shift_right_logical3A_105 = arith.shrui %get3A_95, %shift_right_logical3A_104 : vector<16xi32>
    %swap3A_106 = arith.constant 32 : index
    %swap3A_107 = tpu.vector_load %arg10[%swap3A_106] {strides = array<i32>} : memref<64xi32, #tpu.memory_space<vmem>>, vector<16xi32>,
    %swap3A_108 = vector.shape_cast %swap3A_107 : vector<16xi32> to vector<16xi32>
    %swap3A_109 = vector.shape_cast %shift_right_logical3A_105 : vector<16xi32> to vector<16xi32>
    tpu.vector_store %arg10[%swap3A_106], %swap3A_109 {strides = array<i32>} : memref<64xi32, #tpu.memory_space<vmem>>, vector<16xi32>,
    %get3A_110 = arith.constant 80 : index
    %get3A_111 = tpu.vector_load %arg6[%get3A_110] {strides = array<i32>} : memref<5120xi32, #tpu.memory_space<vmem>>, vector<16xi32>,
    %get3A_112 = vector.shape_cast %get3A_111 : vector<16xi32> to vector<16xi32>
    %and3A_113 = arith.constant 65535 : i32
    %and3A_114 = vector.broadcast %and3A_113 : i32 to vector<16xi32>
    %and3A_115 = arith.andi %get3A_112, %and3A_114 : vector<16xi32>
    %swap3A_116 = arith.constant 16 : index
    %swap3A_117 = tpu.vector_load %arg10[%swap3A_116] {strides = array<i32>} : memref<64xi32, #tpu.memory_space<vmem>>, vector<16xi32>,
    %swap3A_118 = vector.shape_cast %swap3A_117 : vector<16xi32> to vector<16xi32>
    %swap3A_119 = vector.shape_cast %and3A_115 : vector<16xi32> to vector<16xi32>
    tpu.vector_store %arg10[%swap3A_116], %swap3A_119 {strides = array<i32>} : memref<64xi32, #tpu.memory_space<vmem>>, vector<16xi32>,
    %shift_right_logical3A_120 = arith.constant 16 : i32
    %shift_right_logical3A_121 = vector.broadcast %shift_right_logical3A_120 : i32 to vector<16xi32>
    %shift_right_logical3A_122 = arith.shrui %get3A_112, %shift_right_logical3A_121 : vector<16xi32>
    %swap3A_123 = arith.constant 48 : index
    %swap3A_124 = tpu.vector_load %arg10[%swap3A_123] {strides = array<i32>} : memref<64xi32, #tpu.memory_space<vmem>>, vector<16xi32>,
    %swap3A_125 = vector.shape_cast %swap3A_124 : vector<16xi32> to vector<16xi32>
    %swap3A_126 = vector.shape_cast %shift_right_logical3A_122 : vector<16xi32> to vector<16xi32>
    tpu.vector_store %arg10[%swap3A_123], %swap3A_126 {strides = array<i32>} : memref<64xi32, #tpu.memory_space<vmem>>, vector<16xi32>,
    %dma_start3A_127 = arith.constant 0 : i32
    %dma_start3A_128 = arith.constant 0 : i32
    %dma_start3A_129 = tpu.memref_slice %arg2[%add3A_9, %dma_start3A_127, %dma_start3A_128] : memref<4x10008x128xf32, #tpu.memory_space<hbm>> -> memref<1x10008x128xf32, #tpu.memory_space<hbm>>
    %dma_start3A_130 = tpu.memref_squeeze %dma_start3A_129 : memref<1x10008x128xf32, #tpu.memory_space<hbm>> -> memref<10008x128xf32, #tpu.memory_space<hbm>>
    %dma_start3A_131 = arith.constant 0 : i32
    %dma_start3A_132 = arith.constant 0 : i32
    %dma_start3A_133 = tpu.memref_slice %dma_start3A_130[%dma_start3A_131, %dma_start3A_132] : memref<10008x128xf32, #tpu.memory_space<hbm>> -> memref<10008x128xf32, #tpu.memory_space<hbm>>
    tpu.enqueue_indirect_dma source(%dma_start3A_133 : memref<10008x128xf32, #tpu.memory_space<hbm>>) target(%arg18 : memref<64x128xf32, #tpu.memory_space<vmem>>) offsets(%arg10 : memref<64xi32, #tpu.memory_space<vmem>>) semaphore(%arg22 : memref<!tpu.dma_semaphore, #tpu.memory_space<semaphore_mem>>)
    %get3A_134 = arith.constant 96 : index
    %get3A_135 = tpu.vector_load %arg6[%get3A_134] {strides = array<i32>} : memref<5120xi32, #tpu.memory_space<vmem>>, vector<16xi32>,
    %get3A_136 = vector.shape_cast %get3A_135 : vector<16xi32> to vector<16xi32>
    %and3A_137 = arith.constant 65535 : i32
    %and3A_138 = vector.broadcast %and3A_137 : i32 to vector<16xi32>
    %and3A_139 = arith.andi %get3A_136, %and3A_138 : vector<16xi32>
    %swap3A_140 = arith.constant 0 : index
    %swap3A_141 = tpu.vector_load %arg11[%swap3A_140] {strides = array<i32>} : memref<64xi32, #tpu.memory_space<vmem>>, vector<16xi32>,
    %swap3A_142 = vector.shape_cast %swap3A_141 : vector<16xi32> to vector<16xi32>
    %swap3A_143 = vector.shape_cast %and3A_139 : vector<16xi32> to vector<16xi32>
    tpu.vector_store %arg11[%swap3A_140], %swap3A_143 {strides = array<i32>} : memref<64xi32, #tpu.memory_space<vmem>>, vector<16xi32>,
    %shift_right_logical3A_144 = arith.constant 16 : i32
    %shift_right_logical3A_145 = vector.broadcast %shift_right_logical3A_144 : i32 to vector<16xi32>
    %shift_right_logical3A_146 = arith.shrui %get3A_136, %shift_right_logical3A_145 : vector<16xi32>
    %swap3A_147 = arith.constant 32 : index
    %swap3A_148 = tpu.vector_load %arg11[%swap3A_147] {strides = array<i32>} : memref<64xi32, #tpu.memory_space<vmem>>, vector<16xi32>,
    %swap3A_149 = vector.shape_cast %swap3A_148 : vector<16xi32> to vector<16xi32>
    %swap3A_150 = vector.shape_cast %shift_right_logical3A_146 : vector<16xi32> to vector<16xi32>
    tpu.vector_store %arg11[%swap3A_147], %swap3A_150 {strides = array<i32>} : memref<64xi32, #tpu.memory_space<vmem>>, vector<16xi32>,
    %get3A_151 = arith.constant 112 : index
    %get3A_152 = tpu.vector_load %arg6[%get3A_151] {strides = array<i32>} : memref<5120xi32, #tpu.memory_space<vmem>>, vector<16xi32>,
    %get3A_153 = vector.shape_cast %get3A_152 : vector<16xi32> to vector<16xi32>
    %and3A_154 = arith.constant 65535 : i32
    %and3A_155 = vector.broadcast %and3A_154 : i32 to vector<16xi32>
    %and3A_156 = arith.andi %get3A_153, %and3A_155 : vector<16xi32>
    %swap3A_157 = arith.constant 16 : index
    %swap3A_158 = tpu.vector_load %arg11[%swap3A_157] {strides = array<i32>} : memref<64xi32, #tpu.memory_space<vmem>>, vector<16xi32>,
    %swap3A_159 = vector.shape_cast %swap3A_158 : vector<16xi32> to vector<16xi32>
    %swap3A_160 = vector.shape_cast %and3A_156 : vector<16xi32> to vector<16xi32>
    tpu.vector_store %arg11[%swap3A_157], %swap3A_160 {strides = array<i32>} : memref<64xi32, #tpu.memory_space<vmem>>, vector<16xi32>,
    %shift_right_logical3A_161 = arith.constant 16 : i32
    %shift_right_logical3A_162 = vector.broadcast %shift_right_logical3A_161 : i32 to vector<16xi32>
    %shift_right_logical3A_163 = arith.shrui %get3A_153, %shift_right_logical3A_162 : vector<16xi32>
    %swap3A_164 = arith.constant 48 : index
    %swap3A_165 = tpu.vector_load %arg11[%swap3A_164] {strides = array<i32>} : memref<64xi32, #tpu.memory_space<vmem>>, vector<16xi32>,
    %swap3A_166 = vector.shape_cast %swap3A_165 : vector<16xi32> to vector<16xi32>
    %swap3A_167 = vector.shape_cast %shift_right_logical3A_163 : vector<16xi32> to vector<16xi32>
    tpu.vector_store %arg11[%swap3A_164], %swap3A_167 {strides = array<i32>} : memref<64xi32, #tpu.memory_space<vmem>>, vector<16xi32>,
    %dma_start3A_168 = arith.constant 0 : i32
    %dma_start3A_169 = arith.constant 0 : i32
    %dma_start3A_170 = tpu.memref_slice %arg2[%add3A_9, %dma_start3A_168, %dma_start3A_169] : memref<4x10008x128xf32, #tpu.memory_space<hbm>> -> memref<1x10008x128xf32, #tpu.memory_space<hbm>>
    %dma_start3A_171 = tpu.memref_squeeze %dma_start3A_170 : memref<1x10008x128xf32, #tpu.memory_space<hbm>> -> memref<10008x128xf32, #tpu.memory_space<hbm>>
    %dma_start3A_172 = arith.constant 0 : i32
    %dma_start3A_173 = arith.constant 0 : i32
    %dma_start3A_174 = tpu.memref_slice %dma_start3A_171[%dma_start3A_172, %dma_start3A_173] : memref<10008x128xf32, #tpu.memory_space<hbm>> -> memref<10008x128xf32, #tpu.memory_space<hbm>>
    tpu.enqueue_indirect_dma source(%dma_start3A_174 : memref<10008x128xf32, #tpu.memory_space<hbm>>) target(%arg19 : memref<64x128xf32, #tpu.memory_space<vmem>>) offsets(%arg11 : memref<64xi32, #tpu.memory_space<vmem>>) semaphore(%arg23 : memref<!tpu.dma_semaphore, #tpu.memory_space<semaphore_mem>>)
    %scan3A = arith.constant 0 : i32
    %scan3A_175 = arith.constant 0 : i32
    %scan3A_176 = arith.constant 40 : i32
    %scan3A_177 = arith.addi %scan3A_175, %scan3A_176 : i32
    %scan3A_178 = arith.constant 1 : i32
    scf.for %scan3A_441 = %scan3A_175 to %scan3A_177 step %scan3A_178  : i32 {
      %mul3A_442 = arith.constant 4 : i32
      %mul3A_443 = arith.muli %mul3A_442, %scan3A_441 : i32
      %add3A_444 = arith.constant 0 : i32
      %add3A_445 = arith.addi %mul3A_443, %add3A_444 : i32
      %mul3A_446 = arith.constant 32 : i32
      %mul3A_447 = arith.muli %add3A_445, %mul3A_446 : i32
      %add3A_448 = arith.constant 0 : i32
      %add3A_449 = arith.addi %mul3A_447, %add3A_448 : i32
      %get3A_450 = arith.index_cast %add3A_449 : i32 to index
      %get3A_451 = tpu.vector_load %arg7[%get3A_450] {strides = array<i32>} : memref<5120xi32, #tpu.memory_space<vmem>>, vector<16xi32>,
      %get3A_452 = vector.shape_cast %get3A_451 : vector<16xi32> to vector<16xi32>
      %and3A_453 = arith.constant 65535 : i32
      %and3A_454 = vector.broadcast %and3A_453 : i32 to vector<16xi32>
      %and3A_455 = arith.andi %get3A_452, %and3A_454 : vector<16xi32>
      %swap3A_456 = arith.constant 0 : index
      %swap3A_457 = tpu.vector_load %arg12[%swap3A_456] {strides = array<i32>} : memref<64xi32, #tpu.memory_space<vmem>>, vector<16xi32>,
      %swap3A_458 = vector.shape_cast %swap3A_457 : vector<16xi32> to vector<16xi32>
      %swap3A_459 = vector.shape_cast %and3A_455 : vector<16xi32> to vector<16xi32>
      tpu.vector_store %arg12[%swap3A_456], %swap3A_459 {strides = array<i32>} : memref<64xi32, #tpu.memory_space<vmem>>, vector<16xi32>,
      %shift_right_logical3A_460 = arith.constant 16 : i32
      %shift_right_logical3A_461 = vector.broadcast %shift_right_logical3A_460 : i32 to vector<16xi32>
      %shift_right_logical3A_462 = arith.shrui %get3A_452, %shift_right_logical3A_461 : vector<16xi32>
      %swap3A_463 = arith.constant 32 : index
      %swap3A_464 = tpu.vector_load %arg12[%swap3A_463] {strides = array<i32>} : memref<64xi32, #tpu.memory_space<vmem>>, vector<16xi32>,
      %swap3A_465 = vector.shape_cast %swap3A_464 : vector<16xi32> to vector<16xi32>
      %swap3A_466 = vector.shape_cast %shift_right_logical3A_462 : vector<16xi32> to vector<16xi32>
      tpu.vector_store %arg12[%swap3A_463], %swap3A_466 {strides = array<i32>} : memref<64xi32, #tpu.memory_space<vmem>>, vector<16xi32>,
      %mul3A_467 = arith.constant 32 : i32
      %mul3A_468 = arith.muli %add3A_445, %mul3A_467 : i32
      %add3A_469 = arith.constant 16 : i32
      %add3A_470 = arith.addi %mul3A_468, %add3A_469 : i32
      %get3A_471 = arith.index_cast %add3A_470 : i32 to index
      %get3A_472 = tpu.vector_load %arg7[%get3A_471] {strides = array<i32>} : memref<5120xi32, #tpu.memory_space<vmem>>, vector<16xi32>,
      %get3A_473 = vector.shape_cast %get3A_472 : vector<16xi32> to vector<16xi32>
      %and3A_474 = arith.constant 65535 : i32
      %and3A_475 = vector.broadcast %and3A_474 : i32 to vector<16xi32>
      %and3A_476 = arith.andi %get3A_473, %and3A_475 : vector<16xi32>
      %swap3A_477 = arith.constant 16 : index
      %swap3A_478 = tpu.vector_load %arg12[%swap3A_477] {strides = array<i32>} : memref<64xi32, #tpu.memory_space<vmem>>, vector<16xi32>,
      %swap3A_479 = vector.shape_cast %swap3A_478 : vector<16xi32> to vector<16xi32>
      %swap3A_480 = vector.shape_cast %and3A_476 : vector<16xi32> to vector<16xi32>
      tpu.vector_store %arg12[%swap3A_477], %swap3A_480 {strides = array<i32>} : memref<64xi32, #tpu.memory_space<vmem>>, vector<16xi32>,
      %shift_right_logical3A_481 = arith.constant 16 : i32
      %shift_right_logical3A_482 = vector.broadcast %shift_right_logical3A_481 : i32 to vector<16xi32>
      %shift_right_logical3A_483 = arith.shrui %get3A_473, %shift_right_logical3A_482 : vector<16xi32>
      %swap3A_484 = arith.constant 48 : index
      %swap3A_485 = tpu.vector_load %arg12[%swap3A_484] {strides = array<i32>} : memref<64xi32, #tpu.memory_space<vmem>>, vector<16xi32>,
      %swap3A_486 = vector.shape_cast %swap3A_485 : vector<16xi32> to vector<16xi32>
      %swap3A_487 = vector.shape_cast %shift_right_logical3A_483 : vector<16xi32> to vector<16xi32>
      tpu.vector_store %arg12[%swap3A_484], %swap3A_487 {strides = array<i32>} : memref<64xi32, #tpu.memory_space<vmem>>, vector<16xi32>,
      %dma_wait3A_488 = arith.constant 0 : i32
      %dma_wait3A_489 = arith.constant 0 : i32
      %dma_wait3A_490 = tpu.memref_slice %arg2[%add3A_9, %dma_wait3A_488, %dma_wait3A_489] : memref<4x10008x128xf32, #tpu.memory_space<hbm>> -> memref<1x10008x128xf32, #tpu.memory_space<hbm>>
      %dma_wait3A_491 = tpu.memref_squeeze %dma_wait3A_490 : memref<1x10008x128xf32, #tpu.memory_space<hbm>> -> memref<10008x128xf32, #tpu.memory_space<hbm>>
      %dma_wait3A_492 = arith.constant 0 : i32
      %dma_wait3A_493 = arith.constant 0 : i32
      %dma_wait3A_494 = tpu.memref_slice %dma_wait3A_491[%dma_wait3A_492, %dma_wait3A_493] : memref<10008x128xf32, #tpu.memory_space<hbm>> -> memref<10008x128xf32, #tpu.memory_space<hbm>>
      tpu.wait_indirect_dma semaphore(%arg20 : memref<!tpu.dma_semaphore, #tpu.memory_space<semaphore_mem>>) src(%dma_wait3A_494 : memref<10008x128xf32, #tpu.memory_space<hbm>>) dst(%arg16 : memref<64x128xf32, #tpu.memory_space<vmem>>)
      %dma_start3A_495 = arith.constant 0 : i32
      %dma_start3A_496 = arith.constant 0 : i32
      %dma_start3A_497 = tpu.memref_slice %arg28[%dma_start3A_495, %dma_start3A_496] : memref<10008x128xf32, #tpu.memory_space<vmem_shared>> -> memref<10008x128xf32, #tpu.memory_space<vmem_shared>>
      tpu.enqueue_indirect_dma source(%arg16 : memref<64x128xf32, #tpu.memory_space<vmem>>) target(%dma_start3A_497 : memref<10008x128xf32, #tpu.memory_space<vmem_shared>>) offsets(%arg12 : memref<64xi32, #tpu.memory_space<vmem>>) semaphore(%arg24 : memref<!tpu.dma_semaphore, #tpu.memory_space<semaphore_mem>>) {add = true}
      %add3A_498 = arith.constant 4 : i32
      %add3A_499 = arith.addi %add3A_445, %add3A_498 : i32
      %min3A = arith.constant 159 : i32
      %min3A_500 = arith.minsi %add3A_499, %min3A : i32
      %mul3A_501 = arith.constant 32 : i32
      %mul3A_502 = arith.muli %min3A_500, %mul3A_501 : i32
      %add3A_503 = arith.constant 0 : i32
      %add3A_504 = arith.addi %mul3A_502, %add3A_503 : i32
      %get3A_505 = arith.index_cast %add3A_504 : i32 to index
      %get3A_506 = tpu.vector_load %arg6[%get3A_505] {strides = array<i32>} : memref<5120xi32, #tpu.memory_space<vmem>>, vector<16xi32>,
      %get3A_507 = vector.shape_cast %get3A_506 : vector<16xi32> to vector<16xi32>
      %and3A_508 = arith.constant 65535 : i32
      %and3A_509 = vector.broadcast %and3A_508 : i32 to vector<16xi32>
      %and3A_510 = arith.andi %get3A_507, %and3A_509 : vector<16xi32>
      %swap3A_511 = arith.constant 0 : index
      %swap3A_512 = tpu.vector_load %arg8[%swap3A_511] {strides = array<i32>} : memref<64xi32, #tpu.memory_space<vmem>>, vector<16xi32>,
      %swap3A_513 = vector.shape_cast %swap3A_512 : vector<16xi32> to vector<16xi32>
      %swap3A_514 = vector.shape_cast %and3A_510 : vector<16xi32> to vector<16xi32>
      tpu.vector_store %arg8[%swap3A_511], %swap3A_514 {strides = array<i32>} : memref<64xi32, #tpu.memory_space<vmem>>, vector<16xi32>,
      %shift_right_logical3A_515 = arith.constant 16 : i32
      %shift_right_logical3A_516 = vector.broadcast %shift_right_logical3A_515 : i32 to vector<16xi32>
      %shift_right_logical3A_517 = arith.shrui %get3A_507, %shift_right_logical3A_516 : vector<16xi32>
      %swap3A_518 = arith.constant 32 : index
      %swap3A_519 = tpu.vector_load %arg8[%swap3A_518] {strides = array<i32>} : memref<64xi32, #tpu.memory_space<vmem>>, vector<16xi32>,
      %swap3A_520 = vector.shape_cast %swap3A_519 : vector<16xi32> to vector<16xi32>
      %swap3A_521 = vector.shape_cast %shift_right_logical3A_517 : vector<16xi32> to vector<16xi32>
      tpu.vector_store %arg8[%swap3A_518], %swap3A_521 {strides = array<i32>} : memref<64xi32, #tpu.memory_space<vmem>>, vector<16xi32>,
      %mul3A_522 = arith.constant 32 : i32
      %mul3A_523 = arith.muli %min3A_500, %mul3A_522 : i32
      %add3A_524 = arith.constant 16 : i32
      %add3A_525 = arith.addi %mul3A_523, %add3A_524 : i32
      %get3A_526 = arith.index_cast %add3A_525 : i32 to index
      %get3A_527 = tpu.vector_load %arg6[%get3A_526] {strides = array<i32>} : memref<5120xi32, #tpu.memory_space<vmem>>, vector<16xi32>,
      %get3A_528 = vector.shape_cast %get3A_527 : vector<16xi32> to vector<16xi32>
      %and3A_529 = arith.constant 65535 : i32
      %and3A_530 = vector.broadcast %and3A_529 : i32 to vector<16xi32>
      %and3A_531 = arith.andi %get3A_528, %and3A_530 : vector<16xi32>
      %swap3A_532 = arith.constant 16 : index
      %swap3A_533 = tpu.vector_load %arg8[%swap3A_532] {strides = array<i32>} : memref<64xi32, #tpu.memory_space<vmem>>, vector<16xi32>,
      %swap3A_534 = vector.shape_cast %swap3A_533 : vector<16xi32> to vector<16xi32>
      %swap3A_535 = vector.shape_cast %and3A_531 : vector<16xi32> to vector<16xi32>
      tpu.vector_store %arg8[%swap3A_532], %swap3A_535 {strides = array<i32>} : memref<64xi32, #tpu.memory_space<vmem>>, vector<16xi32>,
      %shift_right_logical3A_536 = arith.constant 16 : i32
      %shift_right_logical3A_537 = vector.broadcast %shift_right_logical3A_536 : i32 to vector<16xi32>
      %shift_right_logical3A_538 = arith.shrui %get3A_528, %shift_right_logical3A_537 : vector<16xi32>
      %swap3A_539 = arith.constant 48 : index
      %swap3A_540 = tpu.vector_load %arg8[%swap3A_539] {strides = array<i32>} : memref<64xi32, #tpu.memory_space<vmem>>, vector<16xi32>,
      %swap3A_541 = vector.shape_cast %swap3A_540 : vector<16xi32> to vector<16xi32>
      %swap3A_542 = vector.shape_cast %shift_right_logical3A_538 : vector<16xi32> to vector<16xi32>
      tpu.vector_store %arg8[%swap3A_539], %swap3A_542 {strides = array<i32>} : memref<64xi32, #tpu.memory_space<vmem>>, vector<16xi32>,
      %dma_wait3A_543 = arith.constant 0 : i32
      %dma_wait3A_544 = arith.constant 0 : i32
      %dma_wait3A_545 = tpu.memref_slice %arg28[%dma_wait3A_543, %dma_wait3A_544] : memref<10008x128xf32, #tpu.memory_space<vmem_shared>> -> memref<10008x128xf32, #tpu.memory_space<vmem_shared>>
      tpu.wait_indirect_dma semaphore(%arg24 : memref<!tpu.dma_semaphore, #tpu.memory_space<semaphore_mem>>) src(%arg16 : memref<64x128xf32, #tpu.memory_space<vmem>>) dst(%dma_wait3A_545 : memref<10008x128xf32, #tpu.memory_space<vmem_shared>>)
      %dma_start3A_546 = arith.constant 0 : i32
      %dma_start3A_547 = arith.constant 0 : i32
      %dma_start3A_548 = tpu.memref_slice %arg2[%add3A_9, %dma_start3A_546, %dma_start3A_547] : memref<4x10008x128xf32, #tpu.memory_space<hbm>> -> memref<1x10008x128xf32, #tpu.memory_space<hbm>>
      %dma_start3A_549 = tpu.memref_squeeze %dma_start3A_548 : memref<1x10008x128xf32, #tpu.memory_space<hbm>> -> memref<10008x128xf32, #tpu.memory_space<hbm>>
      %dma_start3A_550 = arith.constant 0 : i32
      %dma_start3A_551 = arith.constant 0 : i32
      %dma_start3A_552 = tpu.memref_slice %dma_start3A_549[%dma_start3A_550, %dma_start3A_551] : memref<10008x128xf32, #tpu.memory_space<hbm>> -> memref<10008x128xf32, #tpu.memory_space<hbm>>
      tpu.enqueue_indirect_dma source(%dma_start3A_552 : memref<10008x128xf32, #tpu.memory_space<hbm>>) target(%arg16 : memref<64x128xf32, #tpu.memory_space<vmem>>) offsets(%arg8 : memref<64xi32, #tpu.memory_space<vmem>>) semaphore(%arg20 : memref<!tpu.dma_semaphore, #tpu.memory_space<semaphore_mem>>)
      %mul3A_553 = arith.constant 4 : i32
      %mul3A_554 = arith.muli %mul3A_553, %scan3A_441 : i32
      %add3A_555 = arith.constant 1 : i32
      %add3A_556 = arith.addi %mul3A_554, %add3A_555 : i32
      %mul3A_557 = arith.constant 32 : i32
      %mul3A_558 = arith.muli %add3A_556, %mul3A_557 : i32
      %add3A_559 = arith.constant 0 : i32
      %add3A_560 = arith.addi %mul3A_558, %add3A_559 : i32
      %get3A_561 = arith.index_cast %add3A_560 : i32 to index
      %get3A_562 = tpu.vector_load %arg7[%get3A_561] {strides = array<i32>} : memref<5120xi32, #tpu.memory_space<vmem>>, vector<16xi32>,
      %get3A_563 = vector.shape_cast %get3A_562 : vector<16xi32> to vector<16xi32>
      %and3A_564 = arith.constant 65535 : i32
      %and3A_565 = vector.broadcast %and3A_564 : i32 to vector<16xi32>
      %and3A_566 = arith.andi %get3A_563, %and3A_565 : vector<16xi32>
      %swap3A_567 = arith.constant 0 : index
      %swap3A_568 = tpu.vector_load %arg13[%swap3A_567] {strides = array<i32>} : memref<64xi32, #tpu.memory_space<vmem>>, vector<16xi32>,
      %swap3A_569 = vector.shape_cast %swap3A_568 : vector<16xi32> to vector<16xi32>
      %swap3A_570 = vector.shape_cast %and3A_566 : vector<16xi32> to vector<16xi32>
      tpu.vector_store %arg13[%swap3A_567], %swap3A_570 {strides = array<i32>} : memref<64xi32, #tpu.memory_space<vmem>>, vector<16xi32>,
      %shift_right_logical3A_571 = arith.constant 16 : i32
      %shift_right_logical3A_572 = vector.broadcast %shift_right_logical3A_571 : i32 to vector<16xi32>
      %shift_right_logical3A_573 = arith.shrui %get3A_563, %shift_right_logical3A_572 : vector<16xi32>
      %swap3A_574 = arith.constant 32 : index
      %swap3A_575 = tpu.vector_load %arg13[%swap3A_574] {strides = array<i32>} : memref<64xi32, #tpu.memory_space<vmem>>, vector<16xi32>,
      %swap3A_576 = vector.shape_cast %swap3A_575 : vector<16xi32> to vector<16xi32>
      %swap3A_577 = vector.shape_cast %shift_right_logical3A_573 : vector<16xi32> to vector<16xi32>
      tpu.vector_store %arg13[%swap3A_574], %swap3A_577 {strides = array<i32>} : memref<64xi32, #tpu.memory_space<vmem>>, vector<16xi32>,
      %mul3A_578 = arith.constant 32 : i32
      %mul3A_579 = arith.muli %add3A_556, %mul3A_578 : i32
      %add3A_580 = arith.constant 16 : i32
      %add3A_581 = arith.addi %mul3A_579, %add3A_580 : i32
      %get3A_582 = arith.index_cast %add3A_581 : i32 to index
      %get3A_583 = tpu.vector_load %arg7[%get3A_582] {strides = array<i32>} : memref<5120xi32, #tpu.memory_space<vmem>>, vector<16xi32>,
      %get3A_584 = vector.shape_cast %get3A_583 : vector<16xi32> to vector<16xi32>
      %and3A_585 = arith.constant 65535 : i32
      %and3A_586 = vector.broadcast %and3A_585 : i32 to vector<16xi32>
      %and3A_587 = arith.andi %get3A_584, %and3A_586 : vector<16xi32>
      %swap3A_588 = arith.constant 16 : index
      %swap3A_589 = tpu.vector_load %arg13[%swap3A_588] {strides = array<i32>} : memref<64xi32, #tpu.memory_space<vmem>>, vector<16xi32>,
      %swap3A_590 = vector.shape_cast %swap3A_589 : vector<16xi32> to vector<16xi32>
      %swap3A_591 = vector.shape_cast %and3A_587 : vector<16xi32> to vector<16xi32>
      tpu.vector_store %arg13[%swap3A_588], %swap3A_591 {strides = array<i32>} : memref<64xi32, #tpu.memory_space<vmem>>, vector<16xi32>,
      %shift_right_logical3A_592 = arith.constant 16 : i32
      %shift_right_logical3A_593 = vector.broadcast %shift_right_logical3A_592 : i32 to vector<16xi32>
      %shift_right_logical3A_594 = arith.shrui %get3A_584, %shift_right_logical3A_593 : vector<16xi32>
      %swap3A_595 = arith.constant 48 : index
      %swap3A_596 = tpu.vector_load %arg13[%swap3A_595] {strides = array<i32>} : memref<64xi32, #tpu.memory_space<vmem>>, vector<16xi32>,
      %swap3A_597 = vector.shape_cast %swap3A_596 : vector<16xi32> to vector<16xi32>
      %swap3A_598 = vector.shape_cast %shift_right_logical3A_594 : vector<16xi32> to vector<16xi32>
      tpu.vector_store %arg13[%swap3A_595], %swap3A_598 {strides = array<i32>} : memref<64xi32, #tpu.memory_space<vmem>>, vector<16xi32>,
      %dma_wait3A_599 = arith.constant 0 : i32
      %dma_wait3A_600 = arith.constant 0 : i32
      %dma_wait3A_601 = tpu.memref_slice %arg2[%add3A_9, %dma_wait3A_599, %dma_wait3A_600] : memref<4x10008x128xf32, #tpu.memory_space<hbm>> -> memref<1x10008x128xf32, #tpu.memory_space<hbm>>
      %dma_wait3A_602 = tpu.memref_squeeze %dma_wait3A_601 : memref<1x10008x128xf32, #tpu.memory_space<hbm>> -> memref<10008x128xf32, #tpu.memory_space<hbm>>
      %dma_wait3A_603 = arith.constant 0 : i32
      %dma_wait3A_604 = arith.constant 0 : i32
      %dma_wait3A_605 = tpu.memref_slice %dma_wait3A_602[%dma_wait3A_603, %dma_wait3A_604] : memref<10008x128xf32, #tpu.memory_space<hbm>> -> memref<10008x128xf32, #tpu.memory_space<hbm>>
      tpu.wait_indirect_dma semaphore(%arg21 : memref<!tpu.dma_semaphore, #tpu.memory_space<semaphore_mem>>) src(%dma_wait3A_605 : memref<10008x128xf32, #tpu.memory_space<hbm>>) dst(%arg17 : memref<64x128xf32, #tpu.memory_space<vmem>>)
      %dma_start3A_606 = arith.constant 0 : i32
      %dma_start3A_607 = arith.constant 0 : i32
      %dma_start3A_608 = tpu.memref_slice %arg28[%dma_start3A_606, %dma_start3A_607] : memref<10008x128xf32, #tpu.memory_space<vmem_shared>> -> memref<10008x128xf32, #tpu.memory_space<vmem_shared>>
      tpu.enqueue_indirect_dma source(%arg17 : memref<64x128xf32, #tpu.memory_space<vmem>>) target(%dma_start3A_608 : memref<10008x128xf32, #tpu.memory_space<vmem_shared>>) offsets(%arg13 : memref<64xi32, #tpu.memory_space<vmem>>) semaphore(%arg25 : memref<!tpu.dma_semaphore, #tpu.memory_space<semaphore_mem>>) {add = true}
      %add3A_609 = arith.constant 4 : i32
      %add3A_610 = arith.addi %add3A_556, %add3A_609 : i32
      %min3A_611 = arith.constant 159 : i32
      %min3A_612 = arith.minsi %add3A_610, %min3A_611 : i32
      %mul3A_613 = arith.constant 32 : i32
      %mul3A_614 = arith.muli %min3A_612, %mul3A_613 : i32
      %add3A_615 = arith.constant 0 : i32
      %add3A_616 = arith.addi %mul3A_614, %add3A_615 : i32
      %get3A_617 = arith.index_cast %add3A_616 : i32 to index
      %get3A_618 = tpu.vector_load %arg6[%get3A_617] {strides = array<i32>} : memref<5120xi32, #tpu.memory_space<vmem>>, vector<16xi32>,
      %get3A_619 = vector.shape_cast %get3A_618 : vector<16xi32> to vector<16xi32>
      %and3A_620 = arith.constant 65535 : i32
      %and3A_621 = vector.broadcast %and3A_620 : i32 to vector<16xi32>
      %and3A_622 = arith.andi %get3A_619, %and3A_621 : vector<16xi32>
      %swap3A_623 = arith.constant 0 : index
      %swap3A_624 = tpu.vector_load %arg9[%swap3A_623] {strides = array<i32>} : memref<64xi32, #tpu.memory_space<vmem>>, vector<16xi32>,
      %swap3A_625 = vector.shape_cast %swap3A_624 : vector<16xi32> to vector<16xi32>
      %swap3A_626 = vector.shape_cast %and3A_622 : vector<16xi32> to vector<16xi32>
      tpu.vector_store %arg9[%swap3A_623], %swap3A_626 {strides = array<i32>} : memref<64xi32, #tpu.memory_space<vmem>>, vector<16xi32>,
      %shift_right_logical3A_627 = arith.constant 16 : i32
      %shift_right_logical3A_628 = vector.broadcast %shift_right_logical3A_627 : i32 to vector<16xi32>
      %shift_right_logical3A_629 = arith.shrui %get3A_619, %shift_right_logical3A_628 : vector<16xi32>
      %swap3A_630 = arith.constant 32 : index
      %swap3A_631 = tpu.vector_load %arg9[%swap3A_630] {strides = array<i32>} : memref<64xi32, #tpu.memory_space<vmem>>, vector<16xi32>,
      %swap3A_632 = vector.shape_cast %swap3A_631 : vector<16xi32> to vector<16xi32>
      %swap3A_633 = vector.shape_cast %shift_right_logical3A_629 : vector<16xi32> to vector<16xi32>
      tpu.vector_store %arg9[%swap3A_630], %swap3A_633 {strides = array<i32>} : memref<64xi32, #tpu.memory_space<vmem>>, vector<16xi32>,
      %mul3A_634 = arith.constant 32 : i32
      %mul3A_635 = arith.muli %min3A_612, %mul3A_634 : i32
      %add3A_636 = arith.constant 16 : i32
      %add3A_637 = arith.addi %mul3A_635, %add3A_636 : i32
      %get3A_638 = arith.index_cast %add3A_637 : i32 to index
      %get3A_639 = tpu.vector_load %arg6[%get3A_638] {strides = array<i32>} : memref<5120xi32, #tpu.memory_space<vmem>>, vector<16xi32>,
      %get3A_640 = vector.shape_cast %get3A_639 : vector<16xi32> to vector<16xi32>
      %and3A_641 = arith.constant 65535 : i32
      %and3A_642 = vector.broadcast %and3A_641 : i32 to vector<16xi32>
      %and3A_643 = arith.andi %get3A_640, %and3A_642 : vector<16xi32>
      %swap3A_644 = arith.constant 16 : index
      %swap3A_645 = tpu.vector_load %arg9[%swap3A_644] {strides = array<i32>} : memref<64xi32, #tpu.memory_space<vmem>>, vector<16xi32>,
      %swap3A_646 = vector.shape_cast %swap3A_645 : vector<16xi32> to vector<16xi32>
      %swap3A_647 = vector.shape_cast %and3A_643 : vector<16xi32> to vector<16xi32>
      tpu.vector_store %arg9[%swap3A_644], %swap3A_647 {strides = array<i32>} : memref<64xi32, #tpu.memory_space<vmem>>, vector<16xi32>,
      %shift_right_logical3A_648 = arith.constant 16 : i32
      %shift_right_logical3A_649 = vector.broadcast %shift_right_logical3A_648 : i32 to vector<16xi32>
      %shift_right_logical3A_650 = arith.shrui %get3A_640, %shift_right_logical3A_649 : vector<16xi32>
      %swap3A_651 = arith.constant 48 : index
      %swap3A_652 = tpu.vector_load %arg9[%swap3A_651] {strides = array<i32>} : memref<64xi32, #tpu.memory_space<vmem>>, vector<16xi32>,
      %swap3A_653 = vector.shape_cast %swap3A_652 : vector<16xi32> to vector<16xi32>
      %swap3A_654 = vector.shape_cast %shift_right_logical3A_650 : vector<16xi32> to vector<16xi32>
      tpu.vector_store %arg9[%swap3A_651], %swap3A_654 {strides = array<i32>} : memref<64xi32, #tpu.memory_space<vmem>>, vector<16xi32>,
      %dma_wait3A_655 = arith.constant 0 : i32
      %dma_wait3A_656 = arith.constant 0 : i32
      %dma_wait3A_657 = tpu.memref_slice %arg28[%dma_wait3A_655, %dma_wait3A_656] : memref<10008x128xf32, #tpu.memory_space<vmem_shared>> -> memref<10008x128xf32, #tpu.memory_space<vmem_shared>>
      tpu.wait_indirect_dma semaphore(%arg25 : memref<!tpu.dma_semaphore, #tpu.memory_space<semaphore_mem>>) src(%arg17 : memref<64x128xf32, #tpu.memory_space<vmem>>) dst(%dma_wait3A_657 : memref<10008x128xf32, #tpu.memory_space<vmem_shared>>)
      %dma_start3A_658 = arith.constant 0 : i32
      %dma_start3A_659 = arith.constant 0 : i32
      %dma_start3A_660 = tpu.memref_slice %arg2[%add3A_9, %dma_start3A_658, %dma_start3A_659] : memref<4x10008x128xf32, #tpu.memory_space<hbm>> -> memref<1x10008x128xf32, #tpu.memory_space<hbm>>
      %dma_start3A_661 = tpu.memref_squeeze %dma_start3A_660 : memref<1x10008x128xf32, #tpu.memory_space<hbm>> -> memref<10008x128xf32, #tpu.memory_space<hbm>>
      %dma_start3A_662 = arith.constant 0 : i32
      %dma_start3A_663 = arith.constant 0 : i32
      %dma_start3A_664 = tpu.memref_slice %dma_start3A_661[%dma_start3A_662, %dma_start3A_663] : memref<10008x128xf32, #tpu.memory_space<hbm>> -> memref<10008x128xf32, #tpu.memory_space<hbm>>
      tpu.enqueue_indirect_dma source(%dma_start3A_664 : memref<10008x128xf32, #tpu.memory_space<hbm>>) target(%arg17 : memref<64x128xf32, #tpu.memory_space<vmem>>) offsets(%arg9 : memref<64xi32, #tpu.memory_space<vmem>>) semaphore(%arg21 : memref<!tpu.dma_semaphore, #tpu.memory_space<semaphore_mem>>)
      %mul3A_665 = arith.constant 4 : i32
      %mul3A_666 = arith.muli %mul3A_665, %scan3A_441 : i32
      %add3A_667 = arith.constant 2 : i32
      %add3A_668 = arith.addi %mul3A_666, %add3A_667 : i32
      %mul3A_669 = arith.constant 32 : i32
      %mul3A_670 = arith.muli %add3A_668, %mul3A_669 : i32
      %add3A_671 = arith.constant 0 : i32
      %add3A_672 = arith.addi %mul3A_670, %add3A_671 : i32
      %get3A_673 = arith.index_cast %add3A_672 : i32 to index
      %get3A_674 = tpu.vector_load %arg7[%get3A_673] {strides = array<i32>} : memref<5120xi32, #tpu.memory_space<vmem>>, vector<16xi32>,
      %get3A_675 = vector.shape_cast %get3A_674 : vector<16xi32> to vector<16xi32>
      %and3A_676 = arith.constant 65535 : i32
      %and3A_677 = vector.broadcast %and3A_676 : i32 to vector<16xi32>
      %and3A_678 = arith.andi %get3A_675, %and3A_677 : vector<16xi32>
      %swap3A_679 = arith.constant 0 : index
      %swap3A_680 = tpu.vector_load %arg14[%swap3A_679] {strides = array<i32>} : memref<64xi32, #tpu.memory_space<vmem>>, vector<16xi32>,
      %swap3A_681 = vector.shape_cast %swap3A_680 : vector<16xi32> to vector<16xi32>
      %swap3A_682 = vector.shape_cast %and3A_678 : vector<16xi32> to vector<16xi32>
      tpu.vector_store %arg14[%swap3A_679], %swap3A_682 {strides = array<i32>} : memref<64xi32, #tpu.memory_space<vmem>>, vector<16xi32>,
      %shift_right_logical3A_683 = arith.constant 16 : i32
      %shift_right_logical3A_684 = vector.broadcast %shift_right_logical3A_683 : i32 to vector<16xi32>
      %shift_right_logical3A_685 = arith.shrui %get3A_675, %shift_right_logical3A_684 : vector<16xi32>
      %swap3A_686 = arith.constant 32 : index
      %swap3A_687 = tpu.vector_load %arg14[%swap3A_686] {strides = array<i32>} : memref<64xi32, #tpu.memory_space<vmem>>, vector<16xi32>,
      %swap3A_688 = vector.shape_cast %swap3A_687 : vector<16xi32> to vector<16xi32>
      %swap3A_689 = vector.shape_cast %shift_right_logical3A_685 : vector<16xi32> to vector<16xi32>
      tpu.vector_store %arg14[%swap3A_686], %swap3A_689 {strides = array<i32>} : memref<64xi32, #tpu.memory_space<vmem>>, vector<16xi32>,
      %mul3A_690 = arith.constant 32 : i32
      %mul3A_691 = arith.muli %add3A_668, %mul3A_690 : i32
      %add3A_692 = arith.constant 16 : i32
      %add3A_693 = arith.addi %mul3A_691, %add3A_692 : i32
      %get3A_694 = arith.index_cast %add3A_693 : i32 to index
      %get3A_695 = tpu.vector_load %arg7[%get3A_694] {strides = array<i32>} : memref<5120xi32, #tpu.memory_space<vmem>>, vector<16xi32>,
      %get3A_696 = vector.shape_cast %get3A_695 : vector<16xi32> to vector<16xi32>
      %and3A_697 = arith.constant 65535 : i32
      %and3A_698 = vector.broadcast %and3A_697 : i32 to vector<16xi32>
      %and3A_699 = arith.andi %get3A_696, %and3A_698 : vector<16xi32>
      %swap3A_700 = arith.constant 16 : index
      %swap3A_701 = tpu.vector_load %arg14[%swap3A_700] {strides = array<i32>} : memref<64xi32, #tpu.memory_space<vmem>>, vector<16xi32>,
      %swap3A_702 = vector.shape_cast %swap3A_701 : vector<16xi32> to vector<16xi32>
      %swap3A_703 = vector.shape_cast %and3A_699 : vector<16xi32> to vector<16xi32>
      tpu.vector_store %arg14[%swap3A_700], %swap3A_703 {strides = array<i32>} : memref<64xi32, #tpu.memory_space<vmem>>, vector<16xi32>,
      %shift_right_logical3A_704 = arith.constant 16 : i32
      %shift_right_logical3A_705 = vector.broadcast %shift_right_logical3A_704 : i32 to vector<16xi32>
      %shift_right_logical3A_706 = arith.shrui %get3A_696, %shift_right_logical3A_705 : vector<16xi32>
      %swap3A_707 = arith.constant 48 : index
      %swap3A_708 = tpu.vector_load %arg14[%swap3A_707] {strides = array<i32>} : memref<64xi32, #tpu.memory_space<vmem>>, vector<16xi32>,
      %swap3A_709 = vector.shape_cast %swap3A_708 : vector<16xi32> to vector<16xi32>
      %swap3A_710 = vector.shape_cast %shift_right_logical3A_706 : vector<16xi32> to vector<16xi32>
      tpu.vector_store %arg14[%swap3A_707], %swap3A_710 {strides = array<i32>} : memref<64xi32, #tpu.memory_space<vmem>>, vector<16xi32>,
      %dma_wait3A_711 = arith.constant 0 : i32
      %dma_wait3A_712 = arith.constant 0 : i32
      %dma_wait3A_713 = tpu.memref_slice %arg2[%add3A_9, %dma_wait3A_711, %dma_wait3A_712] : memref<4x10008x128xf32, #tpu.memory_space<hbm>> -> memref<1x10008x128xf32, #tpu.memory_space<hbm>>
      %dma_wait3A_714 = tpu.memref_squeeze %dma_wait3A_713 : memref<1x10008x128xf32, #tpu.memory_space<hbm>> -> memref<10008x128xf32, #tpu.memory_space<hbm>>
      %dma_wait3A_715 = arith.constant 0 : i32
      %dma_wait3A_716 = arith.constant 0 : i32
      %dma_wait3A_717 = tpu.memref_slice %dma_wait3A_714[%dma_wait3A_715, %dma_wait3A_716] : memref<10008x128xf32, #tpu.memory_space<hbm>> -> memref<10008x128xf32, #tpu.memory_space<hbm>>
      tpu.wait_indirect_dma semaphore(%arg22 : memref<!tpu.dma_semaphore, #tpu.memory_space<semaphore_mem>>) src(%dma_wait3A_717 : memref<10008x128xf32, #tpu.memory_space<hbm>>) dst(%arg18 : memref<64x128xf32, #tpu.memory_space<vmem>>)
      %dma_start3A_718 = arith.constant 0 : i32
      %dma_start3A_719 = arith.constant 0 : i32
      %dma_start3A_720 = tpu.memref_slice %arg28[%dma_start3A_718, %dma_start3A_719] : memref<10008x128xf32, #tpu.memory_space<vmem_shared>> -> memref<10008x128xf32, #tpu.memory_space<vmem_shared>>
      tpu.enqueue_indirect_dma source(%arg18 : memref<64x128xf32, #tpu.memory_space<vmem>>) target(%dma_start3A_720 : memref<10008x128xf32, #tpu.memory_space<vmem_shared>>) offsets(%arg14 : memref<64xi32, #tpu.memory_space<vmem>>) semaphore(%arg26 : memref<!tpu.dma_semaphore, #tpu.memory_space<semaphore_mem>>) {add = true}
      %add3A_721 = arith.constant 4 : i32
      %add3A_722 = arith.addi %add3A_668, %add3A_721 : i32
      %min3A_723 = arith.constant 159 : i32
      %min3A_724 = arith.minsi %add3A_722, %min3A_723 : i32
      %mul3A_725 = arith.constant 32 : i32
      %mul3A_726 = arith.muli %min3A_724, %mul3A_725 : i32
      %add3A_727 = arith.constant 0 : i32
      %add3A_728 = arith.addi %mul3A_726, %add3A_727 : i32
      %get3A_729 = arith.index_cast %add3A_728 : i32 to index
      %get3A_730 = tpu.vector_load %arg6[%get3A_729] {strides = array<i32>} : memref<5120xi32, #tpu.memory_space<vmem>>, vector<16xi32>,
      %get3A_731 = vector.shape_cast %get3A_730 : vector<16xi32> to vector<16xi32>
      %and3A_732 = arith.constant 65535 : i32
      %and3A_733 = vector.broadcast %and3A_732 : i32 to vector<16xi32>
      %and3A_734 = arith.andi %get3A_731, %and3A_733 : vector<16xi32>
      %swap3A_735 = arith.constant 0 : index
      %swap3A_736 = tpu.vector_load %arg10[%swap3A_735] {strides = array<i32>} : memref<64xi32, #tpu.memory_space<vmem>>, vector<16xi32>,
      %swap3A_737 = vector.shape_cast %swap3A_736 : vector<16xi32> to vector<16xi32>
      %swap3A_738 = vector.shape_cast %and3A_734 : vector<16xi32> to vector<16xi32>
      tpu.vector_store %arg10[%swap3A_735], %swap3A_738 {strides = array<i32>} : memref<64xi32, #tpu.memory_space<vmem>>, vector<16xi32>,
      %shift_right_logical3A_739 = arith.constant 16 : i32
      %shift_right_logical3A_740 = vector.broadcast %shift_right_logical3A_739 : i32 to vector<16xi32>
      %shift_right_logical3A_741 = arith.shrui %get3A_731, %shift_right_logical3A_740 : vector<16xi32>
      %swap3A_742 = arith.constant 32 : index
      %swap3A_743 = tpu.vector_load %arg10[%swap3A_742] {strides = array<i32>} : memref<64xi32, #tpu.memory_space<vmem>>, vector<16xi32>,
      %swap3A_744 = vector.shape_cast %swap3A_743 : vector<16xi32> to vector<16xi32>
      %swap3A_745 = vector.shape_cast %shift_right_logical3A_741 : vector<16xi32> to vector<16xi32>
      tpu.vector_store %arg10[%swap3A_742], %swap3A_745 {strides = array<i32>} : memref<64xi32, #tpu.memory_space<vmem>>, vector<16xi32>,
      %mul3A_746 = arith.constant 32 : i32
      %mul3A_747 = arith.muli %min3A_724, %mul3A_746 : i32
      %add3A_748 = arith.constant 16 : i32
      %add3A_749 = arith.addi %mul3A_747, %add3A_748 : i32
      %get3A_750 = arith.index_cast %add3A_749 : i32 to index
      %get3A_751 = tpu.vector_load %arg6[%get3A_750] {strides = array<i32>} : memref<5120xi32, #tpu.memory_space<vmem>>, vector<16xi32>,
      %get3A_752 = vector.shape_cast %get3A_751 : vector<16xi32> to vector<16xi32>
      %and3A_753 = arith.constant 65535 : i32
      %and3A_754 = vector.broadcast %and3A_753 : i32 to vector<16xi32>
      %and3A_755 = arith.andi %get3A_752, %and3A_754 : vector<16xi32>
      %swap3A_756 = arith.constant 16 : index
      %swap3A_757 = tpu.vector_load %arg10[%swap3A_756] {strides = array<i32>} : memref<64xi32, #tpu.memory_space<vmem>>, vector<16xi32>,
      %swap3A_758 = vector.shape_cast %swap3A_757 : vector<16xi32> to vector<16xi32>
      %swap3A_759 = vector.shape_cast %and3A_755 : vector<16xi32> to vector<16xi32>
      tpu.vector_store %arg10[%swap3A_756], %swap3A_759 {strides = array<i32>} : memref<64xi32, #tpu.memory_space<vmem>>, vector<16xi32>,
      %shift_right_logical3A_760 = arith.constant 16 : i32
      %shift_right_logical3A_761 = vector.broadcast %shift_right_logical3A_760 : i32 to vector<16xi32>
      %shift_right_logical3A_762 = arith.shrui %get3A_752, %shift_right_logical3A_761 : vector<16xi32>
      %swap3A_763 = arith.constant 48 : index
      %swap3A_764 = tpu.vector_load %arg10[%swap3A_763] {strides = array<i32>} : memref<64xi32, #tpu.memory_space<vmem>>, vector<16xi32>,
      %swap3A_765 = vector.shape_cast %swap3A_764 : vector<16xi32> to vector<16xi32>
      %swap3A_766 = vector.shape_cast %shift_right_logical3A_762 : vector<16xi32> to vector<16xi32>
      tpu.vector_store %arg10[%swap3A_763], %swap3A_766 {strides = array<i32>} : memref<64xi32, #tpu.memory_space<vmem>>, vector<16xi32>,
      %dma_wait3A_767 = arith.constant 0 : i32
      %dma_wait3A_768 = arith.constant 0 : i32
      %dma_wait3A_769 = tpu.memref_slice %arg28[%dma_wait3A_767, %dma_wait3A_768] : memref<10008x128xf32, #tpu.memory_space<vmem_shared>> -> memref<10008x128xf32, #tpu.memory_space<vmem_shared>>
      tpu.wait_indirect_dma semaphore(%arg26 : memref<!tpu.dma_semaphore, #tpu.memory_space<semaphore_mem>>) src(%arg18 : memref<64x128xf32, #tpu.memory_space<vmem>>) dst(%dma_wait3A_769 : memref<10008x128xf32, #tpu.memory_space<vmem_shared>>)
      %dma_start3A_770 = arith.constant 0 : i32
      %dma_start3A_771 = arith.constant 0 : i32
      %dma_start3A_772 = tpu.memref_slice %arg2[%add3A_9, %dma_start3A_770, %dma_start3A_771] : memref<4x10008x128xf32, #tpu.memory_space<hbm>> -> memref<1x10008x128xf32, #tpu.memory_space<hbm>>
      %dma_start3A_773 = tpu.memref_squeeze %dma_start3A_772 : memref<1x10008x128xf32, #tpu.memory_space<hbm>> -> memref<10008x128xf32, #tpu.memory_space<hbm>>
      %dma_start3A_774 = arith.constant 0 : i32
      %dma_start3A_775 = arith.constant 0 : i32
      %dma_start3A_776 = tpu.memref_slice %dma_start3A_773[%dma_start3A_774, %dma_start3A_775] : memref<10008x128xf32, #tpu.memory_space<hbm>> -> memref<10008x128xf32, #tpu.memory_space<hbm>>
      tpu.enqueue_indirect_dma source(%dma_start3A_776 : memref<10008x128xf32, #tpu.memory_space<hbm>>) target(%arg18 : memref<64x128xf32, #tpu.memory_space<vmem>>) offsets(%arg10 : memref<64xi32, #tpu.memory_space<vmem>>) semaphore(%arg22 : memref<!tpu.dma_semaphore, #tpu.memory_space<semaphore_mem>>)
      %mul3A_777 = arith.constant 4 : i32
      %mul3A_778 = arith.muli %mul3A_777, %scan3A_441 : i32
      %add3A_779 = arith.constant 3 : i32
      %add3A_780 = arith.addi %mul3A_778, %add3A_779 : i32
      %mul3A_781 = arith.constant 32 : i32
      %mul3A_782 = arith.muli %add3A_780, %mul3A_781 : i32
      %add3A_783 = arith.constant 0 : i32
      %add3A_784 = arith.addi %mul3A_782, %add3A_783 : i32
      %get3A_785 = arith.index_cast %add3A_784 : i32 to index
      %get3A_786 = tpu.vector_load %arg7[%get3A_785] {strides = array<i32>} : memref<5120xi32, #tpu.memory_space<vmem>>, vector<16xi32>,
      %get3A_787 = vector.shape_cast %get3A_786 : vector<16xi32> to vector<16xi32>
      %and3A_788 = arith.constant 65535 : i32
      %and3A_789 = vector.broadcast %and3A_788 : i32 to vector<16xi32>
      %and3A_790 = arith.andi %get3A_787, %and3A_789 : vector<16xi32>
      %swap3A_791 = arith.constant 0 : index
      %swap3A_792 = tpu.vector_load %arg15[%swap3A_791] {strides = array<i32>} : memref<64xi32, #tpu.memory_space<vmem>>, vector<16xi32>,
      %swap3A_793 = vector.shape_cast %swap3A_792 : vector<16xi32> to vector<16xi32>
      %swap3A_794 = vector.shape_cast %and3A_790 : vector<16xi32> to vector<16xi32>
      tpu.vector_store %arg15[%swap3A_791], %swap3A_794 {strides = array<i32>} : memref<64xi32, #tpu.memory_space<vmem>>, vector<16xi32>,
      %shift_right_logical3A_795 = arith.constant 16 : i32
      %shift_right_logical3A_796 = vector.broadcast %shift_right_logical3A_795 : i32 to vector<16xi32>
      %shift_right_logical3A_797 = arith.shrui %get3A_787, %shift_right_logical3A_796 : vector<16xi32>
      %swap3A_798 = arith.constant 32 : index
      %swap3A_799 = tpu.vector_load %arg15[%swap3A_798] {strides = array<i32>} : memref<64xi32, #tpu.memory_space<vmem>>, vector<16xi32>,
      %swap3A_800 = vector.shape_cast %swap3A_799 : vector<16xi32> to vector<16xi32>
      %swap3A_801 = vector.shape_cast %shift_right_logical3A_797 : vector<16xi32> to vector<16xi32>
      tpu.vector_store %arg15[%swap3A_798], %swap3A_801 {strides = array<i32>} : memref<64xi32, #tpu.memory_space<vmem>>, vector<16xi32>,
      %mul3A_802 = arith.constant 32 : i32
      %mul3A_803 = arith.muli %add3A_780, %mul3A_802 : i32
      %add3A_804 = arith.constant 16 : i32
      %add3A_805 = arith.addi %mul3A_803, %add3A_804 : i32
      %get3A_806 = arith.index_cast %add3A_805 : i32 to index
      %get3A_807 = tpu.vector_load %arg7[%get3A_806] {strides = array<i32>} : memref<5120xi32, #tpu.memory_space<vmem>>, vector<16xi32>,
      %get3A_808 = vector.shape_cast %get3A_807 : vector<16xi32> to vector<16xi32>
      %and3A_809 = arith.constant 65535 : i32
      %and3A_810 = vector.broadcast %and3A_809 : i32 to vector<16xi32>
      %and3A_811 = arith.andi %get3A_808, %and3A_810 : vector<16xi32>
      %swap3A_812 = arith.constant 16 : index
      %swap3A_813 = tpu.vector_load %arg15[%swap3A_812] {strides = array<i32>} : memref<64xi32, #tpu.memory_space<vmem>>, vector<16xi32>,
      %swap3A_814 = vector.shape_cast %swap3A_813 : vector<16xi32> to vector<16xi32>
      %swap3A_815 = vector.shape_cast %and3A_811 : vector<16xi32> to vector<16xi32>
      tpu.vector_store %arg15[%swap3A_812], %swap3A_815 {strides = array<i32>} : memref<64xi32, #tpu.memory_space<vmem>>, vector<16xi32>,
      %shift_right_logical3A_816 = arith.constant 16 : i32
      %shift_right_logical3A_817 = vector.broadcast %shift_right_logical3A_816 : i32 to vector<16xi32>
      %shift_right_logical3A_818 = arith.shrui %get3A_808, %shift_right_logical3A_817 : vector<16xi32>
      %swap3A_819 = arith.constant 48 : index
      %swap3A_820 = tpu.vector_load %arg15[%swap3A_819] {strides = array<i32>} : memref<64xi32, #tpu.memory_space<vmem>>, vector<16xi32>,
      %swap3A_821 = vector.shape_cast %swap3A_820 : vector<16xi32> to vector<16xi32>
      %swap3A_822 = vector.shape_cast %shift_right_logical3A_818 : vector<16xi32> to vector<16xi32>
      tpu.vector_store %arg15[%swap3A_819], %swap3A_822 {strides = array<i32>} : memref<64xi32, #tpu.memory_space<vmem>>, vector<16xi32>,
      %dma_wait3A_823 = arith.constant 0 : i32
      %dma_wait3A_824 = arith.constant 0 : i32
      %dma_wait3A_825 = tpu.memref_slice %arg2[%add3A_9, %dma_wait3A_823, %dma_wait3A_824] : memref<4x10008x128xf32, #tpu.memory_space<hbm>> -> memref<1x10008x128xf32, #tpu.memory_space<hbm>>
      %dma_wait3A_826 = tpu.memref_squeeze %dma_wait3A_825 : memref<1x10008x128xf32, #tpu.memory_space<hbm>> -> memref<10008x128xf32, #tpu.memory_space<hbm>>
      %dma_wait3A_827 = arith.constant 0 : i32
      %dma_wait3A_828 = arith.constant 0 : i32
      %dma_wait3A_829 = tpu.memref_slice %dma_wait3A_826[%dma_wait3A_827, %dma_wait3A_828] : memref<10008x128xf32, #tpu.memory_space<hbm>> -> memref<10008x128xf32, #tpu.memory_space<hbm>>
      tpu.wait_indirect_dma semaphore(%arg23 : memref<!tpu.dma_semaphore, #tpu.memory_space<semaphore_mem>>) src(%dma_wait3A_829 : memref<10008x128xf32, #tpu.memory_space<hbm>>) dst(%arg19 : memref<64x128xf32, #tpu.memory_space<vmem>>)
      %dma_start3A_830 = arith.constant 0 : i32
      %dma_start3A_831 = arith.constant 0 : i32
      %dma_start3A_832 = tpu.memref_slice %arg28[%dma_start3A_830, %dma_start3A_831] : memref<10008x128xf32, #tpu.memory_space<vmem_shared>> -> memref<10008x128xf32, #tpu.memory_space<vmem_shared>>
      tpu.enqueue_indirect_dma source(%arg19 : memref<64x128xf32, #tpu.memory_space<vmem>>) target(%dma_start3A_832 : memref<10008x128xf32, #tpu.memory_space<vmem_shared>>) offsets(%arg15 : memref<64xi32, #tpu.memory_space<vmem>>) semaphore(%arg27 : memref<!tpu.dma_semaphore, #tpu.memory_space<semaphore_mem>>) {add = true}
      %add3A_833 = arith.constant 4 : i32
      %add3A_834 = arith.addi %add3A_780, %add3A_833 : i32
      %min3A_835 = arith.constant 159 : i32
      %min3A_836 = arith.minsi %add3A_834, %min3A_835 : i32
      %mul3A_837 = arith.constant 32 : i32
      %mul3A_838 = arith.muli %min3A_836, %mul3A_837 : i32
      %add3A_839 = arith.constant 0 : i32
      %add3A_840 = arith.addi %mul3A_838, %add3A_839 : i32
      %get3A_841 = arith.index_cast %add3A_840 : i32 to index
      %get3A_842 = tpu.vector_load %arg6[%get3A_841] {strides = array<i32>} : memref<5120xi32, #tpu.memory_space<vmem>>, vector<16xi32>,
      %get3A_843 = vector.shape_cast %get3A_842 : vector<16xi32> to vector<16xi32>
      %and3A_844 = arith.constant 65535 : i32
      %and3A_845 = vector.broadcast %and3A_844 : i32 to vector<16xi32>
      %and3A_846 = arith.andi %get3A_843, %and3A_845 : vector<16xi32>
      %swap3A_847 = arith.constant 0 : index
      %swap3A_848 = tpu.vector_load %arg11[%swap3A_847] {strides = array<i32>} : memref<64xi32, #tpu.memory_space<vmem>>, vector<16xi32>,
      %swap3A_849 = vector.shape_cast %swap3A_848 : vector<16xi32> to vector<16xi32>
      %swap3A_850 = vector.shape_cast %and3A_846 : vector<16xi32> to vector<16xi32>
      tpu.vector_store %arg11[%swap3A_847], %swap3A_850 {strides = array<i32>} : memref<64xi32, #tpu.memory_space<vmem>>, vector<16xi32>,
      %shift_right_logical3A_851 = arith.constant 16 : i32
      %shift_right_logical3A_852 = vector.broadcast %shift_right_logical3A_851 : i32 to vector<16xi32>
      %shift_right_logical3A_853 = arith.shrui %get3A_843, %shift_right_logical3A_852 : vector<16xi32>
      %swap3A_854 = arith.constant 32 : index
      %swap3A_855 = tpu.vector_load %arg11[%swap3A_854] {strides = array<i32>} : memref<64xi32, #tpu.memory_space<vmem>>, vector<16xi32>,
      %swap3A_856 = vector.shape_cast %swap3A_855 : vector<16xi32> to vector<16xi32>
      %swap3A_857 = vector.shape_cast %shift_right_logical3A_853 : vector<16xi32> to vector<16xi32>
      tpu.vector_store %arg11[%swap3A_854], %swap3A_857 {strides = array<i32>} : memref<64xi32, #tpu.memory_space<vmem>>, vector<16xi32>,
      %mul3A_858 = arith.constant 32 : i32
      %mul3A_859 = arith.muli %min3A_836, %mul3A_858 : i32
      %add3A_860 = arith.constant 16 : i32
      %add3A_861 = arith.addi %mul3A_859, %add3A_860 : i32
      %get3A_862 = arith.index_cast %add3A_861 : i32 to index
      %get3A_863 = tpu.vector_load %arg6[%get3A_862] {strides = array<i32>} : memref<5120xi32, #tpu.memory_space<vmem>>, vector<16xi32>,
      %get3A_864 = vector.shape_cast %get3A_863 : vector<16xi32> to vector<16xi32>
      %and3A_865 = arith.constant 65535 : i32
      %and3A_866 = vector.broadcast %and3A_865 : i32 to vector<16xi32>
      %and3A_867 = arith.andi %get3A_864, %and3A_866 : vector<16xi32>
      %swap3A_868 = arith.constant 16 : index
      %swap3A_869 = tpu.vector_load %arg11[%swap3A_868] {strides = array<i32>} : memref<64xi32, #tpu.memory_space<vmem>>, vector<16xi32>,
      %swap3A_870 = vector.shape_cast %swap3A_869 : vector<16xi32> to vector<16xi32>
      %swap3A_871 = vector.shape_cast %and3A_867 : vector<16xi32> to vector<16xi32>
      tpu.vector_store %arg11[%swap3A_868], %swap3A_871 {strides = array<i32>} : memref<64xi32, #tpu.memory_space<vmem>>, vector<16xi32>,
      %shift_right_logical3A_872 = arith.constant 16 : i32
      %shift_right_logical3A_873 = vector.broadcast %shift_right_logical3A_872 : i32 to vector<16xi32>
      %shift_right_logical3A_874 = arith.shrui %get3A_864, %shift_right_logical3A_873 : vector<16xi32>
      %swap3A_875 = arith.constant 48 : index
      %swap3A_876 = tpu.vector_load %arg11[%swap3A_875] {strides = array<i32>} : memref<64xi32, #tpu.memory_space<vmem>>, vector<16xi32>,
      %swap3A_877 = vector.shape_cast %swap3A_876 : vector<16xi32> to vector<16xi32>
      %swap3A_878 = vector.shape_cast %shift_right_logical3A_874 : vector<16xi32> to vector<16xi32>
      tpu.vector_store %arg11[%swap3A_875], %swap3A_878 {strides = array<i32>} : memref<64xi32, #tpu.memory_space<vmem>>, vector<16xi32>,
      %dma_wait3A_879 = arith.constant 0 : i32
      %dma_wait3A_880 = arith.constant 0 : i32
      %dma_wait3A_881 = tpu.memref_slice %arg28[%dma_wait3A_879, %dma_wait3A_880] : memref<10008x128xf32, #tpu.memory_space<vmem_shared>> -> memref<10008x128xf32, #tpu.memory_space<vmem_shared>>
      tpu.wait_indirect_dma semaphore(%arg27 : memref<!tpu.dma_semaphore, #tpu.memory_space<semaphore_mem>>) src(%arg19 : memref<64x128xf32, #tpu.memory_space<vmem>>) dst(%dma_wait3A_881 : memref<10008x128xf32, #tpu.memory_space<vmem_shared>>)
      %dma_start3A_882 = arith.constant 0 : i32
      %dma_start3A_883 = arith.constant 0 : i32
      %dma_start3A_884 = tpu.memref_slice %arg2[%add3A_9, %dma_start3A_882, %dma_start3A_883] : memref<4x10008x128xf32, #tpu.memory_space<hbm>> -> memref<1x10008x128xf32, #tpu.memory_space<hbm>>
      %dma_start3A_885 = tpu.memref_squeeze %dma_start3A_884 : memref<1x10008x128xf32, #tpu.memory_space<hbm>> -> memref<10008x128xf32, #tpu.memory_space<hbm>>
      %dma_start3A_886 = arith.constant 0 : i32
      %dma_start3A_887 = arith.constant 0 : i32
      %dma_start3A_888 = tpu.memref_slice %dma_start3A_885[%dma_start3A_886, %dma_start3A_887] : memref<10008x128xf32, #tpu.memory_space<hbm>> -> memref<10008x128xf32, #tpu.memory_space<hbm>>
      tpu.enqueue_indirect_dma source(%dma_start3A_888 : memref<10008x128xf32, #tpu.memory_space<hbm>>) target(%arg19 : memref<64x128xf32, #tpu.memory_space<vmem>>) offsets(%arg11 : memref<64xi32, #tpu.memory_space<vmem>>) semaphore(%arg23 : memref<!tpu.dma_semaphore, #tpu.memory_space<semaphore_mem>>)
    }
    %scan3A_179 = arith.constant 40 : i32
    %dma_wait3A = arith.constant 0 : i32
    %dma_wait3A_180 = arith.constant 0 : i32
    %dma_wait3A_181 = tpu.memref_slice %arg2[%add3A_9, %dma_wait3A, %dma_wait3A_180] : memref<4x10008x128xf32, #tpu.memory_space<hbm>> -> memref<1x10008x128xf32, #tpu.memory_space<hbm>>
    %dma_wait3A_182 = tpu.memref_squeeze %dma_wait3A_181 : memref<1x10008x128xf32, #tpu.memory_space<hbm>> -> memref<10008x128xf32, #tpu.memory_space<hbm>>
    %dma_wait3A_183 = arith.constant 0 : i32
    %dma_wait3A_184 = arith.constant 0 : i32
    %dma_wait3A_185 = tpu.memref_slice %dma_wait3A_182[%dma_wait3A_183, %dma_wait3A_184] : memref<10008x128xf32, #tpu.memory_space<hbm>> -> memref<10008x128xf32, #tpu.memory_space<hbm>>
    tpu.wait_indirect_dma semaphore(%arg20 : memref<!tpu.dma_semaphore, #tpu.memory_space<semaphore_mem>>) src(%dma_wait3A_185 : memref<10008x128xf32, #tpu.memory_space<hbm>>) dst(%arg16 : memref<64x128xf32, #tpu.memory_space<vmem>>)
    %dma_wait3A_186 = arith.constant 0 : i32
    %dma_wait3A_187 = arith.constant 0 : i32
    %dma_wait3A_188 = tpu.memref_slice %arg2[%add3A_9, %dma_wait3A_186, %dma_wait3A_187] : memref<4x10008x128xf32, #tpu.memory_space<hbm>> -> memref<1x10008x128xf32, #tpu.memory_space<hbm>>
    %dma_wait3A_189 = tpu.memref_squeeze %dma_wait3A_188 : memref<1x10008x128xf32, #tpu.memory_space<hbm>> -> memref<10008x128xf32, #tpu.memory_space<hbm>>
    %dma_wait3A_190 = arith.constant 0 : i32
    %dma_wait3A_191 = arith.constant 0 : i32
    %dma_wait3A_192 = tpu.memref_slice %dma_wait3A_189[%dma_wait3A_190, %dma_wait3A_191] : memref<10008x128xf32, #tpu.memory_space<hbm>> -> memref<10008x128xf32, #tpu.memory_space<hbm>>
    tpu.wait_indirect_dma semaphore(%arg21 : memref<!tpu.dma_semaphore, #tpu.memory_space<semaphore_mem>>) src(%dma_wait3A_192 : memref<10008x128xf32, #tpu.memory_space<hbm>>) dst(%arg17 : memref<64x128xf32, #tpu.memory_space<vmem>>)
    %dma_wait3A_193 = arith.constant 0 : i32
    %dma_wait3A_194 = arith.constant 0 : i32
    %dma_wait3A_195 = tpu.memref_slice %arg2[%add3A_9, %dma_wait3A_193, %dma_wait3A_194] : memref<4x10008x128xf32, #tpu.memory_space<hbm>> -> memref<1x10008x128xf32, #tpu.memory_space<hbm>>
    %dma_wait3A_196 = tpu.memref_squeeze %dma_wait3A_195 : memref<1x10008x128xf32, #tpu.memory_space<hbm>> -> memref<10008x128xf32, #tpu.memory_space<hbm>>
    %dma_wait3A_197 = arith.constant 0 : i32
    %dma_wait3A_198 = arith.constant 0 : i32
    %dma_wait3A_199 = tpu.memref_slice %dma_wait3A_196[%dma_wait3A_197, %dma_wait3A_198] : memref<10008x128xf32, #tpu.memory_space<hbm>> -> memref<10008x128xf32, #tpu.memory_space<hbm>>
    tpu.wait_indirect_dma semaphore(%arg22 : memref<!tpu.dma_semaphore, #tpu.memory_space<semaphore_mem>>) src(%dma_wait3A_199 : memref<10008x128xf32, #tpu.memory_space<hbm>>) dst(%arg18 : memref<64x128xf32, #tpu.memory_space<vmem>>)
    %dma_wait3A_200 = arith.constant 0 : i32
    %dma_wait3A_201 = arith.constant 0 : i32
    %dma_wait3A_202 = tpu.memref_slice %arg2[%add3A_9, %dma_wait3A_200, %dma_wait3A_201] : memref<4x10008x128xf32, #tpu.memory_space<hbm>> -> memref<1x10008x128xf32, #tpu.memory_space<hbm>>
    %dma_wait3A_203 = tpu.memref_squeeze %dma_wait3A_202 : memref<1x10008x128xf32, #tpu.memory_space<hbm>> -> memref<10008x128xf32, #tpu.memory_space<hbm>>
    %dma_wait3A_204 = arith.constant 0 : i32
    %dma_wait3A_205 = arith.constant 0 : i32
    %dma_wait3A_206 = tpu.memref_slice %dma_wait3A_203[%dma_wait3A_204, %dma_wait3A_205] : memref<10008x128xf32, #tpu.memory_space<hbm>> -> memref<10008x128xf32, #tpu.memory_space<hbm>>
    tpu.wait_indirect_dma semaphore(%arg23 : memref<!tpu.dma_semaphore, #tpu.memory_space<semaphore_mem>>) src(%dma_wait3A_206 : memref<10008x128xf32, #tpu.memory_space<hbm>>) dst(%arg19 : memref<64x128xf32, #tpu.memory_space<vmem>>)
    %barrier3A_207 = arith.constant 0 : index
    tpu.barrier barrier_id(%barrier3A_207)
    %mul3A_208 = arith.constant 624 : i32
    %mul3A_209 = arith.muli %arg1, %mul3A_208 : i32
    %mul3A_210 = arith.constant 624 : i32
    %mul3A_211 = arith.muli %arg1, %mul3A_210 : i32
    "tpu.region"() ({
      %run_scoped3A = tpu.sem_alloc : memref<!tpu.dma_semaphore, #tpu.memory_space<semaphore_mem>>
      %dma_start3A_441 = arith.constant 0 : i32
      %dma_start3A_442 = arith.constant 0 : i32
      %dma_start3A_443 = tpu.memref_slice %arg5[%add3A_9, %dma_start3A_441, %dma_start3A_442] : memref<4x10000x128xf32, #tpu.memory_space<hbm>> -> memref<1x10000x128xf32, #tpu.memory_space<hbm>>
      %dma_start3A_444 = tpu.memref_squeeze %dma_start3A_443 : memref<1x10000x128xf32, #tpu.memory_space<hbm>> -> memref<10000x128xf32, #tpu.memory_space<hbm>>
      %dma_start3A_445 = arith.constant 0 : i32
      %dma_start3A_446 = tpu.memref_slice %dma_start3A_444[%mul3A_211, %dma_start3A_445] : memref<10000x128xf32, #tpu.memory_space<hbm>> -> memref<624x128xf32, #tpu.memory_space<hbm>>
      %dma_start3A_447 = arith.constant 0 : i32
      %dma_start3A_448 = tpu.memref_slice %arg28[%mul3A_209, %dma_start3A_447] : memref<10008x128xf32, #tpu.memory_space<vmem_shared>> -> memref<624x128xf32, #tpu.memory_space<vmem_shared>>
      tpu.enqueue_dma source(%dma_start3A_448 : memref<624x128xf32, #tpu.memory_space<vmem_shared>>) target(%dma_start3A_446 : memref<624x128xf32, #tpu.memory_space<hbm>>) target_semaphore(%run_scoped3A : memref<!tpu.dma_semaphore, #tpu.memory_space<semaphore_mem>>)
      %dma_wait3A_449 = arith.constant 0 : i32
      %dma_wait3A_450 = arith.constant 0 : i32
      %dma_wait3A_451 = tpu.memref_slice %arg5[%add3A_9, %dma_wait3A_449, %dma_wait3A_450] : memref<4x10000x128xf32, #tpu.memory_space<hbm>> -> memref<1x10000x128xf32, #tpu.memory_space<hbm>>
      %dma_wait3A_452 = tpu.memref_squeeze %dma_wait3A_451 : memref<1x10000x128xf32, #tpu.memory_space<hbm>> -> memref<10000x128xf32, #tpu.memory_space<hbm>>
      %dma_wait3A_453 = arith.constant 0 : i32
      %dma_wait3A_454 = tpu.memref_slice %dma_wait3A_452[%mul3A_211, %dma_wait3A_453] : memref<10000x128xf32, #tpu.memory_space<hbm>> -> memref<624x128xf32, #tpu.memory_space<hbm>>
      %dma_wait3A_455 = arith.constant 0 : i32
      %dma_wait3A_456 = tpu.memref_slice %arg28[%mul3A_209, %dma_wait3A_455] : memref<10008x128xf32, #tpu.memory_space<vmem_shared>> -> memref<624x128xf32, #tpu.memory_space<vmem_shared>>
      tpu.wait_dma2 semaphore(%run_scoped3A : memref<!tpu.dma_semaphore, #tpu.memory_space<semaphore_mem>>) src(%dma_wait3A_456 : memref<624x128xf32, #tpu.memory_space<vmem_shared>>) dst(%dma_wait3A_454 : memref<624x128xf32, #tpu.memory_space<hbm>>)
      tpu.yield
    }) : () -> ()
    %eq3A_212 = arith.constant 0 : i32
    %eq3A_213 = arith.cmpi eq, %arg1, %eq3A_212 : i32
    %convert_element_type3A_214 = arith.extui %eq3A_213 : i1 to i32
    %cond3A_215 = arith.constant 0 : i32
    %cond3A_216 = arith.cmpi ne, %convert_element_type3A_214, %cond3A_215 : i32
    scf.if %cond3A_216 {
      "tpu.region"() ({
        %run_scoped3A = tpu.sem_alloc : memref<!tpu.dma_semaphore, #tpu.memory_space<semaphore_mem>>
        %dma_start3A_441 = arith.constant 0 : i32
        %dma_start3A_442 = arith.constant 0 : i32
        %dma_start3A_443 = tpu.memref_slice %arg5[%add3A_9, %dma_start3A_441, %dma_start3A_442] : memref<4x10000x128xf32, #tpu.memory_space<hbm>> -> memref<1x10000x128xf32, #tpu.memory_space<hbm>>
        %dma_start3A_444 = tpu.memref_squeeze %dma_start3A_443 : memref<1x10000x128xf32, #tpu.memory_space<hbm>> -> memref<10000x128xf32, #tpu.memory_space<hbm>>
        %dma_start3A_445 = arith.constant 9984 : i32
        %dma_start3A_446 = arith.constant 0 : i32
        %dma_start3A_447 = tpu.memref_slice %dma_start3A_444[%dma_start3A_445, %dma_start3A_446] : memref<10000x128xf32, #tpu.memory_space<hbm>> -> memref<16x128xf32, #tpu.memory_space<hbm>>
        %dma_start3A_448 = arith.constant 9984 : i32
        %dma_start3A_449 = arith.constant 0 : i32
        %dma_start3A_450 = tpu.memref_slice %arg28[%dma_start3A_448, %dma_start3A_449] : memref<10008x128xf32, #tpu.memory_space<vmem_shared>> -> memref<16x128xf32, #tpu.memory_space<vmem_shared>>
        tpu.enqueue_dma source(%dma_start3A_450 : memref<16x128xf32, #tpu.memory_space<vmem_shared>>) target(%dma_start3A_447 : memref<16x128xf32, #tpu.memory_space<hbm>>) target_semaphore(%run_scoped3A : memref<!tpu.dma_semaphore, #tpu.memory_space<semaphore_mem>>)
        %dma_wait3A_451 = arith.constant 0 : i32
        %dma_wait3A_452 = arith.constant 0 : i32
        %dma_wait3A_453 = tpu.memref_slice %arg5[%add3A_9, %dma_wait3A_451, %dma_wait3A_452] : memref<4x10000x128xf32, #tpu.memory_space<hbm>> -> memref<1x10000x128xf32, #tpu.memory_space<hbm>>
        %dma_wait3A_454 = tpu.memref_squeeze %dma_wait3A_453 : memref<1x10000x128xf32, #tpu.memory_space<hbm>> -> memref<10000x128xf32, #tpu.memory_space<hbm>>
        %dma_wait3A_455 = arith.constant 9984 : i32
        %dma_wait3A_456 = arith.constant 0 : i32
        %dma_wait3A_457 = tpu.memref_slice %dma_wait3A_454[%dma_wait3A_455, %dma_wait3A_456] : memref<10000x128xf32, #tpu.memory_space<hbm>> -> memref<16x128xf32, #tpu.memory_space<hbm>>
        %dma_wait3A_458 = arith.constant 9984 : i32
        %dma_wait3A_459 = arith.constant 0 : i32
        %dma_wait3A_460 = tpu.memref_slice %arg28[%dma_wait3A_458, %dma_wait3A_459] : memref<10008x128xf32, #tpu.memory_space<vmem_shared>> -> memref<16x128xf32, #tpu.memory_space<vmem_shared>>
        tpu.wait_dma2 semaphore(%run_scoped3A : memref<!tpu.dma_semaphore, #tpu.memory_space<semaphore_mem>>) src(%dma_wait3A_460 : memref<16x128xf32, #tpu.memory_space<vmem_shared>>) dst(%dma_wait3A_457 : memref<16x128xf32, #tpu.memory_space<hbm>>)
        tpu.yield
      }) : () -> ()
    } else {
    }
    %barrier3A_217 = arith.constant 0 : index
    tpu.barrier barrier_id(%barrier3A_217)
    %mul3A_218 = arith.constant 2 : i32
    %mul3A_219 = arith.muli %arg0, %mul3A_218 : i32
    %add3A_220 = arith.constant 1 : i32
    %add3A_221 = arith.addi %mul3A_219, %add3A_220 : i32
    %mul3A_222 = arith.constant 624 : i32
    %mul3A_223 = arith.muli %arg1, %mul3A_222 : i32
    %mul3A_224 = arith.constant 624 : i32
    %mul3A_225 = arith.muli %arg1, %mul3A_224 : i32
    "tpu.region"() ({
      %run_scoped3A = tpu.sem_alloc : memref<!tpu.dma_semaphore, #tpu.memory_space<semaphore_mem>>
      %dma_start3A_441 = arith.constant 0 : i32
      %dma_start3A_442 = tpu.memref_slice %arg28[%mul3A_225, %dma_start3A_441] : memref<10008x128xf32, #tpu.memory_space<vmem_shared>> -> memref<624x128xf32, #tpu.memory_space<vmem_shared>>
      %dma_start3A_443 = arith.constant 0 : i32
      %dma_start3A_444 = arith.constant 0 : i32
      %dma_start3A_445 = tpu.memref_slice %arg2[%add3A_221, %dma_start3A_443, %dma_start3A_444] : memref<4x10008x128xf32, #tpu.memory_space<hbm>> -> memref<1x10008x128xf32, #tpu.memory_space<hbm>>
      %dma_start3A_446 = tpu.memref_squeeze %dma_start3A_445 : memref<1x10008x128xf32, #tpu.memory_space<hbm>> -> memref<10008x128xf32, #tpu.memory_space<hbm>>
      %dma_start3A_447 = arith.constant 0 : i32
      %dma_start3A_448 = tpu.memref_slice %dma_start3A_446[%mul3A_223, %dma_start3A_447] : memref<10008x128xf32, #tpu.memory_space<hbm>> -> memref<624x128xf32, #tpu.memory_space<hbm>>
      tpu.enqueue_dma source(%dma_start3A_448 : memref<624x128xf32, #tpu.memory_space<hbm>>) target(%dma_start3A_442 : memref<624x128xf32, #tpu.memory_space<vmem_shared>>) target_semaphore(%run_scoped3A : memref<!tpu.dma_semaphore, #tpu.memory_space<semaphore_mem>>)
      %dma_wait3A_449 = arith.constant 0 : i32
      %dma_wait3A_450 = tpu.memref_slice %arg28[%mul3A_225, %dma_wait3A_449] : memref<10008x128xf32, #tpu.memory_space<vmem_shared>> -> memref<624x128xf32, #tpu.memory_space<vmem_shared>>
      %dma_wait3A_451 = arith.constant 0 : i32
      %dma_wait3A_452 = arith.constant 0 : i32
      %dma_wait3A_453 = tpu.memref_slice %arg2[%add3A_221, %dma_wait3A_451, %dma_wait3A_452] : memref<4x10008x128xf32, #tpu.memory_space<hbm>> -> memref<1x10008x128xf32, #tpu.memory_space<hbm>>
      %dma_wait3A_454 = tpu.memref_squeeze %dma_wait3A_453 : memref<1x10008x128xf32, #tpu.memory_space<hbm>> -> memref<10008x128xf32, #tpu.memory_space<hbm>>
      %dma_wait3A_455 = arith.constant 0 : i32
      %dma_wait3A_456 = tpu.memref_slice %dma_wait3A_454[%mul3A_223, %dma_wait3A_455] : memref<10008x128xf32, #tpu.memory_space<hbm>> -> memref<624x128xf32, #tpu.memory_space<hbm>>
      tpu.wait_dma2 semaphore(%run_scoped3A : memref<!tpu.dma_semaphore, #tpu.memory_space<semaphore_mem>>) src(%dma_wait3A_456 : memref<624x128xf32, #tpu.memory_space<hbm>>) dst(%dma_wait3A_450 : memref<624x128xf32, #tpu.memory_space<vmem_shared>>)
      tpu.yield
    }) : () -> ()
    %eq3A_226 = arith.constant 0 : i32
    %eq3A_227 = arith.cmpi eq, %arg1, %eq3A_226 : i32
    %convert_element_type3A_228 = arith.extui %eq3A_227 : i1 to i32
    %cond3A_229 = arith.constant 0 : i32
    %cond3A_230 = arith.cmpi ne, %convert_element_type3A_228, %cond3A_229 : i32
    scf.if %cond3A_230 {
      "tpu.region"() ({
        %run_scoped3A = tpu.sem_alloc : memref<!tpu.dma_semaphore, #tpu.memory_space<semaphore_mem>>
        %dma_start3A_441 = arith.constant 9984 : i32
        %dma_start3A_442 = arith.constant 0 : i32
        %dma_start3A_443 = tpu.memref_slice %arg28[%dma_start3A_441, %dma_start3A_442] : memref<10008x128xf32, #tpu.memory_space<vmem_shared>> -> memref<16x128xf32, #tpu.memory_space<vmem_shared>>
        %dma_start3A_444 = arith.constant 0 : i32
        %dma_start3A_445 = arith.constant 0 : i32
        %dma_start3A_446 = tpu.memref_slice %arg2[%add3A_221, %dma_start3A_444, %dma_start3A_445] : memref<4x10008x128xf32, #tpu.memory_space<hbm>> -> memref<1x10008x128xf32, #tpu.memory_space<hbm>>
        %dma_start3A_447 = tpu.memref_squeeze %dma_start3A_446 : memref<1x10008x128xf32, #tpu.memory_space<hbm>> -> memref<10008x128xf32, #tpu.memory_space<hbm>>
        %dma_start3A_448 = arith.constant 9984 : i32
        %dma_start3A_449 = arith.constant 0 : i32
        %dma_start3A_450 = tpu.memref_slice %dma_start3A_447[%dma_start3A_448, %dma_start3A_449] : memref<10008x128xf32, #tpu.memory_space<hbm>> -> memref<16x128xf32, #tpu.memory_space<hbm>>
        tpu.enqueue_dma source(%dma_start3A_450 : memref<16x128xf32, #tpu.memory_space<hbm>>) target(%dma_start3A_443 : memref<16x128xf32, #tpu.memory_space<vmem_shared>>) target_semaphore(%run_scoped3A : memref<!tpu.dma_semaphore, #tpu.memory_space<semaphore_mem>>)
        %dma_wait3A_451 = arith.constant 9984 : i32
        %dma_wait3A_452 = arith.constant 0 : i32
        %dma_wait3A_453 = tpu.memref_slice %arg28[%dma_wait3A_451, %dma_wait3A_452] : memref<10008x128xf32, #tpu.memory_space<vmem_shared>> -> memref<16x128xf32, #tpu.memory_space<vmem_shared>>
        %dma_wait3A_454 = arith.constant 0 : i32
        %dma_wait3A_455 = arith.constant 0 : i32
        %dma_wait3A_456 = tpu.memref_slice %arg2[%add3A_221, %dma_wait3A_454, %dma_wait3A_455] : memref<4x10008x128xf32, #tpu.memory_space<hbm>> -> memref<1x10008x128xf32, #tpu.memory_space<hbm>>
        %dma_wait3A_457 = tpu.memref_squeeze %dma_wait3A_456 : memref<1x10008x128xf32, #tpu.memory_space<hbm>> -> memref<10008x128xf32, #tpu.memory_space<hbm>>
        %dma_wait3A_458 = arith.constant 9984 : i32
        %dma_wait3A_459 = arith.constant 0 : i32
        %dma_wait3A_460 = tpu.memref_slice %dma_wait3A_457[%dma_wait3A_458, %dma_wait3A_459] : memref<10008x128xf32, #tpu.memory_space<hbm>> -> memref<16x128xf32, #tpu.memory_space<hbm>>
        tpu.wait_dma2 semaphore(%run_scoped3A : memref<!tpu.dma_semaphore, #tpu.memory_space<semaphore_mem>>) src(%dma_wait3A_460 : memref<16x128xf32, #tpu.memory_space<hbm>>) dst(%dma_wait3A_453 : memref<16x128xf32, #tpu.memory_space<vmem_shared>>)
        tpu.yield
      }) : () -> ()
    } else {
    }
    %barrier3A_231 = arith.constant 0 : index
    tpu.barrier barrier_id(%barrier3A_231)
    %get3A_232 = arith.constant 0 : index
    %get3A_233 = tpu.vector_load %arg6[%get3A_232] {strides = array<i32>} : memref<5120xi32, #tpu.memory_space<vmem>>, vector<16xi32>,
    %get3A_234 = vector.shape_cast %get3A_233 : vector<16xi32> to vector<16xi32>
    %and3A_235 = arith.constant 65535 : i32
    %and3A_236 = vector.broadcast %and3A_235 : i32 to vector<16xi32>
    %and3A_237 = arith.andi %get3A_234, %and3A_236 : vector<16xi32>
    %swap3A_238 = arith.constant 0 : index
    %swap3A_239 = tpu.vector_load %arg8[%swap3A_238] {strides = array<i32>} : memref<64xi32, #tpu.memory_space<vmem>>, vector<16xi32>,
    %swap3A_240 = vector.shape_cast %swap3A_239 : vector<16xi32> to vector<16xi32>
    %swap3A_241 = vector.shape_cast %and3A_237 : vector<16xi32> to vector<16xi32>
    tpu.vector_store %arg8[%swap3A_238], %swap3A_241 {strides = array<i32>} : memref<64xi32, #tpu.memory_space<vmem>>, vector<16xi32>,
    %shift_right_logical3A_242 = arith.constant 16 : i32
    %shift_right_logical3A_243 = vector.broadcast %shift_right_logical3A_242 : i32 to vector<16xi32>
    %shift_right_logical3A_244 = arith.shrui %get3A_234, %shift_right_logical3A_243 : vector<16xi32>
    %swap3A_245 = arith.constant 32 : index
    %swap3A_246 = tpu.vector_load %arg8[%swap3A_245] {strides = array<i32>} : memref<64xi32, #tpu.memory_space<vmem>>, vector<16xi32>,
    %swap3A_247 = vector.shape_cast %swap3A_246 : vector<16xi32> to vector<16xi32>
    %swap3A_248 = vector.shape_cast %shift_right_logical3A_244 : vector<16xi32> to vector<16xi32>
    tpu.vector_store %arg8[%swap3A_245], %swap3A_248 {strides = array<i32>} : memref<64xi32, #tpu.memory_space<vmem>>, vector<16xi32>,
    %get3A_249 = arith.constant 16 : index
    %get3A_250 = tpu.vector_load %arg6[%get3A_249] {strides = array<i32>} : memref<5120xi32, #tpu.memory_space<vmem>>, vector<16xi32>,
    %get3A_251 = vector.shape_cast %get3A_250 : vector<16xi32> to vector<16xi32>
    %and3A_252 = arith.constant 65535 : i32
    %and3A_253 = vector.broadcast %and3A_252 : i32 to vector<16xi32>
    %and3A_254 = arith.andi %get3A_251, %and3A_253 : vector<16xi32>
    %swap3A_255 = arith.constant 16 : index
    %swap3A_256 = tpu.vector_load %arg8[%swap3A_255] {strides = array<i32>} : memref<64xi32, #tpu.memory_space<vmem>>, vector<16xi32>,
    %swap3A_257 = vector.shape_cast %swap3A_256 : vector<16xi32> to vector<16xi32>
    %swap3A_258 = vector.shape_cast %and3A_254 : vector<16xi32> to vector<16xi32>
    tpu.vector_store %arg8[%swap3A_255], %swap3A_258 {strides = array<i32>} : memref<64xi32, #tpu.memory_space<vmem>>, vector<16xi32>,
    %shift_right_logical3A_259 = arith.constant 16 : i32
    %shift_right_logical3A_260 = vector.broadcast %shift_right_logical3A_259 : i32 to vector<16xi32>
    %shift_right_logical3A_261 = arith.shrui %get3A_251, %shift_right_logical3A_260 : vector<16xi32>
    %swap3A_262 = arith.constant 48 : index
    %swap3A_263 = tpu.vector_load %arg8[%swap3A_262] {strides = array<i32>} : memref<64xi32, #tpu.memory_space<vmem>>, vector<16xi32>,
    %swap3A_264 = vector.shape_cast %swap3A_263 : vector<16xi32> to vector<16xi32>
    %swap3A_265 = vector.shape_cast %shift_right_logical3A_261 : vector<16xi32> to vector<16xi32>
    tpu.vector_store %arg8[%swap3A_262], %swap3A_265 {strides = array<i32>} : memref<64xi32, #tpu.memory_space<vmem>>, vector<16xi32>,
    %dma_start3A_266 = arith.constant 0 : i32
    %dma_start3A_267 = arith.constant 0 : i32
    %dma_start3A_268 = tpu.memref_slice %arg2[%add3A_221, %dma_start3A_266, %dma_start3A_267] : memref<4x10008x128xf32, #tpu.memory_space<hbm>> -> memref<1x10008x128xf32, #tpu.memory_space<hbm>>
    %dma_start3A_269 = tpu.memref_squeeze %dma_start3A_268 : memref<1x10008x128xf32, #tpu.memory_space<hbm>> -> memref<10008x128xf32, #tpu.memory_space<hbm>>
    %dma_start3A_270 = arith.constant 0 : i32
    %dma_start3A_271 = arith.constant 0 : i32
    %dma_start3A_272 = tpu.memref_slice %dma_start3A_269[%dma_start3A_270, %dma_start3A_271] : memref<10008x128xf32, #tpu.memory_space<hbm>> -> memref<10008x128xf32, #tpu.memory_space<hbm>>
    tpu.enqueue_indirect_dma source(%dma_start3A_272 : memref<10008x128xf32, #tpu.memory_space<hbm>>) target(%arg16 : memref<64x128xf32, #tpu.memory_space<vmem>>) offsets(%arg8 : memref<64xi32, #tpu.memory_space<vmem>>) semaphore(%arg20 : memref<!tpu.dma_semaphore, #tpu.memory_space<semaphore_mem>>)
    %get3A_273 = arith.constant 32 : index
    %get3A_274 = tpu.vector_load %arg6[%get3A_273] {strides = array<i32>} : memref<5120xi32, #tpu.memory_space<vmem>>, vector<16xi32>,
    %get3A_275 = vector.shape_cast %get3A_274 : vector<16xi32> to vector<16xi32>
    %and3A_276 = arith.constant 65535 : i32
    %and3A_277 = vector.broadcast %and3A_276 : i32 to vector<16xi32>
    %and3A_278 = arith.andi %get3A_275, %and3A_277 : vector<16xi32>
    %swap3A_279 = arith.constant 0 : index
    %swap3A_280 = tpu.vector_load %arg9[%swap3A_279] {strides = array<i32>} : memref<64xi32, #tpu.memory_space<vmem>>, vector<16xi32>,
    %swap3A_281 = vector.shape_cast %swap3A_280 : vector<16xi32> to vector<16xi32>
    %swap3A_282 = vector.shape_cast %and3A_278 : vector<16xi32> to vector<16xi32>
    tpu.vector_store %arg9[%swap3A_279], %swap3A_282 {strides = array<i32>} : memref<64xi32, #tpu.memory_space<vmem>>, vector<16xi32>,
    %shift_right_logical3A_283 = arith.constant 16 : i32
    %shift_right_logical3A_284 = vector.broadcast %shift_right_logical3A_283 : i32 to vector<16xi32>
    %shift_right_logical3A_285 = arith.shrui %get3A_275, %shift_right_logical3A_284 : vector<16xi32>
    %swap3A_286 = arith.constant 32 : index
    %swap3A_287 = tpu.vector_load %arg9[%swap3A_286] {strides = array<i32>} : memref<64xi32, #tpu.memory_space<vmem>>, vector<16xi32>,
    %swap3A_288 = vector.shape_cast %swap3A_287 : vector<16xi32> to vector<16xi32>
    %swap3A_289 = vector.shape_cast %shift_right_logical3A_285 : vector<16xi32> to vector<16xi32>
    tpu.vector_store %arg9[%swap3A_286], %swap3A_289 {strides = array<i32>} : memref<64xi32, #tpu.memory_space<vmem>>, vector<16xi32>,
    %get3A_290 = arith.constant 48 : index
    %get3A_291 = tpu.vector_load %arg6[%get3A_290] {strides = array<i32>} : memref<5120xi32, #tpu.memory_space<vmem>>, vector<16xi32>,
    %get3A_292 = vector.shape_cast %get3A_291 : vector<16xi32> to vector<16xi32>
    %and3A_293 = arith.constant 65535 : i32
    %and3A_294 = vector.broadcast %and3A_293 : i32 to vector<16xi32>
    %and3A_295 = arith.andi %get3A_292, %and3A_294 : vector<16xi32>
    %swap3A_296 = arith.constant 16 : index
    %swap3A_297 = tpu.vector_load %arg9[%swap3A_296] {strides = array<i32>} : memref<64xi32, #tpu.memory_space<vmem>>, vector<16xi32>,
    %swap3A_298 = vector.shape_cast %swap3A_297 : vector<16xi32> to vector<16xi32>
    %swap3A_299 = vector.shape_cast %and3A_295 : vector<16xi32> to vector<16xi32>
    tpu.vector_store %arg9[%swap3A_296], %swap3A_299 {strides = array<i32>} : memref<64xi32, #tpu.memory_space<vmem>>, vector<16xi32>,
    %shift_right_logical3A_300 = arith.constant 16 : i32
    %shift_right_logical3A_301 = vector.broadcast %shift_right_logical3A_300 : i32 to vector<16xi32>
    %shift_right_logical3A_302 = arith.shrui %get3A_292, %shift_right_logical3A_301 : vector<16xi32>
    %swap3A_303 = arith.constant 48 : index
    %swap3A_304 = tpu.vector_load %arg9[%swap3A_303] {strides = array<i32>} : memref<64xi32, #tpu.memory_space<vmem>>, vector<16xi32>,
    %swap3A_305 = vector.shape_cast %swap3A_304 : vector<16xi32> to vector<16xi32>
    %swap3A_306 = vector.shape_cast %shift_right_logical3A_302 : vector<16xi32> to vector<16xi32>
    tpu.vector_store %arg9[%swap3A_303], %swap3A_306 {strides = array<i32>} : memref<64xi32, #tpu.memory_space<vmem>>, vector<16xi32>,
    %dma_start3A_307 = arith.constant 0 : i32
    %dma_start3A_308 = arith.constant 0 : i32
    %dma_start3A_309 = tpu.memref_slice %arg2[%add3A_221, %dma_start3A_307, %dma_start3A_308] : memref<4x10008x128xf32, #tpu.memory_space<hbm>> -> memref<1x10008x128xf32, #tpu.memory_space<hbm>>
    %dma_start3A_310 = tpu.memref_squeeze %dma_start3A_309 : memref<1x10008x128xf32, #tpu.memory_space<hbm>> -> memref<10008x128xf32, #tpu.memory_space<hbm>>
    %dma_start3A_311 = arith.constant 0 : i32
    %dma_start3A_312 = arith.constant 0 : i32
    %dma_start3A_313 = tpu.memref_slice %dma_start3A_310[%dma_start3A_311, %dma_start3A_312] : memref<10008x128xf32, #tpu.memory_space<hbm>> -> memref<10008x128xf32, #tpu.memory_space<hbm>>
    tpu.enqueue_indirect_dma source(%dma_start3A_313 : memref<10008x128xf32, #tpu.memory_space<hbm>>) target(%arg17 : memref<64x128xf32, #tpu.memory_space<vmem>>) offsets(%arg9 : memref<64xi32, #tpu.memory_space<vmem>>) semaphore(%arg21 : memref<!tpu.dma_semaphore, #tpu.memory_space<semaphore_mem>>)
    %get3A_314 = arith.constant 64 : index
    %get3A_315 = tpu.vector_load %arg6[%get3A_314] {strides = array<i32>} : memref<5120xi32, #tpu.memory_space<vmem>>, vector<16xi32>,
    %get3A_316 = vector.shape_cast %get3A_315 : vector<16xi32> to vector<16xi32>
    %and3A_317 = arith.constant 65535 : i32
    %and3A_318 = vector.broadcast %and3A_317 : i32 to vector<16xi32>
    %and3A_319 = arith.andi %get3A_316, %and3A_318 : vector<16xi32>
    %swap3A_320 = arith.constant 0 : index
    %swap3A_321 = tpu.vector_load %arg10[%swap3A_320] {strides = array<i32>} : memref<64xi32, #tpu.memory_space<vmem>>, vector<16xi32>,
    %swap3A_322 = vector.shape_cast %swap3A_321 : vector<16xi32> to vector<16xi32>
    %swap3A_323 = vector.shape_cast %and3A_319 : vector<16xi32> to vector<16xi32>
    tpu.vector_store %arg10[%swap3A_320], %swap3A_323 {strides = array<i32>} : memref<64xi32, #tpu.memory_space<vmem>>, vector<16xi32>,
    %shift_right_logical3A_324 = arith.constant 16 : i32
    %shift_right_logical3A_325 = vector.broadcast %shift_right_logical3A_324 : i32 to vector<16xi32>
    %shift_right_logical3A_326 = arith.shrui %get3A_316, %shift_right_logical3A_325 : vector<16xi32>
    %swap3A_327 = arith.constant 32 : index
    %swap3A_328 = tpu.vector_load %arg10[%swap3A_327] {strides = array<i32>} : memref<64xi32, #tpu.memory_space<vmem>>, vector<16xi32>,
    %swap3A_329 = vector.shape_cast %swap3A_328 : vector<16xi32> to vector<16xi32>
    %swap3A_330 = vector.shape_cast %shift_right_logical3A_326 : vector<16xi32> to vector<16xi32>
    tpu.vector_store %arg10[%swap3A_327], %swap3A_330 {strides = array<i32>} : memref<64xi32, #tpu.memory_space<vmem>>, vector<16xi32>,
    %get3A_331 = arith.constant 80 : index
    %get3A_332 = tpu.vector_load %arg6[%get3A_331] {strides = array<i32>} : memref<5120xi32, #tpu.memory_space<vmem>>, vector<16xi32>,
    %get3A_333 = vector.shape_cast %get3A_332 : vector<16xi32> to vector<16xi32>
    %and3A_334 = arith.constant 65535 : i32
    %and3A_335 = vector.broadcast %and3A_334 : i32 to vector<16xi32>
    %and3A_336 = arith.andi %get3A_333, %and3A_335 : vector<16xi32>
    %swap3A_337 = arith.constant 16 : index
    %swap3A_338 = tpu.vector_load %arg10[%swap3A_337] {strides = array<i32>} : memref<64xi32, #tpu.memory_space<vmem>>, vector<16xi32>,
    %swap3A_339 = vector.shape_cast %swap3A_338 : vector<16xi32> to vector<16xi32>
    %swap3A_340 = vector.shape_cast %and3A_336 : vector<16xi32> to vector<16xi32>
    tpu.vector_store %arg10[%swap3A_337], %swap3A_340 {strides = array<i32>} : memref<64xi32, #tpu.memory_space<vmem>>, vector<16xi32>,
    %shift_right_logical3A_341 = arith.constant 16 : i32
    %shift_right_logical3A_342 = vector.broadcast %shift_right_logical3A_341 : i32 to vector<16xi32>
    %shift_right_logical3A_343 = arith.shrui %get3A_333, %shift_right_logical3A_342 : vector<16xi32>
    %swap3A_344 = arith.constant 48 : index
    %swap3A_345 = tpu.vector_load %arg10[%swap3A_344] {strides = array<i32>} : memref<64xi32, #tpu.memory_space<vmem>>, vector<16xi32>,
    %swap3A_346 = vector.shape_cast %swap3A_345 : vector<16xi32> to vector<16xi32>
    %swap3A_347 = vector.shape_cast %shift_right_logical3A_343 : vector<16xi32> to vector<16xi32>
    tpu.vector_store %arg10[%swap3A_344], %swap3A_347 {strides = array<i32>} : memref<64xi32, #tpu.memory_space<vmem>>, vector<16xi32>,
    %dma_start3A_348 = arith.constant 0 : i32
    %dma_start3A_349 = arith.constant 0 : i32
    %dma_start3A_350 = tpu.memref_slice %arg2[%add3A_221, %dma_start3A_348, %dma_start3A_349] : memref<4x10008x128xf32, #tpu.memory_space<hbm>> -> memref<1x10008x128xf32, #tpu.memory_space<hbm>>
    %dma_start3A_351 = tpu.memref_squeeze %dma_start3A_350 : memref<1x10008x128xf32, #tpu.memory_space<hbm>> -> memref<10008x128xf32, #tpu.memory_space<hbm>>
    %dma_start3A_352 = arith.constant 0 : i32
    %dma_start3A_353 = arith.constant 0 : i32
    %dma_start3A_354 = tpu.memref_slice %dma_start3A_351[%dma_start3A_352, %dma_start3A_353] : memref<10008x128xf32, #tpu.memory_space<hbm>> -> memref<10008x128xf32, #tpu.memory_space<hbm>>
    tpu.enqueue_indirect_dma source(%dma_start3A_354 : memref<10008x128xf32, #tpu.memory_space<hbm>>) target(%arg18 : memref<64x128xf32, #tpu.memory_space<vmem>>) offsets(%arg10 : memref<64xi32, #tpu.memory_space<vmem>>) semaphore(%arg22 : memref<!tpu.dma_semaphore, #tpu.memory_space<semaphore_mem>>)
    %get3A_355 = arith.constant 96 : index
    %get3A_356 = tpu.vector_load %arg6[%get3A_355] {strides = array<i32>} : memref<5120xi32, #tpu.memory_space<vmem>>, vector<16xi32>,
    %get3A_357 = vector.shape_cast %get3A_356 : vector<16xi32> to vector<16xi32>
    %and3A_358 = arith.constant 65535 : i32
    %and3A_359 = vector.broadcast %and3A_358 : i32 to vector<16xi32>
    %and3A_360 = arith.andi %get3A_357, %and3A_359 : vector<16xi32>
    %swap3A_361 = arith.constant 0 : index
    %swap3A_362 = tpu.vector_load %arg11[%swap3A_361] {strides = array<i32>} : memref<64xi32, #tpu.memory_space<vmem>>, vector<16xi32>,
    %swap3A_363 = vector.shape_cast %swap3A_362 : vector<16xi32> to vector<16xi32>
    %swap3A_364 = vector.shape_cast %and3A_360 : vector<16xi32> to vector<16xi32>
    tpu.vector_store %arg11[%swap3A_361], %swap3A_364 {strides = array<i32>} : memref<64xi32, #tpu.memory_space<vmem>>, vector<16xi32>,
    %shift_right_logical3A_365 = arith.constant 16 : i32
    %shift_right_logical3A_366 = vector.broadcast %shift_right_logical3A_365 : i32 to vector<16xi32>
    %shift_right_logical3A_367 = arith.shrui %get3A_357, %shift_right_logical3A_366 : vector<16xi32>
    %swap3A_368 = arith.constant 32 : index
    %swap3A_369 = tpu.vector_load %arg11[%swap3A_368] {strides = array<i32>} : memref<64xi32, #tpu.memory_space<vmem>>, vector<16xi32>,
    %swap3A_370 = vector.shape_cast %swap3A_369 : vector<16xi32> to vector<16xi32>
    %swap3A_371 = vector.shape_cast %shift_right_logical3A_367 : vector<16xi32> to vector<16xi32>
    tpu.vector_store %arg11[%swap3A_368], %swap3A_371 {strides = array<i32>} : memref<64xi32, #tpu.memory_space<vmem>>, vector<16xi32>,
    %get3A_372 = arith.constant 112 : index
    %get3A_373 = tpu.vector_load %arg6[%get3A_372] {strides = array<i32>} : memref<5120xi32, #tpu.memory_space<vmem>>, vector<16xi32>,
    %get3A_374 = vector.shape_cast %get3A_373 : vector<16xi32> to vector<16xi32>
    %and3A_375 = arith.constant 65535 : i32
    %and3A_376 = vector.broadcast %and3A_375 : i32 to vector<16xi32>
    %and3A_377 = arith.andi %get3A_374, %and3A_376 : vector<16xi32>
    %swap3A_378 = arith.constant 16 : index
    %swap3A_379 = tpu.vector_load %arg11[%swap3A_378] {strides = array<i32>} : memref<64xi32, #tpu.memory_space<vmem>>, vector<16xi32>,
    %swap3A_380 = vector.shape_cast %swap3A_379 : vector<16xi32> to vector<16xi32>
    %swap3A_381 = vector.shape_cast %and3A_377 : vector<16xi32> to vector<16xi32>
    tpu.vector_store %arg11[%swap3A_378], %swap3A_381 {strides = array<i32>} : memref<64xi32, #tpu.memory_space<vmem>>, vector<16xi32>,
    %shift_right_logical3A_382 = arith.constant 16 : i32
    %shift_right_logical3A_383 = vector.broadcast %shift_right_logical3A_382 : i32 to vector<16xi32>
    %shift_right_logical3A_384 = arith.shrui %get3A_374, %shift_right_logical3A_383 : vector<16xi32>
    %swap3A_385 = arith.constant 48 : index
    %swap3A_386 = tpu.vector_load %arg11[%swap3A_385] {strides = array<i32>} : memref<64xi32, #tpu.memory_space<vmem>>, vector<16xi32>,
    %swap3A_387 = vector.shape_cast %swap3A_386 : vector<16xi32> to vector<16xi32>
    %swap3A_388 = vector.shape_cast %shift_right_logical3A_384 : vector<16xi32> to vector<16xi32>
    tpu.vector_store %arg11[%swap3A_385], %swap3A_388 {strides = array<i32>} : memref<64xi32, #tpu.memory_space<vmem>>, vector<16xi32>,
    %dma_start3A_389 = arith.constant 0 : i32
    %dma_start3A_390 = arith.constant 0 : i32
    %dma_start3A_391 = tpu.memref_slice %arg2[%add3A_221, %dma_start3A_389, %dma_start3A_390] : memref<4x10008x128xf32, #tpu.memory_space<hbm>> -> memref<1x10008x128xf32, #tpu.memory_space<hbm>>
    %dma_start3A_392 = tpu.memref_squeeze %dma_start3A_391 : memref<1x10008x128xf32, #tpu.memory_space<hbm>> -> memref<10008x128xf32, #tpu.memory_space<hbm>>
    %dma_start3A_393 = arith.constant 0 : i32
    %dma_start3A_394 = arith.constant 0 : i32
    %dma_start3A_395 = tpu.memref_slice %dma_start3A_392[%dma_start3A_393, %dma_start3A_394] : memref<10008x128xf32, #tpu.memory_space<hbm>> -> memref<10008x128xf32, #tpu.memory_space<hbm>>
    tpu.enqueue_indirect_dma source(%dma_start3A_395 : memref<10008x128xf32, #tpu.memory_space<hbm>>) target(%arg19 : memref<64x128xf32, #tpu.memory_space<vmem>>) offsets(%arg11 : memref<64xi32, #tpu.memory_space<vmem>>) semaphore(%arg23 : memref<!tpu.dma_semaphore, #tpu.memory_space<semaphore_mem>>)
    %scan3A_396 = arith.constant 0 : i32
    %scan3A_397 = arith.constant 0 : i32
    %scan3A_398 = arith.constant 40 : i32
    %scan3A_399 = arith.addi %scan3A_397, %scan3A_398 : i32
    %scan3A_400 = arith.constant 1 : i32
    scf.for %scan3A_441 = %scan3A_397 to %scan3A_399 step %scan3A_400  : i32 {
      %mul3A_442 = arith.constant 4 : i32
      %mul3A_443 = arith.muli %mul3A_442, %scan3A_441 : i32
      %add3A_444 = arith.constant 0 : i32
      %add3A_445 = arith.addi %mul3A_443, %add3A_444 : i32
      %mul3A_446 = arith.constant 32 : i32
      %mul3A_447 = arith.muli %add3A_445, %mul3A_446 : i32
      %add3A_448 = arith.constant 0 : i32
      %add3A_449 = arith.addi %mul3A_447, %add3A_448 : i32
      %get3A_450 = arith.index_cast %add3A_449 : i32 to index
      %get3A_451 = tpu.vector_load %arg7[%get3A_450] {strides = array<i32>} : memref<5120xi32, #tpu.memory_space<vmem>>, vector<16xi32>,
      %get3A_452 = vector.shape_cast %get3A_451 : vector<16xi32> to vector<16xi32>
      %and3A_453 = arith.constant 65535 : i32
      %and3A_454 = vector.broadcast %and3A_453 : i32 to vector<16xi32>
      %and3A_455 = arith.andi %get3A_452, %and3A_454 : vector<16xi32>
      %swap3A_456 = arith.constant 0 : index
      %swap3A_457 = tpu.vector_load %arg12[%swap3A_456] {strides = array<i32>} : memref<64xi32, #tpu.memory_space<vmem>>, vector<16xi32>,
      %swap3A_458 = vector.shape_cast %swap3A_457 : vector<16xi32> to vector<16xi32>
      %swap3A_459 = vector.shape_cast %and3A_455 : vector<16xi32> to vector<16xi32>
      tpu.vector_store %arg12[%swap3A_456], %swap3A_459 {strides = array<i32>} : memref<64xi32, #tpu.memory_space<vmem>>, vector<16xi32>,
      %shift_right_logical3A_460 = arith.constant 16 : i32
      %shift_right_logical3A_461 = vector.broadcast %shift_right_logical3A_460 : i32 to vector<16xi32>
      %shift_right_logical3A_462 = arith.shrui %get3A_452, %shift_right_logical3A_461 : vector<16xi32>
      %swap3A_463 = arith.constant 32 : index
      %swap3A_464 = tpu.vector_load %arg12[%swap3A_463] {strides = array<i32>} : memref<64xi32, #tpu.memory_space<vmem>>, vector<16xi32>,
      %swap3A_465 = vector.shape_cast %swap3A_464 : vector<16xi32> to vector<16xi32>
      %swap3A_466 = vector.shape_cast %shift_right_logical3A_462 : vector<16xi32> to vector<16xi32>
      tpu.vector_store %arg12[%swap3A_463], %swap3A_466 {strides = array<i32>} : memref<64xi32, #tpu.memory_space<vmem>>, vector<16xi32>,
      %mul3A_467 = arith.constant 32 : i32
      %mul3A_468 = arith.muli %add3A_445, %mul3A_467 : i32
      %add3A_469 = arith.constant 16 : i32
      %add3A_470 = arith.addi %mul3A_468, %add3A_469 : i32
      %get3A_471 = arith.index_cast %add3A_470 : i32 to index
      %get3A_472 = tpu.vector_load %arg7[%get3A_471] {strides = array<i32>} : memref<5120xi32, #tpu.memory_space<vmem>>, vector<16xi32>,
      %get3A_473 = vector.shape_cast %get3A_472 : vector<16xi32> to vector<16xi32>
      %and3A_474 = arith.constant 65535 : i32
      %and3A_475 = vector.broadcast %and3A_474 : i32 to vector<16xi32>
      %and3A_476 = arith.andi %get3A_473, %and3A_475 : vector<16xi32>
      %swap3A_477 = arith.constant 16 : index
      %swap3A_478 = tpu.vector_load %arg12[%swap3A_477] {strides = array<i32>} : memref<64xi32, #tpu.memory_space<vmem>>, vector<16xi32>,
      %swap3A_479 = vector.shape_cast %swap3A_478 : vector<16xi32> to vector<16xi32>
      %swap3A_480 = vector.shape_cast %and3A_476 : vector<16xi32> to vector<16xi32>
      tpu.vector_store %arg12[%swap3A_477], %swap3A_480 {strides = array<i32>} : memref<64xi32, #tpu.memory_space<vmem>>, vector<16xi32>,
      %shift_right_logical3A_481 = arith.constant 16 : i32
      %shift_right_logical3A_482 = vector.broadcast %shift_right_logical3A_481 : i32 to vector<16xi32>
      %shift_right_logical3A_483 = arith.shrui %get3A_473, %shift_right_logical3A_482 : vector<16xi32>
      %swap3A_484 = arith.constant 48 : index
      %swap3A_485 = tpu.vector_load %arg12[%swap3A_484] {strides = array<i32>} : memref<64xi32, #tpu.memory_space<vmem>>, vector<16xi32>,
      %swap3A_486 = vector.shape_cast %swap3A_485 : vector<16xi32> to vector<16xi32>
      %swap3A_487 = vector.shape_cast %shift_right_logical3A_483 : vector<16xi32> to vector<16xi32>
      tpu.vector_store %arg12[%swap3A_484], %swap3A_487 {strides = array<i32>} : memref<64xi32, #tpu.memory_space<vmem>>, vector<16xi32>,
      %dma_wait3A_488 = arith.constant 0 : i32
      %dma_wait3A_489 = arith.constant 0 : i32
      %dma_wait3A_490 = tpu.memref_slice %arg2[%add3A_221, %dma_wait3A_488, %dma_wait3A_489] : memref<4x10008x128xf32, #tpu.memory_space<hbm>> -> memref<1x10008x128xf32, #tpu.memory_space<hbm>>
      %dma_wait3A_491 = tpu.memref_squeeze %dma_wait3A_490 : memref<1x10008x128xf32, #tpu.memory_space<hbm>> -> memref<10008x128xf32, #tpu.memory_space<hbm>>
      %dma_wait3A_492 = arith.constant 0 : i32
      %dma_wait3A_493 = arith.constant 0 : i32
      %dma_wait3A_494 = tpu.memref_slice %dma_wait3A_491[%dma_wait3A_492, %dma_wait3A_493] : memref<10008x128xf32, #tpu.memory_space<hbm>> -> memref<10008x128xf32, #tpu.memory_space<hbm>>
      tpu.wait_indirect_dma semaphore(%arg20 : memref<!tpu.dma_semaphore, #tpu.memory_space<semaphore_mem>>) src(%dma_wait3A_494 : memref<10008x128xf32, #tpu.memory_space<hbm>>) dst(%arg16 : memref<64x128xf32, #tpu.memory_space<vmem>>)
      %dma_start3A_495 = arith.constant 0 : i32
      %dma_start3A_496 = arith.constant 0 : i32
      %dma_start3A_497 = tpu.memref_slice %arg28[%dma_start3A_495, %dma_start3A_496] : memref<10008x128xf32, #tpu.memory_space<vmem_shared>> -> memref<10008x128xf32, #tpu.memory_space<vmem_shared>>
      tpu.enqueue_indirect_dma source(%arg16 : memref<64x128xf32, #tpu.memory_space<vmem>>) target(%dma_start3A_497 : memref<10008x128xf32, #tpu.memory_space<vmem_shared>>) offsets(%arg12 : memref<64xi32, #tpu.memory_space<vmem>>) semaphore(%arg24 : memref<!tpu.dma_semaphore, #tpu.memory_space<semaphore_mem>>) {add = true}
      %add3A_498 = arith.constant 4 : i32
      %add3A_499 = arith.addi %add3A_445, %add3A_498 : i32
      %min3A = arith.constant 159 : i32
      %min3A_500 = arith.minsi %add3A_499, %min3A : i32
      %mul3A_501 = arith.constant 32 : i32
      %mul3A_502 = arith.muli %min3A_500, %mul3A_501 : i32
      %add3A_503 = arith.constant 0 : i32
      %add3A_504 = arith.addi %mul3A_502, %add3A_503 : i32
      %get3A_505 = arith.index_cast %add3A_504 : i32 to index
      %get3A_506 = tpu.vector_load %arg6[%get3A_505] {strides = array<i32>} : memref<5120xi32, #tpu.memory_space<vmem>>, vector<16xi32>,
      %get3A_507 = vector.shape_cast %get3A_506 : vector<16xi32> to vector<16xi32>
      %and3A_508 = arith.constant 65535 : i32
      %and3A_509 = vector.broadcast %and3A_508 : i32 to vector<16xi32>
      %and3A_510 = arith.andi %get3A_507, %and3A_509 : vector<16xi32>
      %swap3A_511 = arith.constant 0 : index
      %swap3A_512 = tpu.vector_load %arg8[%swap3A_511] {strides = array<i32>} : memref<64xi32, #tpu.memory_space<vmem>>, vector<16xi32>,
      %swap3A_513 = vector.shape_cast %swap3A_512 : vector<16xi32> to vector<16xi32>
      %swap3A_514 = vector.shape_cast %and3A_510 : vector<16xi32> to vector<16xi32>
      tpu.vector_store %arg8[%swap3A_511], %swap3A_514 {strides = array<i32>} : memref<64xi32, #tpu.memory_space<vmem>>, vector<16xi32>,
      %shift_right_logical3A_515 = arith.constant 16 : i32
      %shift_right_logical3A_516 = vector.broadcast %shift_right_logical3A_515 : i32 to vector<16xi32>
      %shift_right_logical3A_517 = arith.shrui %get3A_507, %shift_right_logical3A_516 : vector<16xi32>
      %swap3A_518 = arith.constant 32 : index
      %swap3A_519 = tpu.vector_load %arg8[%swap3A_518] {strides = array<i32>} : memref<64xi32, #tpu.memory_space<vmem>>, vector<16xi32>,
      %swap3A_520 = vector.shape_cast %swap3A_519 : vector<16xi32> to vector<16xi32>
      %swap3A_521 = vector.shape_cast %shift_right_logical3A_517 : vector<16xi32> to vector<16xi32>
      tpu.vector_store %arg8[%swap3A_518], %swap3A_521 {strides = array<i32>} : memref<64xi32, #tpu.memory_space<vmem>>, vector<16xi32>,
      %mul3A_522 = arith.constant 32 : i32
      %mul3A_523 = arith.muli %min3A_500, %mul3A_522 : i32
      %add3A_524 = arith.constant 16 : i32
      %add3A_525 = arith.addi %mul3A_523, %add3A_524 : i32
      %get3A_526 = arith.index_cast %add3A_525 : i32 to index
      %get3A_527 = tpu.vector_load %arg6[%get3A_526] {strides = array<i32>} : memref<5120xi32, #tpu.memory_space<vmem>>, vector<16xi32>,
      %get3A_528 = vector.shape_cast %get3A_527 : vector<16xi32> to vector<16xi32>
      %and3A_529 = arith.constant 65535 : i32
      %and3A_530 = vector.broadcast %and3A_529 : i32 to vector<16xi32>
      %and3A_531 = arith.andi %get3A_528, %and3A_530 : vector<16xi32>
      %swap3A_532 = arith.constant 16 : index
      %swap3A_533 = tpu.vector_load %arg8[%swap3A_532] {strides = array<i32>} : memref<64xi32, #tpu.memory_space<vmem>>, vector<16xi32>,
      %swap3A_534 = vector.shape_cast %swap3A_533 : vector<16xi32> to vector<16xi32>
      %swap3A_535 = vector.shape_cast %and3A_531 : vector<16xi32> to vector<16xi32>
      tpu.vector_store %arg8[%swap3A_532], %swap3A_535 {strides = array<i32>} : memref<64xi32, #tpu.memory_space<vmem>>, vector<16xi32>,
      %shift_right_logical3A_536 = arith.constant 16 : i32
      %shift_right_logical3A_537 = vector.broadcast %shift_right_logical3A_536 : i32 to vector<16xi32>
      %shift_right_logical3A_538 = arith.shrui %get3A_528, %shift_right_logical3A_537 : vector<16xi32>
      %swap3A_539 = arith.constant 48 : index
      %swap3A_540 = tpu.vector_load %arg8[%swap3A_539] {strides = array<i32>} : memref<64xi32, #tpu.memory_space<vmem>>, vector<16xi32>,
      %swap3A_541 = vector.shape_cast %swap3A_540 : vector<16xi32> to vector<16xi32>
      %swap3A_542 = vector.shape_cast %shift_right_logical3A_538 : vector<16xi32> to vector<16xi32>
      tpu.vector_store %arg8[%swap3A_539], %swap3A_542 {strides = array<i32>} : memref<64xi32, #tpu.memory_space<vmem>>, vector<16xi32>,
      %dma_wait3A_543 = arith.constant 0 : i32
      %dma_wait3A_544 = arith.constant 0 : i32
      %dma_wait3A_545 = tpu.memref_slice %arg28[%dma_wait3A_543, %dma_wait3A_544] : memref<10008x128xf32, #tpu.memory_space<vmem_shared>> -> memref<10008x128xf32, #tpu.memory_space<vmem_shared>>
      tpu.wait_indirect_dma semaphore(%arg24 : memref<!tpu.dma_semaphore, #tpu.memory_space<semaphore_mem>>) src(%arg16 : memref<64x128xf32, #tpu.memory_space<vmem>>) dst(%dma_wait3A_545 : memref<10008x128xf32, #tpu.memory_space<vmem_shared>>)
      %dma_start3A_546 = arith.constant 0 : i32
      %dma_start3A_547 = arith.constant 0 : i32
      %dma_start3A_548 = tpu.memref_slice %arg2[%add3A_221, %dma_start3A_546, %dma_start3A_547] : memref<4x10008x128xf32, #tpu.memory_space<hbm>> -> memref<1x10008x128xf32, #tpu.memory_space<hbm>>
      %dma_start3A_549 = tpu.memref_squeeze %dma_start3A_548 : memref<1x10008x128xf32, #tpu.memory_space<hbm>> -> memref<10008x128xf32, #tpu.memory_space<hbm>>
      %dma_start3A_550 = arith.constant 0 : i32
      %dma_start3A_551 = arith.constant 0 : i32
      %dma_start3A_552 = tpu.memref_slice %dma_start3A_549[%dma_start3A_550, %dma_start3A_551] : memref<10008x128xf32, #tpu.memory_space<hbm>> -> memref<10008x128xf32, #tpu.memory_space<hbm>>
      tpu.enqueue_indirect_dma source(%dma_start3A_552 : memref<10008x128xf32, #tpu.memory_space<hbm>>) target(%arg16 : memref<64x128xf32, #tpu.memory_space<vmem>>) offsets(%arg8 : memref<64xi32, #tpu.memory_space<vmem>>) semaphore(%arg20 : memref<!tpu.dma_semaphore, #tpu.memory_space<semaphore_mem>>)
      %mul3A_553 = arith.constant 4 : i32
      %mul3A_554 = arith.muli %mul3A_553, %scan3A_441 : i32
      %add3A_555 = arith.constant 1 : i32
      %add3A_556 = arith.addi %mul3A_554, %add3A_555 : i32
      %mul3A_557 = arith.constant 32 : i32
      %mul3A_558 = arith.muli %add3A_556, %mul3A_557 : i32
      %add3A_559 = arith.constant 0 : i32
      %add3A_560 = arith.addi %mul3A_558, %add3A_559 : i32
      %get3A_561 = arith.index_cast %add3A_560 : i32 to index
      %get3A_562 = tpu.vector_load %arg7[%get3A_561] {strides = array<i32>} : memref<5120xi32, #tpu.memory_space<vmem>>, vector<16xi32>,
      %get3A_563 = vector.shape_cast %get3A_562 : vector<16xi32> to vector<16xi32>
      %and3A_564 = arith.constant 65535 : i32
      %and3A_565 = vector.broadcast %and3A_564 : i32 to vector<16xi32>
      %and3A_566 = arith.andi %get3A_563, %and3A_565 : vector<16xi32>
      %swap3A_567 = arith.constant 0 : index
      %swap3A_568 = tpu.vector_load %arg13[%swap3A_567] {strides = array<i32>} : memref<64xi32, #tpu.memory_space<vmem>>, vector<16xi32>,
      %swap3A_569 = vector.shape_cast %swap3A_568 : vector<16xi32> to vector<16xi32>
      %swap3A_570 = vector.shape_cast %and3A_566 : vector<16xi32> to vector<16xi32>
      tpu.vector_store %arg13[%swap3A_567], %swap3A_570 {strides = array<i32>} : memref<64xi32, #tpu.memory_space<vmem>>, vector<16xi32>,
      %shift_right_logical3A_571 = arith.constant 16 : i32
      %shift_right_logical3A_572 = vector.broadcast %shift_right_logical3A_571 : i32 to vector<16xi32>
      %shift_right_logical3A_573 = arith.shrui %get3A_563, %shift_right_logical3A_572 : vector<16xi32>
      %swap3A_574 = arith.constant 32 : index
      %swap3A_575 = tpu.vector_load %arg13[%swap3A_574] {strides = array<i32>} : memref<64xi32, #tpu.memory_space<vmem>>, vector<16xi32>,
      %swap3A_576 = vector.shape_cast %swap3A_575 : vector<16xi32> to vector<16xi32>
      %swap3A_577 = vector.shape_cast %shift_right_logical3A_573 : vector<16xi32> to vector<16xi32>
      tpu.vector_store %arg13[%swap3A_574], %swap3A_577 {strides = array<i32>} : memref<64xi32, #tpu.memory_space<vmem>>, vector<16xi32>,
      %mul3A_578 = arith.constant 32 : i32
      %mul3A_579 = arith.muli %add3A_556, %mul3A_578 : i32
      %add3A_580 = arith.constant 16 : i32
      %add3A_581 = arith.addi %mul3A_579, %add3A_580 : i32
      %get3A_582 = arith.index_cast %add3A_581 : i32 to index
      %get3A_583 = tpu.vector_load %arg7[%get3A_582] {strides = array<i32>} : memref<5120xi32, #tpu.memory_space<vmem>>, vector<16xi32>,
      %get3A_584 = vector.shape_cast %get3A_583 : vector<16xi32> to vector<16xi32>
      %and3A_585 = arith.constant 65535 : i32
      %and3A_586 = vector.broadcast %and3A_585 : i32 to vector<16xi32>
      %and3A_587 = arith.andi %get3A_584, %and3A_586 : vector<16xi32>
      %swap3A_588 = arith.constant 16 : index
      %swap3A_589 = tpu.vector_load %arg13[%swap3A_588] {strides = array<i32>} : memref<64xi32, #tpu.memory_space<vmem>>, vector<16xi32>,
      %swap3A_590 = vector.shape_cast %swap3A_589 : vector<16xi32> to vector<16xi32>
      %swap3A_591 = vector.shape_cast %and3A_587 : vector<16xi32> to vector<16xi32>
      tpu.vector_store %arg13[%swap3A_588], %swap3A_591 {strides = array<i32>} : memref<64xi32, #tpu.memory_space<vmem>>, vector<16xi32>,
      %shift_right_logical3A_592 = arith.constant 16 : i32
      %shift_right_logical3A_593 = vector.broadcast %shift_right_logical3A_592 : i32 to vector<16xi32>
      %shift_right_logical3A_594 = arith.shrui %get3A_584, %shift_right_logical3A_593 : vector<16xi32>
      %swap3A_595 = arith.constant 48 : index
      %swap3A_596 = tpu.vector_load %arg13[%swap3A_595] {strides = array<i32>} : memref<64xi32, #tpu.memory_space<vmem>>, vector<16xi32>,
      %swap3A_597 = vector.shape_cast %swap3A_596 : vector<16xi32> to vector<16xi32>
      %swap3A_598 = vector.shape_cast %shift_right_logical3A_594 : vector<16xi32> to vector<16xi32>
      tpu.vector_store %arg13[%swap3A_595], %swap3A_598 {strides = array<i32>} : memref<64xi32, #tpu.memory_space<vmem>>, vector<16xi32>,
      %dma_wait3A_599 = arith.constant 0 : i32
      %dma_wait3A_600 = arith.constant 0 : i32
      %dma_wait3A_601 = tpu.memref_slice %arg2[%add3A_221, %dma_wait3A_599, %dma_wait3A_600] : memref<4x10008x128xf32, #tpu.memory_space<hbm>> -> memref<1x10008x128xf32, #tpu.memory_space<hbm>>
      %dma_wait3A_602 = tpu.memref_squeeze %dma_wait3A_601 : memref<1x10008x128xf32, #tpu.memory_space<hbm>> -> memref<10008x128xf32, #tpu.memory_space<hbm>>
      %dma_wait3A_603 = arith.constant 0 : i32
      %dma_wait3A_604 = arith.constant 0 : i32
      %dma_wait3A_605 = tpu.memref_slice %dma_wait3A_602[%dma_wait3A_603, %dma_wait3A_604] : memref<10008x128xf32, #tpu.memory_space<hbm>> -> memref<10008x128xf32, #tpu.memory_space<hbm>>
      tpu.wait_indirect_dma semaphore(%arg21 : memref<!tpu.dma_semaphore, #tpu.memory_space<semaphore_mem>>) src(%dma_wait3A_605 : memref<10008x128xf32, #tpu.memory_space<hbm>>) dst(%arg17 : memref<64x128xf32, #tpu.memory_space<vmem>>)
      %dma_start3A_606 = arith.constant 0 : i32
      %dma_start3A_607 = arith.constant 0 : i32
      %dma_start3A_608 = tpu.memref_slice %arg28[%dma_start3A_606, %dma_start3A_607] : memref<10008x128xf32, #tpu.memory_space<vmem_shared>> -> memref<10008x128xf32, #tpu.memory_space<vmem_shared>>
      tpu.enqueue_indirect_dma source(%arg17 : memref<64x128xf32, #tpu.memory_space<vmem>>) target(%dma_start3A_608 : memref<10008x128xf32, #tpu.memory_space<vmem_shared>>) offsets(%arg13 : memref<64xi32, #tpu.memory_space<vmem>>) semaphore(%arg25 : memref<!tpu.dma_semaphore, #tpu.memory_space<semaphore_mem>>) {add = true}
      %add3A_609 = arith.constant 4 : i32
      %add3A_610 = arith.addi %add3A_556, %add3A_609 : i32
      %min3A_611 = arith.constant 159 : i32
      %min3A_612 = arith.minsi %add3A_610, %min3A_611 : i32
      %mul3A_613 = arith.constant 32 : i32
      %mul3A_614 = arith.muli %min3A_612, %mul3A_613 : i32
      %add3A_615 = arith.constant 0 : i32
      %add3A_616 = arith.addi %mul3A_614, %add3A_615 : i32
      %get3A_617 = arith.index_cast %add3A_616 : i32 to index
      %get3A_618 = tpu.vector_load %arg6[%get3A_617] {strides = array<i32>} : memref<5120xi32, #tpu.memory_space<vmem>>, vector<16xi32>,
      %get3A_619 = vector.shape_cast %get3A_618 : vector<16xi32> to vector<16xi32>
      %and3A_620 = arith.constant 65535 : i32
      %and3A_621 = vector.broadcast %and3A_620 : i32 to vector<16xi32>
      %and3A_622 = arith.andi %get3A_619, %and3A_621 : vector<16xi32>
      %swap3A_623 = arith.constant 0 : index
      %swap3A_624 = tpu.vector_load %arg9[%swap3A_623] {strides = array<i32>} : memref<64xi32, #tpu.memory_space<vmem>>, vector<16xi32>,
      %swap3A_625 = vector.shape_cast %swap3A_624 : vector<16xi32> to vector<16xi32>
      %swap3A_626 = vector.shape_cast %and3A_622 : vector<16xi32> to vector<16xi32>
      tpu.vector_store %arg9[%swap3A_623], %swap3A_626 {strides = array<i32>} : memref<64xi32, #tpu.memory_space<vmem>>, vector<16xi32>,
      %shift_right_logical3A_627 = arith.constant 16 : i32
      %shift_right_logical3A_628 = vector.broadcast %shift_right_logical3A_627 : i32 to vector<16xi32>
      %shift_right_logical3A_629 = arith.shrui %get3A_619, %shift_right_logical3A_628 : vector<16xi32>
      %swap3A_630 = arith.constant 32 : index
      %swap3A_631 = tpu.vector_load %arg9[%swap3A_630] {strides = array<i32>} : memref<64xi32, #tpu.memory_space<vmem>>, vector<16xi32>,
      %swap3A_632 = vector.shape_cast %swap3A_631 : vector<16xi32> to vector<16xi32>
      %swap3A_633 = vector.shape_cast %shift_right_logical3A_629 : vector<16xi32> to vector<16xi32>
      tpu.vector_store %arg9[%swap3A_630], %swap3A_633 {strides = array<i32>} : memref<64xi32, #tpu.memory_space<vmem>>, vector<16xi32>,
      %mul3A_634 = arith.constant 32 : i32
      %mul3A_635 = arith.muli %min3A_612, %mul3A_634 : i32
      %add3A_636 = arith.constant 16 : i32
      %add3A_637 = arith.addi %mul3A_635, %add3A_636 : i32
      %get3A_638 = arith.index_cast %add3A_637 : i32 to index
      %get3A_639 = tpu.vector_load %arg6[%get3A_638] {strides = array<i32>} : memref<5120xi32, #tpu.memory_space<vmem>>, vector<16xi32>,
      %get3A_640 = vector.shape_cast %get3A_639 : vector<16xi32> to vector<16xi32>
      %and3A_641 = arith.constant 65535 : i32
      %and3A_642 = vector.broadcast %and3A_641 : i32 to vector<16xi32>
      %and3A_643 = arith.andi %get3A_640, %and3A_642 : vector<16xi32>
      %swap3A_644 = arith.constant 16 : index
      %swap3A_645 = tpu.vector_load %arg9[%swap3A_644] {strides = array<i32>} : memref<64xi32, #tpu.memory_space<vmem>>, vector<16xi32>,
      %swap3A_646 = vector.shape_cast %swap3A_645 : vector<16xi32> to vector<16xi32>
      %swap3A_647 = vector.shape_cast %and3A_643 : vector<16xi32> to vector<16xi32>
      tpu.vector_store %arg9[%swap3A_644], %swap3A_647 {strides = array<i32>} : memref<64xi32, #tpu.memory_space<vmem>>, vector<16xi32>,
      %shift_right_logical3A_648 = arith.constant 16 : i32
      %shift_right_logical3A_649 = vector.broadcast %shift_right_logical3A_648 : i32 to vector<16xi32>
      %shift_right_logical3A_650 = arith.shrui %get3A_640, %shift_right_logical3A_649 : vector<16xi32>
      %swap3A_651 = arith.constant 48 : index
      %swap3A_652 = tpu.vector_load %arg9[%swap3A_651] {strides = array<i32>} : memref<64xi32, #tpu.memory_space<vmem>>, vector<16xi32>,
      %swap3A_653 = vector.shape_cast %swap3A_652 : vector<16xi32> to vector<16xi32>
      %swap3A_654 = vector.shape_cast %shift_right_logical3A_650 : vector<16xi32> to vector<16xi32>
      tpu.vector_store %arg9[%swap3A_651], %swap3A_654 {strides = array<i32>} : memref<64xi32, #tpu.memory_space<vmem>>, vector<16xi32>,
      %dma_wait3A_655 = arith.constant 0 : i32
      %dma_wait3A_656 = arith.constant 0 : i32
      %dma_wait3A_657 = tpu.memref_slice %arg28[%dma_wait3A_655, %dma_wait3A_656] : memref<10008x128xf32, #tpu.memory_space<vmem_shared>> -> memref<10008x128xf32, #tpu.memory_space<vmem_shared>>
      tpu.wait_indirect_dma semaphore(%arg25 : memref<!tpu.dma_semaphore, #tpu.memory_space<semaphore_mem>>) src(%arg17 : memref<64x128xf32, #tpu.memory_space<vmem>>) dst(%dma_wait3A_657 : memref<10008x128xf32, #tpu.memory_space<vmem_shared>>)
      %dma_start3A_658 = arith.constant 0 : i32
      %dma_start3A_659 = arith.constant 0 : i32
      %dma_start3A_660 = tpu.memref_slice %arg2[%add3A_221, %dma_start3A_658, %dma_start3A_659] : memref<4x10008x128xf32, #tpu.memory_space<hbm>> -> memref<1x10008x128xf32, #tpu.memory_space<hbm>>
      %dma_start3A_661 = tpu.memref_squeeze %dma_start3A_660 : memref<1x10008x128xf32, #tpu.memory_space<hbm>> -> memref<10008x128xf32, #tpu.memory_space<hbm>>
      %dma_start3A_662 = arith.constant 0 : i32
      %dma_start3A_663 = arith.constant 0 : i32
      %dma_start3A_664 = tpu.memref_slice %dma_start3A_661[%dma_start3A_662, %dma_start3A_663] : memref<10008x128xf32, #tpu.memory_space<hbm>> -> memref<10008x128xf32, #tpu.memory_space<hbm>>
      tpu.enqueue_indirect_dma source(%dma_start3A_664 : memref<10008x128xf32, #tpu.memory_space<hbm>>) target(%arg17 : memref<64x128xf32, #tpu.memory_space<vmem>>) offsets(%arg9 : memref<64xi32, #tpu.memory_space<vmem>>) semaphore(%arg21 : memref<!tpu.dma_semaphore, #tpu.memory_space<semaphore_mem>>)
      %mul3A_665 = arith.constant 4 : i32
      %mul3A_666 = arith.muli %mul3A_665, %scan3A_441 : i32
      %add3A_667 = arith.constant 2 : i32
      %add3A_668 = arith.addi %mul3A_666, %add3A_667 : i32
      %mul3A_669 = arith.constant 32 : i32
      %mul3A_670 = arith.muli %add3A_668, %mul3A_669 : i32
      %add3A_671 = arith.constant 0 : i32
      %add3A_672 = arith.addi %mul3A_670, %add3A_671 : i32
      %get3A_673 = arith.index_cast %add3A_672 : i32 to index
      %get3A_674 = tpu.vector_load %arg7[%get3A_673] {strides = array<i32>} : memref<5120xi32, #tpu.memory_space<vmem>>, vector<16xi32>,
      %get3A_675 = vector.shape_cast %get3A_674 : vector<16xi32> to vector<16xi32>
      %and3A_676 = arith.constant 65535 : i32
      %and3A_677 = vector.broadcast %and3A_676 : i32 to vector<16xi32>
      %and3A_678 = arith.andi %get3A_675, %and3A_677 : vector<16xi32>
      %swap3A_679 = arith.constant 0 : index
      %swap3A_680 = tpu.vector_load %arg14[%swap3A_679] {strides = array<i32>} : memref<64xi32, #tpu.memory_space<vmem>>, vector<16xi32>,
      %swap3A_681 = vector.shape_cast %swap3A_680 : vector<16xi32> to vector<16xi32>
      %swap3A_682 = vector.shape_cast %and3A_678 : vector<16xi32> to vector<16xi32>
      tpu.vector_store %arg14[%swap3A_679], %swap3A_682 {strides = array<i32>} : memref<64xi32, #tpu.memory_space<vmem>>, vector<16xi32>,
      %shift_right_logical3A_683 = arith.constant 16 : i32
      %shift_right_logical3A_684 = vector.broadcast %shift_right_logical3A_683 : i32 to vector<16xi32>
      %shift_right_logical3A_685 = arith.shrui %get3A_675, %shift_right_logical3A_684 : vector<16xi32>
      %swap3A_686 = arith.constant 32 : index
      %swap3A_687 = tpu.vector_load %arg14[%swap3A_686] {strides = array<i32>} : memref<64xi32, #tpu.memory_space<vmem>>, vector<16xi32>,
      %swap3A_688 = vector.shape_cast %swap3A_687 : vector<16xi32> to vector<16xi32>
      %swap3A_689 = vector.shape_cast %shift_right_logical3A_685 : vector<16xi32> to vector<16xi32>
      tpu.vector_store %arg14[%swap3A_686], %swap3A_689 {strides = array<i32>} : memref<64xi32, #tpu.memory_space<vmem>>, vector<16xi32>,
      %mul3A_690 = arith.constant 32 : i32
      %mul3A_691 = arith.muli %add3A_668, %mul3A_690 : i32
      %add3A_692 = arith.constant 16 : i32
      %add3A_693 = arith.addi %mul3A_691, %add3A_692 : i32
      %get3A_694 = arith.index_cast %add3A_693 : i32 to index
      %get3A_695 = tpu.vector_load %arg7[%get3A_694] {strides = array<i32>} : memref<5120xi32, #tpu.memory_space<vmem>>, vector<16xi32>,
      %get3A_696 = vector.shape_cast %get3A_695 : vector<16xi32> to vector<16xi32>
      %and3A_697 = arith.constant 65535 : i32
      %and3A_698 = vector.broadcast %and3A_697 : i32 to vector<16xi32>
      %and3A_699 = arith.andi %get3A_696, %and3A_698 : vector<16xi32>
      %swap3A_700 = arith.constant 16 : index
      %swap3A_701 = tpu.vector_load %arg14[%swap3A_700] {strides = array<i32>} : memref<64xi32, #tpu.memory_space<vmem>>, vector<16xi32>,
      %swap3A_702 = vector.shape_cast %swap3A_701 : vector<16xi32> to vector<16xi32>
      %swap3A_703 = vector.shape_cast %and3A_699 : vector<16xi32> to vector<16xi32>
      tpu.vector_store %arg14[%swap3A_700], %swap3A_703 {strides = array<i32>} : memref<64xi32, #tpu.memory_space<vmem>>, vector<16xi32>,
      %shift_right_logical3A_704 = arith.constant 16 : i32
      %shift_right_logical3A_705 = vector.broadcast %shift_right_logical3A_704 : i32 to vector<16xi32>
      %shift_right_logical3A_706 = arith.shrui %get3A_696, %shift_right_logical3A_705 : vector<16xi32>
      %swap3A_707 = arith.constant 48 : index
      %swap3A_708 = tpu.vector_load %arg14[%swap3A_707] {strides = array<i32>} : memref<64xi32, #tpu.memory_space<vmem>>, vector<16xi32>,
      %swap3A_709 = vector.shape_cast %swap3A_708 : vector<16xi32> to vector<16xi32>
      %swap3A_710 = vector.shape_cast %shift_right_logical3A_706 : vector<16xi32> to vector<16xi32>
      tpu.vector_store %arg14[%swap3A_707], %swap3A_710 {strides = array<i32>} : memref<64xi32, #tpu.memory_space<vmem>>, vector<16xi32>,
      %dma_wait3A_711 = arith.constant 0 : i32
      %dma_wait3A_712 = arith.constant 0 : i32
      %dma_wait3A_713 = tpu.memref_slice %arg2[%add3A_221, %dma_wait3A_711, %dma_wait3A_712] : memref<4x10008x128xf32, #tpu.memory_space<hbm>> -> memref<1x10008x128xf32, #tpu.memory_space<hbm>>
      %dma_wait3A_714 = tpu.memref_squeeze %dma_wait3A_713 : memref<1x10008x128xf32, #tpu.memory_space<hbm>> -> memref<10008x128xf32, #tpu.memory_space<hbm>>
      %dma_wait3A_715 = arith.constant 0 : i32
      %dma_wait3A_716 = arith.constant 0 : i32
      %dma_wait3A_717 = tpu.memref_slice %dma_wait3A_714[%dma_wait3A_715, %dma_wait3A_716] : memref<10008x128xf32, #tpu.memory_space<hbm>> -> memref<10008x128xf32, #tpu.memory_space<hbm>>
      tpu.wait_indirect_dma semaphore(%arg22 : memref<!tpu.dma_semaphore, #tpu.memory_space<semaphore_mem>>) src(%dma_wait3A_717 : memref<10008x128xf32, #tpu.memory_space<hbm>>) dst(%arg18 : memref<64x128xf32, #tpu.memory_space<vmem>>)
      %dma_start3A_718 = arith.constant 0 : i32
      %dma_start3A_719 = arith.constant 0 : i32
      %dma_start3A_720 = tpu.memref_slice %arg28[%dma_start3A_718, %dma_start3A_719] : memref<10008x128xf32, #tpu.memory_space<vmem_shared>> -> memref<10008x128xf32, #tpu.memory_space<vmem_shared>>
      tpu.enqueue_indirect_dma source(%arg18 : memref<64x128xf32, #tpu.memory_space<vmem>>) target(%dma_start3A_720 : memref<10008x128xf32, #tpu.memory_space<vmem_shared>>) offsets(%arg14 : memref<64xi32, #tpu.memory_space<vmem>>) semaphore(%arg26 : memref<!tpu.dma_semaphore, #tpu.memory_space<semaphore_mem>>) {add = true}
      %add3A_721 = arith.constant 4 : i32
      %add3A_722 = arith.addi %add3A_668, %add3A_721 : i32
      %min3A_723 = arith.constant 159 : i32
      %min3A_724 = arith.minsi %add3A_722, %min3A_723 : i32
      %mul3A_725 = arith.constant 32 : i32
      %mul3A_726 = arith.muli %min3A_724, %mul3A_725 : i32
      %add3A_727 = arith.constant 0 : i32
      %add3A_728 = arith.addi %mul3A_726, %add3A_727 : i32
      %get3A_729 = arith.index_cast %add3A_728 : i32 to index
      %get3A_730 = tpu.vector_load %arg6[%get3A_729] {strides = array<i32>} : memref<5120xi32, #tpu.memory_space<vmem>>, vector<16xi32>,
      %get3A_731 = vector.shape_cast %get3A_730 : vector<16xi32> to vector<16xi32>
      %and3A_732 = arith.constant 65535 : i32
      %and3A_733 = vector.broadcast %and3A_732 : i32 to vector<16xi32>
      %and3A_734 = arith.andi %get3A_731, %and3A_733 : vector<16xi32>
      %swap3A_735 = arith.constant 0 : index
      %swap3A_736 = tpu.vector_load %arg10[%swap3A_735] {strides = array<i32>} : memref<64xi32, #tpu.memory_space<vmem>>, vector<16xi32>,
      %swap3A_737 = vector.shape_cast %swap3A_736 : vector<16xi32> to vector<16xi32>
      %swap3A_738 = vector.shape_cast %and3A_734 : vector<16xi32> to vector<16xi32>
      tpu.vector_store %arg10[%swap3A_735], %swap3A_738 {strides = array<i32>} : memref<64xi32, #tpu.memory_space<vmem>>, vector<16xi32>,
      %shift_right_logical3A_739 = arith.constant 16 : i32
      %shift_right_logical3A_740 = vector.broadcast %shift_right_logical3A_739 : i32 to vector<16xi32>
      %shift_right_logical3A_741 = arith.shrui %get3A_731, %shift_right_logical3A_740 : vector<16xi32>
      %swap3A_742 = arith.constant 32 : index
      %swap3A_743 = tpu.vector_load %arg10[%swap3A_742] {strides = array<i32>} : memref<64xi32, #tpu.memory_space<vmem>>, vector<16xi32>,
      %swap3A_744 = vector.shape_cast %swap3A_743 : vector<16xi32> to vector<16xi32>
      %swap3A_745 = vector.shape_cast %shift_right_logical3A_741 : vector<16xi32> to vector<16xi32>
      tpu.vector_store %arg10[%swap3A_742], %swap3A_745 {strides = array<i32>} : memref<64xi32, #tpu.memory_space<vmem>>, vector<16xi32>,
      %mul3A_746 = arith.constant 32 : i32
      %mul3A_747 = arith.muli %min3A_724, %mul3A_746 : i32
      %add3A_748 = arith.constant 16 : i32
      %add3A_749 = arith.addi %mul3A_747, %add3A_748 : i32
      %get3A_750 = arith.index_cast %add3A_749 : i32 to index
      %get3A_751 = tpu.vector_load %arg6[%get3A_750] {strides = array<i32>} : memref<5120xi32, #tpu.memory_space<vmem>>, vector<16xi32>,
      %get3A_752 = vector.shape_cast %get3A_751 : vector<16xi32> to vector<16xi32>
      %and3A_753 = arith.constant 65535 : i32
      %and3A_754 = vector.broadcast %and3A_753 : i32 to vector<16xi32>
      %and3A_755 = arith.andi %get3A_752, %and3A_754 : vector<16xi32>
      %swap3A_756 = arith.constant 16 : index
      %swap3A_757 = tpu.vector_load %arg10[%swap3A_756] {strides = array<i32>} : memref<64xi32, #tpu.memory_space<vmem>>, vector<16xi32>,
      %swap3A_758 = vector.shape_cast %swap3A_757 : vector<16xi32> to vector<16xi32>
      %swap3A_759 = vector.shape_cast %and3A_755 : vector<16xi32> to vector<16xi32>
      tpu.vector_store %arg10[%swap3A_756], %swap3A_759 {strides = array<i32>} : memref<64xi32, #tpu.memory_space<vmem>>, vector<16xi32>,
      %shift_right_logical3A_760 = arith.constant 16 : i32
      %shift_right_logical3A_761 = vector.broadcast %shift_right_logical3A_760 : i32 to vector<16xi32>
      %shift_right_logical3A_762 = arith.shrui %get3A_752, %shift_right_logical3A_761 : vector<16xi32>
      %swap3A_763 = arith.constant 48 : index
      %swap3A_764 = tpu.vector_load %arg10[%swap3A_763] {strides = array<i32>} : memref<64xi32, #tpu.memory_space<vmem>>, vector<16xi32>,
      %swap3A_765 = vector.shape_cast %swap3A_764 : vector<16xi32> to vector<16xi32>
      %swap3A_766 = vector.shape_cast %shift_right_logical3A_762 : vector<16xi32> to vector<16xi32>
      tpu.vector_store %arg10[%swap3A_763], %swap3A_766 {strides = array<i32>} : memref<64xi32, #tpu.memory_space<vmem>>, vector<16xi32>,
      %dma_wait3A_767 = arith.constant 0 : i32
      %dma_wait3A_768 = arith.constant 0 : i32
      %dma_wait3A_769 = tpu.memref_slice %arg28[%dma_wait3A_767, %dma_wait3A_768] : memref<10008x128xf32, #tpu.memory_space<vmem_shared>> -> memref<10008x128xf32, #tpu.memory_space<vmem_shared>>
      tpu.wait_indirect_dma semaphore(%arg26 : memref<!tpu.dma_semaphore, #tpu.memory_space<semaphore_mem>>) src(%arg18 : memref<64x128xf32, #tpu.memory_space<vmem>>) dst(%dma_wait3A_769 : memref<10008x128xf32, #tpu.memory_space<vmem_shared>>)
      %dma_start3A_770 = arith.constant 0 : i32
      %dma_start3A_771 = arith.constant 0 : i32
      %dma_start3A_772 = tpu.memref_slice %arg2[%add3A_221, %dma_start3A_770, %dma_start3A_771] : memref<4x10008x128xf32, #tpu.memory_space<hbm>> -> memref<1x10008x128xf32, #tpu.memory_space<hbm>>
      %dma_start3A_773 = tpu.memref_squeeze %dma_start3A_772 : memref<1x10008x128xf32, #tpu.memory_space<hbm>> -> memref<10008x128xf32, #tpu.memory_space<hbm>>
      %dma_start3A_774 = arith.constant 0 : i32
      %dma_start3A_775 = arith.constant 0 : i32
      %dma_start3A_776 = tpu.memref_slice %dma_start3A_773[%dma_start3A_774, %dma_start3A_775] : memref<10008x128xf32, #tpu.memory_space<hbm>> -> memref<10008x128xf32, #tpu.memory_space<hbm>>
      tpu.enqueue_indirect_dma source(%dma_start3A_776 : memref<10008x128xf32, #tpu.memory_space<hbm>>) target(%arg18 : memref<64x128xf32, #tpu.memory_space<vmem>>) offsets(%arg10 : memref<64xi32, #tpu.memory_space<vmem>>) semaphore(%arg22 : memref<!tpu.dma_semaphore, #tpu.memory_space<semaphore_mem>>)
      %mul3A_777 = arith.constant 4 : i32
      %mul3A_778 = arith.muli %mul3A_777, %scan3A_441 : i32
      %add3A_779 = arith.constant 3 : i32
      %add3A_780 = arith.addi %mul3A_778, %add3A_779 : i32
      %mul3A_781 = arith.constant 32 : i32
      %mul3A_782 = arith.muli %add3A_780, %mul3A_781 : i32
      %add3A_783 = arith.constant 0 : i32
      %add3A_784 = arith.addi %mul3A_782, %add3A_783 : i32
      %get3A_785 = arith.index_cast %add3A_784 : i32 to index
      %get3A_786 = tpu.vector_load %arg7[%get3A_785] {strides = array<i32>} : memref<5120xi32, #tpu.memory_space<vmem>>, vector<16xi32>,
      %get3A_787 = vector.shape_cast %get3A_786 : vector<16xi32> to vector<16xi32>
      %and3A_788 = arith.constant 65535 : i32
      %and3A_789 = vector.broadcast %and3A_788 : i32 to vector<16xi32>
      %and3A_790 = arith.andi %get3A_787, %and3A_789 : vector<16xi32>
      %swap3A_791 = arith.constant 0 : index
      %swap3A_792 = tpu.vector_load %arg15[%swap3A_791] {strides = array<i32>} : memref<64xi32, #tpu.memory_space<vmem>>, vector<16xi32>,
      %swap3A_793 = vector.shape_cast %swap3A_792 : vector<16xi32> to vector<16xi32>
      %swap3A_794 = vector.shape_cast %and3A_790 : vector<16xi32> to vector<16xi32>
      tpu.vector_store %arg15[%swap3A_791], %swap3A_794 {strides = array<i32>} : memref<64xi32, #tpu.memory_space<vmem>>, vector<16xi32>,
      %shift_right_logical3A_795 = arith.constant 16 : i32
      %shift_right_logical3A_796 = vector.broadcast %shift_right_logical3A_795 : i32 to vector<16xi32>
      %shift_right_logical3A_797 = arith.shrui %get3A_787, %shift_right_logical3A_796 : vector<16xi32>
      %swap3A_798 = arith.constant 32 : index
      %swap3A_799 = tpu.vector_load %arg15[%swap3A_798] {strides = array<i32>} : memref<64xi32, #tpu.memory_space<vmem>>, vector<16xi32>,
      %swap3A_800 = vector.shape_cast %swap3A_799 : vector<16xi32> to vector<16xi32>
      %swap3A_801 = vector.shape_cast %shift_right_logical3A_797 : vector<16xi32> to vector<16xi32>
      tpu.vector_store %arg15[%swap3A_798], %swap3A_801 {strides = array<i32>} : memref<64xi32, #tpu.memory_space<vmem>>, vector<16xi32>,
      %mul3A_802 = arith.constant 32 : i32
      %mul3A_803 = arith.muli %add3A_780, %mul3A_802 : i32
      %add3A_804 = arith.constant 16 : i32
      %add3A_805 = arith.addi %mul3A_803, %add3A_804 : i32
      %get3A_806 = arith.index_cast %add3A_805 : i32 to index
      %get3A_807 = tpu.vector_load %arg7[%get3A_806] {strides = array<i32>} : memref<5120xi32, #tpu.memory_space<vmem>>, vector<16xi32>,
      %get3A_808 = vector.shape_cast %get3A_807 : vector<16xi32> to vector<16xi32>
      %and3A_809 = arith.constant 65535 : i32
      %and3A_810 = vector.broadcast %and3A_809 : i32 to vector<16xi32>
      %and3A_811 = arith.andi %get3A_808, %and3A_810 : vector<16xi32>
      %swap3A_812 = arith.constant 16 : index
      %swap3A_813 = tpu.vector_load %arg15[%swap3A_812] {strides = array<i32>} : memref<64xi32, #tpu.memory_space<vmem>>, vector<16xi32>,
      %swap3A_814 = vector.shape_cast %swap3A_813 : vector<16xi32> to vector<16xi32>
      %swap3A_815 = vector.shape_cast %and3A_811 : vector<16xi32> to vector<16xi32>
      tpu.vector_store %arg15[%swap3A_812], %swap3A_815 {strides = array<i32>} : memref<64xi32, #tpu.memory_space<vmem>>, vector<16xi32>,
      %shift_right_logical3A_816 = arith.constant 16 : i32
      %shift_right_logical3A_817 = vector.broadcast %shift_right_logical3A_816 : i32 to vector<16xi32>
      %shift_right_logical3A_818 = arith.shrui %get3A_808, %shift_right_logical3A_817 : vector<16xi32>
      %swap3A_819 = arith.constant 48 : index
      %swap3A_820 = tpu.vector_load %arg15[%swap3A_819] {strides = array<i32>} : memref<64xi32, #tpu.memory_space<vmem>>, vector<16xi32>,
      %swap3A_821 = vector.shape_cast %swap3A_820 : vector<16xi32> to vector<16xi32>
      %swap3A_822 = vector.shape_cast %shift_right_logical3A_818 : vector<16xi32> to vector<16xi32>
      tpu.vector_store %arg15[%swap3A_819], %swap3A_822 {strides = array<i32>} : memref<64xi32, #tpu.memory_space<vmem>>, vector<16xi32>,
      %dma_wait3A_823 = arith.constant 0 : i32
      %dma_wait3A_824 = arith.constant 0 : i32
      %dma_wait3A_825 = tpu.memref_slice %arg2[%add3A_221, %dma_wait3A_823, %dma_wait3A_824] : memref<4x10008x128xf32, #tpu.memory_space<hbm>> -> memref<1x10008x128xf32, #tpu.memory_space<hbm>>
      %dma_wait3A_826 = tpu.memref_squeeze %dma_wait3A_825 : memref<1x10008x128xf32, #tpu.memory_space<hbm>> -> memref<10008x128xf32, #tpu.memory_space<hbm>>
      %dma_wait3A_827 = arith.constant 0 : i32
      %dma_wait3A_828 = arith.constant 0 : i32
      %dma_wait3A_829 = tpu.memref_slice %dma_wait3A_826[%dma_wait3A_827, %dma_wait3A_828] : memref<10008x128xf32, #tpu.memory_space<hbm>> -> memref<10008x128xf32, #tpu.memory_space<hbm>>
      tpu.wait_indirect_dma semaphore(%arg23 : memref<!tpu.dma_semaphore, #tpu.memory_space<semaphore_mem>>) src(%dma_wait3A_829 : memref<10008x128xf32, #tpu.memory_space<hbm>>) dst(%arg19 : memref<64x128xf32, #tpu.memory_space<vmem>>)
      %dma_start3A_830 = arith.constant 0 : i32
      %dma_start3A_831 = arith.constant 0 : i32
      %dma_start3A_832 = tpu.memref_slice %arg28[%dma_start3A_830, %dma_start3A_831] : memref<10008x128xf32, #tpu.memory_space<vmem_shared>> -> memref<10008x128xf32, #tpu.memory_space<vmem_shared>>
      tpu.enqueue_indirect_dma source(%arg19 : memref<64x128xf32, #tpu.memory_space<vmem>>) target(%dma_start3A_832 : memref<10008x128xf32, #tpu.memory_space<vmem_shared>>) offsets(%arg15 : memref<64xi32, #tpu.memory_space<vmem>>) semaphore(%arg27 : memref<!tpu.dma_semaphore, #tpu.memory_space<semaphore_mem>>) {add = true}
      %add3A_833 = arith.constant 4 : i32
      %add3A_834 = arith.addi %add3A_780, %add3A_833 : i32
      %min3A_835 = arith.constant 159 : i32
      %min3A_836 = arith.minsi %add3A_834, %min3A_835 : i32
      %mul3A_837 = arith.constant 32 : i32
      %mul3A_838 = arith.muli %min3A_836, %mul3A_837 : i32
      %add3A_839 = arith.constant 0 : i32
      %add3A_840 = arith.addi %mul3A_838, %add3A_839 : i32
      %get3A_841 = arith.index_cast %add3A_840 : i32 to index
      %get3A_842 = tpu.vector_load %arg6[%get3A_841] {strides = array<i32>} : memref<5120xi32, #tpu.memory_space<vmem>>, vector<16xi32>,
      %get3A_843 = vector.shape_cast %get3A_842 : vector<16xi32> to vector<16xi32>
      %and3A_844 = arith.constant 65535 : i32
      %and3A_845 = vector.broadcast %and3A_844 : i32 to vector<16xi32>
      %and3A_846 = arith.andi %get3A_843, %and3A_845 : vector<16xi32>
      %swap3A_847 = arith.constant 0 : index
      %swap3A_848 = tpu.vector_load %arg11[%swap3A_847] {strides = array<i32>} : memref<64xi32, #tpu.memory_space<vmem>>, vector<16xi32>,
      %swap3A_849 = vector.shape_cast %swap3A_848 : vector<16xi32> to vector<16xi32>
      %swap3A_850 = vector.shape_cast %and3A_846 : vector<16xi32> to vector<16xi32>
      tpu.vector_store %arg11[%swap3A_847], %swap3A_850 {strides = array<i32>} : memref<64xi32, #tpu.memory_space<vmem>>, vector<16xi32>,
      %shift_right_logical3A_851 = arith.constant 16 : i32
      %shift_right_logical3A_852 = vector.broadcast %shift_right_logical3A_851 : i32 to vector<16xi32>
      %shift_right_logical3A_853 = arith.shrui %get3A_843, %shift_right_logical3A_852 : vector<16xi32>
      %swap3A_854 = arith.constant 32 : index
      %swap3A_855 = tpu.vector_load %arg11[%swap3A_854] {strides = array<i32>} : memref<64xi32, #tpu.memory_space<vmem>>, vector<16xi32>,
      %swap3A_856 = vector.shape_cast %swap3A_855 : vector<16xi32> to vector<16xi32>
      %swap3A_857 = vector.shape_cast %shift_right_logical3A_853 : vector<16xi32> to vector<16xi32>
      tpu.vector_store %arg11[%swap3A_854], %swap3A_857 {strides = array<i32>} : memref<64xi32, #tpu.memory_space<vmem>>, vector<16xi32>,
      %mul3A_858 = arith.constant 32 : i32
      %mul3A_859 = arith.muli %min3A_836, %mul3A_858 : i32
      %add3A_860 = arith.constant 16 : i32
      %add3A_861 = arith.addi %mul3A_859, %add3A_860 : i32
      %get3A_862 = arith.index_cast %add3A_861 : i32 to index
      %get3A_863 = tpu.vector_load %arg6[%get3A_862] {strides = array<i32>} : memref<5120xi32, #tpu.memory_space<vmem>>, vector<16xi32>,
      %get3A_864 = vector.shape_cast %get3A_863 : vector<16xi32> to vector<16xi32>
      %and3A_865 = arith.constant 65535 : i32
      %and3A_866 = vector.broadcast %and3A_865 : i32 to vector<16xi32>
      %and3A_867 = arith.andi %get3A_864, %and3A_866 : vector<16xi32>
      %swap3A_868 = arith.constant 16 : index
      %swap3A_869 = tpu.vector_load %arg11[%swap3A_868] {strides = array<i32>} : memref<64xi32, #tpu.memory_space<vmem>>, vector<16xi32>,
      %swap3A_870 = vector.shape_cast %swap3A_869 : vector<16xi32> to vector<16xi32>
      %swap3A_871 = vector.shape_cast %and3A_867 : vector<16xi32> to vector<16xi32>
      tpu.vector_store %arg11[%swap3A_868], %swap3A_871 {strides = array<i32>} : memref<64xi32, #tpu.memory_space<vmem>>, vector<16xi32>,
      %shift_right_logical3A_872 = arith.constant 16 : i32
      %shift_right_logical3A_873 = vector.broadcast %shift_right_logical3A_872 : i32 to vector<16xi32>
      %shift_right_logical3A_874 = arith.shrui %get3A_864, %shift_right_logical3A_873 : vector<16xi32>
      %swap3A_875 = arith.constant 48 : index
      %swap3A_876 = tpu.vector_load %arg11[%swap3A_875] {strides = array<i32>} : memref<64xi32, #tpu.memory_space<vmem>>, vector<16xi32>,
      %swap3A_877 = vector.shape_cast %swap3A_876 : vector<16xi32> to vector<16xi32>
      %swap3A_878 = vector.shape_cast %shift_right_logical3A_874 : vector<16xi32> to vector<16xi32>
      tpu.vector_store %arg11[%swap3A_875], %swap3A_878 {strides = array<i32>} : memref<64xi32, #tpu.memory_space<vmem>>, vector<16xi32>,
      %dma_wait3A_879 = arith.constant 0 : i32
      %dma_wait3A_880 = arith.constant 0 : i32
      %dma_wait3A_881 = tpu.memref_slice %arg28[%dma_wait3A_879, %dma_wait3A_880] : memref<10008x128xf32, #tpu.memory_space<vmem_shared>> -> memref<10008x128xf32, #tpu.memory_space<vmem_shared>>
      tpu.wait_indirect_dma semaphore(%arg27 : memref<!tpu.dma_semaphore, #tpu.memory_space<semaphore_mem>>) src(%arg19 : memref<64x128xf32, #tpu.memory_space<vmem>>) dst(%dma_wait3A_881 : memref<10008x128xf32, #tpu.memory_space<vmem_shared>>)
      %dma_start3A_882 = arith.constant 0 : i32
      %dma_start3A_883 = arith.constant 0 : i32
      %dma_start3A_884 = tpu.memref_slice %arg2[%add3A_221, %dma_start3A_882, %dma_start3A_883] : memref<4x10008x128xf32, #tpu.memory_space<hbm>> -> memref<1x10008x128xf32, #tpu.memory_space<hbm>>
      %dma_start3A_885 = tpu.memref_squeeze %dma_start3A_884 : memref<1x10008x128xf32, #tpu.memory_space<hbm>> -> memref<10008x128xf32, #tpu.memory_space<hbm>>
      %dma_start3A_886 = arith.constant 0 : i32
      %dma_start3A_887 = arith.constant 0 : i32
      %dma_start3A_888 = tpu.memref_slice %dma_start3A_885[%dma_start3A_886, %dma_start3A_887] : memref<10008x128xf32, #tpu.memory_space<hbm>> -> memref<10008x128xf32, #tpu.memory_space<hbm>>
      tpu.enqueue_indirect_dma source(%dma_start3A_888 : memref<10008x128xf32, #tpu.memory_space<hbm>>) target(%arg19 : memref<64x128xf32, #tpu.memory_space<vmem>>) offsets(%arg11 : memref<64xi32, #tpu.memory_space<vmem>>) semaphore(%arg23 : memref<!tpu.dma_semaphore, #tpu.memory_space<semaphore_mem>>)
    }
    %scan3A_401 = arith.constant 40 : i32
    %dma_wait3A_402 = arith.constant 0 : i32
    %dma_wait3A_403 = arith.constant 0 : i32
    %dma_wait3A_404 = tpu.memref_slice %arg2[%add3A_221, %dma_wait3A_402, %dma_wait3A_403] : memref<4x10008x128xf32, #tpu.memory_space<hbm>> -> memref<1x10008x128xf32, #tpu.memory_space<hbm>>
    %dma_wait3A_405 = tpu.memref_squeeze %dma_wait3A_404 : memref<1x10008x128xf32, #tpu.memory_space<hbm>> -> memref<10008x128xf32, #tpu.memory_space<hbm>>
    %dma_wait3A_406 = arith.constant 0 : i32
    %dma_wait3A_407 = arith.constant 0 : i32
    %dma_wait3A_408 = tpu.memref_slice %dma_wait3A_405[%dma_wait3A_406, %dma_wait3A_407] : memref<10008x128xf32, #tpu.memory_space<hbm>> -> memref<10008x128xf32, #tpu.memory_space<hbm>>
    tpu.wait_indirect_dma semaphore(%arg20 : memref<!tpu.dma_semaphore, #tpu.memory_space<semaphore_mem>>) src(%dma_wait3A_408 : memref<10008x128xf32, #tpu.memory_space<hbm>>) dst(%arg16 : memref<64x128xf32, #tpu.memory_space<vmem>>)
    %dma_wait3A_409 = arith.constant 0 : i32
    %dma_wait3A_410 = arith.constant 0 : i32
    %dma_wait3A_411 = tpu.memref_slice %arg2[%add3A_221, %dma_wait3A_409, %dma_wait3A_410] : memref<4x10008x128xf32, #tpu.memory_space<hbm>> -> memref<1x10008x128xf32, #tpu.memory_space<hbm>>
    %dma_wait3A_412 = tpu.memref_squeeze %dma_wait3A_411 : memref<1x10008x128xf32, #tpu.memory_space<hbm>> -> memref<10008x128xf32, #tpu.memory_space<hbm>>
    %dma_wait3A_413 = arith.constant 0 : i32
    %dma_wait3A_414 = arith.constant 0 : i32
    %dma_wait3A_415 = tpu.memref_slice %dma_wait3A_412[%dma_wait3A_413, %dma_wait3A_414] : memref<10008x128xf32, #tpu.memory_space<hbm>> -> memref<10008x128xf32, #tpu.memory_space<hbm>>
    tpu.wait_indirect_dma semaphore(%arg21 : memref<!tpu.dma_semaphore, #tpu.memory_space<semaphore_mem>>) src(%dma_wait3A_415 : memref<10008x128xf32, #tpu.memory_space<hbm>>) dst(%arg17 : memref<64x128xf32, #tpu.memory_space<vmem>>)
    %dma_wait3A_416 = arith.constant 0 : i32
    %dma_wait3A_417 = arith.constant 0 : i32
    %dma_wait3A_418 = tpu.memref_slice %arg2[%add3A_221, %dma_wait3A_416, %dma_wait3A_417] : memref<4x10008x128xf32, #tpu.memory_space<hbm>> -> memref<1x10008x128xf32, #tpu.memory_space<hbm>>
    %dma_wait3A_419 = tpu.memref_squeeze %dma_wait3A_418 : memref<1x10008x128xf32, #tpu.memory_space<hbm>> -> memref<10008x128xf32, #tpu.memory_space<hbm>>
    %dma_wait3A_420 = arith.constant 0 : i32
    %dma_wait3A_421 = arith.constant 0 : i32
    %dma_wait3A_422 = tpu.memref_slice %dma_wait3A_419[%dma_wait3A_420, %dma_wait3A_421] : memref<10008x128xf32, #tpu.memory_space<hbm>> -> memref<10008x128xf32, #tpu.memory_space<hbm>>
    tpu.wait_indirect_dma semaphore(%arg22 : memref<!tpu.dma_semaphore, #tpu.memory_space<semaphore_mem>>) src(%dma_wait3A_422 : memref<10008x128xf32, #tpu.memory_space<hbm>>) dst(%arg18 : memref<64x128xf32, #tpu.memory_space<vmem>>)
    %dma_wait3A_423 = arith.constant 0 : i32
    %dma_wait3A_424 = arith.constant 0 : i32
    %dma_wait3A_425 = tpu.memref_slice %arg2[%add3A_221, %dma_wait3A_423, %dma_wait3A_424] : memref<4x10008x128xf32, #tpu.memory_space<hbm>> -> memref<1x10008x128xf32, #tpu.memory_space<hbm>>
    %dma_wait3A_426 = tpu.memref_squeeze %dma_wait3A_425 : memref<1x10008x128xf32, #tpu.memory_space<hbm>> -> memref<10008x128xf32, #tpu.memory_space<hbm>>
    %dma_wait3A_427 = arith.constant 0 : i32
    %dma_wait3A_428 = arith.constant 0 : i32
    %dma_wait3A_429 = tpu.memref_slice %dma_wait3A_426[%dma_wait3A_427, %dma_wait3A_428] : memref<10008x128xf32, #tpu.memory_space<hbm>> -> memref<10008x128xf32, #tpu.memory_space<hbm>>
    tpu.wait_indirect_dma semaphore(%arg23 : memref<!tpu.dma_semaphore, #tpu.memory_space<semaphore_mem>>) src(%dma_wait3A_429 : memref<10008x128xf32, #tpu.memory_space<hbm>>) dst(%arg19 : memref<64x128xf32, #tpu.memory_space<vmem>>)
    %barrier3A_430 = arith.constant 0 : index
    tpu.barrier barrier_id(%barrier3A_430)
    %mul3A_431 = arith.constant 624 : i32
    %mul3A_432 = arith.muli %arg1, %mul3A_431 : i32
    %mul3A_433 = arith.constant 624 : i32
    %mul3A_434 = arith.muli %arg1, %mul3A_433 : i32
    "tpu.region"() ({
      %run_scoped3A = tpu.sem_alloc : memref<!tpu.dma_semaphore, #tpu.memory_space<semaphore_mem>>
      %dma_start3A_441 = arith.constant 0 : i32
      %dma_start3A_442 = arith.constant 0 : i32
      %dma_start3A_443 = tpu.memref_slice %arg5[%add3A_221, %dma_start3A_441, %dma_start3A_442] : memref<4x10000x128xf32, #tpu.memory_space<hbm>> -> memref<1x10000x128xf32, #tpu.memory_space<hbm>>
      %dma_start3A_444 = tpu.memref_squeeze %dma_start3A_443 : memref<1x10000x128xf32, #tpu.memory_space<hbm>> -> memref<10000x128xf32, #tpu.memory_space<hbm>>
      %dma_start3A_445 = arith.constant 0 : i32
      %dma_start3A_446 = tpu.memref_slice %dma_start3A_444[%mul3A_434, %dma_start3A_445] : memref<10000x128xf32, #tpu.memory_space<hbm>> -> memref<624x128xf32, #tpu.memory_space<hbm>>
      %dma_start3A_447 = arith.constant 0 : i32
      %dma_start3A_448 = tpu.memref_slice %arg28[%mul3A_432, %dma_start3A_447] : memref<10008x128xf32, #tpu.memory_space<vmem_shared>> -> memref<624x128xf32, #tpu.memory_space<vmem_shared>>
      tpu.enqueue_dma source(%dma_start3A_448 : memref<624x128xf32, #tpu.memory_space<vmem_shared>>) target(%dma_start3A_446 : memref<624x128xf32, #tpu.memory_space<hbm>>) target_semaphore(%run_scoped3A : memref<!tpu.dma_semaphore, #tpu.memory_space<semaphore_mem>>)
      %dma_wait3A_449 = arith.constant 0 : i32
      %dma_wait3A_450 = arith.constant 0 : i32
      %dma_wait3A_451 = tpu.memref_slice %arg5[%add3A_221, %dma_wait3A_449, %dma_wait3A_450] : memref<4x10000x128xf32, #tpu.memory_space<hbm>> -> memref<1x10000x128xf32, #tpu.memory_space<hbm>>
      %dma_wait3A_452 = tpu.memref_squeeze %dma_wait3A_451 : memref<1x10000x128xf32, #tpu.memory_space<hbm>> -> memref<10000x128xf32, #tpu.memory_space<hbm>>
      %dma_wait3A_453 = arith.constant 0 : i32
      %dma_wait3A_454 = tpu.memref_slice %dma_wait3A_452[%mul3A_434, %dma_wait3A_453] : memref<10000x128xf32, #tpu.memory_space<hbm>> -> memref<624x128xf32, #tpu.memory_space<hbm>>
      %dma_wait3A_455 = arith.constant 0 : i32
      %dma_wait3A_456 = tpu.memref_slice %arg28[%mul3A_432, %dma_wait3A_455] : memref<10008x128xf32, #tpu.memory_space<vmem_shared>> -> memref<624x128xf32, #tpu.memory_space<vmem_shared>>
      tpu.wait_dma2 semaphore(%run_scoped3A : memref<!tpu.dma_semaphore, #tpu.memory_space<semaphore_mem>>) src(%dma_wait3A_456 : memref<624x128xf32, #tpu.memory_space<vmem_shared>>) dst(%dma_wait3A_454 : memref<624x128xf32, #tpu.memory_space<hbm>>)
      tpu.yield
    }) : () -> ()
    %eq3A_435 = arith.constant 0 : i32
    %eq3A_436 = arith.cmpi eq, %arg1, %eq3A_435 : i32
    %convert_element_type3A_437 = arith.extui %eq3A_436 : i1 to i32
    %cond3A_438 = arith.constant 0 : i32
    %cond3A_439 = arith.cmpi ne, %convert_element_type3A_437, %cond3A_438 : i32
    scf.if %cond3A_439 {
      "tpu.region"() ({
        %run_scoped3A = tpu.sem_alloc : memref<!tpu.dma_semaphore, #tpu.memory_space<semaphore_mem>>
        %dma_start3A_441 = arith.constant 0 : i32
        %dma_start3A_442 = arith.constant 0 : i32
        %dma_start3A_443 = tpu.memref_slice %arg5[%add3A_221, %dma_start3A_441, %dma_start3A_442] : memref<4x10000x128xf32, #tpu.memory_space<hbm>> -> memref<1x10000x128xf32, #tpu.memory_space<hbm>>
        %dma_start3A_444 = tpu.memref_squeeze %dma_start3A_443 : memref<1x10000x128xf32, #tpu.memory_space<hbm>> -> memref<10000x128xf32, #tpu.memory_space<hbm>>
        %dma_start3A_445 = arith.constant 9984 : i32
        %dma_start3A_446 = arith.constant 0 : i32
        %dma_start3A_447 = tpu.memref_slice %dma_start3A_444[%dma_start3A_445, %dma_start3A_446] : memref<10000x128xf32, #tpu.memory_space<hbm>> -> memref<16x128xf32, #tpu.memory_space<hbm>>
        %dma_start3A_448 = arith.constant 9984 : i32
        %dma_start3A_449 = arith.constant 0 : i32
        %dma_start3A_450 = tpu.memref_slice %arg28[%dma_start3A_448, %dma_start3A_449] : memref<10008x128xf32, #tpu.memory_space<vmem_shared>> -> memref<16x128xf32, #tpu.memory_space<vmem_shared>>
        tpu.enqueue_dma source(%dma_start3A_450 : memref<16x128xf32, #tpu.memory_space<vmem_shared>>) target(%dma_start3A_447 : memref<16x128xf32, #tpu.memory_space<hbm>>) target_semaphore(%run_scoped3A : memref<!tpu.dma_semaphore, #tpu.memory_space<semaphore_mem>>)
        %dma_wait3A_451 = arith.constant 0 : i32
        %dma_wait3A_452 = arith.constant 0 : i32
        %dma_wait3A_453 = tpu.memref_slice %arg5[%add3A_221, %dma_wait3A_451, %dma_wait3A_452] : memref<4x10000x128xf32, #tpu.memory_space<hbm>> -> memref<1x10000x128xf32, #tpu.memory_space<hbm>>
        %dma_wait3A_454 = tpu.memref_squeeze %dma_wait3A_453 : memref<1x10000x128xf32, #tpu.memory_space<hbm>> -> memref<10000x128xf32, #tpu.memory_space<hbm>>
        %dma_wait3A_455 = arith.constant 9984 : i32
        %dma_wait3A_456 = arith.constant 0 : i32
        %dma_wait3A_457 = tpu.memref_slice %dma_wait3A_454[%dma_wait3A_455, %dma_wait3A_456] : memref<10000x128xf32, #tpu.memory_space<hbm>> -> memref<16x128xf32, #tpu.memory_space<hbm>>
        %dma_wait3A_458 = arith.constant 9984 : i32
        %dma_wait3A_459 = arith.constant 0 : i32
        %dma_wait3A_460 = tpu.memref_slice %arg28[%dma_wait3A_458, %dma_wait3A_459] : memref<10008x128xf32, #tpu.memory_space<vmem_shared>> -> memref<16x128xf32, #tpu.memory_space<vmem_shared>>
        tpu.wait_dma2 semaphore(%run_scoped3A : memref<!tpu.dma_semaphore, #tpu.memory_space<semaphore_mem>>) src(%dma_wait3A_460 : memref<16x128xf32, #tpu.memory_space<vmem_shared>>) dst(%dma_wait3A_457 : memref<16x128xf32, #tpu.memory_space<hbm>>)
        tpu.yield
      }) : () -> ()
    } else {
    }
    %barrier3A_440 = arith.constant 0 : index
    tpu.barrier barrier_id(%barrier3A_440)
    return
  }
}

#map = affine_map<(d0, d1) -> (0, 0, 0)>
#map1 = affine_map<(d0, d1) -> (0)>
module attributes {stable_mosaic.version = 14 : i64} {
  func.func @agg_kernel(%arg0: i32, %arg1: i32, %arg2: memref<4x10008x128xf32, #tpu.memory_space<hbm>>, %arg3: memref<81920xi32, #tpu.memory_space<hbm>>, %arg4: memref<81920xi32, #tpu.memory_space<hbm>>, %arg5: memref<4x10000x128xf32, #tpu.memory_space<hbm>>, %arg6: memref<5120xi32, #tpu.memory_space<vmem>>, %arg7: memref<5120xi32, #tpu.memory_space<vmem>>, %arg8: memref<64xi32, #tpu.memory_space<vmem>>, %arg9: memref<64xi32, #tpu.memory_space<vmem>>, %arg10: memref<64xi32, #tpu.memory_space<vmem>>, %arg11: memref<64xi32, #tpu.memory_space<vmem>>, %arg12: memref<64xi32, #tpu.memory_space<vmem>>, %arg13: memref<64xi32, #tpu.memory_space<vmem>>, %arg14: memref<64xi32, #tpu.memory_space<vmem>>, %arg15: memref<64xi32, #tpu.memory_space<vmem>>, %arg16: memref<64x128xf32, #tpu.memory_space<vmem>>, %arg17: memref<64x128xf32, #tpu.memory_space<vmem>>, %arg18: memref<64x128xf32, #tpu.memory_space<vmem>>, %arg19: memref<64x128xf32, #tpu.memory_space<vmem>>, %arg20: memref<!tpu.dma_semaphore, #tpu.memory_space<semaphore_mem>>, %arg21: memref<!tpu.dma_semaphore, #tpu.memory_space<semaphore_mem>>, %arg22: memref<!tpu.dma_semaphore, #tpu.memory_space<semaphore_mem>>, %arg23: memref<!tpu.dma_semaphore, #tpu.memory_space<semaphore_mem>>, %arg24: memref<!tpu.dma_semaphore, #tpu.memory_space<semaphore_mem>>, %arg25: memref<!tpu.dma_semaphore, #tpu.memory_space<semaphore_mem>>, %arg26: memref<!tpu.dma_semaphore, #tpu.memory_space<semaphore_mem>>, %arg27: memref<!tpu.dma_semaphore, #tpu.memory_space<semaphore_mem>>, %arg28: memref<10008x128xf32, #tpu.memory_space<vmem_shared>>) attributes {dimension_semantics = [#tpu.dimension_semantics<core_parallel>, #tpu.dimension_semantics<subcore_parallel>], iteration_bounds = array<i64: 2, 16>, scalar_prefetch = 0 : i64, scratch_operands = 23 : i64, tpu.core_type = #tpu.core_type<sc_vector_subcore>, window_params = [{transform_indices = #map}, {transform_indices = #map1}, {transform_indices = #map1}, {transform_indices = #map}]} {
    %mul3A = arith.constant 160 : i32
    %mul3A_0 = arith.muli %arg1, %mul3A : i32
    %mul3A_1 = arith.constant 32 : i32
    %mul3A_2 = arith.muli %mul3A_0, %mul3A_1 : i32
    "tpu.region"() ({
      %run_scoped3A = tpu.sem_alloc : memref<!tpu.dma_semaphore, #tpu.memory_space<semaphore_mem>>
      %dma_start3A_441 = tpu.memref_slice %arg3[%mul3A_2] : memref<81920xi32, #tpu.memory_space<hbm>> -> memref<5120xi32, #tpu.memory_space<hbm>>
      %dma_start3A_442 = tpu.memref_slice %arg3[%mul3A_2] : memref<81920xi32, #tpu.memory_space<hbm>> -> memref<5120xi32, #tpu.memory_space<hbm>>
      tpu.enqueue_dma source(%dma_start3A_442 : memref<5120xi32, #tpu.memory_space<hbm>>) target(%arg6 : memref<5120xi32, #tpu.memory_space<vmem>>) target_semaphore(%run_scoped3A : memref<!tpu.dma_semaphore, #tpu.memory_space<semaphore_mem>>)
      %dma_wait3A_443 = tpu.memref_slice %arg3[%mul3A_2] : memref<81920xi32, #tpu.memory_space<hbm>> -> memref<5120xi32, #tpu.memory_space<hbm>>
      %dma_wait3A_444 = tpu.memref_slice %arg3[%mul3A_2] : memref<81920xi32, #tpu.memory_space<hbm>> -> memref<5120xi32, #tpu.memory_space<hbm>>
      tpu.wait_dma2 semaphore(%run_scoped3A : memref<!tpu.dma_semaphore, #tpu.memory_space<semaphore_mem>>) src(%dma_wait3A_444 : memref<5120xi32, #tpu.memory_space<hbm>>) dst(%arg6 : memref<5120xi32, #tpu.memory_space<vmem>>)
      tpu.yield
    }) : () -> ()
    %mul3A_3 = arith.constant 160 : i32
    %mul3A_4 = arith.muli %arg1, %mul3A_3 : i32
    %mul3A_5 = arith.constant 32 : i32
    %mul3A_6 = arith.muli %mul3A_4, %mul3A_5 : i32
    "tpu.region"() ({
      %run_scoped3A = tpu.sem_alloc : memref<!tpu.dma_semaphore, #tpu.memory_space<semaphore_mem>>
      %dma_start3A_441 = tpu.memref_slice %arg4[%mul3A_6] : memref<81920xi32, #tpu.memory_space<hbm>> -> memref<5120xi32, #tpu.memory_space<hbm>>
      %dma_start3A_442 = tpu.memref_slice %arg4[%mul3A_6] : memref<81920xi32, #tpu.memory_space<hbm>> -> memref<5120xi32, #tpu.memory_space<hbm>>
      tpu.enqueue_dma source(%dma_start3A_442 : memref<5120xi32, #tpu.memory_space<hbm>>) target(%arg7 : memref<5120xi32, #tpu.memory_space<vmem>>) target_semaphore(%run_scoped3A : memref<!tpu.dma_semaphore, #tpu.memory_space<semaphore_mem>>)
      %dma_wait3A_443 = tpu.memref_slice %arg4[%mul3A_6] : memref<81920xi32, #tpu.memory_space<hbm>> -> memref<5120xi32, #tpu.memory_space<hbm>>
      %dma_wait3A_444 = tpu.memref_slice %arg4[%mul3A_6] : memref<81920xi32, #tpu.memory_space<hbm>> -> memref<5120xi32, #tpu.memory_space<hbm>>
      tpu.wait_dma2 semaphore(%run_scoped3A : memref<!tpu.dma_semaphore, #tpu.memory_space<semaphore_mem>>) src(%dma_wait3A_444 : memref<5120xi32, #tpu.memory_space<hbm>>) dst(%arg7 : memref<5120xi32, #tpu.memory_space<vmem>>)
      tpu.yield
    }) : () -> ()
    %mul3A_7 = arith.constant 2 : i32
    %mul3A_8 = arith.muli %arg0, %mul3A_7 : i32
    %add3A = arith.constant 0 : i32
    %add3A_9 = arith.addi %mul3A_8, %add3A : i32
    %mul3A_10 = arith.constant 624 : i32
    %mul3A_11 = arith.muli %arg1, %mul3A_10 : i32
    %mul3A_12 = arith.constant 624 : i32
    %mul3A_13 = arith.muli %arg1, %mul3A_12 : i32
    "tpu.region"() ({
      %run_scoped3A = tpu.sem_alloc : memref<!tpu.dma_semaphore, #tpu.memory_space<semaphore_mem>>
      %dma_start3A_441 = arith.constant 0 : i32
      %dma_start3A_442 = tpu.memref_slice %arg28[%mul3A_13, %dma_start3A_441] : memref<10008x128xf32, #tpu.memory_space<vmem_shared>> -> memref<624x128xf32, #tpu.memory_space<vmem_shared>>
      %dma_start3A_443 = arith.constant 0 : i32
      %dma_start3A_444 = arith.constant 0 : i32
      %dma_start3A_445 = tpu.memref_slice %arg2[%add3A_9, %dma_start3A_443, %dma_start3A_444] : memref<4x10008x128xf32, #tpu.memory_space<hbm>> -> memref<1x10008x128xf32, #tpu.memory_space<hbm>>
      %dma_start3A_446 = tpu.memref_squeeze %dma_start3A_445 : memref<1x10008x128xf32, #tpu.memory_space<hbm>> -> memref<10008x128xf32, #tpu.memory_space<hbm>>
      %dma_start3A_447 = arith.constant 0 : i32
      %dma_start3A_448 = tpu.memref_slice %dma_start3A_446[%mul3A_11, %dma_start3A_447] : memref<10008x128xf32, #tpu.memory_space<hbm>> -> memref<624x128xf32, #tpu.memory_space<hbm>>
      tpu.enqueue_dma source(%dma_start3A_448 : memref<624x128xf32, #tpu.memory_space<hbm>>) target(%dma_start3A_442 : memref<624x128xf32, #tpu.memory_space<vmem_shared>>) target_semaphore(%run_scoped3A : memref<!tpu.dma_semaphore, #tpu.memory_space<semaphore_mem>>)
      %dma_wait3A_449 = arith.constant 0 : i32
      %dma_wait3A_450 = tpu.memref_slice %arg28[%mul3A_13, %dma_wait3A_449] : memref<10008x128xf32, #tpu.memory_space<vmem_shared>> -> memref<624x128xf32, #tpu.memory_space<vmem_shared>>
      %dma_wait3A_451 = arith.constant 0 : i32
      %dma_wait3A_452 = arith.constant 0 : i32
      %dma_wait3A_453 = tpu.memref_slice %arg2[%add3A_9, %dma_wait3A_451, %dma_wait3A_452] : memref<4x10008x128xf32, #tpu.memory_space<hbm>> -> memref<1x10008x128xf32, #tpu.memory_space<hbm>>
      %dma_wait3A_454 = tpu.memref_squeeze %dma_wait3A_453 : memref<1x10008x128xf32, #tpu.memory_space<hbm>> -> memref<10008x128xf32, #tpu.memory_space<hbm>>
      %dma_wait3A_455 = arith.constant 0 : i32
      %dma_wait3A_456 = tpu.memref_slice %dma_wait3A_454[%mul3A_11, %dma_wait3A_455] : memref<10008x128xf32, #tpu.memory_space<hbm>> -> memref<624x128xf32, #tpu.memory_space<hbm>>
      tpu.wait_dma2 semaphore(%run_scoped3A : memref<!tpu.dma_semaphore, #tpu.memory_space<semaphore_mem>>) src(%dma_wait3A_456 : memref<624x128xf32, #tpu.memory_space<hbm>>) dst(%dma_wait3A_450 : memref<624x128xf32, #tpu.memory_space<vmem_shared>>)
      tpu.yield
    }) : () -> ()
    %eq3A = arith.constant 0 : i32
    %eq3A_14 = arith.cmpi eq, %arg1, %eq3A : i32
    %convert_element_type3A = arith.extui %eq3A_14 : i1 to i32
    %cond3A = arith.constant 0 : i32
    %cond3A_15 = arith.cmpi ne, %convert_element_type3A, %cond3A : i32
    scf.if %cond3A_15 {
      "tpu.region"() ({
        %run_scoped3A = tpu.sem_alloc : memref<!tpu.dma_semaphore, #tpu.memory_space<semaphore_mem>>
        %dma_start3A_441 = arith.constant 9984 : i32
        %dma_start3A_442 = arith.constant 0 : i32
        %dma_start3A_443 = tpu.memref_slice %arg28[%dma_start3A_441, %dma_start3A_442] : memref<10008x128xf32, #tpu.memory_space<vmem_shared>> -> memref<16x128xf32, #tpu.memory_space<vmem_shared>>
        %dma_start3A_444 = arith.constant 0 : i32
        %dma_start3A_445 = arith.constant 0 : i32
        %dma_start3A_446 = tpu.memref_slice %arg2[%add3A_9, %dma_start3A_444, %dma_start3A_445] : memref<4x10008x128xf32, #tpu.memory_space<hbm>> -> memref<1x10008x128xf32, #tpu.memory_space<hbm>>
        %dma_start3A_447 = tpu.memref_squeeze %dma_start3A_446 : memref<1x10008x128xf32, #tpu.memory_space<hbm>> -> memref<10008x128xf32, #tpu.memory_space<hbm>>
        %dma_start3A_448 = arith.constant 9984 : i32
        %dma_start3A_449 = arith.constant 0 : i32
        %dma_start3A_450 = tpu.memref_slice %dma_start3A_447[%dma_start3A_448, %dma_start3A_449] : memref<10008x128xf32, #tpu.memory_space<hbm>> -> memref<16x128xf32, #tpu.memory_space<hbm>>
        tpu.enqueue_dma source(%dma_start3A_450 : memref<16x128xf32, #tpu.memory_space<hbm>>) target(%dma_start3A_443 : memref<16x128xf32, #tpu.memory_space<vmem_shared>>) target_semaphore(%run_scoped3A : memref<!tpu.dma_semaphore, #tpu.memory_space<semaphore_mem>>)
        %dma_wait3A_451 = arith.constant 9984 : i32
        %dma_wait3A_452 = arith.constant 0 : i32
        %dma_wait3A_453 = tpu.memref_slice %arg28[%dma_wait3A_451, %dma_wait3A_452] : memref<10008x128xf32, #tpu.memory_space<vmem_shared>> -> memref<16x128xf32, #tpu.memory_space<vmem_shared>>
        %dma_wait3A_454 = arith.constant 0 : i32
        %dma_wait3A_455 = arith.constant 0 : i32
        %dma_wait3A_456 = tpu.memref_slice %arg2[%add3A_9, %dma_wait3A_454, %dma_wait3A_455] : memref<4x10008x128xf32, #tpu.memory_space<hbm>> -> memref<1x10008x128xf32, #tpu.memory_space<hbm>>
        %dma_wait3A_457 = tpu.memref_squeeze %dma_wait3A_456 : memref<1x10008x128xf32, #tpu.memory_space<hbm>> -> memref<10008x128xf32, #tpu.memory_space<hbm>>
        %dma_wait3A_458 = arith.constant 9984 : i32
        %dma_wait3A_459 = arith.constant 0 : i32
        %dma_wait3A_460 = tpu.memref_slice %dma_wait3A_457[%dma_wait3A_458, %dma_wait3A_459] : memref<10008x128xf32, #tpu.memory_space<hbm>> -> memref<16x128xf32, #tpu.memory_space<hbm>>
        tpu.wait_dma2 semaphore(%run_scoped3A : memref<!tpu.dma_semaphore, #tpu.memory_space<semaphore_mem>>) src(%dma_wait3A_460 : memref<16x128xf32, #tpu.memory_space<hbm>>) dst(%dma_wait3A_453 : memref<16x128xf32, #tpu.memory_space<vmem_shared>>)
        tpu.yield
      }) : () -> ()
    } else {
    }
    %barrier3A = arith.constant 0 : index
    tpu.barrier barrier_id(%barrier3A)
    %get3A = arith.constant 0 : index
    %get3A_16 = tpu.vector_load %arg6[%get3A] {strides = array<i32>} : memref<5120xi32, #tpu.memory_space<vmem>>, vector<16xi32>,
    %get3A_17 = vector.shape_cast %get3A_16 : vector<16xi32> to vector<16xi32>
    %and3A = arith.constant 65535 : i32
    %and3A_18 = vector.broadcast %and3A : i32 to vector<16xi32>
    %and3A_19 = arith.andi %get3A_17, %and3A_18 : vector<16xi32>
    %swap3A = arith.constant 0 : index
    %swap3A_20 = tpu.vector_load %arg8[%swap3A] {strides = array<i32>} : memref<64xi32, #tpu.memory_space<vmem>>, vector<16xi32>,
    %swap3A_21 = vector.shape_cast %swap3A_20 : vector<16xi32> to vector<16xi32>
    %swap3A_22 = vector.shape_cast %and3A_19 : vector<16xi32> to vector<16xi32>
    tpu.vector_store %arg8[%swap3A], %swap3A_22 {strides = array<i32>} : memref<64xi32, #tpu.memory_space<vmem>>, vector<16xi32>,
    %shift_right_logical3A = arith.constant 16 : i32
    %shift_right_logical3A_23 = vector.broadcast %shift_right_logical3A : i32 to vector<16xi32>
    %shift_right_logical3A_24 = arith.shrui %get3A_17, %shift_right_logical3A_23 : vector<16xi32>
    %swap3A_25 = arith.constant 32 : index
    %swap3A_26 = tpu.vector_load %arg8[%swap3A_25] {strides = array<i32>} : memref<64xi32, #tpu.memory_space<vmem>>, vector<16xi32>,
    %swap3A_27 = vector.shape_cast %swap3A_26 : vector<16xi32> to vector<16xi32>
    %swap3A_28 = vector.shape_cast %shift_right_logical3A_24 : vector<16xi32> to vector<16xi32>
    tpu.vector_store %arg8[%swap3A_25], %swap3A_28 {strides = array<i32>} : memref<64xi32, #tpu.memory_space<vmem>>, vector<16xi32>,
    %get3A_29 = arith.constant 16 : index
    %get3A_30 = tpu.vector_load %arg6[%get3A_29] {strides = array<i32>} : memref<5120xi32, #tpu.memory_space<vmem>>, vector<16xi32>,
    %get3A_31 = vector.shape_cast %get3A_30 : vector<16xi32> to vector<16xi32>
    %and3A_32 = arith.constant 65535 : i32
    %and3A_33 = vector.broadcast %and3A_32 : i32 to vector<16xi32>
    %and3A_34 = arith.andi %get3A_31, %and3A_33 : vector<16xi32>
    %swap3A_35 = arith.constant 16 : index
    %swap3A_36 = tpu.vector_load %arg8[%swap3A_35] {strides = array<i32>} : memref<64xi32, #tpu.memory_space<vmem>>, vector<16xi32>,
    %swap3A_37 = vector.shape_cast %swap3A_36 : vector<16xi32> to vector<16xi32>
    %swap3A_38 = vector.shape_cast %and3A_34 : vector<16xi32> to vector<16xi32>
    tpu.vector_store %arg8[%swap3A_35], %swap3A_38 {strides = array<i32>} : memref<64xi32, #tpu.memory_space<vmem>>, vector<16xi32>,
    %shift_right_logical3A_39 = arith.constant 16 : i32
    %shift_right_logical3A_40 = vector.broadcast %shift_right_logical3A_39 : i32 to vector<16xi32>
    %shift_right_logical3A_41 = arith.shrui %get3A_31, %shift_right_logical3A_40 : vector<16xi32>
    %swap3A_42 = arith.constant 48 : index
    %swap3A_43 = tpu.vector_load %arg8[%swap3A_42] {strides = array<i32>} : memref<64xi32, #tpu.memory_space<vmem>>, vector<16xi32>,
    %swap3A_44 = vector.shape_cast %swap3A_43 : vector<16xi32> to vector<16xi32>
    %swap3A_45 = vector.shape_cast %shift_right_logical3A_41 : vector<16xi32> to vector<16xi32>
    tpu.vector_store %arg8[%swap3A_42], %swap3A_45 {strides = array<i32>} : memref<64xi32, #tpu.memory_space<vmem>>, vector<16xi32>,
    %dma_start3A = arith.constant 0 : i32
    %dma_start3A_46 = arith.constant 0 : i32
    %dma_start3A_47 = tpu.memref_slice %arg2[%add3A_9, %dma_start3A, %dma_start3A_46] : memref<4x10008x128xf32, #tpu.memory_space<hbm>> -> memref<1x10008x128xf32, #tpu.memory_space<hbm>>
    %dma_start3A_48 = tpu.memref_squeeze %dma_start3A_47 : memref<1x10008x128xf32, #tpu.memory_space<hbm>> -> memref<10008x128xf32, #tpu.memory_space<hbm>>
    %dma_start3A_49 = arith.constant 0 : i32
    %dma_start3A_50 = arith.constant 0 : i32
    %dma_start3A_51 = tpu.memref_slice %dma_start3A_48[%dma_start3A_49, %dma_start3A_50] : memref<10008x128xf32, #tpu.memory_space<hbm>> -> memref<10008x128xf32, #tpu.memory_space<hbm>>
    tpu.enqueue_indirect_dma source(%dma_start3A_51 : memref<10008x128xf32, #tpu.memory_space<hbm>>) target(%arg16 : memref<64x128xf32, #tpu.memory_space<vmem>>) offsets(%arg8 : memref<64xi32, #tpu.memory_space<vmem>>) semaphore(%arg20 : memref<!tpu.dma_semaphore, #tpu.memory_space<semaphore_mem>>)
    %get3A_52 = arith.constant 32 : index
    %get3A_53 = tpu.vector_load %arg6[%get3A_52] {strides = array<i32>} : memref<5120xi32, #tpu.memory_space<vmem>>, vector<16xi32>,
    %get3A_54 = vector.shape_cast %get3A_53 : vector<16xi32> to vector<16xi32>
    %and3A_55 = arith.constant 65535 : i32
    %and3A_56 = vector.broadcast %and3A_55 : i32 to vector<16xi32>
    %and3A_57 = arith.andi %get3A_54, %and3A_56 : vector<16xi32>
    %swap3A_58 = arith.constant 0 : index
    %swap3A_59 = tpu.vector_load %arg9[%swap3A_58] {strides = array<i32>} : memref<64xi32, #tpu.memory_space<vmem>>, vector<16xi32>,
    %swap3A_60 = vector.shape_cast %swap3A_59 : vector<16xi32> to vector<16xi32>
    %swap3A_61 = vector.shape_cast %and3A_57 : vector<16xi32> to vector<16xi32>
    tpu.vector_store %arg9[%swap3A_58], %swap3A_61 {strides = array<i32>} : memref<64xi32, #tpu.memory_space<vmem>>, vector<16xi32>,
    %shift_right_logical3A_62 = arith.constant 16 : i32
    %shift_right_logical3A_63 = vector.broadcast %shift_right_logical3A_62 : i32 to vector<16xi32>
    %shift_right_logical3A_64 = arith.shrui %get3A_54, %shift_right_logical3A_63 : vector<16xi32>
    %swap3A_65 = arith.constant 32 : index
    %swap3A_66 = tpu.vector_load %arg9[%swap3A_65] {strides = array<i32>} : memref<64xi32, #tpu.memory_space<vmem>>, vector<16xi32>,
    %swap3A_67 = vector.shape_cast %swap3A_66 : vector<16xi32> to vector<16xi32>
    %swap3A_68 = vector.shape_cast %shift_right_logical3A_64 : vector<16xi32> to vector<16xi32>
    tpu.vector_store %arg9[%swap3A_65], %swap3A_68 {strides = array<i32>} : memref<64xi32, #tpu.memory_space<vmem>>, vector<16xi32>,
    %get3A_69 = arith.constant 48 : index
    %get3A_70 = tpu.vector_load %arg6[%get3A_69] {strides = array<i32>} : memref<5120xi32, #tpu.memory_space<vmem>>, vector<16xi32>,
    %get3A_71 = vector.shape_cast %get3A_70 : vector<16xi32> to vector<16xi32>
    %and3A_72 = arith.constant 65535 : i32
    %and3A_73 = vector.broadcast %and3A_72 : i32 to vector<16xi32>
    %and3A_74 = arith.andi %get3A_71, %and3A_73 : vector<16xi32>
    %swap3A_75 = arith.constant 16 : index
    %swap3A_76 = tpu.vector_load %arg9[%swap3A_75] {strides = array<i32>} : memref<64xi32, #tpu.memory_space<vmem>>, vector<16xi32>,
    %swap3A_77 = vector.shape_cast %swap3A_76 : vector<16xi32> to vector<16xi32>
    %swap3A_78 = vector.shape_cast %and3A_74 : vector<16xi32> to vector<16xi32>
    tpu.vector_store %arg9[%swap3A_75], %swap3A_78 {strides = array<i32>} : memref<64xi32, #tpu.memory_space<vmem>>, vector<16xi32>,
    %shift_right_logical3A_79 = arith.constant 16 : i32
    %shift_right_logical3A_80 = vector.broadcast %shift_right_logical3A_79 : i32 to vector<16xi32>
    %shift_right_logical3A_81 = arith.shrui %get3A_71, %shift_right_logical3A_80 : vector<16xi32>
    %swap3A_82 = arith.constant 48 : index
    %swap3A_83 = tpu.vector_load %arg9[%swap3A_82] {strides = array<i32>} : memref<64xi32, #tpu.memory_space<vmem>>, vector<16xi32>,
    %swap3A_84 = vector.shape_cast %swap3A_83 : vector<16xi32> to vector<16xi32>
    %swap3A_85 = vector.shape_cast %shift_right_logical3A_81 : vector<16xi32> to vector<16xi32>
    tpu.vector_store %arg9[%swap3A_82], %swap3A_85 {strides = array<i32>} : memref<64xi32, #tpu.memory_space<vmem>>, vector<16xi32>,
    %dma_start3A_86 = arith.constant 0 : i32
    %dma_start3A_87 = arith.constant 0 : i32
    %dma_start3A_88 = tpu.memref_slice %arg2[%add3A_9, %dma_start3A_86, %dma_start3A_87] : memref<4x10008x128xf32, #tpu.memory_space<hbm>> -> memref<1x10008x128xf32, #tpu.memory_space<hbm>>
    %dma_start3A_89 = tpu.memref_squeeze %dma_start3A_88 : memref<1x10008x128xf32, #tpu.memory_space<hbm>> -> memref<10008x128xf32, #tpu.memory_space<hbm>>
    %dma_start3A_90 = arith.constant 0 : i32
    %dma_start3A_91 = arith.constant 0 : i32
    %dma_start3A_92 = tpu.memref_slice %dma_start3A_89[%dma_start3A_90, %dma_start3A_91] : memref<10008x128xf32, #tpu.memory_space<hbm>> -> memref<10008x128xf32, #tpu.memory_space<hbm>>
    tpu.enqueue_indirect_dma source(%dma_start3A_92 : memref<10008x128xf32, #tpu.memory_space<hbm>>) target(%arg17 : memref<64x128xf32, #tpu.memory_space<vmem>>) offsets(%arg9 : memref<64xi32, #tpu.memory_space<vmem>>) semaphore(%arg21 : memref<!tpu.dma_semaphore, #tpu.memory_space<semaphore_mem>>)
    %get3A_93 = arith.constant 64 : index
    %get3A_94 = tpu.vector_load %arg6[%get3A_93] {strides = array<i32>} : memref<5120xi32, #tpu.memory_space<vmem>>, vector<16xi32>,
    %get3A_95 = vector.shape_cast %get3A_94 : vector<16xi32> to vector<16xi32>
    %and3A_96 = arith.constant 65535 : i32
    %and3A_97 = vector.broadcast %and3A_96 : i32 to vector<16xi32>
    %and3A_98 = arith.andi %get3A_95, %and3A_97 : vector<16xi32>
    %swap3A_99 = arith.constant 0 : index
    %swap3A_100 = tpu.vector_load %arg10[%swap3A_99] {strides = array<i32>} : memref<64xi32, #tpu.memory_space<vmem>>, vector<16xi32>,
    %swap3A_101 = vector.shape_cast %swap3A_100 : vector<16xi32> to vector<16xi32>
    %swap3A_102 = vector.shape_cast %and3A_98 : vector<16xi32> to vector<16xi32>
    tpu.vector_store %arg10[%swap3A_99], %swap3A_102 {strides = array<i32>} : memref<64xi32, #tpu.memory_space<vmem>>, vector<16xi32>,
    %shift_right_logical3A_103 = arith.constant 16 : i32
    %shift_right_logical3A_104 = vector.broadcast %shift_right_logical3A_103 : i32 to vector<16xi32>
    %shift_right_logical3A_105 = arith.shrui %get3A_95, %shift_right_logical3A_104 : vector<16xi32>
    %swap3A_106 = arith.constant 32 : index
    %swap3A_107 = tpu.vector_load %arg10[%swap3A_106] {strides = array<i32>} : memref<64xi32, #tpu.memory_space<vmem>>, vector<16xi32>,
    %swap3A_108 = vector.shape_cast %swap3A_107 : vector<16xi32> to vector<16xi32>
    %swap3A_109 = vector.shape_cast %shift_right_logical3A_105 : vector<16xi32> to vector<16xi32>
    tpu.vector_store %arg10[%swap3A_106], %swap3A_109 {strides = array<i32>} : memref<64xi32, #tpu.memory_space<vmem>>, vector<16xi32>,
    %get3A_110 = arith.constant 80 : index
    %get3A_111 = tpu.vector_load %arg6[%get3A_110] {strides = array<i32>} : memref<5120xi32, #tpu.memory_space<vmem>>, vector<16xi32>,
    %get3A_112 = vector.shape_cast %get3A_111 : vector<16xi32> to vector<16xi32>
    %and3A_113 = arith.constant 65535 : i32
    %and3A_114 = vector.broadcast %and3A_113 : i32 to vector<16xi32>
    %and3A_115 = arith.andi %get3A_112, %and3A_114 : vector<16xi32>
    %swap3A_116 = arith.constant 16 : index
    %swap3A_117 = tpu.vector_load %arg10[%swap3A_116] {strides = array<i32>} : memref<64xi32, #tpu.memory_space<vmem>>, vector<16xi32>,
    %swap3A_118 = vector.shape_cast %swap3A_117 : vector<16xi32> to vector<16xi32>
    %swap3A_119 = vector.shape_cast %and3A_115 : vector<16xi32> to vector<16xi32>
    tpu.vector_store %arg10[%swap3A_116], %swap3A_119 {strides = array<i32>} : memref<64xi32, #tpu.memory_space<vmem>>, vector<16xi32>,
    %shift_right_logical3A_120 = arith.constant 16 : i32
    %shift_right_logical3A_121 = vector.broadcast %shift_right_logical3A_120 : i32 to vector<16xi32>
    %shift_right_logical3A_122 = arith.shrui %get3A_112, %shift_right_logical3A_121 : vector<16xi32>
    %swap3A_123 = arith.constant 48 : index
    %swap3A_124 = tpu.vector_load %arg10[%swap3A_123] {strides = array<i32>} : memref<64xi32, #tpu.memory_space<vmem>>, vector<16xi32>,
    %swap3A_125 = vector.shape_cast %swap3A_124 : vector<16xi32> to vector<16xi32>
    %swap3A_126 = vector.shape_cast %shift_right_logical3A_122 : vector<16xi32> to vector<16xi32>
    tpu.vector_store %arg10[%swap3A_123], %swap3A_126 {strides = array<i32>} : memref<64xi32, #tpu.memory_space<vmem>>, vector<16xi32>,
    %dma_start3A_127 = arith.constant 0 : i32
    %dma_start3A_128 = arith.constant 0 : i32
    %dma_start3A_129 = tpu.memref_slice %arg2[%add3A_9, %dma_start3A_127, %dma_start3A_128] : memref<4x10008x128xf32, #tpu.memory_space<hbm>> -> memref<1x10008x128xf32, #tpu.memory_space<hbm>>
    %dma_start3A_130 = tpu.memref_squeeze %dma_start3A_129 : memref<1x10008x128xf32, #tpu.memory_space<hbm>> -> memref<10008x128xf32, #tpu.memory_space<hbm>>
    %dma_start3A_131 = arith.constant 0 : i32
    %dma_start3A_132 = arith.constant 0 : i32
    %dma_start3A_133 = tpu.memref_slice %dma_start3A_130[%dma_start3A_131, %dma_start3A_132] : memref<10008x128xf32, #tpu.memory_space<hbm>> -> memref<10008x128xf32, #tpu.memory_space<hbm>>
    tpu.enqueue_indirect_dma source(%dma_start3A_133 : memref<10008x128xf32, #tpu.memory_space<hbm>>) target(%arg18 : memref<64x128xf32, #tpu.memory_space<vmem>>) offsets(%arg10 : memref<64xi32, #tpu.memory_space<vmem>>) semaphore(%arg22 : memref<!tpu.dma_semaphore, #tpu.memory_space<semaphore_mem>>)
    %get3A_134 = arith.constant 96 : index
    %get3A_135 = tpu.vector_load %arg6[%get3A_134] {strides = array<i32>} : memref<5120xi32, #tpu.memory_space<vmem>>, vector<16xi32>,
    %get3A_136 = vector.shape_cast %get3A_135 : vector<16xi32> to vector<16xi32>
    %and3A_137 = arith.constant 65535 : i32
    %and3A_138 = vector.broadcast %and3A_137 : i32 to vector<16xi32>
    %and3A_139 = arith.andi %get3A_136, %and3A_138 : vector<16xi32>
    %swap3A_140 = arith.constant 0 : index
    %swap3A_141 = tpu.vector_load %arg11[%swap3A_140] {strides = array<i32>} : memref<64xi32, #tpu.memory_space<vmem>>, vector<16xi32>,
    %swap3A_142 = vector.shape_cast %swap3A_141 : vector<16xi32> to vector<16xi32>
    %swap3A_143 = vector.shape_cast %and3A_139 : vector<16xi32> to vector<16xi32>
    tpu.vector_store %arg11[%swap3A_140], %swap3A_143 {strides = array<i32>} : memref<64xi32, #tpu.memory_space<vmem>>, vector<16xi32>,
    %shift_right_logical3A_144 = arith.constant 16 : i32
    %shift_right_logical3A_145 = vector.broadcast %shift_right_logical3A_144 : i32 to vector<16xi32>
    %shift_right_logical3A_146 = arith.shrui %get3A_136, %shift_right_logical3A_145 : vector<16xi32>
    %swap3A_147 = arith.constant 32 : index
    %swap3A_148 = tpu.vector_load %arg11[%swap3A_147] {strides = array<i32>} : memref<64xi32, #tpu.memory_space<vmem>>, vector<16xi32>,
    %swap3A_149 = vector.shape_cast %swap3A_148 : vector<16xi32> to vector<16xi32>
    %swap3A_150 = vector.shape_cast %shift_right_logical3A_146 : vector<16xi32> to vector<16xi32>
    tpu.vector_store %arg11[%swap3A_147], %swap3A_150 {strides = array<i32>} : memref<64xi32, #tpu.memory_space<vmem>>, vector<16xi32>,
    %get3A_151 = arith.constant 112 : index
    %get3A_152 = tpu.vector_load %arg6[%get3A_151] {strides = array<i32>} : memref<5120xi32, #tpu.memory_space<vmem>>, vector<16xi32>,
    %get3A_153 = vector.shape_cast %get3A_152 : vector<16xi32> to vector<16xi32>
    %and3A_154 = arith.constant 65535 : i32
    %and3A_155 = vector.broadcast %and3A_154 : i32 to vector<16xi32>
    %and3A_156 = arith.andi %get3A_153, %and3A_155 : vector<16xi32>
    %swap3A_157 = arith.constant 16 : index
    %swap3A_158 = tpu.vector_load %arg11[%swap3A_157] {strides = array<i32>} : memref<64xi32, #tpu.memory_space<vmem>>, vector<16xi32>,
    %swap3A_159 = vector.shape_cast %swap3A_158 : vector<16xi32> to vector<16xi32>
    %swap3A_160 = vector.shape_cast %and3A_156 : vector<16xi32> to vector<16xi32>
    tpu.vector_store %arg11[%swap3A_157], %swap3A_160 {strides = array<i32>} : memref<64xi32, #tpu.memory_space<vmem>>, vector<16xi32>,
    %shift_right_logical3A_161 = arith.constant 16 : i32
    %shift_right_logical3A_162 = vector.broadcast %shift_right_logical3A_161 : i32 to vector<16xi32>
    %shift_right_logical3A_163 = arith.shrui %get3A_153, %shift_right_logical3A_162 : vector<16xi32>
    %swap3A_164 = arith.constant 48 : index
    %swap3A_165 = tpu.vector_load %arg11[%swap3A_164] {strides = array<i32>} : memref<64xi32, #tpu.memory_space<vmem>>, vector<16xi32>,
    %swap3A_166 = vector.shape_cast %swap3A_165 : vector<16xi32> to vector<16xi32>
    %swap3A_167 = vector.shape_cast %shift_right_logical3A_163 : vector<16xi32> to vector<16xi32>
    tpu.vector_store %arg11[%swap3A_164], %swap3A_167 {strides = array<i32>} : memref<64xi32, #tpu.memory_space<vmem>>, vector<16xi32>,
    %dma_start3A_168 = arith.constant 0 : i32
    %dma_start3A_169 = arith.constant 0 : i32
    %dma_start3A_170 = tpu.memref_slice %arg2[%add3A_9, %dma_start3A_168, %dma_start3A_169] : memref<4x10008x128xf32, #tpu.memory_space<hbm>> -> memref<1x10008x128xf32, #tpu.memory_space<hbm>>
    %dma_start3A_171 = tpu.memref_squeeze %dma_start3A_170 : memref<1x10008x128xf32, #tpu.memory_space<hbm>> -> memref<10008x128xf32, #tpu.memory_space<hbm>>
    %dma_start3A_172 = arith.constant 0 : i32
    %dma_start3A_173 = arith.constant 0 : i32
    %dma_start3A_174 = tpu.memref_slice %dma_start3A_171[%dma_start3A_172, %dma_start3A_173] : memref<10008x128xf32, #tpu.memory_space<hbm>> -> memref<10008x128xf32, #tpu.memory_space<hbm>>
    tpu.enqueue_indirect_dma source(%dma_start3A_174 : memref<10008x128xf32, #tpu.memory_space<hbm>>) target(%arg19 : memref<64x128xf32, #tpu.memory_space<vmem>>) offsets(%arg11 : memref<64xi32, #tpu.memory_space<vmem>>) semaphore(%arg23 : memref<!tpu.dma_semaphore, #tpu.memory_space<semaphore_mem>>)
    %scan3A = arith.constant 0 : i32
    %scan3A_175 = arith.constant 0 : i32
    %scan3A_176 = arith.constant 40 : i32
    %scan3A_177 = arith.addi %scan3A_175, %scan3A_176 : i32
    %scan3A_178 = arith.constant 1 : i32
    scf.for %scan3A_441 = %scan3A_175 to %scan3A_177 step %scan3A_178  : i32 {
      %mul3A_442 = arith.constant 4 : i32
      %mul3A_443 = arith.muli %mul3A_442, %scan3A_441 : i32
      %add3A_444 = arith.constant 0 : i32
      %add3A_445 = arith.addi %mul3A_443, %add3A_444 : i32
      %mul3A_446 = arith.constant 32 : i32
      %mul3A_447 = arith.muli %add3A_445, %mul3A_446 : i32
      %add3A_448 = arith.constant 0 : i32
      %add3A_449 = arith.addi %mul3A_447, %add3A_448 : i32
      %get3A_450 = arith.index_cast %add3A_449 : i32 to index
      %get3A_451 = tpu.vector_load %arg7[%get3A_450] {strides = array<i32>} : memref<5120xi32, #tpu.memory_space<vmem>>, vector<16xi32>,
      %get3A_452 = vector.shape_cast %get3A_451 : vector<16xi32> to vector<16xi32>
      %and3A_453 = arith.constant 65535 : i32
      %and3A_454 = vector.broadcast %and3A_453 : i32 to vector<16xi32>
      %and3A_455 = arith.andi %get3A_452, %and3A_454 : vector<16xi32>
      %swap3A_456 = arith.constant 0 : index
      %swap3A_457 = tpu.vector_load %arg12[%swap3A_456] {strides = array<i32>} : memref<64xi32, #tpu.memory_space<vmem>>, vector<16xi32>,
      %swap3A_458 = vector.shape_cast %swap3A_457 : vector<16xi32> to vector<16xi32>
      %swap3A_459 = vector.shape_cast %and3A_455 : vector<16xi32> to vector<16xi32>
      tpu.vector_store %arg12[%swap3A_456], %swap3A_459 {strides = array<i32>} : memref<64xi32, #tpu.memory_space<vmem>>, vector<16xi32>,
      %shift_right_logical3A_460 = arith.constant 16 : i32
      %shift_right_logical3A_461 = vector.broadcast %shift_right_logical3A_460 : i32 to vector<16xi32>
      %shift_right_logical3A_462 = arith.shrui %get3A_452, %shift_right_logical3A_461 : vector<16xi32>
      %swap3A_463 = arith.constant 32 : index
      %swap3A_464 = tpu.vector_load %arg12[%swap3A_463] {strides = array<i32>} : memref<64xi32, #tpu.memory_space<vmem>>, vector<16xi32>,
      %swap3A_465 = vector.shape_cast %swap3A_464 : vector<16xi32> to vector<16xi32>
      %swap3A_466 = vector.shape_cast %shift_right_logical3A_462 : vector<16xi32> to vector<16xi32>
      tpu.vector_store %arg12[%swap3A_463], %swap3A_466 {strides = array<i32>} : memref<64xi32, #tpu.memory_space<vmem>>, vector<16xi32>,
      %mul3A_467 = arith.constant 32 : i32
      %mul3A_468 = arith.muli %add3A_445, %mul3A_467 : i32
      %add3A_469 = arith.constant 16 : i32
      %add3A_470 = arith.addi %mul3A_468, %add3A_469 : i32
      %get3A_471 = arith.index_cast %add3A_470 : i32 to index
      %get3A_472 = tpu.vector_load %arg7[%get3A_471] {strides = array<i32>} : memref<5120xi32, #tpu.memory_space<vmem>>, vector<16xi32>,
      %get3A_473 = vector.shape_cast %get3A_472 : vector<16xi32> to vector<16xi32>
      %and3A_474 = arith.constant 65535 : i32
      %and3A_475 = vector.broadcast %and3A_474 : i32 to vector<16xi32>
      %and3A_476 = arith.andi %get3A_473, %and3A_475 : vector<16xi32>
      %swap3A_477 = arith.constant 16 : index
      %swap3A_478 = tpu.vector_load %arg12[%swap3A_477] {strides = array<i32>} : memref<64xi32, #tpu.memory_space<vmem>>, vector<16xi32>,
      %swap3A_479 = vector.shape_cast %swap3A_478 : vector<16xi32> to vector<16xi32>
      %swap3A_480 = vector.shape_cast %and3A_476 : vector<16xi32> to vector<16xi32>
      tpu.vector_store %arg12[%swap3A_477], %swap3A_480 {strides = array<i32>} : memref<64xi32, #tpu.memory_space<vmem>>, vector<16xi32>,
      %shift_right_logical3A_481 = arith.constant 16 : i32
      %shift_right_logical3A_482 = vector.broadcast %shift_right_logical3A_481 : i32 to vector<16xi32>
      %shift_right_logical3A_483 = arith.shrui %get3A_473, %shift_right_logical3A_482 : vector<16xi32>
      %swap3A_484 = arith.constant 48 : index
      %swap3A_485 = tpu.vector_load %arg12[%swap3A_484] {strides = array<i32>} : memref<64xi32, #tpu.memory_space<vmem>>, vector<16xi32>,
      %swap3A_486 = vector.shape_cast %swap3A_485 : vector<16xi32> to vector<16xi32>
      %swap3A_487 = vector.shape_cast %shift_right_logical3A_483 : vector<16xi32> to vector<16xi32>
      tpu.vector_store %arg12[%swap3A_484], %swap3A_487 {strides = array<i32>} : memref<64xi32, #tpu.memory_space<vmem>>, vector<16xi32>,
      %dma_wait3A_488 = arith.constant 0 : i32
      %dma_wait3A_489 = arith.constant 0 : i32
      %dma_wait3A_490 = tpu.memref_slice %arg2[%add3A_9, %dma_wait3A_488, %dma_wait3A_489] : memref<4x10008x128xf32, #tpu.memory_space<hbm>> -> memref<1x10008x128xf32, #tpu.memory_space<hbm>>
      %dma_wait3A_491 = tpu.memref_squeeze %dma_wait3A_490 : memref<1x10008x128xf32, #tpu.memory_space<hbm>> -> memref<10008x128xf32, #tpu.memory_space<hbm>>
      %dma_wait3A_492 = arith.constant 0 : i32
      %dma_wait3A_493 = arith.constant 0 : i32
      %dma_wait3A_494 = tpu.memref_slice %dma_wait3A_491[%dma_wait3A_492, %dma_wait3A_493] : memref<10008x128xf32, #tpu.memory_space<hbm>> -> memref<10008x128xf32, #tpu.memory_space<hbm>>
      tpu.wait_indirect_dma semaphore(%arg20 : memref<!tpu.dma_semaphore, #tpu.memory_space<semaphore_mem>>) src(%dma_wait3A_494 : memref<10008x128xf32, #tpu.memory_space<hbm>>) dst(%arg16 : memref<64x128xf32, #tpu.memory_space<vmem>>)
      %dma_start3A_495 = arith.constant 0 : i32
      %dma_start3A_496 = arith.constant 0 : i32
      %dma_start3A_497 = tpu.memref_slice %arg28[%dma_start3A_495, %dma_start3A_496] : memref<10008x128xf32, #tpu.memory_space<vmem_shared>> -> memref<10008x128xf32, #tpu.memory_space<vmem_shared>>
      tpu.enqueue_indirect_dma source(%arg16 : memref<64x128xf32, #tpu.memory_space<vmem>>) target(%dma_start3A_497 : memref<10008x128xf32, #tpu.memory_space<vmem_shared>>) offsets(%arg12 : memref<64xi32, #tpu.memory_space<vmem>>) semaphore(%arg24 : memref<!tpu.dma_semaphore, #tpu.memory_space<semaphore_mem>>) {add = true}
      %add3A_498 = arith.constant 4 : i32
      %add3A_499 = arith.addi %add3A_445, %add3A_498 : i32
      %min3A = arith.constant 159 : i32
      %min3A_500 = arith.minsi %add3A_499, %min3A : i32
      %mul3A_501 = arith.constant 32 : i32
      %mul3A_502 = arith.muli %min3A_500, %mul3A_501 : i32
      %add3A_503 = arith.constant 0 : i32
      %add3A_504 = arith.addi %mul3A_502, %add3A_503 : i32
      %get3A_505 = arith.index_cast %add3A_504 : i32 to index
      %get3A_506 = tpu.vector_load %arg6[%get3A_505] {strides = array<i32>} : memref<5120xi32, #tpu.memory_space<vmem>>, vector<16xi32>,
      %get3A_507 = vector.shape_cast %get3A_506 : vector<16xi32> to vector<16xi32>
      %and3A_508 = arith.constant 65535 : i32
      %and3A_509 = vector.broadcast %and3A_508 : i32 to vector<16xi32>
      %and3A_510 = arith.andi %get3A_507, %and3A_509 : vector<16xi32>
      %swap3A_511 = arith.constant 0 : index
      %swap3A_512 = tpu.vector_load %arg8[%swap3A_511] {strides = array<i32>} : memref<64xi32, #tpu.memory_space<vmem>>, vector<16xi32>,
      %swap3A_513 = vector.shape_cast %swap3A_512 : vector<16xi32> to vector<16xi32>
      %swap3A_514 = vector.shape_cast %and3A_510 : vector<16xi32> to vector<16xi32>
      tpu.vector_store %arg8[%swap3A_511], %swap3A_514 {strides = array<i32>} : memref<64xi32, #tpu.memory_space<vmem>>, vector<16xi32>,
      %shift_right_logical3A_515 = arith.constant 16 : i32
      %shift_right_logical3A_516 = vector.broadcast %shift_right_logical3A_515 : i32 to vector<16xi32>
      %shift_right_logical3A_517 = arith.shrui %get3A_507, %shift_right_logical3A_516 : vector<16xi32>
      %swap3A_518 = arith.constant 32 : index
      %swap3A_519 = tpu.vector_load %arg8[%swap3A_518] {strides = array<i32>} : memref<64xi32, #tpu.memory_space<vmem>>, vector<16xi32>,
      %swap3A_520 = vector.shape_cast %swap3A_519 : vector<16xi32> to vector<16xi32>
      %swap3A_521 = vector.shape_cast %shift_right_logical3A_517 : vector<16xi32> to vector<16xi32>
      tpu.vector_store %arg8[%swap3A_518], %swap3A_521 {strides = array<i32>} : memref<64xi32, #tpu.memory_space<vmem>>, vector<16xi32>,
      %mul3A_522 = arith.constant 32 : i32
      %mul3A_523 = arith.muli %min3A_500, %mul3A_522 : i32
      %add3A_524 = arith.constant 16 : i32
      %add3A_525 = arith.addi %mul3A_523, %add3A_524 : i32
      %get3A_526 = arith.index_cast %add3A_525 : i32 to index
      %get3A_527 = tpu.vector_load %arg6[%get3A_526] {strides = array<i32>} : memref<5120xi32, #tpu.memory_space<vmem>>, vector<16xi32>,
      %get3A_528 = vector.shape_cast %get3A_527 : vector<16xi32> to vector<16xi32>
      %and3A_529 = arith.constant 65535 : i32
      %and3A_530 = vector.broadcast %and3A_529 : i32 to vector<16xi32>
      %and3A_531 = arith.andi %get3A_528, %and3A_530 : vector<16xi32>
      %swap3A_532 = arith.constant 16 : index
      %swap3A_533 = tpu.vector_load %arg8[%swap3A_532] {strides = array<i32>} : memref<64xi32, #tpu.memory_space<vmem>>, vector<16xi32>,
      %swap3A_534 = vector.shape_cast %swap3A_533 : vector<16xi32> to vector<16xi32>
      %swap3A_535 = vector.shape_cast %and3A_531 : vector<16xi32> to vector<16xi32>
      tpu.vector_store %arg8[%swap3A_532], %swap3A_535 {strides = array<i32>} : memref<64xi32, #tpu.memory_space<vmem>>, vector<16xi32>,
      %shift_right_logical3A_536 = arith.constant 16 : i32
      %shift_right_logical3A_537 = vector.broadcast %shift_right_logical3A_536 : i32 to vector<16xi32>
      %shift_right_logical3A_538 = arith.shrui %get3A_528, %shift_right_logical3A_537 : vector<16xi32>
      %swap3A_539 = arith.constant 48 : index
      %swap3A_540 = tpu.vector_load %arg8[%swap3A_539] {strides = array<i32>} : memref<64xi32, #tpu.memory_space<vmem>>, vector<16xi32>,
      %swap3A_541 = vector.shape_cast %swap3A_540 : vector<16xi32> to vector<16xi32>
      %swap3A_542 = vector.shape_cast %shift_right_logical3A_538 : vector<16xi32> to vector<16xi32>
      tpu.vector_store %arg8[%swap3A_539], %swap3A_542 {strides = array<i32>} : memref<64xi32, #tpu.memory_space<vmem>>, vector<16xi32>,
      %dma_wait3A_543 = arith.constant 0 : i32
      %dma_wait3A_544 = arith.constant 0 : i32
      %dma_wait3A_545 = tpu.memref_slice %arg28[%dma_wait3A_543, %dma_wait3A_544] : memref<10008x128xf32, #tpu.memory_space<vmem_shared>> -> memref<10008x128xf32, #tpu.memory_space<vmem_shared>>
      tpu.wait_indirect_dma semaphore(%arg24 : memref<!tpu.dma_semaphore, #tpu.memory_space<semaphore_mem>>) src(%arg16 : memref<64x128xf32, #tpu.memory_space<vmem>>) dst(%dma_wait3A_545 : memref<10008x128xf32, #tpu.memory_space<vmem_shared>>)
      %dma_start3A_546 = arith.constant 0 : i32
      %dma_start3A_547 = arith.constant 0 : i32
      %dma_start3A_548 = tpu.memref_slice %arg2[%add3A_9, %dma_start3A_546, %dma_start3A_547] : memref<4x10008x128xf32, #tpu.memory_space<hbm>> -> memref<1x10008x128xf32, #tpu.memory_space<hbm>>
      %dma_start3A_549 = tpu.memref_squeeze %dma_start3A_548 : memref<1x10008x128xf32, #tpu.memory_space<hbm>> -> memref<10008x128xf32, #tpu.memory_space<hbm>>
      %dma_start3A_550 = arith.constant 0 : i32
      %dma_start3A_551 = arith.constant 0 : i32
      %dma_start3A_552 = tpu.memref_slice %dma_start3A_549[%dma_start3A_550, %dma_start3A_551] : memref<10008x128xf32, #tpu.memory_space<hbm>> -> memref<10008x128xf32, #tpu.memory_space<hbm>>
      tpu.enqueue_indirect_dma source(%dma_start3A_552 : memref<10008x128xf32, #tpu.memory_space<hbm>>) target(%arg16 : memref<64x128xf32, #tpu.memory_space<vmem>>) offsets(%arg8 : memref<64xi32, #tpu.memory_space<vmem>>) semaphore(%arg20 : memref<!tpu.dma_semaphore, #tpu.memory_space<semaphore_mem>>)
      %mul3A_553 = arith.constant 4 : i32
      %mul3A_554 = arith.muli %mul3A_553, %scan3A_441 : i32
      %add3A_555 = arith.constant 1 : i32
      %add3A_556 = arith.addi %mul3A_554, %add3A_555 : i32
      %mul3A_557 = arith.constant 32 : i32
      %mul3A_558 = arith.muli %add3A_556, %mul3A_557 : i32
      %add3A_559 = arith.constant 0 : i32
      %add3A_560 = arith.addi %mul3A_558, %add3A_559 : i32
      %get3A_561 = arith.index_cast %add3A_560 : i32 to index
      %get3A_562 = tpu.vector_load %arg7[%get3A_561] {strides = array<i32>} : memref<5120xi32, #tpu.memory_space<vmem>>, vector<16xi32>,
      %get3A_563 = vector.shape_cast %get3A_562 : vector<16xi32> to vector<16xi32>
      %and3A_564 = arith.constant 65535 : i32
      %and3A_565 = vector.broadcast %and3A_564 : i32 to vector<16xi32>
      %and3A_566 = arith.andi %get3A_563, %and3A_565 : vector<16xi32>
      %swap3A_567 = arith.constant 0 : index
      %swap3A_568 = tpu.vector_load %arg13[%swap3A_567] {strides = array<i32>} : memref<64xi32, #tpu.memory_space<vmem>>, vector<16xi32>,
      %swap3A_569 = vector.shape_cast %swap3A_568 : vector<16xi32> to vector<16xi32>
      %swap3A_570 = vector.shape_cast %and3A_566 : vector<16xi32> to vector<16xi32>
      tpu.vector_store %arg13[%swap3A_567], %swap3A_570 {strides = array<i32>} : memref<64xi32, #tpu.memory_space<vmem>>, vector<16xi32>,
      %shift_right_logical3A_571 = arith.constant 16 : i32
      %shift_right_logical3A_572 = vector.broadcast %shift_right_logical3A_571 : i32 to vector<16xi32>
      %shift_right_logical3A_573 = arith.shrui %get3A_563, %shift_right_logical3A_572 : vector<16xi32>
      %swap3A_574 = arith.constant 32 : index
      %swap3A_575 = tpu.vector_load %arg13[%swap3A_574] {strides = array<i32>} : memref<64xi32, #tpu.memory_space<vmem>>, vector<16xi32>,
      %swap3A_576 = vector.shape_cast %swap3A_575 : vector<16xi32> to vector<16xi32>
      %swap3A_577 = vector.shape_cast %shift_right_logical3A_573 : vector<16xi32> to vector<16xi32>
      tpu.vector_store %arg13[%swap3A_574], %swap3A_577 {strides = array<i32>} : memref<64xi32, #tpu.memory_space<vmem>>, vector<16xi32>,
      %mul3A_578 = arith.constant 32 : i32
      %mul3A_579 = arith.muli %add3A_556, %mul3A_578 : i32
      %add3A_580 = arith.constant 16 : i32
      %add3A_581 = arith.addi %mul3A_579, %add3A_580 : i32
      %get3A_582 = arith.index_cast %add3A_581 : i32 to index
      %get3A_583 = tpu.vector_load %arg7[%get3A_582] {strides = array<i32>} : memref<5120xi32, #tpu.memory_space<vmem>>, vector<16xi32>,
      %get3A_584 = vector.shape_cast %get3A_583 : vector<16xi32> to vector<16xi32>
      %and3A_585 = arith.constant 65535 : i32
      %and3A_586 = vector.broadcast %and3A_585 : i32 to vector<16xi32>
      %and3A_587 = arith.andi %get3A_584, %and3A_586 : vector<16xi32>
      %swap3A_588 = arith.constant 16 : index
      %swap3A_589 = tpu.vector_load %arg13[%swap3A_588] {strides = array<i32>} : memref<64xi32, #tpu.memory_space<vmem>>, vector<16xi32>,
      %swap3A_590 = vector.shape_cast %swap3A_589 : vector<16xi32> to vector<16xi32>
      %swap3A_591 = vector.shape_cast %and3A_587 : vector<16xi32> to vector<16xi32>
      tpu.vector_store %arg13[%swap3A_588], %swap3A_591 {strides = array<i32>} : memref<64xi32, #tpu.memory_space<vmem>>, vector<16xi32>,
      %shift_right_logical3A_592 = arith.constant 16 : i32
      %shift_right_logical3A_593 = vector.broadcast %shift_right_logical3A_592 : i32 to vector<16xi32>
      %shift_right_logical3A_594 = arith.shrui %get3A_584, %shift_right_logical3A_593 : vector<16xi32>
      %swap3A_595 = arith.constant 48 : index
      %swap3A_596 = tpu.vector_load %arg13[%swap3A_595] {strides = array<i32>} : memref<64xi32, #tpu.memory_space<vmem>>, vector<16xi32>,
      %swap3A_597 = vector.shape_cast %swap3A_596 : vector<16xi32> to vector<16xi32>
      %swap3A_598 = vector.shape_cast %shift_right_logical3A_594 : vector<16xi32> to vector<16xi32>
      tpu.vector_store %arg13[%swap3A_595], %swap3A_598 {strides = array<i32>} : memref<64xi32, #tpu.memory_space<vmem>>, vector<16xi32>,
      %dma_wait3A_599 = arith.constant 0 : i32
      %dma_wait3A_600 = arith.constant 0 : i32
      %dma_wait3A_601 = tpu.memref_slice %arg2[%add3A_9, %dma_wait3A_599, %dma_wait3A_600] : memref<4x10008x128xf32, #tpu.memory_space<hbm>> -> memref<1x10008x128xf32, #tpu.memory_space<hbm>>
      %dma_wait3A_602 = tpu.memref_squeeze %dma_wait3A_601 : memref<1x10008x128xf32, #tpu.memory_space<hbm>> -> memref<10008x128xf32, #tpu.memory_space<hbm>>
      %dma_wait3A_603 = arith.constant 0 : i32
      %dma_wait3A_604 = arith.constant 0 : i32
      %dma_wait3A_605 = tpu.memref_slice %dma_wait3A_602[%dma_wait3A_603, %dma_wait3A_604] : memref<10008x128xf32, #tpu.memory_space<hbm>> -> memref<10008x128xf32, #tpu.memory_space<hbm>>
      tpu.wait_indirect_dma semaphore(%arg21 : memref<!tpu.dma_semaphore, #tpu.memory_space<semaphore_mem>>) src(%dma_wait3A_605 : memref<10008x128xf32, #tpu.memory_space<hbm>>) dst(%arg17 : memref<64x128xf32, #tpu.memory_space<vmem>>)
      %dma_start3A_606 = arith.constant 0 : i32
      %dma_start3A_607 = arith.constant 0 : i32
      %dma_start3A_608 = tpu.memref_slice %arg28[%dma_start3A_606, %dma_start3A_607] : memref<10008x128xf32, #tpu.memory_space<vmem_shared>> -> memref<10008x128xf32, #tpu.memory_space<vmem_shared>>
      tpu.enqueue_indirect_dma source(%arg17 : memref<64x128xf32, #tpu.memory_space<vmem>>) target(%dma_start3A_608 : memref<10008x128xf32, #tpu.memory_space<vmem_shared>>) offsets(%arg13 : memref<64xi32, #tpu.memory_space<vmem>>) semaphore(%arg25 : memref<!tpu.dma_semaphore, #tpu.memory_space<semaphore_mem>>) {add = true}
      %add3A_609 = arith.constant 4 : i32
      %add3A_610 = arith.addi %add3A_556, %add3A_609 : i32
      %min3A_611 = arith.constant 159 : i32
      %min3A_612 = arith.minsi %add3A_610, %min3A_611 : i32
      %mul3A_613 = arith.constant 32 : i32
      %mul3A_614 = arith.muli %min3A_612, %mul3A_613 : i32
      %add3A_615 = arith.constant 0 : i32
      %add3A_616 = arith.addi %mul3A_614, %add3A_615 : i32
      %get3A_617 = arith.index_cast %add3A_616 : i32 to index
      %get3A_618 = tpu.vector_load %arg6[%get3A_617] {strides = array<i32>} : memref<5120xi32, #tpu.memory_space<vmem>>, vector<16xi32>,
      %get3A_619 = vector.shape_cast %get3A_618 : vector<16xi32> to vector<16xi32>
      %and3A_620 = arith.constant 65535 : i32
      %and3A_621 = vector.broadcast %and3A_620 : i32 to vector<16xi32>
      %and3A_622 = arith.andi %get3A_619, %and3A_621 : vector<16xi32>
      %swap3A_623 = arith.constant 0 : index
      %swap3A_624 = tpu.vector_load %arg9[%swap3A_623] {strides = array<i32>} : memref<64xi32, #tpu.memory_space<vmem>>, vector<16xi32>,
      %swap3A_625 = vector.shape_cast %swap3A_624 : vector<16xi32> to vector<16xi32>
      %swap3A_626 = vector.shape_cast %and3A_622 : vector<16xi32> to vector<16xi32>
      tpu.vector_store %arg9[%swap3A_623], %swap3A_626 {strides = array<i32>} : memref<64xi32, #tpu.memory_space<vmem>>, vector<16xi32>,
      %shift_right_logical3A_627 = arith.constant 16 : i32
      %shift_right_logical3A_628 = vector.broadcast %shift_right_logical3A_627 : i32 to vector<16xi32>
      %shift_right_logical3A_629 = arith.shrui %get3A_619, %shift_right_logical3A_628 : vector<16xi32>
      %swap3A_630 = arith.constant 32 : index
      %swap3A_631 = tpu.vector_load %arg9[%swap3A_630] {strides = array<i32>} : memref<64xi32, #tpu.memory_space<vmem>>, vector<16xi32>,
      %swap3A_632 = vector.shape_cast %swap3A_631 : vector<16xi32> to vector<16xi32>
      %swap3A_633 = vector.shape_cast %shift_right_logical3A_629 : vector<16xi32> to vector<16xi32>
      tpu.vector_store %arg9[%swap3A_630], %swap3A_633 {strides = array<i32>} : memref<64xi32, #tpu.memory_space<vmem>>, vector<16xi32>,
      %mul3A_634 = arith.constant 32 : i32
      %mul3A_635 = arith.muli %min3A_612, %mul3A_634 : i32
      %add3A_636 = arith.constant 16 : i32
      %add3A_637 = arith.addi %mul3A_635, %add3A_636 : i32
      %get3A_638 = arith.index_cast %add3A_637 : i32 to index
      %get3A_639 = tpu.vector_load %arg6[%get3A_638] {strides = array<i32>} : memref<5120xi32, #tpu.memory_space<vmem>>, vector<16xi32>,
      %get3A_640 = vector.shape_cast %get3A_639 : vector<16xi32> to vector<16xi32>
      %and3A_641 = arith.constant 65535 : i32
      %and3A_642 = vector.broadcast %and3A_641 : i32 to vector<16xi32>
      %and3A_643 = arith.andi %get3A_640, %and3A_642 : vector<16xi32>
      %swap3A_644 = arith.constant 16 : index
      %swap3A_645 = tpu.vector_load %arg9[%swap3A_644] {strides = array<i32>} : memref<64xi32, #tpu.memory_space<vmem>>, vector<16xi32>,
      %swap3A_646 = vector.shape_cast %swap3A_645 : vector<16xi32> to vector<16xi32>
      %swap3A_647 = vector.shape_cast %and3A_643 : vector<16xi32> to vector<16xi32>
      tpu.vector_store %arg9[%swap3A_644], %swap3A_647 {strides = array<i32>} : memref<64xi32, #tpu.memory_space<vmem>>, vector<16xi32>,
      %shift_right_logical3A_648 = arith.constant 16 : i32
      %shift_right_logical3A_649 = vector.broadcast %shift_right_logical3A_648 : i32 to vector<16xi32>
      %shift_right_logical3A_650 = arith.shrui %get3A_640, %shift_right_logical3A_649 : vector<16xi32>
      %swap3A_651 = arith.constant 48 : index
      %swap3A_652 = tpu.vector_load %arg9[%swap3A_651] {strides = array<i32>} : memref<64xi32, #tpu.memory_space<vmem>>, vector<16xi32>,
      %swap3A_653 = vector.shape_cast %swap3A_652 : vector<16xi32> to vector<16xi32>
      %swap3A_654 = vector.shape_cast %shift_right_logical3A_650 : vector<16xi32> to vector<16xi32>
      tpu.vector_store %arg9[%swap3A_651], %swap3A_654 {strides = array<i32>} : memref<64xi32, #tpu.memory_space<vmem>>, vector<16xi32>,
      %dma_wait3A_655 = arith.constant 0 : i32
      %dma_wait3A_656 = arith.constant 0 : i32
      %dma_wait3A_657 = tpu.memref_slice %arg28[%dma_wait3A_655, %dma_wait3A_656] : memref<10008x128xf32, #tpu.memory_space<vmem_shared>> -> memref<10008x128xf32, #tpu.memory_space<vmem_shared>>
      tpu.wait_indirect_dma semaphore(%arg25 : memref<!tpu.dma_semaphore, #tpu.memory_space<semaphore_mem>>) src(%arg17 : memref<64x128xf32, #tpu.memory_space<vmem>>) dst(%dma_wait3A_657 : memref<10008x128xf32, #tpu.memory_space<vmem_shared>>)
      %dma_start3A_658 = arith.constant 0 : i32
      %dma_start3A_659 = arith.constant 0 : i32
      %dma_start3A_660 = tpu.memref_slice %arg2[%add3A_9, %dma_start3A_658, %dma_start3A_659] : memref<4x10008x128xf32, #tpu.memory_space<hbm>> -> memref<1x10008x128xf32, #tpu.memory_space<hbm>>
      %dma_start3A_661 = tpu.memref_squeeze %dma_start3A_660 : memref<1x10008x128xf32, #tpu.memory_space<hbm>> -> memref<10008x128xf32, #tpu.memory_space<hbm>>
      %dma_start3A_662 = arith.constant 0 : i32
      %dma_start3A_663 = arith.constant 0 : i32
      %dma_start3A_664 = tpu.memref_slice %dma_start3A_661[%dma_start3A_662, %dma_start3A_663] : memref<10008x128xf32, #tpu.memory_space<hbm>> -> memref<10008x128xf32, #tpu.memory_space<hbm>>
      tpu.enqueue_indirect_dma source(%dma_start3A_664 : memref<10008x128xf32, #tpu.memory_space<hbm>>) target(%arg17 : memref<64x128xf32, #tpu.memory_space<vmem>>) offsets(%arg9 : memref<64xi32, #tpu.memory_space<vmem>>) semaphore(%arg21 : memref<!tpu.dma_semaphore, #tpu.memory_space<semaphore_mem>>)
      %mul3A_665 = arith.constant 4 : i32
      %mul3A_666 = arith.muli %mul3A_665, %scan3A_441 : i32
      %add3A_667 = arith.constant 2 : i32
      %add3A_668 = arith.addi %mul3A_666, %add3A_667 : i32
      %mul3A_669 = arith.constant 32 : i32
      %mul3A_670 = arith.muli %add3A_668, %mul3A_669 : i32
      %add3A_671 = arith.constant 0 : i32
      %add3A_672 = arith.addi %mul3A_670, %add3A_671 : i32
      %get3A_673 = arith.index_cast %add3A_672 : i32 to index
      %get3A_674 = tpu.vector_load %arg7[%get3A_673] {strides = array<i32>} : memref<5120xi32, #tpu.memory_space<vmem>>, vector<16xi32>,
      %get3A_675 = vector.shape_cast %get3A_674 : vector<16xi32> to vector<16xi32>
      %and3A_676 = arith.constant 65535 : i32
      %and3A_677 = vector.broadcast %and3A_676 : i32 to vector<16xi32>
      %and3A_678 = arith.andi %get3A_675, %and3A_677 : vector<16xi32>
      %swap3A_679 = arith.constant 0 : index
      %swap3A_680 = tpu.vector_load %arg14[%swap3A_679] {strides = array<i32>} : memref<64xi32, #tpu.memory_space<vmem>>, vector<16xi32>,
      %swap3A_681 = vector.shape_cast %swap3A_680 : vector<16xi32> to vector<16xi32>
      %swap3A_682 = vector.shape_cast %and3A_678 : vector<16xi32> to vector<16xi32>
      tpu.vector_store %arg14[%swap3A_679], %swap3A_682 {strides = array<i32>} : memref<64xi32, #tpu.memory_space<vmem>>, vector<16xi32>,
      %shift_right_logical3A_683 = arith.constant 16 : i32
      %shift_right_logical3A_684 = vector.broadcast %shift_right_logical3A_683 : i32 to vector<16xi32>
      %shift_right_logical3A_685 = arith.shrui %get3A_675, %shift_right_logical3A_684 : vector<16xi32>
      %swap3A_686 = arith.constant 32 : index
      %swap3A_687 = tpu.vector_load %arg14[%swap3A_686] {strides = array<i32>} : memref<64xi32, #tpu.memory_space<vmem>>, vector<16xi32>,
      %swap3A_688 = vector.shape_cast %swap3A_687 : vector<16xi32> to vector<16xi32>
      %swap3A_689 = vector.shape_cast %shift_right_logical3A_685 : vector<16xi32> to vector<16xi32>
      tpu.vector_store %arg14[%swap3A_686], %swap3A_689 {strides = array<i32>} : memref<64xi32, #tpu.memory_space<vmem>>, vector<16xi32>,
      %mul3A_690 = arith.constant 32 : i32
      %mul3A_691 = arith.muli %add3A_668, %mul3A_690 : i32
      %add3A_692 = arith.constant 16 : i32
      %add3A_693 = arith.addi %mul3A_691, %add3A_692 : i32
      %get3A_694 = arith.index_cast %add3A_693 : i32 to index
      %get3A_695 = tpu.vector_load %arg7[%get3A_694] {strides = array<i32>} : memref<5120xi32, #tpu.memory_space<vmem>>, vector<16xi32>,
      %get3A_696 = vector.shape_cast %get3A_695 : vector<16xi32> to vector<16xi32>
      %and3A_697 = arith.constant 65535 : i32
      %and3A_698 = vector.broadcast %and3A_697 : i32 to vector<16xi32>
      %and3A_699 = arith.andi %get3A_696, %and3A_698 : vector<16xi32>
      %swap3A_700 = arith.constant 16 : index
      %swap3A_701 = tpu.vector_load %arg14[%swap3A_700] {strides = array<i32>} : memref<64xi32, #tpu.memory_space<vmem>>, vector<16xi32>,
      %swap3A_702 = vector.shape_cast %swap3A_701 : vector<16xi32> to vector<16xi32>
      %swap3A_703 = vector.shape_cast %and3A_699 : vector<16xi32> to vector<16xi32>
      tpu.vector_store %arg14[%swap3A_700], %swap3A_703 {strides = array<i32>} : memref<64xi32, #tpu.memory_space<vmem>>, vector<16xi32>,
      %shift_right_logical3A_704 = arith.constant 16 : i32
      %shift_right_logical3A_705 = vector.broadcast %shift_right_logical3A_704 : i32 to vector<16xi32>
      %shift_right_logical3A_706 = arith.shrui %get3A_696, %shift_right_logical3A_705 : vector<16xi32>
      %swap3A_707 = arith.constant 48 : index
      %swap3A_708 = tpu.vector_load %arg14[%swap3A_707] {strides = array<i32>} : memref<64xi32, #tpu.memory_space<vmem>>, vector<16xi32>,
      %swap3A_709 = vector.shape_cast %swap3A_708 : vector<16xi32> to vector<16xi32>
      %swap3A_710 = vector.shape_cast %shift_right_logical3A_706 : vector<16xi32> to vector<16xi32>
      tpu.vector_store %arg14[%swap3A_707], %swap3A_710 {strides = array<i32>} : memref<64xi32, #tpu.memory_space<vmem>>, vector<16xi32>,
      %dma_wait3A_711 = arith.constant 0 : i32
      %dma_wait3A_712 = arith.constant 0 : i32
      %dma_wait3A_713 = tpu.memref_slice %arg2[%add3A_9, %dma_wait3A_711, %dma_wait3A_712] : memref<4x10008x128xf32, #tpu.memory_space<hbm>> -> memref<1x10008x128xf32, #tpu.memory_space<hbm>>
      %dma_wait3A_714 = tpu.memref_squeeze %dma_wait3A_713 : memref<1x10008x128xf32, #tpu.memory_space<hbm>> -> memref<10008x128xf32, #tpu.memory_space<hbm>>
      %dma_wait3A_715 = arith.constant 0 : i32
      %dma_wait3A_716 = arith.constant 0 : i32
      %dma_wait3A_717 = tpu.memref_slice %dma_wait3A_714[%dma_wait3A_715, %dma_wait3A_716] : memref<10008x128xf32, #tpu.memory_space<hbm>> -> memref<10008x128xf32, #tpu.memory_space<hbm>>
      tpu.wait_indirect_dma semaphore(%arg22 : memref<!tpu.dma_semaphore, #tpu.memory_space<semaphore_mem>>) src(%dma_wait3A_717 : memref<10008x128xf32, #tpu.memory_space<hbm>>) dst(%arg18 : memref<64x128xf32, #tpu.memory_space<vmem>>)
      %dma_start3A_718 = arith.constant 0 : i32
      %dma_start3A_719 = arith.constant 0 : i32
      %dma_start3A_720 = tpu.memref_slice %arg28[%dma_start3A_718, %dma_start3A_719] : memref<10008x128xf32, #tpu.memory_space<vmem_shared>> -> memref<10008x128xf32, #tpu.memory_space<vmem_shared>>
      tpu.enqueue_indirect_dma source(%arg18 : memref<64x128xf32, #tpu.memory_space<vmem>>) target(%dma_start3A_720 : memref<10008x128xf32, #tpu.memory_space<vmem_shared>>) offsets(%arg14 : memref<64xi32, #tpu.memory_space<vmem>>) semaphore(%arg26 : memref<!tpu.dma_semaphore, #tpu.memory_space<semaphore_mem>>) {add = true}
      %add3A_721 = arith.constant 4 : i32
      %add3A_722 = arith.addi %add3A_668, %add3A_721 : i32
      %min3A_723 = arith.constant 159 : i32
      %min3A_724 = arith.minsi %add3A_722, %min3A_723 : i32
      %mul3A_725 = arith.constant 32 : i32
      %mul3A_726 = arith.muli %min3A_724, %mul3A_725 : i32
      %add3A_727 = arith.constant 0 : i32
      %add3A_728 = arith.addi %mul3A_726, %add3A_727 : i32
      %get3A_729 = arith.index_cast %add3A_728 : i32 to index
      %get3A_730 = tpu.vector_load %arg6[%get3A_729] {strides = array<i32>} : memref<5120xi32, #tpu.memory_space<vmem>>, vector<16xi32>,
      %get3A_731 = vector.shape_cast %get3A_730 : vector<16xi32> to vector<16xi32>
      %and3A_732 = arith.constant 65535 : i32
      %and3A_733 = vector.broadcast %and3A_732 : i32 to vector<16xi32>
      %and3A_734 = arith.andi %get3A_731, %and3A_733 : vector<16xi32>
      %swap3A_735 = arith.constant 0 : index
      %swap3A_736 = tpu.vector_load %arg10[%swap3A_735] {strides = array<i32>} : memref<64xi32, #tpu.memory_space<vmem>>, vector<16xi32>,
      %swap3A_737 = vector.shape_cast %swap3A_736 : vector<16xi32> to vector<16xi32>
      %swap3A_738 = vector.shape_cast %and3A_734 : vector<16xi32> to vector<16xi32>
      tpu.vector_store %arg10[%swap3A_735], %swap3A_738 {strides = array<i32>} : memref<64xi32, #tpu.memory_space<vmem>>, vector<16xi32>,
      %shift_right_logical3A_739 = arith.constant 16 : i32
      %shift_right_logical3A_740 = vector.broadcast %shift_right_logical3A_739 : i32 to vector<16xi32>
      %shift_right_logical3A_741 = arith.shrui %get3A_731, %shift_right_logical3A_740 : vector<16xi32>
      %swap3A_742 = arith.constant 32 : index
      %swap3A_743 = tpu.vector_load %arg10[%swap3A_742] {strides = array<i32>} : memref<64xi32, #tpu.memory_space<vmem>>, vector<16xi32>,
      %swap3A_744 = vector.shape_cast %swap3A_743 : vector<16xi32> to vector<16xi32>
      %swap3A_745 = vector.shape_cast %shift_right_logical3A_741 : vector<16xi32> to vector<16xi32>
      tpu.vector_store %arg10[%swap3A_742], %swap3A_745 {strides = array<i32>} : memref<64xi32, #tpu.memory_space<vmem>>, vector<16xi32>,
      %mul3A_746 = arith.constant 32 : i32
      %mul3A_747 = arith.muli %min3A_724, %mul3A_746 : i32
      %add3A_748 = arith.constant 16 : i32
      %add3A_749 = arith.addi %mul3A_747, %add3A_748 : i32
      %get3A_750 = arith.index_cast %add3A_749 : i32 to index
      %get3A_751 = tpu.vector_load %arg6[%get3A_750] {strides = array<i32>} : memref<5120xi32, #tpu.memory_space<vmem>>, vector<16xi32>,
      %get3A_752 = vector.shape_cast %get3A_751 : vector<16xi32> to vector<16xi32>
      %and3A_753 = arith.constant 65535 : i32
      %and3A_754 = vector.broadcast %and3A_753 : i32 to vector<16xi32>
      %and3A_755 = arith.andi %get3A_752, %and3A_754 : vector<16xi32>
      %swap3A_756 = arith.constant 16 : index
      %swap3A_757 = tpu.vector_load %arg10[%swap3A_756] {strides = array<i32>} : memref<64xi32, #tpu.memory_space<vmem>>, vector<16xi32>,
      %swap3A_758 = vector.shape_cast %swap3A_757 : vector<16xi32> to vector<16xi32>
      %swap3A_759 = vector.shape_cast %and3A_755 : vector<16xi32> to vector<16xi32>
      tpu.vector_store %arg10[%swap3A_756], %swap3A_759 {strides = array<i32>} : memref<64xi32, #tpu.memory_space<vmem>>, vector<16xi32>,
      %shift_right_logical3A_760 = arith.constant 16 : i32
      %shift_right_logical3A_761 = vector.broadcast %shift_right_logical3A_760 : i32 to vector<16xi32>
      %shift_right_logical3A_762 = arith.shrui %get3A_752, %shift_right_logical3A_761 : vector<16xi32>
      %swap3A_763 = arith.constant 48 : index
      %swap3A_764 = tpu.vector_load %arg10[%swap3A_763] {strides = array<i32>} : memref<64xi32, #tpu.memory_space<vmem>>, vector<16xi32>,
      %swap3A_765 = vector.shape_cast %swap3A_764 : vector<16xi32> to vector<16xi32>
      %swap3A_766 = vector.shape_cast %shift_right_logical3A_762 : vector<16xi32> to vector<16xi32>
      tpu.vector_store %arg10[%swap3A_763], %swap3A_766 {strides = array<i32>} : memref<64xi32, #tpu.memory_space<vmem>>, vector<16xi32>,
      %dma_wait3A_767 = arith.constant 0 : i32
      %dma_wait3A_768 = arith.constant 0 : i32
      %dma_wait3A_769 = tpu.memref_slice %arg28[%dma_wait3A_767, %dma_wait3A_768] : memref<10008x128xf32, #tpu.memory_space<vmem_shared>> -> memref<10008x128xf32, #tpu.memory_space<vmem_shared>>
      tpu.wait_indirect_dma semaphore(%arg26 : memref<!tpu.dma_semaphore, #tpu.memory_space<semaphore_mem>>) src(%arg18 : memref<64x128xf32, #tpu.memory_space<vmem>>) dst(%dma_wait3A_769 : memref<10008x128xf32, #tpu.memory_space<vmem_shared>>)
      %dma_start3A_770 = arith.constant 0 : i32
      %dma_start3A_771 = arith.constant 0 : i32
      %dma_start3A_772 = tpu.memref_slice %arg2[%add3A_9, %dma_start3A_770, %dma_start3A_771] : memref<4x10008x128xf32, #tpu.memory_space<hbm>> -> memref<1x10008x128xf32, #tpu.memory_space<hbm>>
      %dma_start3A_773 = tpu.memref_squeeze %dma_start3A_772 : memref<1x10008x128xf32, #tpu.memory_space<hbm>> -> memref<10008x128xf32, #tpu.memory_space<hbm>>
      %dma_start3A_774 = arith.constant 0 : i32
      %dma_start3A_775 = arith.constant 0 : i32
      %dma_start3A_776 = tpu.memref_slice %dma_start3A_773[%dma_start3A_774, %dma_start3A_775] : memref<10008x128xf32, #tpu.memory_space<hbm>> -> memref<10008x128xf32, #tpu.memory_space<hbm>>
      tpu.enqueue_indirect_dma source(%dma_start3A_776 : memref<10008x128xf32, #tpu.memory_space<hbm>>) target(%arg18 : memref<64x128xf32, #tpu.memory_space<vmem>>) offsets(%arg10 : memref<64xi32, #tpu.memory_space<vmem>>) semaphore(%arg22 : memref<!tpu.dma_semaphore, #tpu.memory_space<semaphore_mem>>)
      %mul3A_777 = arith.constant 4 : i32
      %mul3A_778 = arith.muli %mul3A_777, %scan3A_441 : i32
      %add3A_779 = arith.constant 3 : i32
      %add3A_780 = arith.addi %mul3A_778, %add3A_779 : i32
      %mul3A_781 = arith.constant 32 : i32
      %mul3A_782 = arith.muli %add3A_780, %mul3A_781 : i32
      %add3A_783 = arith.constant 0 : i32
      %add3A_784 = arith.addi %mul3A_782, %add3A_783 : i32
      %get3A_785 = arith.index_cast %add3A_784 : i32 to index
      %get3A_786 = tpu.vector_load %arg7[%get3A_785] {strides = array<i32>} : memref<5120xi32, #tpu.memory_space<vmem>>, vector<16xi32>,
      %get3A_787 = vector.shape_cast %get3A_786 : vector<16xi32> to vector<16xi32>
      %and3A_788 = arith.constant 65535 : i32
      %and3A_789 = vector.broadcast %and3A_788 : i32 to vector<16xi32>
      %and3A_790 = arith.andi %get3A_787, %and3A_789 : vector<16xi32>
      %swap3A_791 = arith.constant 0 : index
      %swap3A_792 = tpu.vector_load %arg15[%swap3A_791] {strides = array<i32>} : memref<64xi32, #tpu.memory_space<vmem>>, vector<16xi32>,
      %swap3A_793 = vector.shape_cast %swap3A_792 : vector<16xi32> to vector<16xi32>
      %swap3A_794 = vector.shape_cast %and3A_790 : vector<16xi32> to vector<16xi32>
      tpu.vector_store %arg15[%swap3A_791], %swap3A_794 {strides = array<i32>} : memref<64xi32, #tpu.memory_space<vmem>>, vector<16xi32>,
      %shift_right_logical3A_795 = arith.constant 16 : i32
      %shift_right_logical3A_796 = vector.broadcast %shift_right_logical3A_795 : i32 to vector<16xi32>
      %shift_right_logical3A_797 = arith.shrui %get3A_787, %shift_right_logical3A_796 : vector<16xi32>
      %swap3A_798 = arith.constant 32 : index
      %swap3A_799 = tpu.vector_load %arg15[%swap3A_798] {strides = array<i32>} : memref<64xi32, #tpu.memory_space<vmem>>, vector<16xi32>,
      %swap3A_800 = vector.shape_cast %swap3A_799 : vector<16xi32> to vector<16xi32>
      %swap3A_801 = vector.shape_cast %shift_right_logical3A_797 : vector<16xi32> to vector<16xi32>
      tpu.vector_store %arg15[%swap3A_798], %swap3A_801 {strides = array<i32>} : memref<64xi32, #tpu.memory_space<vmem>>, vector<16xi32>,
      %mul3A_802 = arith.constant 32 : i32
      %mul3A_803 = arith.muli %add3A_780, %mul3A_802 : i32
      %add3A_804 = arith.constant 16 : i32
      %add3A_805 = arith.addi %mul3A_803, %add3A_804 : i32
      %get3A_806 = arith.index_cast %add3A_805 : i32 to index
      %get3A_807 = tpu.vector_load %arg7[%get3A_806] {strides = array<i32>} : memref<5120xi32, #tpu.memory_space<vmem>>, vector<16xi32>,
      %get3A_808 = vector.shape_cast %get3A_807 : vector<16xi32> to vector<16xi32>
      %and3A_809 = arith.constant 65535 : i32
      %and3A_810 = vector.broadcast %and3A_809 : i32 to vector<16xi32>
      %and3A_811 = arith.andi %get3A_808, %and3A_810 : vector<16xi32>
      %swap3A_812 = arith.constant 16 : index
      %swap3A_813 = tpu.vector_load %arg15[%swap3A_812] {strides = array<i32>} : memref<64xi32, #tpu.memory_space<vmem>>, vector<16xi32>,
      %swap3A_814 = vector.shape_cast %swap3A_813 : vector<16xi32> to vector<16xi32>
      %swap3A_815 = vector.shape_cast %and3A_811 : vector<16xi32> to vector<16xi32>
      tpu.vector_store %arg15[%swap3A_812], %swap3A_815 {strides = array<i32>} : memref<64xi32, #tpu.memory_space<vmem>>, vector<16xi32>,
      %shift_right_logical3A_816 = arith.constant 16 : i32
      %shift_right_logical3A_817 = vector.broadcast %shift_right_logical3A_816 : i32 to vector<16xi32>
      %shift_right_logical3A_818 = arith.shrui %get3A_808, %shift_right_logical3A_817 : vector<16xi32>
      %swap3A_819 = arith.constant 48 : index
      %swap3A_820 = tpu.vector_load %arg15[%swap3A_819] {strides = array<i32>} : memref<64xi32, #tpu.memory_space<vmem>>, vector<16xi32>,
      %swap3A_821 = vector.shape_cast %swap3A_820 : vector<16xi32> to vector<16xi32>
      %swap3A_822 = vector.shape_cast %shift_right_logical3A_818 : vector<16xi32> to vector<16xi32>
      tpu.vector_store %arg15[%swap3A_819], %swap3A_822 {strides = array<i32>} : memref<64xi32, #tpu.memory_space<vmem>>, vector<16xi32>,
      %dma_wait3A_823 = arith.constant 0 : i32
      %dma_wait3A_824 = arith.constant 0 : i32
      %dma_wait3A_825 = tpu.memref_slice %arg2[%add3A_9, %dma_wait3A_823, %dma_wait3A_824] : memref<4x10008x128xf32, #tpu.memory_space<hbm>> -> memref<1x10008x128xf32, #tpu.memory_space<hbm>>
      %dma_wait3A_826 = tpu.memref_squeeze %dma_wait3A_825 : memref<1x10008x128xf32, #tpu.memory_space<hbm>> -> memref<10008x128xf32, #tpu.memory_space<hbm>>
      %dma_wait3A_827 = arith.constant 0 : i32
      %dma_wait3A_828 = arith.constant 0 : i32
      %dma_wait3A_829 = tpu.memref_slice %dma_wait3A_826[%dma_wait3A_827, %dma_wait3A_828] : memref<10008x128xf32, #tpu.memory_space<hbm>> -> memref<10008x128xf32, #tpu.memory_space<hbm>>
      tpu.wait_indirect_dma semaphore(%arg23 : memref<!tpu.dma_semaphore, #tpu.memory_space<semaphore_mem>>) src(%dma_wait3A_829 : memref<10008x128xf32, #tpu.memory_space<hbm>>) dst(%arg19 : memref<64x128xf32, #tpu.memory_space<vmem>>)
      %dma_start3A_830 = arith.constant 0 : i32
      %dma_start3A_831 = arith.constant 0 : i32
      %dma_start3A_832 = tpu.memref_slice %arg28[%dma_start3A_830, %dma_start3A_831] : memref<10008x128xf32, #tpu.memory_space<vmem_shared>> -> memref<10008x128xf32, #tpu.memory_space<vmem_shared>>
      tpu.enqueue_indirect_dma source(%arg19 : memref<64x128xf32, #tpu.memory_space<vmem>>) target(%dma_start3A_832 : memref<10008x128xf32, #tpu.memory_space<vmem_shared>>) offsets(%arg15 : memref<64xi32, #tpu.memory_space<vmem>>) semaphore(%arg27 : memref<!tpu.dma_semaphore, #tpu.memory_space<semaphore_mem>>) {add = true}
      %add3A_833 = arith.constant 4 : i32
      %add3A_834 = arith.addi %add3A_780, %add3A_833 : i32
      %min3A_835 = arith.constant 159 : i32
      %min3A_836 = arith.minsi %add3A_834, %min3A_835 : i32
      %mul3A_837 = arith.constant 32 : i32
      %mul3A_838 = arith.muli %min3A_836, %mul3A_837 : i32
      %add3A_839 = arith.constant 0 : i32
      %add3A_840 = arith.addi %mul3A_838, %add3A_839 : i32
      %get3A_841 = arith.index_cast %add3A_840 : i32 to index
      %get3A_842 = tpu.vector_load %arg6[%get3A_841] {strides = array<i32>} : memref<5120xi32, #tpu.memory_space<vmem>>, vector<16xi32>,
      %get3A_843 = vector.shape_cast %get3A_842 : vector<16xi32> to vector<16xi32>
      %and3A_844 = arith.constant 65535 : i32
      %and3A_845 = vector.broadcast %and3A_844 : i32 to vector<16xi32>
      %and3A_846 = arith.andi %get3A_843, %and3A_845 : vector<16xi32>
      %swap3A_847 = arith.constant 0 : index
      %swap3A_848 = tpu.vector_load %arg11[%swap3A_847] {strides = array<i32>} : memref<64xi32, #tpu.memory_space<vmem>>, vector<16xi32>,
      %swap3A_849 = vector.shape_cast %swap3A_848 : vector<16xi32> to vector<16xi32>
      %swap3A_850 = vector.shape_cast %and3A_846 : vector<16xi32> to vector<16xi32>
      tpu.vector_store %arg11[%swap3A_847], %swap3A_850 {strides = array<i32>} : memref<64xi32, #tpu.memory_space<vmem>>, vector<16xi32>,
      %shift_right_logical3A_851 = arith.constant 16 : i32
      %shift_right_logical3A_852 = vector.broadcast %shift_right_logical3A_851 : i32 to vector<16xi32>
      %shift_right_logical3A_853 = arith.shrui %get3A_843, %shift_right_logical3A_852 : vector<16xi32>
      %swap3A_854 = arith.constant 32 : index
      %swap3A_855 = tpu.vector_load %arg11[%swap3A_854] {strides = array<i32>} : memref<64xi32, #tpu.memory_space<vmem>>, vector<16xi32>,
      %swap3A_856 = vector.shape_cast %swap3A_855 : vector<16xi32> to vector<16xi32>
      %swap3A_857 = vector.shape_cast %shift_right_logical3A_853 : vector<16xi32> to vector<16xi32>
      tpu.vector_store %arg11[%swap3A_854], %swap3A_857 {strides = array<i32>} : memref<64xi32, #tpu.memory_space<vmem>>, vector<16xi32>,
      %mul3A_858 = arith.constant 32 : i32
      %mul3A_859 = arith.muli %min3A_836, %mul3A_858 : i32
      %add3A_860 = arith.constant 16 : i32
      %add3A_861 = arith.addi %mul3A_859, %add3A_860 : i32
      %get3A_862 = arith.index_cast %add3A_861 : i32 to index
      %get3A_863 = tpu.vector_load %arg6[%get3A_862] {strides = array<i32>} : memref<5120xi32, #tpu.memory_space<vmem>>, vector<16xi32>,
      %get3A_864 = vector.shape_cast %get3A_863 : vector<16xi32> to vector<16xi32>
      %and3A_865 = arith.constant 65535 : i32
      %and3A_866 = vector.broadcast %and3A_865 : i32 to vector<16xi32>
      %and3A_867 = arith.andi %get3A_864, %and3A_866 : vector<16xi32>
      %swap3A_868 = arith.constant 16 : index
      %swap3A_869 = tpu.vector_load %arg11[%swap3A_868] {strides = array<i32>} : memref<64xi32, #tpu.memory_space<vmem>>, vector<16xi32>,
      %swap3A_870 = vector.shape_cast %swap3A_869 : vector<16xi32> to vector<16xi32>
      %swap3A_871 = vector.shape_cast %and3A_867 : vector<16xi32> to vector<16xi32>
      tpu.vector_store %arg11[%swap3A_868], %swap3A_871 {strides = array<i32>} : memref<64xi32, #tpu.memory_space<vmem>>, vector<16xi32>,
      %shift_right_logical3A_872 = arith.constant 16 : i32
      %shift_right_logical3A_873 = vector.broadcast %shift_right_logical3A_872 : i32 to vector<16xi32>
      %shift_right_logical3A_874 = arith.shrui %get3A_864, %shift_right_logical3A_873 : vector<16xi32>
      %swap3A_875 = arith.constant 48 : index
      %swap3A_876 = tpu.vector_load %arg11[%swap3A_875] {strides = array<i32>} : memref<64xi32, #tpu.memory_space<vmem>>, vector<16xi32>,
      %swap3A_877 = vector.shape_cast %swap3A_876 : vector<16xi32> to vector<16xi32>
      %swap3A_878 = vector.shape_cast %shift_right_logical3A_874 : vector<16xi32> to vector<16xi32>
      tpu.vector_store %arg11[%swap3A_875], %swap3A_878 {strides = array<i32>} : memref<64xi32, #tpu.memory_space<vmem>>, vector<16xi32>,
      %dma_wait3A_879 = arith.constant 0 : i32
      %dma_wait3A_880 = arith.constant 0 : i32
      %dma_wait3A_881 = tpu.memref_slice %arg28[%dma_wait3A_879, %dma_wait3A_880] : memref<10008x128xf32, #tpu.memory_space<vmem_shared>> -> memref<10008x128xf32, #tpu.memory_space<vmem_shared>>
      tpu.wait_indirect_dma semaphore(%arg27 : memref<!tpu.dma_semaphore, #tpu.memory_space<semaphore_mem>>) src(%arg19 : memref<64x128xf32, #tpu.memory_space<vmem>>) dst(%dma_wait3A_881 : memref<10008x128xf32, #tpu.memory_space<vmem_shared>>)
      %dma_start3A_882 = arith.constant 0 : i32
      %dma_start3A_883 = arith.constant 0 : i32
      %dma_start3A_884 = tpu.memref_slice %arg2[%add3A_9, %dma_start3A_882, %dma_start3A_883] : memref<4x10008x128xf32, #tpu.memory_space<hbm>> -> memref<1x10008x128xf32, #tpu.memory_space<hbm>>
      %dma_start3A_885 = tpu.memref_squeeze %dma_start3A_884 : memref<1x10008x128xf32, #tpu.memory_space<hbm>> -> memref<10008x128xf32, #tpu.memory_space<hbm>>
      %dma_start3A_886 = arith.constant 0 : i32
      %dma_start3A_887 = arith.constant 0 : i32
      %dma_start3A_888 = tpu.memref_slice %dma_start3A_885[%dma_start3A_886, %dma_start3A_887] : memref<10008x128xf32, #tpu.memory_space<hbm>> -> memref<10008x128xf32, #tpu.memory_space<hbm>>
      tpu.enqueue_indirect_dma source(%dma_start3A_888 : memref<10008x128xf32, #tpu.memory_space<hbm>>) target(%arg19 : memref<64x128xf32, #tpu.memory_space<vmem>>) offsets(%arg11 : memref<64xi32, #tpu.memory_space<vmem>>) semaphore(%arg23 : memref<!tpu.dma_semaphore, #tpu.memory_space<semaphore_mem>>)
    }
    %scan3A_179 = arith.constant 40 : i32
    %dma_wait3A = arith.constant 0 : i32
    %dma_wait3A_180 = arith.constant 0 : i32
    %dma_wait3A_181 = tpu.memref_slice %arg2[%add3A_9, %dma_wait3A, %dma_wait3A_180] : memref<4x10008x128xf32, #tpu.memory_space<hbm>> -> memref<1x10008x128xf32, #tpu.memory_space<hbm>>
    %dma_wait3A_182 = tpu.memref_squeeze %dma_wait3A_181 : memref<1x10008x128xf32, #tpu.memory_space<hbm>> -> memref<10008x128xf32, #tpu.memory_space<hbm>>
    %dma_wait3A_183 = arith.constant 0 : i32
    %dma_wait3A_184 = arith.constant 0 : i32
    %dma_wait3A_185 = tpu.memref_slice %dma_wait3A_182[%dma_wait3A_183, %dma_wait3A_184] : memref<10008x128xf32, #tpu.memory_space<hbm>> -> memref<10008x128xf32, #tpu.memory_space<hbm>>
    tpu.wait_indirect_dma semaphore(%arg20 : memref<!tpu.dma_semaphore, #tpu.memory_space<semaphore_mem>>) src(%dma_wait3A_185 : memref<10008x128xf32, #tpu.memory_space<hbm>>) dst(%arg16 : memref<64x128xf32, #tpu.memory_space<vmem>>)
    %dma_wait3A_186 = arith.constant 0 : i32
    %dma_wait3A_187 = arith.constant 0 : i32
    %dma_wait3A_188 = tpu.memref_slice %arg2[%add3A_9, %dma_wait3A_186, %dma_wait3A_187] : memref<4x10008x128xf32, #tpu.memory_space<hbm>> -> memref<1x10008x128xf32, #tpu.memory_space<hbm>>
    %dma_wait3A_189 = tpu.memref_squeeze %dma_wait3A_188 : memref<1x10008x128xf32, #tpu.memory_space<hbm>> -> memref<10008x128xf32, #tpu.memory_space<hbm>>
    %dma_wait3A_190 = arith.constant 0 : i32
    %dma_wait3A_191 = arith.constant 0 : i32
    %dma_wait3A_192 = tpu.memref_slice %dma_wait3A_189[%dma_wait3A_190, %dma_wait3A_191] : memref<10008x128xf32, #tpu.memory_space<hbm>> -> memref<10008x128xf32, #tpu.memory_space<hbm>>
    tpu.wait_indirect_dma semaphore(%arg21 : memref<!tpu.dma_semaphore, #tpu.memory_space<semaphore_mem>>) src(%dma_wait3A_192 : memref<10008x128xf32, #tpu.memory_space<hbm>>) dst(%arg17 : memref<64x128xf32, #tpu.memory_space<vmem>>)
    %dma_wait3A_193 = arith.constant 0 : i32
    %dma_wait3A_194 = arith.constant 0 : i32
    %dma_wait3A_195 = tpu.memref_slice %arg2[%add3A_9, %dma_wait3A_193, %dma_wait3A_194] : memref<4x10008x128xf32, #tpu.memory_space<hbm>> -> memref<1x10008x128xf32, #tpu.memory_space<hbm>>
    %dma_wait3A_196 = tpu.memref_squeeze %dma_wait3A_195 : memref<1x10008x128xf32, #tpu.memory_space<hbm>> -> memref<10008x128xf32, #tpu.memory_space<hbm>>
    %dma_wait3A_197 = arith.constant 0 : i32
    %dma_wait3A_198 = arith.constant 0 : i32
    %dma_wait3A_199 = tpu.memref_slice %dma_wait3A_196[%dma_wait3A_197, %dma_wait3A_198] : memref<10008x128xf32, #tpu.memory_space<hbm>> -> memref<10008x128xf32, #tpu.memory_space<hbm>>
    tpu.wait_indirect_dma semaphore(%arg22 : memref<!tpu.dma_semaphore, #tpu.memory_space<semaphore_mem>>) src(%dma_wait3A_199 : memref<10008x128xf32, #tpu.memory_space<hbm>>) dst(%arg18 : memref<64x128xf32, #tpu.memory_space<vmem>>)
    %dma_wait3A_200 = arith.constant 0 : i32
    %dma_wait3A_201 = arith.constant 0 : i32
    %dma_wait3A_202 = tpu.memref_slice %arg2[%add3A_9, %dma_wait3A_200, %dma_wait3A_201] : memref<4x10008x128xf32, #tpu.memory_space<hbm>> -> memref<1x10008x128xf32, #tpu.memory_space<hbm>>
    %dma_wait3A_203 = tpu.memref_squeeze %dma_wait3A_202 : memref<1x10008x128xf32, #tpu.memory_space<hbm>> -> memref<10008x128xf32, #tpu.memory_space<hbm>>
    %dma_wait3A_204 = arith.constant 0 : i32
    %dma_wait3A_205 = arith.constant 0 : i32
    %dma_wait3A_206 = tpu.memref_slice %dma_wait3A_203[%dma_wait3A_204, %dma_wait3A_205] : memref<10008x128xf32, #tpu.memory_space<hbm>> -> memref<10008x128xf32, #tpu.memory_space<hbm>>
    tpu.wait_indirect_dma semaphore(%arg23 : memref<!tpu.dma_semaphore, #tpu.memory_space<semaphore_mem>>) src(%dma_wait3A_206 : memref<10008x128xf32, #tpu.memory_space<hbm>>) dst(%arg19 : memref<64x128xf32, #tpu.memory_space<vmem>>)
    %barrier3A_207 = arith.constant 0 : index
    tpu.barrier barrier_id(%barrier3A_207)
    %mul3A_208 = arith.constant 624 : i32
    %mul3A_209 = arith.muli %arg1, %mul3A_208 : i32
    %mul3A_210 = arith.constant 624 : i32
    %mul3A_211 = arith.muli %arg1, %mul3A_210 : i32
    "tpu.region"() ({
      %run_scoped3A = tpu.sem_alloc : memref<!tpu.dma_semaphore, #tpu.memory_space<semaphore_mem>>
      %dma_start3A_441 = arith.constant 0 : i32
      %dma_start3A_442 = arith.constant 0 : i32
      %dma_start3A_443 = tpu.memref_slice %arg5[%add3A_9, %dma_start3A_441, %dma_start3A_442] : memref<4x10000x128xf32, #tpu.memory_space<hbm>> -> memref<1x10000x128xf32, #tpu.memory_space<hbm>>
      %dma_start3A_444 = tpu.memref_squeeze %dma_start3A_443 : memref<1x10000x128xf32, #tpu.memory_space<hbm>> -> memref<10000x128xf32, #tpu.memory_space<hbm>>
      %dma_start3A_445 = arith.constant 0 : i32
      %dma_start3A_446 = tpu.memref_slice %dma_start3A_444[%mul3A_211, %dma_start3A_445] : memref<10000x128xf32, #tpu.memory_space<hbm>> -> memref<624x128xf32, #tpu.memory_space<hbm>>
      %dma_start3A_447 = arith.constant 0 : i32
      %dma_start3A_448 = tpu.memref_slice %arg28[%mul3A_209, %dma_start3A_447] : memref<10008x128xf32, #tpu.memory_space<vmem_shared>> -> memref<624x128xf32, #tpu.memory_space<vmem_shared>>
      tpu.enqueue_dma source(%dma_start3A_448 : memref<624x128xf32, #tpu.memory_space<vmem_shared>>) target(%dma_start3A_446 : memref<624x128xf32, #tpu.memory_space<hbm>>) target_semaphore(%run_scoped3A : memref<!tpu.dma_semaphore, #tpu.memory_space<semaphore_mem>>)
      %dma_wait3A_449 = arith.constant 0 : i32
      %dma_wait3A_450 = arith.constant 0 : i32
      %dma_wait3A_451 = tpu.memref_slice %arg5[%add3A_9, %dma_wait3A_449, %dma_wait3A_450] : memref<4x10000x128xf32, #tpu.memory_space<hbm>> -> memref<1x10000x128xf32, #tpu.memory_space<hbm>>
      %dma_wait3A_452 = tpu.memref_squeeze %dma_wait3A_451 : memref<1x10000x128xf32, #tpu.memory_space<hbm>> -> memref<10000x128xf32, #tpu.memory_space<hbm>>
      %dma_wait3A_453 = arith.constant 0 : i32
      %dma_wait3A_454 = tpu.memref_slice %dma_wait3A_452[%mul3A_211, %dma_wait3A_453] : memref<10000x128xf32, #tpu.memory_space<hbm>> -> memref<624x128xf32, #tpu.memory_space<hbm>>
      %dma_wait3A_455 = arith.constant 0 : i32
      %dma_wait3A_456 = tpu.memref_slice %arg28[%mul3A_209, %dma_wait3A_455] : memref<10008x128xf32, #tpu.memory_space<vmem_shared>> -> memref<624x128xf32, #tpu.memory_space<vmem_shared>>
      tpu.wait_dma2 semaphore(%run_scoped3A : memref<!tpu.dma_semaphore, #tpu.memory_space<semaphore_mem>>) src(%dma_wait3A_456 : memref<624x128xf32, #tpu.memory_space<vmem_shared>>) dst(%dma_wait3A_454 : memref<624x128xf32, #tpu.memory_space<hbm>>)
      tpu.yield
    }) : () -> ()
    %eq3A_212 = arith.constant 0 : i32
    %eq3A_213 = arith.cmpi eq, %arg1, %eq3A_212 : i32
    %convert_element_type3A_214 = arith.extui %eq3A_213 : i1 to i32
    %cond3A_215 = arith.constant 0 : i32
    %cond3A_216 = arith.cmpi ne, %convert_element_type3A_214, %cond3A_215 : i32
    scf.if %cond3A_216 {
      "tpu.region"() ({
        %run_scoped3A = tpu.sem_alloc : memref<!tpu.dma_semaphore, #tpu.memory_space<semaphore_mem>>
        %dma_start3A_441 = arith.constant 0 : i32
        %dma_start3A_442 = arith.constant 0 : i32
        %dma_start3A_443 = tpu.memref_slice %arg5[%add3A_9, %dma_start3A_441, %dma_start3A_442] : memref<4x10000x128xf32, #tpu.memory_space<hbm>> -> memref<1x10000x128xf32, #tpu.memory_space<hbm>>
        %dma_start3A_444 = tpu.memref_squeeze %dma_start3A_443 : memref<1x10000x128xf32, #tpu.memory_space<hbm>> -> memref<10000x128xf32, #tpu.memory_space<hbm>>
        %dma_start3A_445 = arith.constant 9984 : i32
        %dma_start3A_446 = arith.constant 0 : i32
        %dma_start3A_447 = tpu.memref_slice %dma_start3A_444[%dma_start3A_445, %dma_start3A_446] : memref<10000x128xf32, #tpu.memory_space<hbm>> -> memref<16x128xf32, #tpu.memory_space<hbm>>
        %dma_start3A_448 = arith.constant 9984 : i32
        %dma_start3A_449 = arith.constant 0 : i32
        %dma_start3A_450 = tpu.memref_slice %arg28[%dma_start3A_448, %dma_start3A_449] : memref<10008x128xf32, #tpu.memory_space<vmem_shared>> -> memref<16x128xf32, #tpu.memory_space<vmem_shared>>
        tpu.enqueue_dma source(%dma_start3A_450 : memref<16x128xf32, #tpu.memory_space<vmem_shared>>) target(%dma_start3A_447 : memref<16x128xf32, #tpu.memory_space<hbm>>) target_semaphore(%run_scoped3A : memref<!tpu.dma_semaphore, #tpu.memory_space<semaphore_mem>>)
        %dma_wait3A_451 = arith.constant 0 : i32
        %dma_wait3A_452 = arith.constant 0 : i32
        %dma_wait3A_453 = tpu.memref_slice %arg5[%add3A_9, %dma_wait3A_451, %dma_wait3A_452] : memref<4x10000x128xf32, #tpu.memory_space<hbm>> -> memref<1x10000x128xf32, #tpu.memory_space<hbm>>
        %dma_wait3A_454 = tpu.memref_squeeze %dma_wait3A_453 : memref<1x10000x128xf32, #tpu.memory_space<hbm>> -> memref<10000x128xf32, #tpu.memory_space<hbm>>
        %dma_wait3A_455 = arith.constant 9984 : i32
        %dma_wait3A_456 = arith.constant 0 : i32
        %dma_wait3A_457 = tpu.memref_slice %dma_wait3A_454[%dma_wait3A_455, %dma_wait3A_456] : memref<10000x128xf32, #tpu.memory_space<hbm>> -> memref<16x128xf32, #tpu.memory_space<hbm>>
        %dma_wait3A_458 = arith.constant 9984 : i32
        %dma_wait3A_459 = arith.constant 0 : i32
        %dma_wait3A_460 = tpu.memref_slice %arg28[%dma_wait3A_458, %dma_wait3A_459] : memref<10008x128xf32, #tpu.memory_space<vmem_shared>> -> memref<16x128xf32, #tpu.memory_space<vmem_shared>>
        tpu.wait_dma2 semaphore(%run_scoped3A : memref<!tpu.dma_semaphore, #tpu.memory_space<semaphore_mem>>) src(%dma_wait3A_460 : memref<16x128xf32, #tpu.memory_space<vmem_shared>>) dst(%dma_wait3A_457 : memref<16x128xf32, #tpu.memory_space<hbm>>)
        tpu.yield
      }) : () -> ()
    } else {
    }
    %barrier3A_217 = arith.constant 0 : index
    tpu.barrier barrier_id(%barrier3A_217)
    %mul3A_218 = arith.constant 2 : i32
    %mul3A_219 = arith.muli %arg0, %mul3A_218 : i32
    %add3A_220 = arith.constant 1 : i32
    %add3A_221 = arith.addi %mul3A_219, %add3A_220 : i32
    %mul3A_222 = arith.constant 624 : i32
    %mul3A_223 = arith.muli %arg1, %mul3A_222 : i32
    %mul3A_224 = arith.constant 624 : i32
    %mul3A_225 = arith.muli %arg1, %mul3A_224 : i32
    "tpu.region"() ({
      %run_scoped3A = tpu.sem_alloc : memref<!tpu.dma_semaphore, #tpu.memory_space<semaphore_mem>>
      %dma_start3A_441 = arith.constant 0 : i32
      %dma_start3A_442 = tpu.memref_slice %arg28[%mul3A_225, %dma_start3A_441] : memref<10008x128xf32, #tpu.memory_space<vmem_shared>> -> memref<624x128xf32, #tpu.memory_space<vmem_shared>>
      %dma_start3A_443 = arith.constant 0 : i32
      %dma_start3A_444 = arith.constant 0 : i32
      %dma_start3A_445 = tpu.memref_slice %arg2[%add3A_221, %dma_start3A_443, %dma_start3A_444] : memref<4x10008x128xf32, #tpu.memory_space<hbm>> -> memref<1x10008x128xf32, #tpu.memory_space<hbm>>
      %dma_start3A_446 = tpu.memref_squeeze %dma_start3A_445 : memref<1x10008x128xf32, #tpu.memory_space<hbm>> -> memref<10008x128xf32, #tpu.memory_space<hbm>>
      %dma_start3A_447 = arith.constant 0 : i32
      %dma_start3A_448 = tpu.memref_slice %dma_start3A_446[%mul3A_223, %dma_start3A_447] : memref<10008x128xf32, #tpu.memory_space<hbm>> -> memref<624x128xf32, #tpu.memory_space<hbm>>
      tpu.enqueue_dma source(%dma_start3A_448 : memref<624x128xf32, #tpu.memory_space<hbm>>) target(%dma_start3A_442 : memref<624x128xf32, #tpu.memory_space<vmem_shared>>) target_semaphore(%run_scoped3A : memref<!tpu.dma_semaphore, #tpu.memory_space<semaphore_mem>>)
      %dma_wait3A_449 = arith.constant 0 : i32
      %dma_wait3A_450 = tpu.memref_slice %arg28[%mul3A_225, %dma_wait3A_449] : memref<10008x128xf32, #tpu.memory_space<vmem_shared>> -> memref<624x128xf32, #tpu.memory_space<vmem_shared>>
      %dma_wait3A_451 = arith.constant 0 : i32
      %dma_wait3A_452 = arith.constant 0 : i32
      %dma_wait3A_453 = tpu.memref_slice %arg2[%add3A_221, %dma_wait3A_451, %dma_wait3A_452] : memref<4x10008x128xf32, #tpu.memory_space<hbm>> -> memref<1x10008x128xf32, #tpu.memory_space<hbm>>
      %dma_wait3A_454 = tpu.memref_squeeze %dma_wait3A_453 : memref<1x10008x128xf32, #tpu.memory_space<hbm>> -> memref<10008x128xf32, #tpu.memory_space<hbm>>
      %dma_wait3A_455 = arith.constant 0 : i32
      %dma_wait3A_456 = tpu.memref_slice %dma_wait3A_454[%mul3A_223, %dma_wait3A_455] : memref<10008x128xf32, #tpu.memory_space<hbm>> -> memref<624x128xf32, #tpu.memory_space<hbm>>
      tpu.wait_dma2 semaphore(%run_scoped3A : memref<!tpu.dma_semaphore, #tpu.memory_space<semaphore_mem>>) src(%dma_wait3A_456 : memref<624x128xf32, #tpu.memory_space<hbm>>) dst(%dma_wait3A_450 : memref<624x128xf32, #tpu.memory_space<vmem_shared>>)
      tpu.yield
    }) : () -> ()
    %eq3A_226 = arith.constant 0 : i32
    %eq3A_227 = arith.cmpi eq, %arg1, %eq3A_226 : i32
    %convert_element_type3A_228 = arith.extui %eq3A_227 : i1 to i32
    %cond3A_229 = arith.constant 0 : i32
    %cond3A_230 = arith.cmpi ne, %convert_element_type3A_228, %cond3A_229 : i32
    scf.if %cond3A_230 {
      "tpu.region"() ({
        %run_scoped3A = tpu.sem_alloc : memref<!tpu.dma_semaphore, #tpu.memory_space<semaphore_mem>>
        %dma_start3A_441 = arith.constant 9984 : i32
        %dma_start3A_442 = arith.constant 0 : i32
        %dma_start3A_443 = tpu.memref_slice %arg28[%dma_start3A_441, %dma_start3A_442] : memref<10008x128xf32, #tpu.memory_space<vmem_shared>> -> memref<16x128xf32, #tpu.memory_space<vmem_shared>>
        %dma_start3A_444 = arith.constant 0 : i32
        %dma_start3A_445 = arith.constant 0 : i32
        %dma_start3A_446 = tpu.memref_slice %arg2[%add3A_221, %dma_start3A_444, %dma_start3A_445] : memref<4x10008x128xf32, #tpu.memory_space<hbm>> -> memref<1x10008x128xf32, #tpu.memory_space<hbm>>
        %dma_start3A_447 = tpu.memref_squeeze %dma_start3A_446 : memref<1x10008x128xf32, #tpu.memory_space<hbm>> -> memref<10008x128xf32, #tpu.memory_space<hbm>>
        %dma_start3A_448 = arith.constant 9984 : i32
        %dma_start3A_449 = arith.constant 0 : i32
        %dma_start3A_450 = tpu.memref_slice %dma_start3A_447[%dma_start3A_448, %dma_start3A_449] : memref<10008x128xf32, #tpu.memory_space<hbm>> -> memref<16x128xf32, #tpu.memory_space<hbm>>
        tpu.enqueue_dma source(%dma_start3A_450 : memref<16x128xf32, #tpu.memory_space<hbm>>) target(%dma_start3A_443 : memref<16x128xf32, #tpu.memory_space<vmem_shared>>) target_semaphore(%run_scoped3A : memref<!tpu.dma_semaphore, #tpu.memory_space<semaphore_mem>>)
        %dma_wait3A_451 = arith.constant 9984 : i32
        %dma_wait3A_452 = arith.constant 0 : i32
        %dma_wait3A_453 = tpu.memref_slice %arg28[%dma_wait3A_451, %dma_wait3A_452] : memref<10008x128xf32, #tpu.memory_space<vmem_shared>> -> memref<16x128xf32, #tpu.memory_space<vmem_shared>>
        %dma_wait3A_454 = arith.constant 0 : i32
        %dma_wait3A_455 = arith.constant 0 : i32
        %dma_wait3A_456 = tpu.memref_slice %arg2[%add3A_221, %dma_wait3A_454, %dma_wait3A_455] : memref<4x10008x128xf32, #tpu.memory_space<hbm>> -> memref<1x10008x128xf32, #tpu.memory_space<hbm>>
        %dma_wait3A_457 = tpu.memref_squeeze %dma_wait3A_456 : memref<1x10008x128xf32, #tpu.memory_space<hbm>> -> memref<10008x128xf32, #tpu.memory_space<hbm>>
        %dma_wait3A_458 = arith.constant 9984 : i32
        %dma_wait3A_459 = arith.constant 0 : i32
        %dma_wait3A_460 = tpu.memref_slice %dma_wait3A_457[%dma_wait3A_458, %dma_wait3A_459] : memref<10008x128xf32, #tpu.memory_space<hbm>> -> memref<16x128xf32, #tpu.memory_space<hbm>>
        tpu.wait_dma2 semaphore(%run_scoped3A : memref<!tpu.dma_semaphore, #tpu.memory_space<semaphore_mem>>) src(%dma_wait3A_460 : memref<16x128xf32, #tpu.memory_space<hbm>>) dst(%dma_wait3A_453 : memref<16x128xf32, #tpu.memory_space<vmem_shared>>)
        tpu.yield
      }) : () -> ()
    } else {
    }
    %barrier3A_231 = arith.constant 0 : index
    tpu.barrier barrier_id(%barrier3A_231)
    %get3A_232 = arith.constant 0 : index
    %get3A_233 = tpu.vector_load %arg6[%get3A_232] {strides = array<i32>} : memref<5120xi32, #tpu.memory_space<vmem>>, vector<16xi32>,
    %get3A_234 = vector.shape_cast %get3A_233 : vector<16xi32> to vector<16xi32>
    %and3A_235 = arith.constant 65535 : i32
    %and3A_236 = vector.broadcast %and3A_235 : i32 to vector<16xi32>
    %and3A_237 = arith.andi %get3A_234, %and3A_236 : vector<16xi32>
    %swap3A_238 = arith.constant 0 : index
    %swap3A_239 = tpu.vector_load %arg8[%swap3A_238] {strides = array<i32>} : memref<64xi32, #tpu.memory_space<vmem>>, vector<16xi32>,
    %swap3A_240 = vector.shape_cast %swap3A_239 : vector<16xi32> to vector<16xi32>
    %swap3A_241 = vector.shape_cast %and3A_237 : vector<16xi32> to vector<16xi32>
    tpu.vector_store %arg8[%swap3A_238], %swap3A_241 {strides = array<i32>} : memref<64xi32, #tpu.memory_space<vmem>>, vector<16xi32>,
    %shift_right_logical3A_242 = arith.constant 16 : i32
    %shift_right_logical3A_243 = vector.broadcast %shift_right_logical3A_242 : i32 to vector<16xi32>
    %shift_right_logical3A_244 = arith.shrui %get3A_234, %shift_right_logical3A_243 : vector<16xi32>
    %swap3A_245 = arith.constant 32 : index
    %swap3A_246 = tpu.vector_load %arg8[%swap3A_245] {strides = array<i32>} : memref<64xi32, #tpu.memory_space<vmem>>, vector<16xi32>,
    %swap3A_247 = vector.shape_cast %swap3A_246 : vector<16xi32> to vector<16xi32>
    %swap3A_248 = vector.shape_cast %shift_right_logical3A_244 : vector<16xi32> to vector<16xi32>
    tpu.vector_store %arg8[%swap3A_245], %swap3A_248 {strides = array<i32>} : memref<64xi32, #tpu.memory_space<vmem>>, vector<16xi32>,
    %get3A_249 = arith.constant 16 : index
    %get3A_250 = tpu.vector_load %arg6[%get3A_249] {strides = array<i32>} : memref<5120xi32, #tpu.memory_space<vmem>>, vector<16xi32>,
    %get3A_251 = vector.shape_cast %get3A_250 : vector<16xi32> to vector<16xi32>
    %and3A_252 = arith.constant 65535 : i32
    %and3A_253 = vector.broadcast %and3A_252 : i32 to vector<16xi32>
    %and3A_254 = arith.andi %get3A_251, %and3A_253 : vector<16xi32>
    %swap3A_255 = arith.constant 16 : index
    %swap3A_256 = tpu.vector_load %arg8[%swap3A_255] {strides = array<i32>} : memref<64xi32, #tpu.memory_space<vmem>>, vector<16xi32>,
    %swap3A_257 = vector.shape_cast %swap3A_256 : vector<16xi32> to vector<16xi32>
    %swap3A_258 = vector.shape_cast %and3A_254 : vector<16xi32> to vector<16xi32>
    tpu.vector_store %arg8[%swap3A_255], %swap3A_258 {strides = array<i32>} : memref<64xi32, #tpu.memory_space<vmem>>, vector<16xi32>,
    %shift_right_logical3A_259 = arith.constant 16 : i32
    %shift_right_logical3A_260 = vector.broadcast %shift_right_logical3A_259 : i32 to vector<16xi32>
    %shift_right_logical3A_261 = arith.shrui %get3A_251, %shift_right_logical3A_260 : vector<16xi32>
    %swap3A_262 = arith.constant 48 : index
    %swap3A_263 = tpu.vector_load %arg8[%swap3A_262] {strides = array<i32>} : memref<64xi32, #tpu.memory_space<vmem>>, vector<16xi32>,
    %swap3A_264 = vector.shape_cast %swap3A_263 : vector<16xi32> to vector<16xi32>
    %swap3A_265 = vector.shape_cast %shift_right_logical3A_261 : vector<16xi32> to vector<16xi32>
    tpu.vector_store %arg8[%swap3A_262], %swap3A_265 {strides = array<i32>} : memref<64xi32, #tpu.memory_space<vmem>>, vector<16xi32>,
    %dma_start3A_266 = arith.constant 0 : i32
    %dma_start3A_267 = arith.constant 0 : i32
    %dma_start3A_268 = tpu.memref_slice %arg2[%add3A_221, %dma_start3A_266, %dma_start3A_267] : memref<4x10008x128xf32, #tpu.memory_space<hbm>> -> memref<1x10008x128xf32, #tpu.memory_space<hbm>>
    %dma_start3A_269 = tpu.memref_squeeze %dma_start3A_268 : memref<1x10008x128xf32, #tpu.memory_space<hbm>> -> memref<10008x128xf32, #tpu.memory_space<hbm>>
    %dma_start3A_270 = arith.constant 0 : i32
    %dma_start3A_271 = arith.constant 0 : i32
    %dma_start3A_272 = tpu.memref_slice %dma_start3A_269[%dma_start3A_270, %dma_start3A_271] : memref<10008x128xf32, #tpu.memory_space<hbm>> -> memref<10008x128xf32, #tpu.memory_space<hbm>>
    tpu.enqueue_indirect_dma source(%dma_start3A_272 : memref<10008x128xf32, #tpu.memory_space<hbm>>) target(%arg16 : memref<64x128xf32, #tpu.memory_space<vmem>>) offsets(%arg8 : memref<64xi32, #tpu.memory_space<vmem>>) semaphore(%arg20 : memref<!tpu.dma_semaphore, #tpu.memory_space<semaphore_mem>>)
    %get3A_273 = arith.constant 32 : index
    %get3A_274 = tpu.vector_load %arg6[%get3A_273] {strides = array<i32>} : memref<5120xi32, #tpu.memory_space<vmem>>, vector<16xi32>,
    %get3A_275 = vector.shape_cast %get3A_274 : vector<16xi32> to vector<16xi32>
    %and3A_276 = arith.constant 65535 : i32
    %and3A_277 = vector.broadcast %and3A_276 : i32 to vector<16xi32>
    %and3A_278 = arith.andi %get3A_275, %and3A_277 : vector<16xi32>
    %swap3A_279 = arith.constant 0 : index
    %swap3A_280 = tpu.vector_load %arg9[%swap3A_279] {strides = array<i32>} : memref<64xi32, #tpu.memory_space<vmem>>, vector<16xi32>,
    %swap3A_281 = vector.shape_cast %swap3A_280 : vector<16xi32> to vector<16xi32>
    %swap3A_282 = vector.shape_cast %and3A_278 : vector<16xi32> to vector<16xi32>
    tpu.vector_store %arg9[%swap3A_279], %swap3A_282 {strides = array<i32>} : memref<64xi32, #tpu.memory_space<vmem>>, vector<16xi32>,
    %shift_right_logical3A_283 = arith.constant 16 : i32
    %shift_right_logical3A_284 = vector.broadcast %shift_right_logical3A_283 : i32 to vector<16xi32>
    %shift_right_logical3A_285 = arith.shrui %get3A_275, %shift_right_logical3A_284 : vector<16xi32>
    %swap3A_286 = arith.constant 32 : index
    %swap3A_287 = tpu.vector_load %arg9[%swap3A_286] {strides = array<i32>} : memref<64xi32, #tpu.memory_space<vmem>>, vector<16xi32>,
    %swap3A_288 = vector.shape_cast %swap3A_287 : vector<16xi32> to vector<16xi32>
    %swap3A_289 = vector.shape_cast %shift_right_logical3A_285 : vector<16xi32> to vector<16xi32>
    tpu.vector_store %arg9[%swap3A_286], %swap3A_289 {strides = array<i32>} : memref<64xi32, #tpu.memory_space<vmem>>, vector<16xi32>,
    %get3A_290 = arith.constant 48 : index
    %get3A_291 = tpu.vector_load %arg6[%get3A_290] {strides = array<i32>} : memref<5120xi32, #tpu.memory_space<vmem>>, vector<16xi32>,
    %get3A_292 = vector.shape_cast %get3A_291 : vector<16xi32> to vector<16xi32>
    %and3A_293 = arith.constant 65535 : i32
    %and3A_294 = vector.broadcast %and3A_293 : i32 to vector<16xi32>
    %and3A_295 = arith.andi %get3A_292, %and3A_294 : vector<16xi32>
    %swap3A_296 = arith.constant 16 : index
    %swap3A_297 = tpu.vector_load %arg9[%swap3A_296] {strides = array<i32>} : memref<64xi32, #tpu.memory_space<vmem>>, vector<16xi32>,
    %swap3A_298 = vector.shape_cast %swap3A_297 : vector<16xi32> to vector<16xi32>
    %swap3A_299 = vector.shape_cast %and3A_295 : vector<16xi32> to vector<16xi32>
    tpu.vector_store %arg9[%swap3A_296], %swap3A_299 {strides = array<i32>} : memref<64xi32, #tpu.memory_space<vmem>>, vector<16xi32>,
    %shift_right_logical3A_300 = arith.constant 16 : i32
    %shift_right_logical3A_301 = vector.broadcast %shift_right_logical3A_300 : i32 to vector<16xi32>
    %shift_right_logical3A_302 = arith.shrui %get3A_292, %shift_right_logical3A_301 : vector<16xi32>
    %swap3A_303 = arith.constant 48 : index
    %swap3A_304 = tpu.vector_load %arg9[%swap3A_303] {strides = array<i32>} : memref<64xi32, #tpu.memory_space<vmem>>, vector<16xi32>,
    %swap3A_305 = vector.shape_cast %swap3A_304 : vector<16xi32> to vector<16xi32>
    %swap3A_306 = vector.shape_cast %shift_right_logical3A_302 : vector<16xi32> to vector<16xi32>
    tpu.vector_store %arg9[%swap3A_303], %swap3A_306 {strides = array<i32>} : memref<64xi32, #tpu.memory_space<vmem>>, vector<16xi32>,
    %dma_start3A_307 = arith.constant 0 : i32
    %dma_start3A_308 = arith.constant 0 : i32
    %dma_start3A_309 = tpu.memref_slice %arg2[%add3A_221, %dma_start3A_307, %dma_start3A_308] : memref<4x10008x128xf32, #tpu.memory_space<hbm>> -> memref<1x10008x128xf32, #tpu.memory_space<hbm>>
    %dma_start3A_310 = tpu.memref_squeeze %dma_start3A_309 : memref<1x10008x128xf32, #tpu.memory_space<hbm>> -> memref<10008x128xf32, #tpu.memory_space<hbm>>
    %dma_start3A_311 = arith.constant 0 : i32
    %dma_start3A_312 = arith.constant 0 : i32
    %dma_start3A_313 = tpu.memref_slice %dma_start3A_310[%dma_start3A_311, %dma_start3A_312] : memref<10008x128xf32, #tpu.memory_space<hbm>> -> memref<10008x128xf32, #tpu.memory_space<hbm>>
    tpu.enqueue_indirect_dma source(%dma_start3A_313 : memref<10008x128xf32, #tpu.memory_space<hbm>>) target(%arg17 : memref<64x128xf32, #tpu.memory_space<vmem>>) offsets(%arg9 : memref<64xi32, #tpu.memory_space<vmem>>) semaphore(%arg21 : memref<!tpu.dma_semaphore, #tpu.memory_space<semaphore_mem>>)
    %get3A_314 = arith.constant 64 : index
    %get3A_315 = tpu.vector_load %arg6[%get3A_314] {strides = array<i32>} : memref<5120xi32, #tpu.memory_space<vmem>>, vector<16xi32>,
    %get3A_316 = vector.shape_cast %get3A_315 : vector<16xi32> to vector<16xi32>
    %and3A_317 = arith.constant 65535 : i32
    %and3A_318 = vector.broadcast %and3A_317 : i32 to vector<16xi32>
    %and3A_319 = arith.andi %get3A_316, %and3A_318 : vector<16xi32>
    %swap3A_320 = arith.constant 0 : index
    %swap3A_321 = tpu.vector_load %arg10[%swap3A_320] {strides = array<i32>} : memref<64xi32, #tpu.memory_space<vmem>>, vector<16xi32>,
    %swap3A_322 = vector.shape_cast %swap3A_321 : vector<16xi32> to vector<16xi32>
    %swap3A_323 = vector.shape_cast %and3A_319 : vector<16xi32> to vector<16xi32>
    tpu.vector_store %arg10[%swap3A_320], %swap3A_323 {strides = array<i32>} : memref<64xi32, #tpu.memory_space<vmem>>, vector<16xi32>,
    %shift_right_logical3A_324 = arith.constant 16 : i32
    %shift_right_logical3A_325 = vector.broadcast %shift_right_logical3A_324 : i32 to vector<16xi32>
    %shift_right_logical3A_326 = arith.shrui %get3A_316, %shift_right_logical3A_325 : vector<16xi32>
    %swap3A_327 = arith.constant 32 : index
    %swap3A_328 = tpu.vector_load %arg10[%swap3A_327] {strides = array<i32>} : memref<64xi32, #tpu.memory_space<vmem>>, vector<16xi32>,
    %swap3A_329 = vector.shape_cast %swap3A_328 : vector<16xi32> to vector<16xi32>
    %swap3A_330 = vector.shape_cast %shift_right_logical3A_326 : vector<16xi32> to vector<16xi32>
    tpu.vector_store %arg10[%swap3A_327], %swap3A_330 {strides = array<i32>} : memref<64xi32, #tpu.memory_space<vmem>>, vector<16xi32>,
    %get3A_331 = arith.constant 80 : index
    %get3A_332 = tpu.vector_load %arg6[%get3A_331] {strides = array<i32>} : memref<5120xi32, #tpu.memory_space<vmem>>, vector<16xi32>,
    %get3A_333 = vector.shape_cast %get3A_332 : vector<16xi32> to vector<16xi32>
    %and3A_334 = arith.constant 65535 : i32
    %and3A_335 = vector.broadcast %and3A_334 : i32 to vector<16xi32>
    %and3A_336 = arith.andi %get3A_333, %and3A_335 : vector<16xi32>
    %swap3A_337 = arith.constant 16 : index
    %swap3A_338 = tpu.vector_load %arg10[%swap3A_337] {strides = array<i32>} : memref<64xi32, #tpu.memory_space<vmem>>, vector<16xi32>,
    %swap3A_339 = vector.shape_cast %swap3A_338 : vector<16xi32> to vector<16xi32>
    %swap3A_340 = vector.shape_cast %and3A_336 : vector<16xi32> to vector<16xi32>
    tpu.vector_store %arg10[%swap3A_337], %swap3A_340 {strides = array<i32>} : memref<64xi32, #tpu.memory_space<vmem>>, vector<16xi32>,
    %shift_right_logical3A_341 = arith.constant 16 : i32
    %shift_right_logical3A_342 = vector.broadcast %shift_right_logical3A_341 : i32 to vector<16xi32>
    %shift_right_logical3A_343 = arith.shrui %get3A_333, %shift_right_logical3A_342 : vector<16xi32>
    %swap3A_344 = arith.constant 48 : index
    %swap3A_345 = tpu.vector_load %arg10[%swap3A_344] {strides = array<i32>} : memref<64xi32, #tpu.memory_space<vmem>>, vector<16xi32>,
    %swap3A_346 = vector.shape_cast %swap3A_345 : vector<16xi32> to vector<16xi32>
    %swap3A_347 = vector.shape_cast %shift_right_logical3A_343 : vector<16xi32> to vector<16xi32>
    tpu.vector_store %arg10[%swap3A_344], %swap3A_347 {strides = array<i32>} : memref<64xi32, #tpu.memory_space<vmem>>, vector<16xi32>,
    %dma_start3A_348 = arith.constant 0 : i32
    %dma_start3A_349 = arith.constant 0 : i32
    %dma_start3A_350 = tpu.memref_slice %arg2[%add3A_221, %dma_start3A_348, %dma_start3A_349] : memref<4x10008x128xf32, #tpu.memory_space<hbm>> -> memref<1x10008x128xf32, #tpu.memory_space<hbm>>
    %dma_start3A_351 = tpu.memref_squeeze %dma_start3A_350 : memref<1x10008x128xf32, #tpu.memory_space<hbm>> -> memref<10008x128xf32, #tpu.memory_space<hbm>>
    %dma_start3A_352 = arith.constant 0 : i32
    %dma_start3A_353 = arith.constant 0 : i32
    %dma_start3A_354 = tpu.memref_slice %dma_start3A_351[%dma_start3A_352, %dma_start3A_353] : memref<10008x128xf32, #tpu.memory_space<hbm>> -> memref<10008x128xf32, #tpu.memory_space<hbm>>
    tpu.enqueue_indirect_dma source(%dma_start3A_354 : memref<10008x128xf32, #tpu.memory_space<hbm>>) target(%arg18 : memref<64x128xf32, #tpu.memory_space<vmem>>) offsets(%arg10 : memref<64xi32, #tpu.memory_space<vmem>>) semaphore(%arg22 : memref<!tpu.dma_semaphore, #tpu.memory_space<semaphore_mem>>)
    %get3A_355 = arith.constant 96 : index
    %get3A_356 = tpu.vector_load %arg6[%get3A_355] {strides = array<i32>} : memref<5120xi32, #tpu.memory_space<vmem>>, vector<16xi32>,
    %get3A_357 = vector.shape_cast %get3A_356 : vector<16xi32> to vector<16xi32>
    %and3A_358 = arith.constant 65535 : i32
    %and3A_359 = vector.broadcast %and3A_358 : i32 to vector<16xi32>
    %and3A_360 = arith.andi %get3A_357, %and3A_359 : vector<16xi32>
    %swap3A_361 = arith.constant 0 : index
    %swap3A_362 = tpu.vector_load %arg11[%swap3A_361] {strides = array<i32>} : memref<64xi32, #tpu.memory_space<vmem>>, vector<16xi32>,
    %swap3A_363 = vector.shape_cast %swap3A_362 : vector<16xi32> to vector<16xi32>
    %swap3A_364 = vector.shape_cast %and3A_360 : vector<16xi32> to vector<16xi32>
    tpu.vector_store %arg11[%swap3A_361], %swap3A_364 {strides = array<i32>} : memref<64xi32, #tpu.memory_space<vmem>>, vector<16xi32>,
    %shift_right_logical3A_365 = arith.constant 16 : i32
    %shift_right_logical3A_366 = vector.broadcast %shift_right_logical3A_365 : i32 to vector<16xi32>
    %shift_right_logical3A_367 = arith.shrui %get3A_357, %shift_right_logical3A_366 : vector<16xi32>
    %swap3A_368 = arith.constant 32 : index
    %swap3A_369 = tpu.vector_load %arg11[%swap3A_368] {strides = array<i32>} : memref<64xi32, #tpu.memory_space<vmem>>, vector<16xi32>,
    %swap3A_370 = vector.shape_cast %swap3A_369 : vector<16xi32> to vector<16xi32>
    %swap3A_371 = vector.shape_cast %shift_right_logical3A_367 : vector<16xi32> to vector<16xi32>
    tpu.vector_store %arg11[%swap3A_368], %swap3A_371 {strides = array<i32>} : memref<64xi32, #tpu.memory_space<vmem>>, vector<16xi32>,
    %get3A_372 = arith.constant 112 : index
    %get3A_373 = tpu.vector_load %arg6[%get3A_372] {strides = array<i32>} : memref<5120xi32, #tpu.memory_space<vmem>>, vector<16xi32>,
    %get3A_374 = vector.shape_cast %get3A_373 : vector<16xi32> to vector<16xi32>
    %and3A_375 = arith.constant 65535 : i32
    %and3A_376 = vector.broadcast %and3A_375 : i32 to vector<16xi32>
    %and3A_377 = arith.andi %get3A_374, %and3A_376 : vector<16xi32>
    %swap3A_378 = arith.constant 16 : index
    %swap3A_379 = tpu.vector_load %arg11[%swap3A_378] {strides = array<i32>} : memref<64xi32, #tpu.memory_space<vmem>>, vector<16xi32>,
    %swap3A_380 = vector.shape_cast %swap3A_379 : vector<16xi32> to vector<16xi32>
    %swap3A_381 = vector.shape_cast %and3A_377 : vector<16xi32> to vector<16xi32>
    tpu.vector_store %arg11[%swap3A_378], %swap3A_381 {strides = array<i32>} : memref<64xi32, #tpu.memory_space<vmem>>, vector<16xi32>,
    %shift_right_logical3A_382 = arith.constant 16 : i32
    %shift_right_logical3A_383 = vector.broadcast %shift_right_logical3A_382 : i32 to vector<16xi32>
    %shift_right_logical3A_384 = arith.shrui %get3A_374, %shift_right_logical3A_383 : vector<16xi32>
    %swap3A_385 = arith.constant 48 : index
    %swap3A_386 = tpu.vector_load %arg11[%swap3A_385] {strides = array<i32>} : memref<64xi32, #tpu.memory_space<vmem>>, vector<16xi32>,
    %swap3A_387 = vector.shape_cast %swap3A_386 : vector<16xi32> to vector<16xi32>
    %swap3A_388 = vector.shape_cast %shift_right_logical3A_384 : vector<16xi32> to vector<16xi32>
    tpu.vector_store %arg11[%swap3A_385], %swap3A_388 {strides = array<i32>} : memref<64xi32, #tpu.memory_space<vmem>>, vector<16xi32>,
    %dma_start3A_389 = arith.constant 0 : i32
    %dma_start3A_390 = arith.constant 0 : i32
    %dma_start3A_391 = tpu.memref_slice %arg2[%add3A_221, %dma_start3A_389, %dma_start3A_390] : memref<4x10008x128xf32, #tpu.memory_space<hbm>> -> memref<1x10008x128xf32, #tpu.memory_space<hbm>>
    %dma_start3A_392 = tpu.memref_squeeze %dma_start3A_391 : memref<1x10008x128xf32, #tpu.memory_space<hbm>> -> memref<10008x128xf32, #tpu.memory_space<hbm>>
    %dma_start3A_393 = arith.constant 0 : i32
    %dma_start3A_394 = arith.constant 0 : i32
    %dma_start3A_395 = tpu.memref_slice %dma_start3A_392[%dma_start3A_393, %dma_start3A_394] : memref<10008x128xf32, #tpu.memory_space<hbm>> -> memref<10008x128xf32, #tpu.memory_space<hbm>>
    tpu.enqueue_indirect_dma source(%dma_start3A_395 : memref<10008x128xf32, #tpu.memory_space<hbm>>) target(%arg19 : memref<64x128xf32, #tpu.memory_space<vmem>>) offsets(%arg11 : memref<64xi32, #tpu.memory_space<vmem>>) semaphore(%arg23 : memref<!tpu.dma_semaphore, #tpu.memory_space<semaphore_mem>>)
    %scan3A_396 = arith.constant 0 : i32
    %scan3A_397 = arith.constant 0 : i32
    %scan3A_398 = arith.constant 40 : i32
    %scan3A_399 = arith.addi %scan3A_397, %scan3A_398 : i32
    %scan3A_400 = arith.constant 1 : i32
    scf.for %scan3A_441 = %scan3A_397 to %scan3A_399 step %scan3A_400  : i32 {
      %mul3A_442 = arith.constant 4 : i32
      %mul3A_443 = arith.muli %mul3A_442, %scan3A_441 : i32
      %add3A_444 = arith.constant 0 : i32
      %add3A_445 = arith.addi %mul3A_443, %add3A_444 : i32
      %mul3A_446 = arith.constant 32 : i32
      %mul3A_447 = arith.muli %add3A_445, %mul3A_446 : i32
      %add3A_448 = arith.constant 0 : i32
      %add3A_449 = arith.addi %mul3A_447, %add3A_448 : i32
      %get3A_450 = arith.index_cast %add3A_449 : i32 to index
      %get3A_451 = tpu.vector_load %arg7[%get3A_450] {strides = array<i32>} : memref<5120xi32, #tpu.memory_space<vmem>>, vector<16xi32>,
      %get3A_452 = vector.shape_cast %get3A_451 : vector<16xi32> to vector<16xi32>
      %and3A_453 = arith.constant 65535 : i32
      %and3A_454 = vector.broadcast %and3A_453 : i32 to vector<16xi32>
      %and3A_455 = arith.andi %get3A_452, %and3A_454 : vector<16xi32>
      %swap3A_456 = arith.constant 0 : index
      %swap3A_457 = tpu.vector_load %arg12[%swap3A_456] {strides = array<i32>} : memref<64xi32, #tpu.memory_space<vmem>>, vector<16xi32>,
      %swap3A_458 = vector.shape_cast %swap3A_457 : vector<16xi32> to vector<16xi32>
      %swap3A_459 = vector.shape_cast %and3A_455 : vector<16xi32> to vector<16xi32>
      tpu.vector_store %arg12[%swap3A_456], %swap3A_459 {strides = array<i32>} : memref<64xi32, #tpu.memory_space<vmem>>, vector<16xi32>,
      %shift_right_logical3A_460 = arith.constant 16 : i32
      %shift_right_logical3A_461 = vector.broadcast %shift_right_logical3A_460 : i32 to vector<16xi32>
      %shift_right_logical3A_462 = arith.shrui %get3A_452, %shift_right_logical3A_461 : vector<16xi32>
      %swap3A_463 = arith.constant 32 : index
      %swap3A_464 = tpu.vector_load %arg12[%swap3A_463] {strides = array<i32>} : memref<64xi32, #tpu.memory_space<vmem>>, vector<16xi32>,
      %swap3A_465 = vector.shape_cast %swap3A_464 : vector<16xi32> to vector<16xi32>
      %swap3A_466 = vector.shape_cast %shift_right_logical3A_462 : vector<16xi32> to vector<16xi32>
      tpu.vector_store %arg12[%swap3A_463], %swap3A_466 {strides = array<i32>} : memref<64xi32, #tpu.memory_space<vmem>>, vector<16xi32>,
      %mul3A_467 = arith.constant 32 : i32
      %mul3A_468 = arith.muli %add3A_445, %mul3A_467 : i32
      %add3A_469 = arith.constant 16 : i32
      %add3A_470 = arith.addi %mul3A_468, %add3A_469 : i32
      %get3A_471 = arith.index_cast %add3A_470 : i32 to index
      %get3A_472 = tpu.vector_load %arg7[%get3A_471] {strides = array<i32>} : memref<5120xi32, #tpu.memory_space<vmem>>, vector<16xi32>,
      %get3A_473 = vector.shape_cast %get3A_472 : vector<16xi32> to vector<16xi32>
      %and3A_474 = arith.constant 65535 : i32
      %and3A_475 = vector.broadcast %and3A_474 : i32 to vector<16xi32>
      %and3A_476 = arith.andi %get3A_473, %and3A_475 : vector<16xi32>
      %swap3A_477 = arith.constant 16 : index
      %swap3A_478 = tpu.vector_load %arg12[%swap3A_477] {strides = array<i32>} : memref<64xi32, #tpu.memory_space<vmem>>, vector<16xi32>,
      %swap3A_479 = vector.shape_cast %swap3A_478 : vector<16xi32> to vector<16xi32>
      %swap3A_480 = vector.shape_cast %and3A_476 : vector<16xi32> to vector<16xi32>
      tpu.vector_store %arg12[%swap3A_477], %swap3A_480 {strides = array<i32>} : memref<64xi32, #tpu.memory_space<vmem>>, vector<16xi32>,
      %shift_right_logical3A_481 = arith.constant 16 : i32
      %shift_right_logical3A_482 = vector.broadcast %shift_right_logical3A_481 : i32 to vector<16xi32>
      %shift_right_logical3A_483 = arith.shrui %get3A_473, %shift_right_logical3A_482 : vector<16xi32>
      %swap3A_484 = arith.constant 48 : index
      %swap3A_485 = tpu.vector_load %arg12[%swap3A_484] {strides = array<i32>} : memref<64xi32, #tpu.memory_space<vmem>>, vector<16xi32>,
      %swap3A_486 = vector.shape_cast %swap3A_485 : vector<16xi32> to vector<16xi32>
      %swap3A_487 = vector.shape_cast %shift_right_logical3A_483 : vector<16xi32> to vector<16xi32>
      tpu.vector_store %arg12[%swap3A_484], %swap3A_487 {strides = array<i32>} : memref<64xi32, #tpu.memory_space<vmem>>, vector<16xi32>,
      %dma_wait3A_488 = arith.constant 0 : i32
      %dma_wait3A_489 = arith.constant 0 : i32
      %dma_wait3A_490 = tpu.memref_slice %arg2[%add3A_221, %dma_wait3A_488, %dma_wait3A_489] : memref<4x10008x128xf32, #tpu.memory_space<hbm>> -> memref<1x10008x128xf32, #tpu.memory_space<hbm>>
      %dma_wait3A_491 = tpu.memref_squeeze %dma_wait3A_490 : memref<1x10008x128xf32, #tpu.memory_space<hbm>> -> memref<10008x128xf32, #tpu.memory_space<hbm>>
      %dma_wait3A_492 = arith.constant 0 : i32
      %dma_wait3A_493 = arith.constant 0 : i32
      %dma_wait3A_494 = tpu.memref_slice %dma_wait3A_491[%dma_wait3A_492, %dma_wait3A_493] : memref<10008x128xf32, #tpu.memory_space<hbm>> -> memref<10008x128xf32, #tpu.memory_space<hbm>>
      tpu.wait_indirect_dma semaphore(%arg20 : memref<!tpu.dma_semaphore, #tpu.memory_space<semaphore_mem>>) src(%dma_wait3A_494 : memref<10008x128xf32, #tpu.memory_space<hbm>>) dst(%arg16 : memref<64x128xf32, #tpu.memory_space<vmem>>)
      %dma_start3A_495 = arith.constant 0 : i32
      %dma_start3A_496 = arith.constant 0 : i32
      %dma_start3A_497 = tpu.memref_slice %arg28[%dma_start3A_495, %dma_start3A_496] : memref<10008x128xf32, #tpu.memory_space<vmem_shared>> -> memref<10008x128xf32, #tpu.memory_space<vmem_shared>>
      tpu.enqueue_indirect_dma source(%arg16 : memref<64x128xf32, #tpu.memory_space<vmem>>) target(%dma_start3A_497 : memref<10008x128xf32, #tpu.memory_space<vmem_shared>>) offsets(%arg12 : memref<64xi32, #tpu.memory_space<vmem>>) semaphore(%arg24 : memref<!tpu.dma_semaphore, #tpu.memory_space<semaphore_mem>>) {add = true}
      %add3A_498 = arith.constant 4 : i32
      %add3A_499 = arith.addi %add3A_445, %add3A_498 : i32
      %min3A = arith.constant 159 : i32
      %min3A_500 = arith.minsi %add3A_499, %min3A : i32
      %mul3A_501 = arith.constant 32 : i32
      %mul3A_502 = arith.muli %min3A_500, %mul3A_501 : i32
      %add3A_503 = arith.constant 0 : i32
      %add3A_504 = arith.addi %mul3A_502, %add3A_503 : i32
      %get3A_505 = arith.index_cast %add3A_504 : i32 to index
      %get3A_506 = tpu.vector_load %arg6[%get3A_505] {strides = array<i32>} : memref<5120xi32, #tpu.memory_space<vmem>>, vector<16xi32>,
      %get3A_507 = vector.shape_cast %get3A_506 : vector<16xi32> to vector<16xi32>
      %and3A_508 = arith.constant 65535 : i32
      %and3A_509 = vector.broadcast %and3A_508 : i32 to vector<16xi32>
      %and3A_510 = arith.andi %get3A_507, %and3A_509 : vector<16xi32>
      %swap3A_511 = arith.constant 0 : index
      %swap3A_512 = tpu.vector_load %arg8[%swap3A_511] {strides = array<i32>} : memref<64xi32, #tpu.memory_space<vmem>>, vector<16xi32>,
      %swap3A_513 = vector.shape_cast %swap3A_512 : vector<16xi32> to vector<16xi32>
      %swap3A_514 = vector.shape_cast %and3A_510 : vector<16xi32> to vector<16xi32>
      tpu.vector_store %arg8[%swap3A_511], %swap3A_514 {strides = array<i32>} : memref<64xi32, #tpu.memory_space<vmem>>, vector<16xi32>,
      %shift_right_logical3A_515 = arith.constant 16 : i32
      %shift_right_logical3A_516 = vector.broadcast %shift_right_logical3A_515 : i32 to vector<16xi32>
      %shift_right_logical3A_517 = arith.shrui %get3A_507, %shift_right_logical3A_516 : vector<16xi32>
      %swap3A_518 = arith.constant 32 : index
      %swap3A_519 = tpu.vector_load %arg8[%swap3A_518] {strides = array<i32>} : memref<64xi32, #tpu.memory_space<vmem>>, vector<16xi32>,
      %swap3A_520 = vector.shape_cast %swap3A_519 : vector<16xi32> to vector<16xi32>
      %swap3A_521 = vector.shape_cast %shift_right_logical3A_517 : vector<16xi32> to vector<16xi32>
      tpu.vector_store %arg8[%swap3A_518], %swap3A_521 {strides = array<i32>} : memref<64xi32, #tpu.memory_space<vmem>>, vector<16xi32>,
      %mul3A_522 = arith.constant 32 : i32
      %mul3A_523 = arith.muli %min3A_500, %mul3A_522 : i32
      %add3A_524 = arith.constant 16 : i32
      %add3A_525 = arith.addi %mul3A_523, %add3A_524 : i32
      %get3A_526 = arith.index_cast %add3A_525 : i32 to index
      %get3A_527 = tpu.vector_load %arg6[%get3A_526] {strides = array<i32>} : memref<5120xi32, #tpu.memory_space<vmem>>, vector<16xi32>,
      %get3A_528 = vector.shape_cast %get3A_527 : vector<16xi32> to vector<16xi32>
      %and3A_529 = arith.constant 65535 : i32
      %and3A_530 = vector.broadcast %and3A_529 : i32 to vector<16xi32>
      %and3A_531 = arith.andi %get3A_528, %and3A_530 : vector<16xi32>
      %swap3A_532 = arith.constant 16 : index
      %swap3A_533 = tpu.vector_load %arg8[%swap3A_532] {strides = array<i32>} : memref<64xi32, #tpu.memory_space<vmem>>, vector<16xi32>,
      %swap3A_534 = vector.shape_cast %swap3A_533 : vector<16xi32> to vector<16xi32>
      %swap3A_535 = vector.shape_cast %and3A_531 : vector<16xi32> to vector<16xi32>
      tpu.vector_store %arg8[%swap3A_532], %swap3A_535 {strides = array<i32>} : memref<64xi32, #tpu.memory_space<vmem>>, vector<16xi32>,
      %shift_right_logical3A_536 = arith.constant 16 : i32
      %shift_right_logical3A_537 = vector.broadcast %shift_right_logical3A_536 : i32 to vector<16xi32>
      %shift_right_logical3A_538 = arith.shrui %get3A_528, %shift_right_logical3A_537 : vector<16xi32>
      %swap3A_539 = arith.constant 48 : index
      %swap3A_540 = tpu.vector_load %arg8[%swap3A_539] {strides = array<i32>} : memref<64xi32, #tpu.memory_space<vmem>>, vector<16xi32>,
      %swap3A_541 = vector.shape_cast %swap3A_540 : vector<16xi32> to vector<16xi32>
      %swap3A_542 = vector.shape_cast %shift_right_logical3A_538 : vector<16xi32> to vector<16xi32>
      tpu.vector_store %arg8[%swap3A_539], %swap3A_542 {strides = array<i32>} : memref<64xi32, #tpu.memory_space<vmem>>, vector<16xi32>,
      %dma_wait3A_543 = arith.constant 0 : i32
      %dma_wait3A_544 = arith.constant 0 : i32
      %dma_wait3A_545 = tpu.memref_slice %arg28[%dma_wait3A_543, %dma_wait3A_544] : memref<10008x128xf32, #tpu.memory_space<vmem_shared>> -> memref<10008x128xf32, #tpu.memory_space<vmem_shared>>
      tpu.wait_indirect_dma semaphore(%arg24 : memref<!tpu.dma_semaphore, #tpu.memory_space<semaphore_mem>>) src(%arg16 : memref<64x128xf32, #tpu.memory_space<vmem>>) dst(%dma_wait3A_545 : memref<10008x128xf32, #tpu.memory_space<vmem_shared>>)
      %dma_start3A_546 = arith.constant 0 : i32
      %dma_start3A_547 = arith.constant 0 : i32
      %dma_start3A_548 = tpu.memref_slice %arg2[%add3A_221, %dma_start3A_546, %dma_start3A_547] : memref<4x10008x128xf32, #tpu.memory_space<hbm>> -> memref<1x10008x128xf32, #tpu.memory_space<hbm>>
      %dma_start3A_549 = tpu.memref_squeeze %dma_start3A_548 : memref<1x10008x128xf32, #tpu.memory_space<hbm>> -> memref<10008x128xf32, #tpu.memory_space<hbm>>
      %dma_start3A_550 = arith.constant 0 : i32
      %dma_start3A_551 = arith.constant 0 : i32
      %dma_start3A_552 = tpu.memref_slice %dma_start3A_549[%dma_start3A_550, %dma_start3A_551] : memref<10008x128xf32, #tpu.memory_space<hbm>> -> memref<10008x128xf32, #tpu.memory_space<hbm>>
      tpu.enqueue_indirect_dma source(%dma_start3A_552 : memref<10008x128xf32, #tpu.memory_space<hbm>>) target(%arg16 : memref<64x128xf32, #tpu.memory_space<vmem>>) offsets(%arg8 : memref<64xi32, #tpu.memory_space<vmem>>) semaphore(%arg20 : memref<!tpu.dma_semaphore, #tpu.memory_space<semaphore_mem>>)
      %mul3A_553 = arith.constant 4 : i32
      %mul3A_554 = arith.muli %mul3A_553, %scan3A_441 : i32
      %add3A_555 = arith.constant 1 : i32
      %add3A_556 = arith.addi %mul3A_554, %add3A_555 : i32
      %mul3A_557 = arith.constant 32 : i32
      %mul3A_558 = arith.muli %add3A_556, %mul3A_557 : i32
      %add3A_559 = arith.constant 0 : i32
      %add3A_560 = arith.addi %mul3A_558, %add3A_559 : i32
      %get3A_561 = arith.index_cast %add3A_560 : i32 to index
      %get3A_562 = tpu.vector_load %arg7[%get3A_561] {strides = array<i32>} : memref<5120xi32, #tpu.memory_space<vmem>>, vector<16xi32>,
      %get3A_563 = vector.shape_cast %get3A_562 : vector<16xi32> to vector<16xi32>
      %and3A_564 = arith.constant 65535 : i32
      %and3A_565 = vector.broadcast %and3A_564 : i32 to vector<16xi32>
      %and3A_566 = arith.andi %get3A_563, %and3A_565 : vector<16xi32>
      %swap3A_567 = arith.constant 0 : index
      %swap3A_568 = tpu.vector_load %arg13[%swap3A_567] {strides = array<i32>} : memref<64xi32, #tpu.memory_space<vmem>>, vector<16xi32>,
      %swap3A_569 = vector.shape_cast %swap3A_568 : vector<16xi32> to vector<16xi32>
      %swap3A_570 = vector.shape_cast %and3A_566 : vector<16xi32> to vector<16xi32>
      tpu.vector_store %arg13[%swap3A_567], %swap3A_570 {strides = array<i32>} : memref<64xi32, #tpu.memory_space<vmem>>, vector<16xi32>,
      %shift_right_logical3A_571 = arith.constant 16 : i32
      %shift_right_logical3A_572 = vector.broadcast %shift_right_logical3A_571 : i32 to vector<16xi32>
      %shift_right_logical3A_573 = arith.shrui %get3A_563, %shift_right_logical3A_572 : vector<16xi32>
      %swap3A_574 = arith.constant 32 : index
      %swap3A_575 = tpu.vector_load %arg13[%swap3A_574] {strides = array<i32>} : memref<64xi32, #tpu.memory_space<vmem>>, vector<16xi32>,
      %swap3A_576 = vector.shape_cast %swap3A_575 : vector<16xi32> to vector<16xi32>
      %swap3A_577 = vector.shape_cast %shift_right_logical3A_573 : vector<16xi32> to vector<16xi32>
      tpu.vector_store %arg13[%swap3A_574], %swap3A_577 {strides = array<i32>} : memref<64xi32, #tpu.memory_space<vmem>>, vector<16xi32>,
      %mul3A_578 = arith.constant 32 : i32
      %mul3A_579 = arith.muli %add3A_556, %mul3A_578 : i32
      %add3A_580 = arith.constant 16 : i32
      %add3A_581 = arith.addi %mul3A_579, %add3A_580 : i32
      %get3A_582 = arith.index_cast %add3A_581 : i32 to index
      %get3A_583 = tpu.vector_load %arg7[%get3A_582] {strides = array<i32>} : memref<5120xi32, #tpu.memory_space<vmem>>, vector<16xi32>,
      %get3A_584 = vector.shape_cast %get3A_583 : vector<16xi32> to vector<16xi32>
      %and3A_585 = arith.constant 65535 : i32
      %and3A_586 = vector.broadcast %and3A_585 : i32 to vector<16xi32>
      %and3A_587 = arith.andi %get3A_584, %and3A_586 : vector<16xi32>
      %swap3A_588 = arith.constant 16 : index
      %swap3A_589 = tpu.vector_load %arg13[%swap3A_588] {strides = array<i32>} : memref<64xi32, #tpu.memory_space<vmem>>, vector<16xi32>,
      %swap3A_590 = vector.shape_cast %swap3A_589 : vector<16xi32> to vector<16xi32>
      %swap3A_591 = vector.shape_cast %and3A_587 : vector<16xi32> to vector<16xi32>
      tpu.vector_store %arg13[%swap3A_588], %swap3A_591 {strides = array<i32>} : memref<64xi32, #tpu.memory_space<vmem>>, vector<16xi32>,
      %shift_right_logical3A_592 = arith.constant 16 : i32
      %shift_right_logical3A_593 = vector.broadcast %shift_right_logical3A_592 : i32 to vector<16xi32>
      %shift_right_logical3A_594 = arith.shrui %get3A_584, %shift_right_logical3A_593 : vector<16xi32>
      %swap3A_595 = arith.constant 48 : index
      %swap3A_596 = tpu.vector_load %arg13[%swap3A_595] {strides = array<i32>} : memref<64xi32, #tpu.memory_space<vmem>>, vector<16xi32>,
      %swap3A_597 = vector.shape_cast %swap3A_596 : vector<16xi32> to vector<16xi32>
      %swap3A_598 = vector.shape_cast %shift_right_logical3A_594 : vector<16xi32> to vector<16xi32>
      tpu.vector_store %arg13[%swap3A_595], %swap3A_598 {strides = array<i32>} : memref<64xi32, #tpu.memory_space<vmem>>, vector<16xi32>,
      %dma_wait3A_599 = arith.constant 0 : i32
      %dma_wait3A_600 = arith.constant 0 : i32
      %dma_wait3A_601 = tpu.memref_slice %arg2[%add3A_221, %dma_wait3A_599, %dma_wait3A_600] : memref<4x10008x128xf32, #tpu.memory_space<hbm>> -> memref<1x10008x128xf32, #tpu.memory_space<hbm>>
      %dma_wait3A_602 = tpu.memref_squeeze %dma_wait3A_601 : memref<1x10008x128xf32, #tpu.memory_space<hbm>> -> memref<10008x128xf32, #tpu.memory_space<hbm>>
      %dma_wait3A_603 = arith.constant 0 : i32
      %dma_wait3A_604 = arith.constant 0 : i32
      %dma_wait3A_605 = tpu.memref_slice %dma_wait3A_602[%dma_wait3A_603, %dma_wait3A_604] : memref<10008x128xf32, #tpu.memory_space<hbm>> -> memref<10008x128xf32, #tpu.memory_space<hbm>>
      tpu.wait_indirect_dma semaphore(%arg21 : memref<!tpu.dma_semaphore, #tpu.memory_space<semaphore_mem>>) src(%dma_wait3A_605 : memref<10008x128xf32, #tpu.memory_space<hbm>>) dst(%arg17 : memref<64x128xf32, #tpu.memory_space<vmem>>)
      %dma_start3A_606 = arith.constant 0 : i32
      %dma_start3A_607 = arith.constant 0 : i32
      %dma_start3A_608 = tpu.memref_slice %arg28[%dma_start3A_606, %dma_start3A_607] : memref<10008x128xf32, #tpu.memory_space<vmem_shared>> -> memref<10008x128xf32, #tpu.memory_space<vmem_shared>>
      tpu.enqueue_indirect_dma source(%arg17 : memref<64x128xf32, #tpu.memory_space<vmem>>) target(%dma_start3A_608 : memref<10008x128xf32, #tpu.memory_space<vmem_shared>>) offsets(%arg13 : memref<64xi32, #tpu.memory_space<vmem>>) semaphore(%arg25 : memref<!tpu.dma_semaphore, #tpu.memory_space<semaphore_mem>>) {add = true}
      %add3A_609 = arith.constant 4 : i32
      %add3A_610 = arith.addi %add3A_556, %add3A_609 : i32
      %min3A_611 = arith.constant 159 : i32
      %min3A_612 = arith.minsi %add3A_610, %min3A_611 : i32
      %mul3A_613 = arith.constant 32 : i32
      %mul3A_614 = arith.muli %min3A_612, %mul3A_613 : i32
      %add3A_615 = arith.constant 0 : i32
      %add3A_616 = arith.addi %mul3A_614, %add3A_615 : i32
      %get3A_617 = arith.index_cast %add3A_616 : i32 to index
      %get3A_618 = tpu.vector_load %arg6[%get3A_617] {strides = array<i32>} : memref<5120xi32, #tpu.memory_space<vmem>>, vector<16xi32>,
      %get3A_619 = vector.shape_cast %get3A_618 : vector<16xi32> to vector<16xi32>
      %and3A_620 = arith.constant 65535 : i32
      %and3A_621 = vector.broadcast %and3A_620 : i32 to vector<16xi32>
      %and3A_622 = arith.andi %get3A_619, %and3A_621 : vector<16xi32>
      %swap3A_623 = arith.constant 0 : index
      %swap3A_624 = tpu.vector_load %arg9[%swap3A_623] {strides = array<i32>} : memref<64xi32, #tpu.memory_space<vmem>>, vector<16xi32>,
      %swap3A_625 = vector.shape_cast %swap3A_624 : vector<16xi32> to vector<16xi32>
      %swap3A_626 = vector.shape_cast %and3A_622 : vector<16xi32> to vector<16xi32>
      tpu.vector_store %arg9[%swap3A_623], %swap3A_626 {strides = array<i32>} : memref<64xi32, #tpu.memory_space<vmem>>, vector<16xi32>,
      %shift_right_logical3A_627 = arith.constant 16 : i32
      %shift_right_logical3A_628 = vector.broadcast %shift_right_logical3A_627 : i32 to vector<16xi32>
      %shift_right_logical3A_629 = arith.shrui %get3A_619, %shift_right_logical3A_628 : vector<16xi32>
      %swap3A_630 = arith.constant 32 : index
      %swap3A_631 = tpu.vector_load %arg9[%swap3A_630] {strides = array<i32>} : memref<64xi32, #tpu.memory_space<vmem>>, vector<16xi32>,
      %swap3A_632 = vector.shape_cast %swap3A_631 : vector<16xi32> to vector<16xi32>
      %swap3A_633 = vector.shape_cast %shift_right_logical3A_629 : vector<16xi32> to vector<16xi32>
      tpu.vector_store %arg9[%swap3A_630], %swap3A_633 {strides = array<i32>} : memref<64xi32, #tpu.memory_space<vmem>>, vector<16xi32>,
      %mul3A_634 = arith.constant 32 : i32
      %mul3A_635 = arith.muli %min3A_612, %mul3A_634 : i32
      %add3A_636 = arith.constant 16 : i32
      %add3A_637 = arith.addi %mul3A_635, %add3A_636 : i32
      %get3A_638 = arith.index_cast %add3A_637 : i32 to index
      %get3A_639 = tpu.vector_load %arg6[%get3A_638] {strides = array<i32>} : memref<5120xi32, #tpu.memory_space<vmem>>, vector<16xi32>,
      %get3A_640 = vector.shape_cast %get3A_639 : vector<16xi32> to vector<16xi32>
      %and3A_641 = arith.constant 65535 : i32
      %and3A_642 = vector.broadcast %and3A_641 : i32 to vector<16xi32>
      %and3A_643 = arith.andi %get3A_640, %and3A_642 : vector<16xi32>
      %swap3A_644 = arith.constant 16 : index
      %swap3A_645 = tpu.vector_load %arg9[%swap3A_644] {strides = array<i32>} : memref<64xi32, #tpu.memory_space<vmem>>, vector<16xi32>,
      %swap3A_646 = vector.shape_cast %swap3A_645 : vector<16xi32> to vector<16xi32>
      %swap3A_647 = vector.shape_cast %and3A_643 : vector<16xi32> to vector<16xi32>
      tpu.vector_store %arg9[%swap3A_644], %swap3A_647 {strides = array<i32>} : memref<64xi32, #tpu.memory_space<vmem>>, vector<16xi32>,
      %shift_right_logical3A_648 = arith.constant 16 : i32
      %shift_right_logical3A_649 = vector.broadcast %shift_right_logical3A_648 : i32 to vector<16xi32>
      %shift_right_logical3A_650 = arith.shrui %get3A_640, %shift_right_logical3A_649 : vector<16xi32>
      %swap3A_651 = arith.constant 48 : index
      %swap3A_652 = tpu.vector_load %arg9[%swap3A_651] {strides = array<i32>} : memref<64xi32, #tpu.memory_space<vmem>>, vector<16xi32>,
      %swap3A_653 = vector.shape_cast %swap3A_652 : vector<16xi32> to vector<16xi32>
      %swap3A_654 = vector.shape_cast %shift_right_logical3A_650 : vector<16xi32> to vector<16xi32>
      tpu.vector_store %arg9[%swap3A_651], %swap3A_654 {strides = array<i32>} : memref<64xi32, #tpu.memory_space<vmem>>, vector<16xi32>,
      %dma_wait3A_655 = arith.constant 0 : i32
      %dma_wait3A_656 = arith.constant 0 : i32
      %dma_wait3A_657 = tpu.memref_slice %arg28[%dma_wait3A_655, %dma_wait3A_656] : memref<10008x128xf32, #tpu.memory_space<vmem_shared>> -> memref<10008x128xf32, #tpu.memory_space<vmem_shared>>
      tpu.wait_indirect_dma semaphore(%arg25 : memref<!tpu.dma_semaphore, #tpu.memory_space<semaphore_mem>>) src(%arg17 : memref<64x128xf32, #tpu.memory_space<vmem>>) dst(%dma_wait3A_657 : memref<10008x128xf32, #tpu.memory_space<vmem_shared>>)
      %dma_start3A_658 = arith.constant 0 : i32
      %dma_start3A_659 = arith.constant 0 : i32
      %dma_start3A_660 = tpu.memref_slice %arg2[%add3A_221, %dma_start3A_658, %dma_start3A_659] : memref<4x10008x128xf32, #tpu.memory_space<hbm>> -> memref<1x10008x128xf32, #tpu.memory_space<hbm>>
      %dma_start3A_661 = tpu.memref_squeeze %dma_start3A_660 : memref<1x10008x128xf32, #tpu.memory_space<hbm>> -> memref<10008x128xf32, #tpu.memory_space<hbm>>
      %dma_start3A_662 = arith.constant 0 : i32
      %dma_start3A_663 = arith.constant 0 : i32
      %dma_start3A_664 = tpu.memref_slice %dma_start3A_661[%dma_start3A_662, %dma_start3A_663] : memref<10008x128xf32, #tpu.memory_space<hbm>> -> memref<10008x128xf32, #tpu.memory_space<hbm>>
      tpu.enqueue_indirect_dma source(%dma_start3A_664 : memref<10008x128xf32, #tpu.memory_space<hbm>>) target(%arg17 : memref<64x128xf32, #tpu.memory_space<vmem>>) offsets(%arg9 : memref<64xi32, #tpu.memory_space<vmem>>) semaphore(%arg21 : memref<!tpu.dma_semaphore, #tpu.memory_space<semaphore_mem>>)
      %mul3A_665 = arith.constant 4 : i32
      %mul3A_666 = arith.muli %mul3A_665, %scan3A_441 : i32
      %add3A_667 = arith.constant 2 : i32
      %add3A_668 = arith.addi %mul3A_666, %add3A_667 : i32
      %mul3A_669 = arith.constant 32 : i32
      %mul3A_670 = arith.muli %add3A_668, %mul3A_669 : i32
      %add3A_671 = arith.constant 0 : i32
      %add3A_672 = arith.addi %mul3A_670, %add3A_671 : i32
      %get3A_673 = arith.index_cast %add3A_672 : i32 to index
      %get3A_674 = tpu.vector_load %arg7[%get3A_673] {strides = array<i32>} : memref<5120xi32, #tpu.memory_space<vmem>>, vector<16xi32>,
      %get3A_675 = vector.shape_cast %get3A_674 : vector<16xi32> to vector<16xi32>
      %and3A_676 = arith.constant 65535 : i32
      %and3A_677 = vector.broadcast %and3A_676 : i32 to vector<16xi32>
      %and3A_678 = arith.andi %get3A_675, %and3A_677 : vector<16xi32>
      %swap3A_679 = arith.constant 0 : index
      %swap3A_680 = tpu.vector_load %arg14[%swap3A_679] {strides = array<i32>} : memref<64xi32, #tpu.memory_space<vmem>>, vector<16xi32>,
      %swap3A_681 = vector.shape_cast %swap3A_680 : vector<16xi32> to vector<16xi32>
      %swap3A_682 = vector.shape_cast %and3A_678 : vector<16xi32> to vector<16xi32>
      tpu.vector_store %arg14[%swap3A_679], %swap3A_682 {strides = array<i32>} : memref<64xi32, #tpu.memory_space<vmem>>, vector<16xi32>,
      %shift_right_logical3A_683 = arith.constant 16 : i32
      %shift_right_logical3A_684 = vector.broadcast %shift_right_logical3A_683 : i32 to vector<16xi32>
      %shift_right_logical3A_685 = arith.shrui %get3A_675, %shift_right_logical3A_684 : vector<16xi32>
      %swap3A_686 = arith.constant 32 : index
      %swap3A_687 = tpu.vector_load %arg14[%swap3A_686] {strides = array<i32>} : memref<64xi32, #tpu.memory_space<vmem>>, vector<16xi32>,
      %swap3A_688 = vector.shape_cast %swap3A_687 : vector<16xi32> to vector<16xi32>
      %swap3A_689 = vector.shape_cast %shift_right_logical3A_685 : vector<16xi32> to vector<16xi32>
      tpu.vector_store %arg14[%swap3A_686], %swap3A_689 {strides = array<i32>} : memref<64xi32, #tpu.memory_space<vmem>>, vector<16xi32>,
      %mul3A_690 = arith.constant 32 : i32
      %mul3A_691 = arith.muli %add3A_668, %mul3A_690 : i32
      %add3A_692 = arith.constant 16 : i32
      %add3A_693 = arith.addi %mul3A_691, %add3A_692 : i32
      %get3A_694 = arith.index_cast %add3A_693 : i32 to index
      %get3A_695 = tpu.vector_load %arg7[%get3A_694] {strides = array<i32>} : memref<5120xi32, #tpu.memory_space<vmem>>, vector<16xi32>,
      %get3A_696 = vector.shape_cast %get3A_695 : vector<16xi32> to vector<16xi32>
      %and3A_697 = arith.constant 65535 : i32
      %and3A_698 = vector.broadcast %and3A_697 : i32 to vector<16xi32>
      %and3A_699 = arith.andi %get3A_696, %and3A_698 : vector<16xi32>
      %swap3A_700 = arith.constant 16 : index
      %swap3A_701 = tpu.vector_load %arg14[%swap3A_700] {strides = array<i32>} : memref<64xi32, #tpu.memory_space<vmem>>, vector<16xi32>,
      %swap3A_702 = vector.shape_cast %swap3A_701 : vector<16xi32> to vector<16xi32>
      %swap3A_703 = vector.shape_cast %and3A_699 : vector<16xi32> to vector<16xi32>
      tpu.vector_store %arg14[%swap3A_700], %swap3A_703 {strides = array<i32>} : memref<64xi32, #tpu.memory_space<vmem>>, vector<16xi32>,
      %shift_right_logical3A_704 = arith.constant 16 : i32
      %shift_right_logical3A_705 = vector.broadcast %shift_right_logical3A_704 : i32 to vector<16xi32>
      %shift_right_logical3A_706 = arith.shrui %get3A_696, %shift_right_logical3A_705 : vector<16xi32>
      %swap3A_707 = arith.constant 48 : index
      %swap3A_708 = tpu.vector_load %arg14[%swap3A_707] {strides = array<i32>} : memref<64xi32, #tpu.memory_space<vmem>>, vector<16xi32>,
      %swap3A_709 = vector.shape_cast %swap3A_708 : vector<16xi32> to vector<16xi32>
      %swap3A_710 = vector.shape_cast %shift_right_logical3A_706 : vector<16xi32> to vector<16xi32>
      tpu.vector_store %arg14[%swap3A_707], %swap3A_710 {strides = array<i32>} : memref<64xi32, #tpu.memory_space<vmem>>, vector<16xi32>,
      %dma_wait3A_711 = arith.constant 0 : i32
      %dma_wait3A_712 = arith.constant 0 : i32
      %dma_wait3A_713 = tpu.memref_slice %arg2[%add3A_221, %dma_wait3A_711, %dma_wait3A_712] : memref<4x10008x128xf32, #tpu.memory_space<hbm>> -> memref<1x10008x128xf32, #tpu.memory_space<hbm>>
      %dma_wait3A_714 = tpu.memref_squeeze %dma_wait3A_713 : memref<1x10008x128xf32, #tpu.memory_space<hbm>> -> memref<10008x128xf32, #tpu.memory_space<hbm>>
      %dma_wait3A_715 = arith.constant 0 : i32
      %dma_wait3A_716 = arith.constant 0 : i32
      %dma_wait3A_717 = tpu.memref_slice %dma_wait3A_714[%dma_wait3A_715, %dma_wait3A_716] : memref<10008x128xf32, #tpu.memory_space<hbm>> -> memref<10008x128xf32, #tpu.memory_space<hbm>>
      tpu.wait_indirect_dma semaphore(%arg22 : memref<!tpu.dma_semaphore, #tpu.memory_space<semaphore_mem>>) src(%dma_wait3A_717 : memref<10008x128xf32, #tpu.memory_space<hbm>>) dst(%arg18 : memref<64x128xf32, #tpu.memory_space<vmem>>)
      %dma_start3A_718 = arith.constant 0 : i32
      %dma_start3A_719 = arith.constant 0 : i32
      %dma_start3A_720 = tpu.memref_slice %arg28[%dma_start3A_718, %dma_start3A_719] : memref<10008x128xf32, #tpu.memory_space<vmem_shared>> -> memref<10008x128xf32, #tpu.memory_space<vmem_shared>>
      tpu.enqueue_indirect_dma source(%arg18 : memref<64x128xf32, #tpu.memory_space<vmem>>) target(%dma_start3A_720 : memref<10008x128xf32, #tpu.memory_space<vmem_shared>>) offsets(%arg14 : memref<64xi32, #tpu.memory_space<vmem>>) semaphore(%arg26 : memref<!tpu.dma_semaphore, #tpu.memory_space<semaphore_mem>>) {add = true}
      %add3A_721 = arith.constant 4 : i32
      %add3A_722 = arith.addi %add3A_668, %add3A_721 : i32
      %min3A_723 = arith.constant 159 : i32
      %min3A_724 = arith.minsi %add3A_722, %min3A_723 : i32
      %mul3A_725 = arith.constant 32 : i32
      %mul3A_726 = arith.muli %min3A_724, %mul3A_725 : i32
      %add3A_727 = arith.constant 0 : i32
      %add3A_728 = arith.addi %mul3A_726, %add3A_727 : i32
      %get3A_729 = arith.index_cast %add3A_728 : i32 to index
      %get3A_730 = tpu.vector_load %arg6[%get3A_729] {strides = array<i32>} : memref<5120xi32, #tpu.memory_space<vmem>>, vector<16xi32>,
      %get3A_731 = vector.shape_cast %get3A_730 : vector<16xi32> to vector<16xi32>
      %and3A_732 = arith.constant 65535 : i32
      %and3A_733 = vector.broadcast %and3A_732 : i32 to vector<16xi32>
      %and3A_734 = arith.andi %get3A_731, %and3A_733 : vector<16xi32>
      %swap3A_735 = arith.constant 0 : index
      %swap3A_736 = tpu.vector_load %arg10[%swap3A_735] {strides = array<i32>} : memref<64xi32, #tpu.memory_space<vmem>>, vector<16xi32>,
      %swap3A_737 = vector.shape_cast %swap3A_736 : vector<16xi32> to vector<16xi32>
      %swap3A_738 = vector.shape_cast %and3A_734 : vector<16xi32> to vector<16xi32>
      tpu.vector_store %arg10[%swap3A_735], %swap3A_738 {strides = array<i32>} : memref<64xi32, #tpu.memory_space<vmem>>, vector<16xi32>,
      %shift_right_logical3A_739 = arith.constant 16 : i32
      %shift_right_logical3A_740 = vector.broadcast %shift_right_logical3A_739 : i32 to vector<16xi32>
      %shift_right_logical3A_741 = arith.shrui %get3A_731, %shift_right_logical3A_740 : vector<16xi32>
      %swap3A_742 = arith.constant 32 : index
      %swap3A_743 = tpu.vector_load %arg10[%swap3A_742] {strides = array<i32>} : memref<64xi32, #tpu.memory_space<vmem>>, vector<16xi32>,
      %swap3A_744 = vector.shape_cast %swap3A_743 : vector<16xi32> to vector<16xi32>
      %swap3A_745 = vector.shape_cast %shift_right_logical3A_741 : vector<16xi32> to vector<16xi32>
      tpu.vector_store %arg10[%swap3A_742], %swap3A_745 {strides = array<i32>} : memref<64xi32, #tpu.memory_space<vmem>>, vector<16xi32>,
      %mul3A_746 = arith.constant 32 : i32
      %mul3A_747 = arith.muli %min3A_724, %mul3A_746 : i32
      %add3A_748 = arith.constant 16 : i32
      %add3A_749 = arith.addi %mul3A_747, %add3A_748 : i32
      %get3A_750 = arith.index_cast %add3A_749 : i32 to index
      %get3A_751 = tpu.vector_load %arg6[%get3A_750] {strides = array<i32>} : memref<5120xi32, #tpu.memory_space<vmem>>, vector<16xi32>,
      %get3A_752 = vector.shape_cast %get3A_751 : vector<16xi32> to vector<16xi32>
      %and3A_753 = arith.constant 65535 : i32
      %and3A_754 = vector.broadcast %and3A_753 : i32 to vector<16xi32>
      %and3A_755 = arith.andi %get3A_752, %and3A_754 : vector<16xi32>
      %swap3A_756 = arith.constant 16 : index
      %swap3A_757 = tpu.vector_load %arg10[%swap3A_756] {strides = array<i32>} : memref<64xi32, #tpu.memory_space<vmem>>, vector<16xi32>,
      %swap3A_758 = vector.shape_cast %swap3A_757 : vector<16xi32> to vector<16xi32>
      %swap3A_759 = vector.shape_cast %and3A_755 : vector<16xi32> to vector<16xi32>
      tpu.vector_store %arg10[%swap3A_756], %swap3A_759 {strides = array<i32>} : memref<64xi32, #tpu.memory_space<vmem>>, vector<16xi32>,
      %shift_right_logical3A_760 = arith.constant 16 : i32
      %shift_right_logical3A_761 = vector.broadcast %shift_right_logical3A_760 : i32 to vector<16xi32>
      %shift_right_logical3A_762 = arith.shrui %get3A_752, %shift_right_logical3A_761 : vector<16xi32>
      %swap3A_763 = arith.constant 48 : index
      %swap3A_764 = tpu.vector_load %arg10[%swap3A_763] {strides = array<i32>} : memref<64xi32, #tpu.memory_space<vmem>>, vector<16xi32>,
      %swap3A_765 = vector.shape_cast %swap3A_764 : vector<16xi32> to vector<16xi32>
      %swap3A_766 = vector.shape_cast %shift_right_logical3A_762 : vector<16xi32> to vector<16xi32>
      tpu.vector_store %arg10[%swap3A_763], %swap3A_766 {strides = array<i32>} : memref<64xi32, #tpu.memory_space<vmem>>, vector<16xi32>,
      %dma_wait3A_767 = arith.constant 0 : i32
      %dma_wait3A_768 = arith.constant 0 : i32
      %dma_wait3A_769 = tpu.memref_slice %arg28[%dma_wait3A_767, %dma_wait3A_768] : memref<10008x128xf32, #tpu.memory_space<vmem_shared>> -> memref<10008x128xf32, #tpu.memory_space<vmem_shared>>
      tpu.wait_indirect_dma semaphore(%arg26 : memref<!tpu.dma_semaphore, #tpu.memory_space<semaphore_mem>>) src(%arg18 : memref<64x128xf32, #tpu.memory_space<vmem>>) dst(%dma_wait3A_769 : memref<10008x128xf32, #tpu.memory_space<vmem_shared>>)
      %dma_start3A_770 = arith.constant 0 : i32
      %dma_start3A_771 = arith.constant 0 : i32
      %dma_start3A_772 = tpu.memref_slice %arg2[%add3A_221, %dma_start3A_770, %dma_start3A_771] : memref<4x10008x128xf32, #tpu.memory_space<hbm>> -> memref<1x10008x128xf32, #tpu.memory_space<hbm>>
      %dma_start3A_773 = tpu.memref_squeeze %dma_start3A_772 : memref<1x10008x128xf32, #tpu.memory_space<hbm>> -> memref<10008x128xf32, #tpu.memory_space<hbm>>
      %dma_start3A_774 = arith.constant 0 : i32
      %dma_start3A_775 = arith.constant 0 : i32
      %dma_start3A_776 = tpu.memref_slice %dma_start3A_773[%dma_start3A_774, %dma_start3A_775] : memref<10008x128xf32, #tpu.memory_space<hbm>> -> memref<10008x128xf32, #tpu.memory_space<hbm>>
      tpu.enqueue_indirect_dma source(%dma_start3A_776 : memref<10008x128xf32, #tpu.memory_space<hbm>>) target(%arg18 : memref<64x128xf32, #tpu.memory_space<vmem>>) offsets(%arg10 : memref<64xi32, #tpu.memory_space<vmem>>) semaphore(%arg22 : memref<!tpu.dma_semaphore, #tpu.memory_space<semaphore_mem>>)
      %mul3A_777 = arith.constant 4 : i32
      %mul3A_778 = arith.muli %mul3A_777, %scan3A_441 : i32
      %add3A_779 = arith.constant 3 : i32
      %add3A_780 = arith.addi %mul3A_778, %add3A_779 : i32
      %mul3A_781 = arith.constant 32 : i32
      %mul3A_782 = arith.muli %add3A_780, %mul3A_781 : i32
      %add3A_783 = arith.constant 0 : i32
      %add3A_784 = arith.addi %mul3A_782, %add3A_783 : i32
      %get3A_785 = arith.index_cast %add3A_784 : i32 to index
      %get3A_786 = tpu.vector_load %arg7[%get3A_785] {strides = array<i32>} : memref<5120xi32, #tpu.memory_space<vmem>>, vector<16xi32>,
      %get3A_787 = vector.shape_cast %get3A_786 : vector<16xi32> to vector<16xi32>
      %and3A_788 = arith.constant 65535 : i32
      %and3A_789 = vector.broadcast %and3A_788 : i32 to vector<16xi32>
      %and3A_790 = arith.andi %get3A_787, %and3A_789 : vector<16xi32>
      %swap3A_791 = arith.constant 0 : index
      %swap3A_792 = tpu.vector_load %arg15[%swap3A_791] {strides = array<i32>} : memref<64xi32, #tpu.memory_space<vmem>>, vector<16xi32>,
      %swap3A_793 = vector.shape_cast %swap3A_792 : vector<16xi32> to vector<16xi32>
      %swap3A_794 = vector.shape_cast %and3A_790 : vector<16xi32> to vector<16xi32>
      tpu.vector_store %arg15[%swap3A_791], %swap3A_794 {strides = array<i32>} : memref<64xi32, #tpu.memory_space<vmem>>, vector<16xi32>,
      %shift_right_logical3A_795 = arith.constant 16 : i32
      %shift_right_logical3A_796 = vector.broadcast %shift_right_logical3A_795 : i32 to vector<16xi32>
      %shift_right_logical3A_797 = arith.shrui %get3A_787, %shift_right_logical3A_796 : vector<16xi32>
      %swap3A_798 = arith.constant 32 : index
      %swap3A_799 = tpu.vector_load %arg15[%swap3A_798] {strides = array<i32>} : memref<64xi32, #tpu.memory_space<vmem>>, vector<16xi32>,
      %swap3A_800 = vector.shape_cast %swap3A_799 : vector<16xi32> to vector<16xi32>
      %swap3A_801 = vector.shape_cast %shift_right_logical3A_797 : vector<16xi32> to vector<16xi32>
      tpu.vector_store %arg15[%swap3A_798], %swap3A_801 {strides = array<i32>} : memref<64xi32, #tpu.memory_space<vmem>>, vector<16xi32>,
      %mul3A_802 = arith.constant 32 : i32
      %mul3A_803 = arith.muli %add3A_780, %mul3A_802 : i32
      %add3A_804 = arith.constant 16 : i32
      %add3A_805 = arith.addi %mul3A_803, %add3A_804 : i32
      %get3A_806 = arith.index_cast %add3A_805 : i32 to index
      %get3A_807 = tpu.vector_load %arg7[%get3A_806] {strides = array<i32>} : memref<5120xi32, #tpu.memory_space<vmem>>, vector<16xi32>,
      %get3A_808 = vector.shape_cast %get3A_807 : vector<16xi32> to vector<16xi32>
      %and3A_809 = arith.constant 65535 : i32
      %and3A_810 = vector.broadcast %and3A_809 : i32 to vector<16xi32>
      %and3A_811 = arith.andi %get3A_808, %and3A_810 : vector<16xi32>
      %swap3A_812 = arith.constant 16 : index
      %swap3A_813 = tpu.vector_load %arg15[%swap3A_812] {strides = array<i32>} : memref<64xi32, #tpu.memory_space<vmem>>, vector<16xi32>,
      %swap3A_814 = vector.shape_cast %swap3A_813 : vector<16xi32> to vector<16xi32>
      %swap3A_815 = vector.shape_cast %and3A_811 : vector<16xi32> to vector<16xi32>
      tpu.vector_store %arg15[%swap3A_812], %swap3A_815 {strides = array<i32>} : memref<64xi32, #tpu.memory_space<vmem>>, vector<16xi32>,
      %shift_right_logical3A_816 = arith.constant 16 : i32
      %shift_right_logical3A_817 = vector.broadcast %shift_right_logical3A_816 : i32 to vector<16xi32>
      %shift_right_logical3A_818 = arith.shrui %get3A_808, %shift_right_logical3A_817 : vector<16xi32>
      %swap3A_819 = arith.constant 48 : index
      %swap3A_820 = tpu.vector_load %arg15[%swap3A_819] {strides = array<i32>} : memref<64xi32, #tpu.memory_space<vmem>>, vector<16xi32>,
      %swap3A_821 = vector.shape_cast %swap3A_820 : vector<16xi32> to vector<16xi32>
      %swap3A_822 = vector.shape_cast %shift_right_logical3A_818 : vector<16xi32> to vector<16xi32>
      tpu.vector_store %arg15[%swap3A_819], %swap3A_822 {strides = array<i32>} : memref<64xi32, #tpu.memory_space<vmem>>, vector<16xi32>,
      %dma_wait3A_823 = arith.constant 0 : i32
      %dma_wait3A_824 = arith.constant 0 : i32
      %dma_wait3A_825 = tpu.memref_slice %arg2[%add3A_221, %dma_wait3A_823, %dma_wait3A_824] : memref<4x10008x128xf32, #tpu.memory_space<hbm>> -> memref<1x10008x128xf32, #tpu.memory_space<hbm>>
      %dma_wait3A_826 = tpu.memref_squeeze %dma_wait3A_825 : memref<1x10008x128xf32, #tpu.memory_space<hbm>> -> memref<10008x128xf32, #tpu.memory_space<hbm>>
      %dma_wait3A_827 = arith.constant 0 : i32
      %dma_wait3A_828 = arith.constant 0 : i32
      %dma_wait3A_829 = tpu.memref_slice %dma_wait3A_826[%dma_wait3A_827, %dma_wait3A_828] : memref<10008x128xf32, #tpu.memory_space<hbm>> -> memref<10008x128xf32, #tpu.memory_space<hbm>>
      tpu.wait_indirect_dma semaphore(%arg23 : memref<!tpu.dma_semaphore, #tpu.memory_space<semaphore_mem>>) src(%dma_wait3A_829 : memref<10008x128xf32, #tpu.memory_space<hbm>>) dst(%arg19 : memref<64x128xf32, #tpu.memory_space<vmem>>)
      %dma_start3A_830 = arith.constant 0 : i32
      %dma_start3A_831 = arith.constant 0 : i32
      %dma_start3A_832 = tpu.memref_slice %arg28[%dma_start3A_830, %dma_start3A_831] : memref<10008x128xf32, #tpu.memory_space<vmem_shared>> -> memref<10008x128xf32, #tpu.memory_space<vmem_shared>>
      tpu.enqueue_indirect_dma source(%arg19 : memref<64x128xf32, #tpu.memory_space<vmem>>) target(%dma_start3A_832 : memref<10008x128xf32, #tpu.memory_space<vmem_shared>>) offsets(%arg15 : memref<64xi32, #tpu.memory_space<vmem>>) semaphore(%arg27 : memref<!tpu.dma_semaphore, #tpu.memory_space<semaphore_mem>>) {add = true}
      %add3A_833 = arith.constant 4 : i32
      %add3A_834 = arith.addi %add3A_780, %add3A_833 : i32
      %min3A_835 = arith.constant 159 : i32
      %min3A_836 = arith.minsi %add3A_834, %min3A_835 : i32
      %mul3A_837 = arith.constant 32 : i32
      %mul3A_838 = arith.muli %min3A_836, %mul3A_837 : i32
      %add3A_839 = arith.constant 0 : i32
      %add3A_840 = arith.addi %mul3A_838, %add3A_839 : i32
      %get3A_841 = arith.index_cast %add3A_840 : i32 to index
      %get3A_842 = tpu.vector_load %arg6[%get3A_841] {strides = array<i32>} : memref<5120xi32, #tpu.memory_space<vmem>>, vector<16xi32>,
      %get3A_843 = vector.shape_cast %get3A_842 : vector<16xi32> to vector<16xi32>
      %and3A_844 = arith.constant 65535 : i32
      %and3A_845 = vector.broadcast %and3A_844 : i32 to vector<16xi32>
      %and3A_846 = arith.andi %get3A_843, %and3A_845 : vector<16xi32>
      %swap3A_847 = arith.constant 0 : index
      %swap3A_848 = tpu.vector_load %arg11[%swap3A_847] {strides = array<i32>} : memref<64xi32, #tpu.memory_space<vmem>>, vector<16xi32>,
      %swap3A_849 = vector.shape_cast %swap3A_848 : vector<16xi32> to vector<16xi32>
      %swap3A_850 = vector.shape_cast %and3A_846 : vector<16xi32> to vector<16xi32>
      tpu.vector_store %arg11[%swap3A_847], %swap3A_850 {strides = array<i32>} : memref<64xi32, #tpu.memory_space<vmem>>, vector<16xi32>,
      %shift_right_logical3A_851 = arith.constant 16 : i32
      %shift_right_logical3A_852 = vector.broadcast %shift_right_logical3A_851 : i32 to vector<16xi32>
      %shift_right_logical3A_853 = arith.shrui %get3A_843, %shift_right_logical3A_852 : vector<16xi32>
      %swap3A_854 = arith.constant 32 : index
      %swap3A_855 = tpu.vector_load %arg11[%swap3A_854] {strides = array<i32>} : memref<64xi32, #tpu.memory_space<vmem>>, vector<16xi32>,
      %swap3A_856 = vector.shape_cast %swap3A_855 : vector<16xi32> to vector<16xi32>
      %swap3A_857 = vector.shape_cast %shift_right_logical3A_853 : vector<16xi32> to vector<16xi32>
      tpu.vector_store %arg11[%swap3A_854], %swap3A_857 {strides = array<i32>} : memref<64xi32, #tpu.memory_space<vmem>>, vector<16xi32>,
      %mul3A_858 = arith.constant 32 : i32
      %mul3A_859 = arith.muli %min3A_836, %mul3A_858 : i32
      %add3A_860 = arith.constant 16 : i32
      %add3A_861 = arith.addi %mul3A_859, %add3A_860 : i32
      %get3A_862 = arith.index_cast %add3A_861 : i32 to index
      %get3A_863 = tpu.vector_load %arg6[%get3A_862] {strides = array<i32>} : memref<5120xi32, #tpu.memory_space<vmem>>, vector<16xi32>,
      %get3A_864 = vector.shape_cast %get3A_863 : vector<16xi32> to vector<16xi32>
      %and3A_865 = arith.constant 65535 : i32
      %and3A_866 = vector.broadcast %and3A_865 : i32 to vector<16xi32>
      %and3A_867 = arith.andi %get3A_864, %and3A_866 : vector<16xi32>
      %swap3A_868 = arith.constant 16 : index
      %swap3A_869 = tpu.vector_load %arg11[%swap3A_868] {strides = array<i32>} : memref<64xi32, #tpu.memory_space<vmem>>, vector<16xi32>,
      %swap3A_870 = vector.shape_cast %swap3A_869 : vector<16xi32> to vector<16xi32>
      %swap3A_871 = vector.shape_cast %and3A_867 : vector<16xi32> to vector<16xi32>
      tpu.vector_store %arg11[%swap3A_868], %swap3A_871 {strides = array<i32>} : memref<64xi32, #tpu.memory_space<vmem>>, vector<16xi32>,
      %shift_right_logical3A_872 = arith.constant 16 : i32
      %shift_right_logical3A_873 = vector.broadcast %shift_right_logical3A_872 : i32 to vector<16xi32>
      %shift_right_logical3A_874 = arith.shrui %get3A_864, %shift_right_logical3A_873 : vector<16xi32>
      %swap3A_875 = arith.constant 48 : index
      %swap3A_876 = tpu.vector_load %arg11[%swap3A_875] {strides = array<i32>} : memref<64xi32, #tpu.memory_space<vmem>>, vector<16xi32>,
      %swap3A_877 = vector.shape_cast %swap3A_876 : vector<16xi32> to vector<16xi32>
      %swap3A_878 = vector.shape_cast %shift_right_logical3A_874 : vector<16xi32> to vector<16xi32>
      tpu.vector_store %arg11[%swap3A_875], %swap3A_878 {strides = array<i32>} : memref<64xi32, #tpu.memory_space<vmem>>, vector<16xi32>,
      %dma_wait3A_879 = arith.constant 0 : i32
      %dma_wait3A_880 = arith.constant 0 : i32
      %dma_wait3A_881 = tpu.memref_slice %arg28[%dma_wait3A_879, %dma_wait3A_880] : memref<10008x128xf32, #tpu.memory_space<vmem_shared>> -> memref<10008x128xf32, #tpu.memory_space<vmem_shared>>
      tpu.wait_indirect_dma semaphore(%arg27 : memref<!tpu.dma_semaphore, #tpu.memory_space<semaphore_mem>>) src(%arg19 : memref<64x128xf32, #tpu.memory_space<vmem>>) dst(%dma_wait3A_881 : memref<10008x128xf32, #tpu.memory_space<vmem_shared>>)
      %dma_start3A_882 = arith.constant 0 : i32
      %dma_start3A_883 = arith.constant 0 : i32
      %dma_start3A_884 = tpu.memref_slice %arg2[%add3A_221, %dma_start3A_882, %dma_start3A_883] : memref<4x10008x128xf32, #tpu.memory_space<hbm>> -> memref<1x10008x128xf32, #tpu.memory_space<hbm>>
      %dma_start3A_885 = tpu.memref_squeeze %dma_start3A_884 : memref<1x10008x128xf32, #tpu.memory_space<hbm>> -> memref<10008x128xf32, #tpu.memory_space<hbm>>
      %dma_start3A_886 = arith.constant 0 : i32
      %dma_start3A_887 = arith.constant 0 : i32
      %dma_start3A_888 = tpu.memref_slice %dma_start3A_885[%dma_start3A_886, %dma_start3A_887] : memref<10008x128xf32, #tpu.memory_space<hbm>> -> memref<10008x128xf32, #tpu.memory_space<hbm>>
      tpu.enqueue_indirect_dma source(%dma_start3A_888 : memref<10008x128xf32, #tpu.memory_space<hbm>>) target(%arg19 : memref<64x128xf32, #tpu.memory_space<vmem>>) offsets(%arg11 : memref<64xi32, #tpu.memory_space<vmem>>) semaphore(%arg23 : memref<!tpu.dma_semaphore, #tpu.memory_space<semaphore_mem>>)
    }
    %scan3A_401 = arith.constant 40 : i32
    %dma_wait3A_402 = arith.constant 0 : i32
    %dma_wait3A_403 = arith.constant 0 : i32
    %dma_wait3A_404 = tpu.memref_slice %arg2[%add3A_221, %dma_wait3A_402, %dma_wait3A_403] : memref<4x10008x128xf32, #tpu.memory_space<hbm>> -> memref<1x10008x128xf32, #tpu.memory_space<hbm>>
    %dma_wait3A_405 = tpu.memref_squeeze %dma_wait3A_404 : memref<1x10008x128xf32, #tpu.memory_space<hbm>> -> memref<10008x128xf32, #tpu.memory_space<hbm>>
    %dma_wait3A_406 = arith.constant 0 : i32
    %dma_wait3A_407 = arith.constant 0 : i32
    %dma_wait3A_408 = tpu.memref_slice %dma_wait3A_405[%dma_wait3A_406, %dma_wait3A_407] : memref<10008x128xf32, #tpu.memory_space<hbm>> -> memref<10008x128xf32, #tpu.memory_space<hbm>>
    tpu.wait_indirect_dma semaphore(%arg20 : memref<!tpu.dma_semaphore, #tpu.memory_space<semaphore_mem>>) src(%dma_wait3A_408 : memref<10008x128xf32, #tpu.memory_space<hbm>>) dst(%arg16 : memref<64x128xf32, #tpu.memory_space<vmem>>)
    %dma_wait3A_409 = arith.constant 0 : i32
    %dma_wait3A_410 = arith.constant 0 : i32
    %dma_wait3A_411 = tpu.memref_slice %arg2[%add3A_221, %dma_wait3A_409, %dma_wait3A_410] : memref<4x10008x128xf32, #tpu.memory_space<hbm>> -> memref<1x10008x128xf32, #tpu.memory_space<hbm>>
    %dma_wait3A_412 = tpu.memref_squeeze %dma_wait3A_411 : memref<1x10008x128xf32, #tpu.memory_space<hbm>> -> memref<10008x128xf32, #tpu.memory_space<hbm>>
    %dma_wait3A_413 = arith.constant 0 : i32
    %dma_wait3A_414 = arith.constant 0 : i32
    %dma_wait3A_415 = tpu.memref_slice %dma_wait3A_412[%dma_wait3A_413, %dma_wait3A_414] : memref<10008x128xf32, #tpu.memory_space<hbm>> -> memref<10008x128xf32, #tpu.memory_space<hbm>>
    tpu.wait_indirect_dma semaphore(%arg21 : memref<!tpu.dma_semaphore, #tpu.memory_space<semaphore_mem>>) src(%dma_wait3A_415 : memref<10008x128xf32, #tpu.memory_space<hbm>>) dst(%arg17 : memref<64x128xf32, #tpu.memory_space<vmem>>)
    %dma_wait3A_416 = arith.constant 0 : i32
    %dma_wait3A_417 = arith.constant 0 : i32
    %dma_wait3A_418 = tpu.memref_slice %arg2[%add3A_221, %dma_wait3A_416, %dma_wait3A_417] : memref<4x10008x128xf32, #tpu.memory_space<hbm>> -> memref<1x10008x128xf32, #tpu.memory_space<hbm>>
    %dma_wait3A_419 = tpu.memref_squeeze %dma_wait3A_418 : memref<1x10008x128xf32, #tpu.memory_space<hbm>> -> memref<10008x128xf32, #tpu.memory_space<hbm>>
    %dma_wait3A_420 = arith.constant 0 : i32
    %dma_wait3A_421 = arith.constant 0 : i32
    %dma_wait3A_422 = tpu.memref_slice %dma_wait3A_419[%dma_wait3A_420, %dma_wait3A_421] : memref<10008x128xf32, #tpu.memory_space<hbm>> -> memref<10008x128xf32, #tpu.memory_space<hbm>>
    tpu.wait_indirect_dma semaphore(%arg22 : memref<!tpu.dma_semaphore, #tpu.memory_space<semaphore_mem>>) src(%dma_wait3A_422 : memref<10008x128xf32, #tpu.memory_space<hbm>>) dst(%arg18 : memref<64x128xf32, #tpu.memory_space<vmem>>)
    %dma_wait3A_423 = arith.constant 0 : i32
    %dma_wait3A_424 = arith.constant 0 : i32
    %dma_wait3A_425 = tpu.memref_slice %arg2[%add3A_221, %dma_wait3A_423, %dma_wait3A_424] : memref<4x10008x128xf32, #tpu.memory_space<hbm>> -> memref<1x10008x128xf32, #tpu.memory_space<hbm>>
    %dma_wait3A_426 = tpu.memref_squeeze %dma_wait3A_425 : memref<1x10008x128xf32, #tpu.memory_space<hbm>> -> memref<10008x128xf32, #tpu.memory_space<hbm>>
    %dma_wait3A_427 = arith.constant 0 : i32
    %dma_wait3A_428 = arith.constant 0 : i32
    %dma_wait3A_429 = tpu.memref_slice %dma_wait3A_426[%dma_wait3A_427, %dma_wait3A_428] : memref<10008x128xf32, #tpu.memory_space<hbm>> -> memref<10008x128xf32, #tpu.memory_space<hbm>>
    tpu.wait_indirect_dma semaphore(%arg23 : memref<!tpu.dma_semaphore, #tpu.memory_space<semaphore_mem>>) src(%dma_wait3A_429 : memref<10008x128xf32, #tpu.memory_space<hbm>>) dst(%arg19 : memref<64x128xf32, #tpu.memory_space<vmem>>)
    %barrier3A_430 = arith.constant 0 : index
    tpu.barrier barrier_id(%barrier3A_430)
    %mul3A_431 = arith.constant 624 : i32
    %mul3A_432 = arith.muli %arg1, %mul3A_431 : i32
    %mul3A_433 = arith.constant 624 : i32
    %mul3A_434 = arith.muli %arg1, %mul3A_433 : i32
    "tpu.region"() ({
      %run_scoped3A = tpu.sem_alloc : memref<!tpu.dma_semaphore, #tpu.memory_space<semaphore_mem>>
      %dma_start3A_441 = arith.constant 0 : i32
      %dma_start3A_442 = arith.constant 0 : i32
      %dma_start3A_443 = tpu.memref_slice %arg5[%add3A_221, %dma_start3A_441, %dma_start3A_442] : memref<4x10000x128xf32, #tpu.memory_space<hbm>> -> memref<1x10000x128xf32, #tpu.memory_space<hbm>>
      %dma_start3A_444 = tpu.memref_squeeze %dma_start3A_443 : memref<1x10000x128xf32, #tpu.memory_space<hbm>> -> memref<10000x128xf32, #tpu.memory_space<hbm>>
      %dma_start3A_445 = arith.constant 0 : i32
      %dma_start3A_446 = tpu.memref_slice %dma_start3A_444[%mul3A_434, %dma_start3A_445] : memref<10000x128xf32, #tpu.memory_space<hbm>> -> memref<624x128xf32, #tpu.memory_space<hbm>>
      %dma_start3A_447 = arith.constant 0 : i32
      %dma_start3A_448 = tpu.memref_slice %arg28[%mul3A_432, %dma_start3A_447] : memref<10008x128xf32, #tpu.memory_space<vmem_shared>> -> memref<624x128xf32, #tpu.memory_space<vmem_shared>>
      tpu.enqueue_dma source(%dma_start3A_448 : memref<624x128xf32, #tpu.memory_space<vmem_shared>>) target(%dma_start3A_446 : memref<624x128xf32, #tpu.memory_space<hbm>>) target_semaphore(%run_scoped3A : memref<!tpu.dma_semaphore, #tpu.memory_space<semaphore_mem>>)
      %dma_wait3A_449 = arith.constant 0 : i32
      %dma_wait3A_450 = arith.constant 0 : i32
      %dma_wait3A_451 = tpu.memref_slice %arg5[%add3A_221, %dma_wait3A_449, %dma_wait3A_450] : memref<4x10000x128xf32, #tpu.memory_space<hbm>> -> memref<1x10000x128xf32, #tpu.memory_space<hbm>>
      %dma_wait3A_452 = tpu.memref_squeeze %dma_wait3A_451 : memref<1x10000x128xf32, #tpu.memory_space<hbm>> -> memref<10000x128xf32, #tpu.memory_space<hbm>>
      %dma_wait3A_453 = arith.constant 0 : i32
      %dma_wait3A_454 = tpu.memref_slice %dma_wait3A_452[%mul3A_434, %dma_wait3A_453] : memref<10000x128xf32, #tpu.memory_space<hbm>> -> memref<624x128xf32, #tpu.memory_space<hbm>>
      %dma_wait3A_455 = arith.constant 0 : i32
      %dma_wait3A_456 = tpu.memref_slice %arg28[%mul3A_432, %dma_wait3A_455] : memref<10008x128xf32, #tpu.memory_space<vmem_shared>> -> memref<624x128xf32, #tpu.memory_space<vmem_shared>>
      tpu.wait_dma2 semaphore(%run_scoped3A : memref<!tpu.dma_semaphore, #tpu.memory_space<semaphore_mem>>) src(%dma_wait3A_456 : memref<624x128xf32, #tpu.memory_space<vmem_shared>>) dst(%dma_wait3A_454 : memref<624x128xf32, #tpu.memory_space<hbm>>)
      tpu.yield
    }) : () -> ()
    %eq3A_435 = arith.constant 0 : i32
    %eq3A_436 = arith.cmpi eq, %arg1, %eq3A_435 : i32
    %convert_element_type3A_437 = arith.extui %eq3A_436 : i1 to i32
    %cond3A_438 = arith.constant 0 : i32
    %cond3A_439 = arith.cmpi ne, %convert_element_type3A_437, %cond3A_438 : i32
    scf.if %cond3A_439 {
      "tpu.region"() ({
        %run_scoped3A = tpu.sem_alloc : memref<!tpu.dma_semaphore, #tpu.memory_space<semaphore_mem>>
        %dma_start3A_441 = arith.constant 0 : i32
        %dma_start3A_442 = arith.constant 0 : i32
        %dma_start3A_443 = tpu.memref_slice %arg5[%add3A_221, %dma_start3A_441, %dma_start3A_442] : memref<4x10000x128xf32, #tpu.memory_space<hbm>> -> memref<1x10000x128xf32, #tpu.memory_space<hbm>>
        %dma_start3A_444 = tpu.memref_squeeze %dma_start3A_443 : memref<1x10000x128xf32, #tpu.memory_space<hbm>> -> memref<10000x128xf32, #tpu.memory_space<hbm>>
        %dma_start3A_445 = arith.constant 9984 : i32
        %dma_start3A_446 = arith.constant 0 : i32
        %dma_start3A_447 = tpu.memref_slice %dma_start3A_444[%dma_start3A_445, %dma_start3A_446] : memref<10000x128xf32, #tpu.memory_space<hbm>> -> memref<16x128xf32, #tpu.memory_space<hbm>>
        %dma_start3A_448 = arith.constant 9984 : i32
        %dma_start3A_449 = arith.constant 0 : i32
        %dma_start3A_450 = tpu.memref_slice %arg28[%dma_start3A_448, %dma_start3A_449] : memref<10008x128xf32, #tpu.memory_space<vmem_shared>> -> memref<16x128xf32, #tpu.memory_space<vmem_shared>>
        tpu.enqueue_dma source(%dma_start3A_450 : memref<16x128xf32, #tpu.memory_space<vmem_shared>>) target(%dma_start3A_447 : memref<16x128xf32, #tpu.memory_space<hbm>>) target_semaphore(%run_scoped3A : memref<!tpu.dma_semaphore, #tpu.memory_space<semaphore_mem>>)
        %dma_wait3A_451 = arith.constant 0 : i32
        %dma_wait3A_452 = arith.constant 0 : i32
        %dma_wait3A_453 = tpu.memref_slice %arg5[%add3A_221, %dma_wait3A_451, %dma_wait3A_452] : memref<4x10000x128xf32, #tpu.memory_space<hbm>> -> memref<1x10000x128xf32, #tpu.memory_space<hbm>>
        %dma_wait3A_454 = tpu.memref_squeeze %dma_wait3A_453 : memref<1x10000x128xf32, #tpu.memory_space<hbm>> -> memref<10000x128xf32, #tpu.memory_space<hbm>>
        %dma_wait3A_455 = arith.constant 9984 : i32
        %dma_wait3A_456 = arith.constant 0 : i32
        %dma_wait3A_457 = tpu.memref_slice %dma_wait3A_454[%dma_wait3A_455, %dma_wait3A_456] : memref<10000x128xf32, #tpu.memory_space<hbm>> -> memref<16x128xf32, #tpu.memory_space<hbm>>
        %dma_wait3A_458 = arith.constant 9984 : i32
        %dma_wait3A_459 = arith.constant 0 : i32
        %dma_wait3A_460 = tpu.memref_slice %arg28[%dma_wait3A_458, %dma_wait3A_459] : memref<10008x128xf32, #tpu.memory_space<vmem_shared>> -> memref<16x128xf32, #tpu.memory_space<vmem_shared>>
        tpu.wait_dma2 semaphore(%run_scoped3A : memref<!tpu.dma_semaphore, #tpu.memory_space<semaphore_mem>>) src(%dma_wait3A_460 : memref<16x128xf32, #tpu.memory_space<vmem_shared>>) dst(%dma_wait3A_457 : memref<16x128xf32, #tpu.memory_space<hbm>>)
        tpu.yield
      }) : () -> ()
    } else {
    }
    %barrier3A_440 = arith.constant 0 : index
    tpu.barrier barrier_id(%barrier3A_440)
    return
  }
}

#map = affine_map<(d0, d1) -> (0)>
#map1 = affine_map<(d0, d1) -> (0, 0, 0)>
module attributes {stable_mosaic.version = 14 : i64} {
  func.func @deg_kernel(%arg0: i32, %arg1: i32, %arg2: memref<163840xi32, #tpu.memory_space<hbm>>, %arg3: memref<10008xf32, #tpu.memory_space<hbm>>, %arg4: memref<128xf32, #tpu.memory_space<hbm>>, %arg5: memref<2x1x10008xf32, #tpu.memory_space<hbm>>, %arg6: memref<128xi32, #tpu.memory_space<vmem>>, %arg7: memref<128xf32, #tpu.memory_space<vmem>>, %arg8: memref<10008xf32, #tpu.memory_space<vmem_shared>>) attributes {dimension_semantics = [#tpu.dimension_semantics<core_parallel>, #tpu.dimension_semantics<subcore_parallel>], iteration_bounds = array<i64: 2, 16>, scalar_prefetch = 0 : i64, scratch_operands = 3 : i64, tpu.core_type = #tpu.core_type<sc_vector_subcore>, window_params = [{transform_indices = #map}, {transform_indices = #map}, {transform_indices = #map}, {transform_indices = #map1}]} {
    %eq3A = arith.constant 0 : i32
    %eq3A_0 = arith.cmpi eq, %arg1, %eq3A : i32
    %convert_element_type3A = arith.extui %eq3A_0 : i1 to i32
    %cond3A = arith.constant 0 : i32
    %cond3A_1 = arith.cmpi ne, %convert_element_type3A, %cond3A : i32
    scf.if %cond3A_1 {
      "tpu.region"() ({
        %run_scoped3A = tpu.sem_alloc : memref<!tpu.dma_semaphore, #tpu.memory_space<semaphore_mem>>
        tpu.enqueue_dma source(%arg3 : memref<10008xf32, #tpu.memory_space<hbm>>) target(%arg8 : memref<10008xf32, #tpu.memory_space<vmem_shared>>) target_semaphore(%run_scoped3A : memref<!tpu.dma_semaphore, #tpu.memory_space<semaphore_mem>>)
        tpu.wait_dma2 semaphore(%run_scoped3A : memref<!tpu.dma_semaphore, #tpu.memory_space<semaphore_mem>>) src(%arg3 : memref<10008xf32, #tpu.memory_space<hbm>>) dst(%arg8 : memref<10008xf32, #tpu.memory_space<vmem_shared>>)
        tpu.yield
      }) : () -> ()
    } else {
    }
    "tpu.region"() ({
      %run_scoped3A = tpu.sem_alloc : memref<!tpu.dma_semaphore, #tpu.memory_space<semaphore_mem>>
      tpu.enqueue_dma source(%arg4 : memref<128xf32, #tpu.memory_space<hbm>>) target(%arg7 : memref<128xf32, #tpu.memory_space<vmem>>) target_semaphore(%run_scoped3A : memref<!tpu.dma_semaphore, #tpu.memory_space<semaphore_mem>>)
      tpu.wait_dma2 semaphore(%run_scoped3A : memref<!tpu.dma_semaphore, #tpu.memory_space<semaphore_mem>>) src(%arg4 : memref<128xf32, #tpu.memory_space<hbm>>) dst(%arg7 : memref<128xf32, #tpu.memory_space<vmem>>)
      tpu.yield
    }) : () -> ()
    %barrier3A = arith.constant 0 : index
    tpu.barrier barrier_id(%barrier3A)
    %mul3A = arith.constant 16 : i32
    %mul3A_2 = arith.muli %arg0, %mul3A : i32
    %add3A = arith.addi %mul3A_2, %arg1 : i32
    %mul3A_3 = arith.constant 40 : i32
    %mul3A_4 = arith.muli %add3A, %mul3A_3 : i32
    %scan3A = arith.constant 0 : i32
    %scan3A_5 = arith.constant 0 : i32
    %scan3A_6 = arith.constant 40 : i32
    %scan3A_7 = arith.addi %scan3A_5, %scan3A_6 : i32
    %scan3A_8 = arith.constant 1 : i32
    scf.for %scan3A_16 = %scan3A_5 to %scan3A_7 step %scan3A_8  : i32 {
      %add3A_17 = arith.addi %mul3A_4, %scan3A_16 : i32
      %mul3A_18 = arith.constant 128 : i32
      %mul3A_19 = arith.muli %add3A_17, %mul3A_18 : i32
      %multiple_of3A = tpu.assume_multiple %mul3A_19, 128 : i32
      "tpu.region"() ({
        %run_scoped3A = tpu.sem_alloc : memref<!tpu.dma_semaphore, #tpu.memory_space<semaphore_mem>>
        %dma_start3A = tpu.memref_slice %arg2[%multiple_of3A] : memref<163840xi32, #tpu.memory_space<hbm>> -> memref<128xi32, #tpu.memory_space<hbm>>
        %dma_start3A_20 = tpu.memref_slice %arg2[%multiple_of3A] : memref<163840xi32, #tpu.memory_space<hbm>> -> memref<128xi32, #tpu.memory_space<hbm>>
        tpu.enqueue_dma source(%dma_start3A_20 : memref<128xi32, #tpu.memory_space<hbm>>) target(%arg6 : memref<128xi32, #tpu.memory_space<vmem>>) target_semaphore(%run_scoped3A : memref<!tpu.dma_semaphore, #tpu.memory_space<semaphore_mem>>)
        %dma_wait3A = tpu.memref_slice %arg2[%multiple_of3A] : memref<163840xi32, #tpu.memory_space<hbm>> -> memref<128xi32, #tpu.memory_space<hbm>>
        %dma_wait3A_21 = tpu.memref_slice %arg2[%multiple_of3A] : memref<163840xi32, #tpu.memory_space<hbm>> -> memref<128xi32, #tpu.memory_space<hbm>>
        tpu.wait_dma2 semaphore(%run_scoped3A : memref<!tpu.dma_semaphore, #tpu.memory_space<semaphore_mem>>) src(%dma_wait3A_21 : memref<128xi32, #tpu.memory_space<hbm>>) dst(%arg6 : memref<128xi32, #tpu.memory_space<vmem>>)
        tpu.yield
      }) : () -> ()
      "tpu.region"() ({
        %run_scoped3A = tpu.sem_alloc : memref<!tpu.dma_semaphore, #tpu.memory_space<semaphore_mem>>
        %dma_start3A = arith.constant 0 : i32
        %dma_start3A_20 = tpu.memref_slice %arg8[%dma_start3A] : memref<10008xf32, #tpu.memory_space<vmem_shared>> -> memref<10008xf32, #tpu.memory_space<vmem_shared>>
        tpu.enqueue_indirect_dma source(%arg7 : memref<128xf32, #tpu.memory_space<vmem>>) target(%dma_start3A_20 : memref<10008xf32, #tpu.memory_space<vmem_shared>>) offsets(%arg6 : memref<128xi32, #tpu.memory_space<vmem>>) semaphore(%run_scoped3A : memref<!tpu.dma_semaphore, #tpu.memory_space<semaphore_mem>>) {add = true}
        %dma_wait3A = arith.constant 0 : i32
        %dma_wait3A_21 = tpu.memref_slice %arg8[%dma_wait3A] : memref<10008xf32, #tpu.memory_space<vmem_shared>> -> memref<10008xf32, #tpu.memory_space<vmem_shared>>
        tpu.wait_indirect_dma semaphore(%run_scoped3A : memref<!tpu.dma_semaphore, #tpu.memory_space<semaphore_mem>>) src(%arg7 : memref<128xf32, #tpu.memory_space<vmem>>) dst(%dma_wait3A_21 : memref<10008xf32, #tpu.memory_space<vmem_shared>>)
        tpu.yield
      }) : () -> ()
    }
    %scan3A_9 = arith.constant 40 : i32
    %barrier3A_10 = arith.constant 0 : index
    tpu.barrier barrier_id(%barrier3A_10)
    %eq3A_11 = arith.constant 0 : i32
    %eq3A_12 = arith.cmpi eq, %arg1, %eq3A_11 : i32
    %convert_element_type3A_13 = arith.extui %eq3A_12 : i1 to i32
    %cond3A_14 = arith.constant 0 : i32
    %cond3A_15 = arith.cmpi ne, %convert_element_type3A_13, %cond3A_14 : i32
    scf.if %cond3A_15 {
      %run_scoped3A = arith.constant 0 : i32
      "tpu.region"() ({
        %run_scoped3A_16 = tpu.sem_alloc : memref<!tpu.dma_semaphore, #tpu.memory_space<semaphore_mem>>
        %dma_start3A = arith.constant 0 : i32
        %dma_start3A_17 = tpu.memref_slice %arg5[%arg0, %run_scoped3A, %dma_start3A] : memref<2x1x10008xf32, #tpu.memory_space<hbm>> -> memref<1x1x10008xf32, #tpu.memory_space<hbm>>
        %dma_start3A_18 = tpu.memref_squeeze %dma_start3A_17 : memref<1x1x10008xf32, #tpu.memory_space<hbm>> -> memref<10008xf32, #tpu.memory_space<hbm>>
        tpu.enqueue_dma source(%arg8 : memref<10008xf32, #tpu.memory_space<vmem_shared>>) target(%dma_start3A_18 : memref<10008xf32, #tpu.memory_space<hbm>>) target_semaphore(%run_scoped3A_16 : memref<!tpu.dma_semaphore, #tpu.memory_space<semaphore_mem>>)
        %dma_wait3A = arith.constant 0 : i32
        %dma_wait3A_19 = tpu.memref_slice %arg5[%arg0, %run_scoped3A, %dma_wait3A] : memref<2x1x10008xf32, #tpu.memory_space<hbm>> -> memref<1x1x10008xf32, #tpu.memory_space<hbm>>
        %dma_wait3A_20 = tpu.memref_squeeze %dma_wait3A_19 : memref<1x1x10008xf32, #tpu.memory_space<hbm>> -> memref<10008xf32, #tpu.memory_space<hbm>>
        tpu.wait_dma2 semaphore(%run_scoped3A_16 : memref<!tpu.dma_semaphore, #tpu.memory_space<semaphore_mem>>) src(%arg8 : memref<10008xf32, #tpu.memory_space<vmem_shared>>) dst(%dma_wait3A_20 : memref<10008xf32, #tpu.memory_space<hbm>>)
        tpu.yield
      }) : () -> ()
    } else {
    }
    return
  }
}

module attributes {stable_mosaic.version = 14 : i64} {
  func.func @body(%arg0: i32, %arg1: i32, %arg2: i32, %arg3: memref<2000x1xf32, #tpu.memory_space<vmem>>, %arg4: memref<2000x1xf32, #tpu.memory_space<vmem>>, %arg5: memref<2000x128xf32, #tpu.memory_space<vmem>>, %arg6: memref<128x128xf32, #tpu.memory_space<vmem>>, %arg7: memref<1x2000x128xf32, #tpu.memory_space<vmem>>) attributes {dimension_semantics = [#tpu.dimension_semantics<arbitrary>, #tpu.dimension_semantics<arbitrary>, #tpu.dimension_semantics<arbitrary>], iteration_bounds = array<i64: 5, 4, 2>, scalar_prefetch = 0 : i64, scratch_operands = 0 : i64, tpu.core_type = #tpu.core_type<tc>, window_params = [{transform_indices = @transform_0, window_bounds = array<i64: 2000, 1>}, {transform_indices = @transform_1, window_bounds = array<i64: 2000, 1>}, {transform_indices = @transform_2, window_bounds = array<i64: 2000, 128>}, {transform_indices = @transform_3, window_bounds = array<i64: 128, 128>}, {transform_indices = @transform_4, window_bounds = array<i64: 1, 2000, 128>}]} {
    %get3A = arith.constant 0 : index
    %get3A_0 = arith.constant 0 : index
    %get3A_1 = vector.load %arg5[%get3A, %get3A_0] : memref<2000x128xf32, #tpu.memory_space<vmem>>, vector<2000x128xf32>
    %get3A_2 = arith.constant 0 : index
    %get3A_3 = arith.constant 0 : index
    %get3A_4 = vector.load %arg6[%get3A_2, %get3A_3] : memref<128x128xf32, #tpu.memory_space<vmem>>, vector<128x128xf32>
    %dot_general3A = arith.constant dense<0.000000e+00> : vector<2000x128xf32>
    %dot_general3A_5 = tpu.matmul %get3A_1, %get3A_4, %dot_general3A {dimension_numbers = #tpu.dot_dimension_numbers<[1], [0], [0], [1], [0, 0, 1, 1], [], []>, transpose_lhs_hint = false} : vector<2000x128xf32>, vector<128x128xf32>, vector<2000x128xf32> -> vector<2000x128xf32>
    %eq3A = arith.constant 0 : i32
    %eq3A_6 = arith.cmpi eq, %arg2, %eq3A : i32
    %convert_element_type3A = arith.extui %eq3A_6 : i1 to i32
    %cond3A = arith.constant 0 : i32
    %cond3A_7 = arith.cmpi ne, %convert_element_type3A, %cond3A : i32
    scf.if %cond3A_7 {
      %broadcast_in_dim3A = vector.shape_cast %dot_general3A_5 : vector<2000x128xf32> to vector<1x2000x128xf32>
      %swap3A = arith.constant 0 : index
      %swap3A_17 = arith.constant 0 : index
      %swap3A_18 = arith.constant 0 : index
      %swap3A_19 = vector.load %arg7[%swap3A, %swap3A_17, %swap3A_18] : memref<1x2000x128xf32, #tpu.memory_space<vmem>>, vector<1x2000x128xf32>
      tpu.vector_store %arg7[%swap3A, %swap3A_17, %swap3A_18], %broadcast_in_dim3A {strides = array<i32>} : memref<1x2000x128xf32, #tpu.memory_space<vmem>>, vector<1x2000x128xf32>,
    } else {
    }
    %gt3A = arith.constant 0 : i32
    %gt3A_8 = arith.cmpi sgt, %arg2, %gt3A : i32
    %convert_element_type3A_9 = arith.extui %gt3A_8 : i1 to i32
    %cond3A_10 = arith.constant 0 : i32
    %cond3A_11 = arith.cmpi ne, %convert_element_type3A_9, %cond3A_10 : i32
    scf.if %cond3A_11 {
      %get3A_17 = arith.constant 0 : index
      %get3A_18 = arith.constant 0 : index
      %get3A_19 = arith.constant 0 : index
      %get3A_20 = vector.load %arg7[%get3A_17, %get3A_18, %get3A_19] : memref<1x2000x128xf32, #tpu.memory_space<vmem>>, vector<1x2000x128xf32>
      %broadcast_in_dim3A = vector.shape_cast %dot_general3A_5 : vector<2000x128xf32> to vector<1x2000x128xf32>
      %add3A = arith.addf %get3A_20, %broadcast_in_dim3A : vector<1x2000x128xf32>
      %swap3A = arith.constant 0 : index
      %swap3A_21 = arith.constant 0 : index
      %swap3A_22 = arith.constant 0 : index
      %swap3A_23 = vector.load %arg7[%swap3A, %swap3A_21, %swap3A_22] : memref<1x2000x128xf32, #tpu.memory_space<vmem>>, vector<1x2000x128xf32>
      tpu.vector_store %arg7[%swap3A, %swap3A_21, %swap3A_22], %add3A {strides = array<i32>} : memref<1x2000x128xf32, #tpu.memory_space<vmem>>, vector<1x2000x128xf32>,
    } else {
    }
    %eq3A_12 = arith.constant 1 : i32
    %eq3A_13 = arith.cmpi eq, %arg2, %eq3A_12 : i32
    %convert_element_type3A_14 = arith.extui %eq3A_13 : i1 to i32
    %cond3A_15 = arith.constant 0 : i32
    %cond3A_16 = arith.cmpi ne, %convert_element_type3A_14, %cond3A_15 : i32
    scf.if %cond3A_16 {
      %get3A_17 = arith.constant 0 : index
      %get3A_18 = arith.constant 0 : index
      %get3A_19 = vector.load %arg3[%get3A_17, %get3A_18] : memref<2000x1xf32, #tpu.memory_space<vmem>>, vector<2000x1xf32>
      %get3A_20 = arith.constant 0 : index
      %get3A_21 = arith.constant 0 : index
      %get3A_22 = vector.load %arg4[%get3A_20, %get3A_21] : memref<2000x1xf32, #tpu.memory_space<vmem>>, vector<2000x1xf32>
      %add3A = arith.addf %get3A_19, %get3A_22 : vector<2000x1xf32>
      %add3A_23 = arith.constant 1.000000e+00 : f32
      %add3A_24 = vector.broadcast %add3A_23 : f32 to vector<2000x1xf32>
      %add3A_25 = arith.addf %add3A, %add3A_24 : vector<2000x1xf32>
      %rsqrt3A = math.rsqrt %add3A_25 : vector<2000x1xf32>
      %get3A_26 = arith.constant 0 : index
      %get3A_27 = arith.constant 0 : index
      %get3A_28 = arith.constant 0 : index
      %get3A_29 = vector.load %arg7[%get3A_26, %get3A_27, %get3A_28] : memref<1x2000x128xf32, #tpu.memory_space<vmem>>, vector<1x2000x128xf32>
      %get3A_30 = vector.shape_cast %get3A_29 : vector<1x2000x128xf32> to vector<2000x128xf32>
      %mul3A = vector.broadcast %rsqrt3A : vector<2000x1xf32> to vector<2000x128xf32>
      %mul3A_31 = arith.mulf %mul3A, %get3A_30 : vector<2000x128xf32>
      %broadcast_in_dim3A = vector.shape_cast %mul3A_31 : vector<2000x128xf32> to vector<1x2000x128xf32>
      %swap3A = arith.constant 0 : index
      %swap3A_32 = arith.constant 0 : index
      %swap3A_33 = arith.constant 0 : index
      %swap3A_34 = vector.load %arg7[%swap3A, %swap3A_32, %swap3A_33] : memref<1x2000x128xf32, #tpu.memory_space<vmem>>, vector<1x2000x128xf32>
      tpu.vector_store %arg7[%swap3A, %swap3A_32, %swap3A_33], %broadcast_in_dim3A {strides = array<i32>} : memref<1x2000x128xf32, #tpu.memory_space<vmem>>, vector<1x2000x128xf32>,
    } else {
    }
    return
  }
  func.func @transform_0(%arg0: i32, %arg1: i32, %arg2: i32) -> (i32, i32) {
    %c0_i32 = arith.constant 0 : i32
    %c0_i32_0 = arith.constant 0 : i32
    return %arg0, %c0_i32 : i32, i32
  }
  func.func @transform_1(%arg0: i32, %arg1: i32, %arg2: i32) -> (i32, i32) {
    %c0_i32 = arith.constant 0 : i32
    %c0_i32_0 = arith.constant 0 : i32
    return %arg0, %c0_i32 : i32, i32
  }
  func.func @transform_2(%arg0: i32, %arg1: i32, %arg2: i32) -> (i32, i32) {
    %c0_i32 = arith.constant 0 : i32
    return %arg0, %arg2 : i32, i32
  }
  func.func @transform_3(%arg0: i32, %arg1: i32, %arg2: i32) -> (i32, i32) {
    %c0_i32 = arith.constant 0 : i32
    return %arg2, %arg1 : i32, i32
  }
  func.func @transform_4(%arg0: i32, %arg1: i32, %arg2: i32) -> (i32, i32, i32) {
    %c0_i32 = arith.constant 0 : i32
    %c0_i32_0 = arith.constant 0 : i32
    return %arg1, %arg0, %c0_i32 : i32, i32, i32
  }
}

module attributes {stable_mosaic.version = 14 : i64} {
  func.func @body(%arg0: i32, %arg1: i32, %arg2: i32, %arg3: memref<1x2000x128xf32, #tpu.memory_space<vmem>>, %arg4: memref<2000x1xf32, #tpu.memory_space<vmem>>, %arg5: memref<2000x1xf32, #tpu.memory_space<vmem>>, %arg6: memref<1x128xf32, #tpu.memory_space<vmem>>, %arg7: memref<128x128xf32, #tpu.memory_space<vmem>>, %arg8: memref<1x2000x128xf32, #tpu.memory_space<vmem>>) attributes {dimension_semantics = [#tpu.dimension_semantics<arbitrary>, #tpu.dimension_semantics<arbitrary>, #tpu.dimension_semantics<arbitrary>], iteration_bounds = array<i64: 5, 4, 4>, scalar_prefetch = 0 : i64, scratch_operands = 0 : i64, tpu.core_type = #tpu.core_type<tc>, window_params = [{transform_indices = @transform_0, window_bounds = array<i64: 1, 2000, 128>}, {transform_indices = @transform_1, window_bounds = array<i64: 2000, 1>}, {transform_indices = @transform_2, window_bounds = array<i64: 2000, 1>}, {transform_indices = @transform_3, window_bounds = array<i64: 1, 128>}, {transform_indices = @transform_4, window_bounds = array<i64: 128, 128>}, {transform_indices = @transform_5, window_bounds = array<i64: 1, 2000, 128>}]} {
    %get3A = arith.constant 0 : index
    %get3A_0 = arith.constant 0 : index
    %get3A_1 = vector.load %arg4[%get3A, %get3A_0] : memref<2000x1xf32, #tpu.memory_space<vmem>>, vector<2000x1xf32>
    %get3A_2 = arith.constant 0 : index
    %get3A_3 = arith.constant 0 : index
    %get3A_4 = vector.load %arg5[%get3A_2, %get3A_3] : memref<2000x1xf32, #tpu.memory_space<vmem>>, vector<2000x1xf32>
    %add3A = arith.addf %get3A_1, %get3A_4 : vector<2000x1xf32>
    %add3A_5 = arith.constant 1.000000e+00 : f32
    %add3A_6 = vector.broadcast %add3A_5 : f32 to vector<2000x1xf32>
    %add3A_7 = arith.addf %add3A, %add3A_6 : vector<2000x1xf32>
    %rsqrt3A = math.rsqrt %add3A_7 : vector<2000x1xf32>
    %get3A_8 = arith.constant 0 : index
    %get3A_9 = arith.constant 0 : index
    %get3A_10 = arith.constant 0 : index
    %get3A_11 = vector.load %arg3[%get3A_8, %get3A_9, %get3A_10] : memref<1x2000x128xf32, #tpu.memory_space<vmem>>, vector<1x2000x128xf32>
    %get3A_12 = vector.shape_cast %get3A_11 : vector<1x2000x128xf32> to vector<2000x128xf32>
    %mul3A = vector.broadcast %rsqrt3A : vector<2000x1xf32> to vector<2000x128xf32>
    %mul3A_13 = arith.mulf %mul3A, %get3A_12 : vector<2000x128xf32>
    %get3A_14 = arith.constant 0 : index
    %get3A_15 = arith.constant 0 : index
    %get3A_16 = vector.load %arg6[%get3A_14, %get3A_15] : memref<1x128xf32, #tpu.memory_space<vmem>>, vector<1x128xf32>
    %add3A_17 = vector.broadcast %get3A_16 : vector<1x128xf32> to vector<2000x128xf32>
    %add3A_18 = arith.addf %mul3A_13, %add3A_17 : vector<2000x128xf32>
    %max3A = arith.constant 0.000000e+00 : f32
    %max3A_19 = vector.broadcast %max3A : f32 to vector<2000x128xf32>
    %max3A_20 = arith.maximumf %add3A_18, %max3A_19 : vector<2000x128xf32>
    %get3A_21 = arith.constant 0 : index
    %get3A_22 = arith.constant 0 : index
    %get3A_23 = vector.load %arg7[%get3A_21, %get3A_22] : memref<128x128xf32, #tpu.memory_space<vmem>>, vector<128x128xf32>
    %dot_general3A = arith.constant dense<0.000000e+00> : vector<2000x128xf32>
    %dot_general3A_24 = tpu.matmul %max3A_20, %get3A_23, %dot_general3A {dimension_numbers = #tpu.dot_dimension_numbers<[1], [0], [0], [1], [0, 0, 1, 1], [], []>, transpose_lhs_hint = false} : vector<2000x128xf32>, vector<128x128xf32>, vector<2000x128xf32> -> vector<2000x128xf32>
    %eq3A = arith.constant 0 : i32
    %eq3A_25 = arith.cmpi eq, %arg2, %eq3A : i32
    %convert_element_type3A = arith.extui %eq3A_25 : i1 to i32
    %cond3A = arith.constant 0 : i32
    %cond3A_26 = arith.cmpi ne, %convert_element_type3A, %cond3A : i32
    scf.if %cond3A_26 {
      %broadcast_in_dim3A = vector.shape_cast %dot_general3A_24 : vector<2000x128xf32> to vector<1x2000x128xf32>
      %swap3A = arith.constant 0 : index
      %swap3A_36 = arith.constant 0 : index
      %swap3A_37 = arith.constant 0 : index
      %swap3A_38 = vector.load %arg8[%swap3A, %swap3A_36, %swap3A_37] : memref<1x2000x128xf32, #tpu.memory_space<vmem>>, vector<1x2000x128xf32>
      tpu.vector_store %arg8[%swap3A, %swap3A_36, %swap3A_37], %broadcast_in_dim3A {strides = array<i32>} : memref<1x2000x128xf32, #tpu.memory_space<vmem>>, vector<1x2000x128xf32>,
    } else {
    }
    %gt3A = arith.constant 0 : i32
    %gt3A_27 = arith.cmpi sgt, %arg2, %gt3A : i32
    %convert_element_type3A_28 = arith.extui %gt3A_27 : i1 to i32
    %cond3A_29 = arith.constant 0 : i32
    %cond3A_30 = arith.cmpi ne, %convert_element_type3A_28, %cond3A_29 : i32
    scf.if %cond3A_30 {
      %get3A_36 = arith.constant 0 : index
      %get3A_37 = arith.constant 0 : index
      %get3A_38 = arith.constant 0 : index
      %get3A_39 = vector.load %arg8[%get3A_36, %get3A_37, %get3A_38] : memref<1x2000x128xf32, #tpu.memory_space<vmem>>, vector<1x2000x128xf32>
      %broadcast_in_dim3A = vector.shape_cast %dot_general3A_24 : vector<2000x128xf32> to vector<1x2000x128xf32>
      %add3A_40 = arith.addf %get3A_39, %broadcast_in_dim3A : vector<1x2000x128xf32>
      %swap3A = arith.constant 0 : index
      %swap3A_41 = arith.constant 0 : index
      %swap3A_42 = arith.constant 0 : index
      %swap3A_43 = vector.load %arg8[%swap3A, %swap3A_41, %swap3A_42] : memref<1x2000x128xf32, #tpu.memory_space<vmem>>, vector<1x2000x128xf32>
      tpu.vector_store %arg8[%swap3A, %swap3A_41, %swap3A_42], %add3A_40 {strides = array<i32>} : memref<1x2000x128xf32, #tpu.memory_space<vmem>>, vector<1x2000x128xf32>,
    } else {
    }
    %eq3A_31 = arith.constant 3 : i32
    %eq3A_32 = arith.cmpi eq, %arg2, %eq3A_31 : i32
    %convert_element_type3A_33 = arith.extui %eq3A_32 : i1 to i32
    %cond3A_34 = arith.constant 0 : i32
    %cond3A_35 = arith.cmpi ne, %convert_element_type3A_33, %cond3A_34 : i32
    scf.if %cond3A_35 {
      %get3A_36 = arith.constant 0 : index
      %get3A_37 = arith.constant 0 : index
      %get3A_38 = arith.constant 0 : index
      %get3A_39 = vector.load %arg8[%get3A_36, %get3A_37, %get3A_38] : memref<1x2000x128xf32, #tpu.memory_space<vmem>>, vector<1x2000x128xf32>
      %get3A_40 = vector.shape_cast %get3A_39 : vector<1x2000x128xf32> to vector<2000x128xf32>
      %mul3A_41 = vector.broadcast %rsqrt3A : vector<2000x1xf32> to vector<2000x128xf32>
      %mul3A_42 = arith.mulf %mul3A_41, %get3A_40 : vector<2000x128xf32>
      %broadcast_in_dim3A = vector.shape_cast %mul3A_42 : vector<2000x128xf32> to vector<1x2000x128xf32>
      %swap3A = arith.constant 0 : index
      %swap3A_43 = arith.constant 0 : index
      %swap3A_44 = arith.constant 0 : index
      %swap3A_45 = vector.load %arg8[%swap3A, %swap3A_43, %swap3A_44] : memref<1x2000x128xf32, #tpu.memory_space<vmem>>, vector<1x2000x128xf32>
      tpu.vector_store %arg8[%swap3A, %swap3A_43, %swap3A_44], %broadcast_in_dim3A {strides = array<i32>} : memref<1x2000x128xf32, #tpu.memory_space<vmem>>, vector<1x2000x128xf32>,
    } else {
    }
    return
  }
  func.func @transform_0(%arg0: i32, %arg1: i32, %arg2: i32) -> (i32, i32, i32) {
    %c0_i32 = arith.constant 0 : i32
    %c0_i32_0 = arith.constant 0 : i32
    return %arg2, %arg0, %c0_i32 : i32, i32, i32
  }
  func.func @transform_1(%arg0: i32, %arg1: i32, %arg2: i32) -> (i32, i32) {
    %c0_i32 = arith.constant 0 : i32
    %c0_i32_0 = arith.constant 0 : i32
    return %arg0, %c0_i32 : i32, i32
  }
  func.func @transform_2(%arg0: i32, %arg1: i32, %arg2: i32) -> (i32, i32) {
    %c0_i32 = arith.constant 0 : i32
    %c0_i32_0 = arith.constant 0 : i32
    return %arg0, %c0_i32 : i32, i32
  }
  func.func @transform_3(%arg0: i32, %arg1: i32, %arg2: i32) -> (i32, i32) {
    %c0_i32 = arith.constant 0 : i32
    %c0_i32_0 = arith.constant 0 : i32
    return %c0_i32, %arg2 : i32, i32
  }
  func.func @transform_4(%arg0: i32, %arg1: i32, %arg2: i32) -> (i32, i32) {
    %c0_i32 = arith.constant 0 : i32
    return %arg2, %arg1 : i32, i32
  }
  func.func @transform_5(%arg0: i32, %arg1: i32, %arg2: i32) -> (i32, i32, i32) {
    %c0_i32 = arith.constant 0 : i32
    %c0_i32_0 = arith.constant 0 : i32
    return %arg1, %arg0, %c0_i32 : i32, i32, i32
  }
}

module attributes {stable_mosaic.version = 14 : i64} {
  func.func @body(%arg0: i32, %arg1: i32, %arg2: memref<1x2000x128xf32, #tpu.memory_space<vmem>>, %arg3: memref<2000x1xf32, #tpu.memory_space<vmem>>, %arg4: memref<2000x1xf32, #tpu.memory_space<vmem>>, %arg5: memref<1x128xf32, #tpu.memory_space<vmem>>, %arg6: memref<128x1xf32, #tpu.memory_space<vmem>>, %arg7: memref<1x1xf32, #tpu.memory_space<vmem>>, %arg8: memref<2000x1xf32, #tpu.memory_space<vmem>>, %arg9: memref<64x1xf32, #tpu.memory_space<vmem>>, %arg10: memref<4x64x128xf32, #tpu.memory_space<vmem>>, %arg11: memref<64x128xf32, #tpu.memory_space<vmem>>) attributes {dimension_semantics = [#tpu.dimension_semantics<arbitrary>, #tpu.dimension_semantics<arbitrary>], iteration_bounds = array<i64: 5, 4>, scalar_prefetch = 0 : i64, scratch_operands = 2 : i64, tpu.core_type = #tpu.core_type<tc>, window_params = [{transform_indices = @transform_0, window_bounds = array<i64: 1, 2000, 128>}, {transform_indices = @transform_1, window_bounds = array<i64: 2000, 1>}, {transform_indices = @transform_2, window_bounds = array<i64: 2000, 1>}, {transform_indices = @transform_3, window_bounds = array<i64: 1, 128>}, {transform_indices = @transform_4, window_bounds = array<i64: 128, 1>}, {pipeline_mode = #tpu.pipeline_mode<synchronous>, transform_indices = @transform_5, window_bounds = array<i64: 1, 1>}, {transform_indices = @transform_6, window_bounds = array<i64: 2000, 1>}, {pipeline_mode = #tpu.pipeline_mode<synchronous>, transform_indices = @transform_7, window_bounds = array<i64: 64, 1>}]} {
    %get3A = arith.constant 0 : index
    %get3A_0 = arith.constant 0 : index
    %get3A_1 = vector.load %arg3[%get3A, %get3A_0] : memref<2000x1xf32, #tpu.memory_space<vmem>>, vector<2000x1xf32>
    %get3A_2 = arith.constant 0 : index
    %get3A_3 = arith.constant 0 : index
    %get3A_4 = vector.load %arg4[%get3A_2, %get3A_3] : memref<2000x1xf32, #tpu.memory_space<vmem>>, vector<2000x1xf32>
    %add3A = arith.addf %get3A_1, %get3A_4 : vector<2000x1xf32>
    %add3A_5 = arith.constant 1.000000e+00 : f32
    %add3A_6 = vector.broadcast %add3A_5 : f32 to vector<2000x1xf32>
    %add3A_7 = arith.addf %add3A, %add3A_6 : vector<2000x1xf32>
    %rsqrt3A = math.rsqrt %add3A_7 : vector<2000x1xf32>
    %get3A_8 = arith.constant 0 : index
    %get3A_9 = arith.constant 0 : index
    %get3A_10 = arith.constant 0 : index
    %get3A_11 = vector.load %arg2[%get3A_8, %get3A_9, %get3A_10] : memref<1x2000x128xf32, #tpu.memory_space<vmem>>, vector<1x2000x128xf32>
    %get3A_12 = vector.shape_cast %get3A_11 : vector<1x2000x128xf32> to vector<2000x128xf32>
    %mul3A = vector.broadcast %rsqrt3A : vector<2000x1xf32> to vector<2000x128xf32>
    %mul3A_13 = arith.mulf %mul3A, %get3A_12 : vector<2000x128xf32>
    %get3A_14 = arith.constant 0 : index
    %get3A_15 = arith.constant 0 : index
    %get3A_16 = vector.load %arg5[%get3A_14, %get3A_15] : memref<1x128xf32, #tpu.memory_space<vmem>>, vector<1x128xf32>
    %add3A_17 = vector.broadcast %get3A_16 : vector<1x128xf32> to vector<2000x128xf32>
    %add3A_18 = arith.addf %mul3A_13, %add3A_17 : vector<2000x128xf32>
    %max3A = arith.constant 0.000000e+00 : f32
    %max3A_19 = vector.broadcast %max3A : f32 to vector<2000x128xf32>
    %max3A_20 = arith.maximumf %add3A_18, %max3A_19 : vector<2000x128xf32>
    %iota3A = tpu.iota {dimensions = array<i32: 1>} : vector<1x64xi32>
    %convert_element_type3A = arith.sitofp %iota3A : vector<1x64xi32> to vector<1x64xf32>
    %get3A_21 = arith.constant 0 : index
    %get3A_22 = arith.constant 0 : index
    %get3A_23 = vector.load %arg8[%get3A_21, %get3A_22] : memref<2000x1xf32, #tpu.memory_space<vmem>>, vector<2000x1xf32>
    %eq3A = vector.broadcast %get3A_23 : vector<2000x1xf32> to vector<2000x64xf32>
    %eq3A_24 = vector.broadcast %convert_element_type3A : vector<1x64xf32> to vector<2000x64xf32>
    %eq3A_25 = arith.cmpf oeq, %eq3A, %eq3A_24 : vector<2000x64xf32>
    %convert_element_type3A_26 = arith.extui %eq3A_25 : vector<2000x64xi1> to vector<2000x64xi32>
    %convert_element_type3A_27 = arith.sitofp %convert_element_type3A_26 : vector<2000x64xi32> to vector<2000x64xf32>
    %dot_general3A = arith.constant dense<0.000000e+00> : vector<64x128xf32>
    %dot_general3A_28 = tpu.matmul %convert_element_type3A_27, %max3A_20, %dot_general3A {dimension_numbers = #tpu.dot_dimension_numbers<[0], [0], [1], [1], [0, 1, 1, 1], [], []>, precision = #tpu.contract_precision<fp32>, transpose_lhs_hint = false} : vector<2000x64xf32>, vector<2000x128xf32>, vector<64x128xf32> -> vector<64x128xf32>
    %eq3A_29 = arith.constant 0 : i32
    %eq3A_30 = arith.cmpi eq, %arg0, %eq3A_29 : i32
    %convert_element_type3A_31 = arith.extui %eq3A_30 : i1 to i32
    %cond3A = arith.constant 0 : i32
    %cond3A_32 = arith.cmpi ne, %convert_element_type3A_31, %cond3A : i32
    scf.if %cond3A_32 {
      %swap3A = arith.index_cast %arg1 : i32 to index
      %swap3A_47 = arith.constant 0 : index
      %swap3A_48 = arith.constant 0 : index
      %swap3A_49 = vector.load %arg10[%swap3A, %swap3A_47, %swap3A_48] : memref<4x64x128xf32, #tpu.memory_space<vmem>>, vector<1x64x128xf32>
      %swap3A_50 = vector.shape_cast %swap3A_49 : vector<1x64x128xf32> to vector<64x128xf32>
      %swap3A_51 = vector.shape_cast %dot_general3A_28 : vector<64x128xf32> to vector<1x64x128xf32>
      tpu.vector_store %arg10[%swap3A, %swap3A_47, %swap3A_48], %swap3A_51 {strides = array<i32>} : memref<4x64x128xf32, #tpu.memory_space<vmem>>, vector<1x64x128xf32>,
    } else {
    }
    %gt3A = arith.constant 0 : i32
    %gt3A_33 = arith.cmpi sgt, %arg0, %gt3A : i32
    %convert_element_type3A_34 = arith.extui %gt3A_33 : i1 to i32
    %cond3A_35 = arith.constant 0 : i32
    %cond3A_36 = arith.cmpi ne, %convert_element_type3A_34, %cond3A_35 : i32
    scf.if %cond3A_36 {
      %get3A_47 = arith.index_cast %arg1 : i32 to index
      %get3A_48 = arith.constant 0 : index
      %get3A_49 = arith.constant 0 : index
      %get3A_50 = vector.load %arg10[%get3A_47, %get3A_48, %get3A_49] : memref<4x64x128xf32, #tpu.memory_space<vmem>>, vector<1x64x128xf32>
      %get3A_51 = vector.shape_cast %get3A_50 : vector<1x64x128xf32> to vector<64x128xf32>
      %add3A_52 = arith.addf %get3A_51, %dot_general3A_28 : vector<64x128xf32>
      %swap3A = arith.index_cast %arg1 : i32 to index
      %swap3A_53 = arith.constant 0 : index
      %swap3A_54 = arith.constant 0 : index
      %swap3A_55 = vector.load %arg10[%swap3A, %swap3A_53, %swap3A_54] : memref<4x64x128xf32, #tpu.memory_space<vmem>>, vector<1x64x128xf32>
      %swap3A_56 = vector.shape_cast %swap3A_55 : vector<1x64x128xf32> to vector<64x128xf32>
      %swap3A_57 = vector.shape_cast %add3A_52 : vector<64x128xf32> to vector<1x64x128xf32>
      tpu.vector_store %arg10[%swap3A, %swap3A_53, %swap3A_54], %swap3A_57 {strides = array<i32>} : memref<4x64x128xf32, #tpu.memory_space<vmem>>, vector<1x64x128xf32>,
    } else {
    }
    %eq3A_37 = arith.constant 0 : i32
    %eq3A_38 = arith.cmpi eq, %arg1, %eq3A_37 : i32
    %convert_element_type3A_39 = arith.extui %eq3A_38 : i1 to i32
    %cond3A_40 = arith.constant 0 : i32
    %cond3A_41 = arith.cmpi ne, %convert_element_type3A_39, %cond3A_40 : i32
    scf.if %cond3A_41 {
      %reduce_sum3A = arith.constant dense<0.000000e+00> : vector<64xf32>
      %reduce_sum3A_47 = vector.multi_reduction <add>, %convert_element_type3A_27, %reduce_sum3A [0] : vector<2000x64xf32> to vector<64xf32>
      %broadcast_in_dim3A = vector.shape_cast %reduce_sum3A_47 : vector<64xf32> to vector<64x1xf32>
      %broadcast_in_dim3A_48 = vector.shape_cast %broadcast_in_dim3A : vector<64x1xf32> to vector<64x1xf32>
      %broadcast_in_dim3A_49 = vector.broadcast %broadcast_in_dim3A_48 : vector<64x1xf32> to vector<64x128xf32>
      %eq3A_50 = arith.constant 0 : i32
      %eq3A_51 = arith.cmpi eq, %arg0, %eq3A_50 : i32
      %convert_element_type3A_52 = arith.extui %eq3A_51 : i1 to i32
      %cond3A_53 = arith.constant 0 : i32
      %cond3A_54 = arith.cmpi ne, %convert_element_type3A_52, %cond3A_53 : i32
      scf.if %cond3A_54 {
        %swap3A = arith.constant 0 : index
        %swap3A_60 = arith.constant 0 : index
        %swap3A_61 = vector.load %arg11[%swap3A, %swap3A_60] : memref<64x128xf32, #tpu.memory_space<vmem>>, vector<64x128xf32>
        tpu.vector_store %arg11[%swap3A, %swap3A_60], %broadcast_in_dim3A_49 {strides = array<i32>} : memref<64x128xf32, #tpu.memory_space<vmem>>, vector<64x128xf32>,
      } else {
      }
      %gt3A_55 = arith.constant 0 : i32
      %gt3A_56 = arith.cmpi sgt, %arg0, %gt3A_55 : i32
      %convert_element_type3A_57 = arith.extui %gt3A_56 : i1 to i32
      %cond3A_58 = arith.constant 0 : i32
      %cond3A_59 = arith.cmpi ne, %convert_element_type3A_57, %cond3A_58 : i32
      scf.if %cond3A_59 {
        %get3A_60 = arith.constant 0 : index
        %get3A_61 = arith.constant 0 : index
        %get3A_62 = vector.load %arg11[%get3A_60, %get3A_61] : memref<64x128xf32, #tpu.memory_space<vmem>>, vector<64x128xf32>
        %add3A_63 = arith.addf %get3A_62, %broadcast_in_dim3A_49 : vector<64x128xf32>
        %swap3A = arith.constant 0 : index
        %swap3A_64 = arith.constant 0 : index
        %swap3A_65 = vector.load %arg11[%swap3A, %swap3A_64] : memref<64x128xf32, #tpu.memory_space<vmem>>, vector<64x128xf32>
        tpu.vector_store %arg11[%swap3A, %swap3A_64], %add3A_63 {strides = array<i32>} : memref<64x128xf32, #tpu.memory_space<vmem>>, vector<64x128xf32>,
      } else {
      }
    } else {
    }
    %eq3A_42 = arith.constant 4 : i32
    %eq3A_43 = arith.cmpi eq, %arg0, %eq3A_42 : i32
    %convert_element_type3A_44 = arith.extui %eq3A_43 : i1 to i32
    %cond3A_45 = arith.constant 0 : i32
    %cond3A_46 = arith.cmpi ne, %convert_element_type3A_44, %cond3A_45 : i32
    scf.if %cond3A_46 {
      %get3A_47 = arith.index_cast %arg1 : i32 to index
      %get3A_48 = arith.constant 0 : index
      %get3A_49 = arith.constant 0 : index
      %get3A_50 = vector.load %arg10[%get3A_47, %get3A_48, %get3A_49] : memref<4x64x128xf32, #tpu.memory_space<vmem>>, vector<1x64x128xf32>
      %get3A_51 = vector.shape_cast %get3A_50 : vector<1x64x128xf32> to vector<64x128xf32>
      %get3A_52 = arith.constant 0 : index
      %get3A_53 = arith.constant 0 : index
      %get3A_54 = vector.load %arg11[%get3A_52, %get3A_53] : memref<64x128xf32, #tpu.memory_space<vmem>>, vector<64x128xf32>
      %max3A_55 = arith.constant 1.000000e+00 : f32
      %max3A_56 = vector.broadcast %max3A_55 : f32 to vector<64x128xf32>
      %max3A_57 = arith.maximumf %get3A_54, %max3A_56 : vector<64x128xf32>
      %div3A = arith.divf %get3A_51, %max3A_57 : vector<64x128xf32>
      %get3A_58 = arith.constant 0 : index
      %get3A_59 = arith.constant 0 : index
      %get3A_60 = vector.load %arg6[%get3A_58, %get3A_59] : memref<128x1xf32, #tpu.memory_space<vmem>>, vector<128x1xf32>
      %dot_general3A_61 = arith.constant dense<0.000000e+00> : vector<64x1xf32>
      %dot_general3A_62 = tpu.matmul %div3A, %get3A_60, %dot_general3A_61 {dimension_numbers = #tpu.dot_dimension_numbers<[1], [0], [0], [1], [0, 0, 1, 1], [], []>, transpose_lhs_hint = false} : vector<64x128xf32>, vector<128x1xf32>, vector<64x1xf32> -> vector<64x1xf32>
      %eq3A_63 = arith.constant 0 : i32
      %eq3A_64 = arith.cmpi eq, %arg1, %eq3A_63 : i32
      %convert_element_type3A_65 = arith.extui %eq3A_64 : i1 to i32
      %cond3A_66 = arith.constant 0 : i32
      %cond3A_67 = arith.cmpi ne, %convert_element_type3A_65, %cond3A_66 : i32
      scf.if %cond3A_67 {
        %swap3A = arith.constant 0 : index
        %swap3A_78 = arith.constant 0 : index
        %swap3A_79 = vector.load %arg9[%swap3A, %swap3A_78] : memref<64x1xf32, #tpu.memory_space<vmem>>, vector<64x1xf32>
        tpu.vector_store %arg9[%swap3A, %swap3A_78], %dot_general3A_62 {strides = array<i32>} : memref<64x1xf32, #tpu.memory_space<vmem>>, vector<64x1xf32>,
      } else {
      }
      %gt3A_68 = arith.constant 0 : i32
      %gt3A_69 = arith.cmpi sgt, %arg1, %gt3A_68 : i32
      %convert_element_type3A_70 = arith.extui %gt3A_69 : i1 to i32
      %cond3A_71 = arith.constant 0 : i32
      %cond3A_72 = arith.cmpi ne, %convert_element_type3A_70, %cond3A_71 : i32
      scf.if %cond3A_72 {
        %get3A_78 = arith.constant 0 : index
        %get3A_79 = arith.constant 0 : index
        %get3A_80 = vector.load %arg9[%get3A_78, %get3A_79] : memref<64x1xf32, #tpu.memory_space<vmem>>, vector<64x1xf32>
        %add3A_81 = arith.addf %get3A_80, %dot_general3A_62 : vector<64x1xf32>
        %swap3A = arith.constant 0 : index
        %swap3A_82 = arith.constant 0 : index
        %swap3A_83 = vector.load %arg9[%swap3A, %swap3A_82] : memref<64x1xf32, #tpu.memory_space<vmem>>, vector<64x1xf32>
        tpu.vector_store %arg9[%swap3A, %swap3A_82], %add3A_81 {strides = array<i32>} : memref<64x1xf32, #tpu.memory_space<vmem>>, vector<64x1xf32>,
      } else {
      }
      %eq3A_73 = arith.constant 3 : i32
      %eq3A_74 = arith.cmpi eq, %arg1, %eq3A_73 : i32
      %convert_element_type3A_75 = arith.extui %eq3A_74 : i1 to i32
      %cond3A_76 = arith.constant 0 : i32
      %cond3A_77 = arith.cmpi ne, %convert_element_type3A_75, %cond3A_76 : i32
      scf.if %cond3A_77 {
        %get3A_78 = arith.constant 0 : index
        %get3A_79 = arith.constant 0 : index
        %get3A_80 = vector.load %arg9[%get3A_78, %get3A_79] : memref<64x1xf32, #tpu.memory_space<vmem>>, vector<64x1xf32>
        %get3A_81 = arith.constant 0 : index
        %get3A_82 = arith.constant 0 : index
        %get3A_83 = vector.load %arg7[%get3A_81, %get3A_82] : memref<1x1xf32, #tpu.memory_space<vmem>>, vector<1x1xf32>
        %add3A_84 = vector.broadcast %get3A_83 : vector<1x1xf32> to vector<64x1xf32>
        %add3A_85 = arith.addf %get3A_80, %add3A_84 : vector<64x1xf32>
        %swap3A = arith.constant 0 : index
        %swap3A_86 = arith.constant 0 : index
        %swap3A_87 = vector.load %arg9[%swap3A, %swap3A_86] : memref<64x1xf32, #tpu.memory_space<vmem>>, vector<64x1xf32>
        tpu.vector_store %arg9[%swap3A, %swap3A_86], %add3A_85 {strides = array<i32>} : memref<64x1xf32, #tpu.memory_space<vmem>>, vector<64x1xf32>,
      } else {
      }
    } else {
    }
    return
  }
  func.func @transform_0(%arg0: i32, %arg1: i32) -> (i32, i32, i32) {
    %c0_i32 = arith.constant 0 : i32
    %c0_i32_0 = arith.constant 0 : i32
    return %arg1, %arg0, %c0_i32 : i32, i32, i32
  }
  func.func @transform_1(%arg0: i32, %arg1: i32) -> (i32, i32) {
    %c0_i32 = arith.constant 0 : i32
    %c0_i32_0 = arith.constant 0 : i32
    return %arg0, %c0_i32 : i32, i32
  }
  func.func @transform_2(%arg0: i32, %arg1: i32) -> (i32, i32) {
    %c0_i32 = arith.constant 0 : i32
    %c0_i32_0 = arith.constant 0 : i32
    return %arg0, %c0_i32 : i32, i32
  }
  func.func @transform_3(%arg0: i32, %arg1: i32) -> (i32, i32) {
    %c0_i32 = arith.constant 0 : i32
    %c0_i32_0 = arith.constant 0 : i32
    return %c0_i32, %arg1 : i32, i32
  }
  func.func @transform_4(%arg0: i32, %arg1: i32) -> (i32, i32) {
    %c0_i32 = arith.constant 0 : i32
    %c0_i32_0 = arith.constant 0 : i32
    return %arg1, %c0_i32 : i32, i32
  }
  func.func @transform_5(%arg0: i32, %arg1: i32) -> (i32, i32) {
    %c0_i32 = arith.constant 0 : i32
    %c0_i32_0 = arith.constant 0 : i32
    %c0_i32_1 = arith.constant 0 : i32
    return %c0_i32, %c0_i32_0 : i32, i32
  }
  func.func @transform_6(%arg0: i32, %arg1: i32) -> (i32, i32) {
    %c0_i32 = arith.constant 0 : i32
    %c0_i32_0 = arith.constant 0 : i32
    return %arg0, %c0_i32 : i32, i32
  }
  func.func @transform_7(%arg0: i32, %arg1: i32) -> (i32, i32) {
    %c0_i32 = arith.constant 0 : i32
    %c0_i32_0 = arith.constant 0 : i32
    %c0_i32_1 = arith.constant 0 : i32
    return %c0_i32, %c0_i32_0 : i32, i32
  }
}

</mosaic_0001>

<sc_bundles>
// kernel: kernel.11.cloned.1.call-start
scs
__scs_entry_jumppad:
0x0: {  	(pc) =	sbr.rel $0x88, $3  }
0x1: {  	(tag) =	ssettag $0x0;
	lr =	simm.s32 $0x1  }
0x2: {  	[smem:$0x3F98] =	sst lr;
	_ =	strace $0xD0000000  }
0x3: {  	_ = 	snop  }
0x4: {  	_ = 	snop  }
0x5: {  	_ = 	snop  }
0x6: {  	_ = 	snop  }
0x7: {  	_ = 	snop  }
__scs_overlays_trampoline_lowered:
0x8: {  	[smem:$0x3FA7] =	sst s0  }
0x9: {  	[smem:$0x3FA8] =	sst s1  }
0xa: {  	[smem:$0x3FA9] =	sst s2  }
0xb: {  	[smem:$0x3FAA] =	sst s3  }
0xc: {  	[smem:$0x3FAB] =	sst s4  }
0xd: {  	[smem:$0x3FAC] =	sst s5  }
0xe: {  	[smem:$0x3FAD] =	sst s6  }
0xf: {  	[smem:$0x3FAE] =	sst s7  }
0x10: {  	[smem:$0x3FAF] =	sst s8  }
0x11: {  	[smem:$0x3FB0] =	sst s9;
	s0 =	simm.s32 @!p0 $0x0  }
0x12: {  	s1 =	sld [smem:$0x3F96];
	s0 =	simm.s32 @p0 $0x1  }
0x13: {  	[smem:$0x3FB1] =	sst s0;
	s0 =	simm.s32 @!p1 $0x0  }
0x14: {  	s2 =	sld [smem:$0x3F95];
	s0 =	simm.s32 @p1 $0x1  }
0x15: {  	[smem:$0x3FB2] =	sst s0;
	s0 =	simm.s32 @!p2 $0x0  }
0x16: {  	s3 =	sld [smem:$0x3FDB];
	s0 =	simm.s32 @p2 $0x1  }
0x17: {  	s4 =	simm.s32 $0x1BF5;
	[smem:$0x3FB4] =	sst s0  }
0x18: {  	s0 =	sld [smem:$0x3F97];
	_ =	swait.ge [sflag:s4], $0x0  }
0x19: {  	s7 =	sld [smem:$0x3F98]  }
0x1a: {  	s8 =	sadd.s32 $0xFFFFE003, lr  }
0x1b: {  	s9 =	sadd.s32 $0xFFFFFEF7, lr;
	s5 =	simm.s32 $0xFFFFFFFF;
	p2 =	slt.u32 s8, $0xFFFFF086  }
0x1c: {  	p1 =	slt.u32 s9, $0xF7A;
	s5 =	simm.s32 @!p2 $0x0  }
0x1d: {  	s5 =	simm.s32 @p1 $0x1;
	p0 =	seq.s32 s7, s2  }
0x1e: {  	s7 =	smul.u32 @!p0 $0xF7A, s2;
	p2 =	seq.s32 @!p0 s5, $0x0  }
0x1f: {  	s9 =	smul.u32 $0xF7A, s1;
	s8 =	simm.s32 @!p0 $0x1BF5;
	p2 =	por !p2, p0  }
0x20: {  	[sflag:s8] =	ssyncset.s32 @!p0 $0xFFFFF086;
	s6 =	sadd.s32 @!p0 s3, s7;
	s7 =	simm.s32 @!p0 $0x108  }
0x21: {  	s3 =	sadd.s32 s3, s9;
	s6 =	sadd.s32 @!p0 $0x88, s6;
	s7 =	simm.s32 @p2 $0x1082  }
0x22: {  	[simem:s7], [sflag:s8] =	dma.local @!p0 [hbm:s6], $0xF7A  }
0x23: {  	s9 =	sor.u32 $0xD0000000, s2;
	s6 =	simm.s32 $0x108;
	_ =	swait.ge @!p0 [sflag:s8], $0x0  }
0x24: {  	s3 =	sadd.s32 $0x88, s3;
	s6 =	simm.s32 @!p1 $0x1082;
	[sflag:s4] =	ssyncset.s32 $0xFFFFF086  }
0x25: {  	[simem:s6], [sflag:s4] =	dma.local [hbm:s3], $0xF7A  }
0x26: {  	[smem:$0x3F98] =	sst s1;
	(tag) =	ssettag s2;
	_ =	strace s9  }
0x27: {  	s1 =	sld [smem:$0x3FA8]  }
0x28: {  	s2 =	sld [smem:$0x3FA9]  }
0x29: {  	s4 =	sld [smem:$0x3FAB]  }
0x2a: {  	p0 =	seq.s32 s5, $0x0;
	s5 =	sld [smem:$0x3FAC]  }
0x2b: {  	s6 =	sld [smem:$0x3FAD]  }
0x2c: {  	s7 =	sld [smem:$0x3FAE]  }
0x2d: {  	s3 =	simm.s32 $0x108;
	s8 =	sld [smem:$0x3FAF]  }
0x2e: {  	s3 =	simm.s32 @!p0 $0x1082;
	s9 =	sld [smem:$0x3FB0]  }
0x2f: {  	lr =	sadd.s32 s0, s3;
	s0 =	sld [smem:$0x3FA7]  }
0x30: {  	s3 =	sld [smem:$0x3FAA]  }
0x31: {  	[smem:$0x3FB3] =	sst s10  }
0x32: {  	s10 =	sld [smem:$0x3FB1];
	_ =	sdelay $0x3  }
0x33: {  	p0 =	seq.s32 s10, $0x1;
	s10 =	sld [smem:$0x3FB3];
	_ =	sdelay $0x3  }
0x34: {  	[smem:$0x3FB3] =	sst s10  }
0x35: {  	s10 =	sld [smem:$0x3FB2];
	_ =	sdelay $0x3  }
0x36: {  	p1 =	seq.s32 s10, $0x1;
	s10 =	sld [smem:$0x3FB3];
	_ =	sdelay $0x3  }
0x37: {  	[smem:$0x3FB3] =	sst s10  }
0x38: {  	s10 =	sld [smem:$0x3FB4]  }
0x39: {  	_ = 	snop;
	(pc) =	sbr.ind lr, $3  }
0x3a: {  	_ = 	snop  }
0x3b: {  	_ = 	snop  }
0x3c: {  	p2 =	seq.s32 s10, $0x1;
	s10 =	sld [smem:$0x3FB3]  }
0x3d: {  	_ =	shalt  }
0x3e: {  	_ =	shalt  }
0x3f: {  	_ =	shalt  }
0x40: {  	_ =	shalt  }
0x41: {  	_ =	shalt  }
0x42: {  	_ =	shalt  }
0x43: {  	_ =	shalt  }
0x44: {  	_ =	shalt  }
0x45: {  	_ =	shalt  }
0x46: {  	_ =	shalt  }
0x47: {  	_ =	shalt  }
0x48: {  	_ =	shalt  }
0x49: {  	_ =	shalt  }
0x4a: {  	_ =	shalt  }
0x4b: {  	_ =	shalt  }
0x4c: {  	_ =	shalt  }
0x4d: {  	_ =	shalt  }
0x4e: {  	_ =	shalt  }
0x4f: {  	_ =	shalt  }
0x50: {  	_ =	shalt  }
0x51: {  	_ =	shalt  }
0x52: {  	_ =	shalt  }
0x53: {  	_ =	shalt  }
0x54: {  	_ =	shalt  }
0x55: {  	_ =	shalt  }
0x56: {  	_ =	shalt  }
0x57: {  	_ =	shalt  }
0x58: {  	_ =	shalt  }
0x59: {  	_ =	shalt  }
0x5a: {  	_ =	shalt  }
0x5b: {  	_ =	shalt  }
0x5c: {  	_ =	shalt  }
0x5d: {  	_ =	shalt  }
0x5e: {  	_ =	shalt  }
0x5f: {  	_ =	shalt  }
0x60: {  	_ =	shalt  }
0x61: {  	_ =	shalt  }
0x62: {  	_ =	shalt  }
0x63: {  	_ =	shalt  }
0x64: {  	_ =	shalt  }
0x65: {  	_ =	shalt  }
0x66: {  	_ =	shalt  }
0x67: {  	_ =	shalt  }
0x68: {  	_ =	shalt  }
0x69: {  	_ =	shalt  }
0x6a: {  	_ =	shalt  }
0x6b: {  	_ =	shalt  }
0x6c: {  	_ =	shalt  }
0x6d: {  	_ =	shalt  }
0x6e: {  	_ =	shalt  }
0x6f: {  	_ =	shalt  }
0x70: {  	_ =	shalt  }
0x71: {  	_ =	shalt  }
0x72: {  	_ =	shalt  }
0x73: {  	_ =	shalt  }
0x74: {  	_ =	shalt  }
0x75: {  	_ =	shalt  }
0x76: {  	_ =	shalt  }
0x77: {  	_ =	shalt  }
0x78: {  	_ =	shalt  }
0x79: {  	_ =	shalt  }
0x7a: {  	_ =	shalt  }
0x7b: {  	_ =	shalt  }
0x7c: {  	_ =	shalt  }
0x7d: {  	_ =	shalt  }
0x7e: {  	_ =	shalt  }
0x7f: {  	_ =	shalt  }
0x80: {  	_ =	shalt  }
0x81: {  	_ =	shalt  }
0x82: {  	_ =	shalt  }
0x83: {  	_ =	shalt  }
0x84: {  	_ =	shalt  }
0x85: {  	_ =	shalt  }
0x86: {  	_ =	shalt  }
0x87: {  	_ =	shalt  }
.Lfunc_end0:
.L_simem_size_0:
called_computation.1_lowered:
.L_overlay_start_0:
0x88: {  	s2 =	sld [smem:$0x3FD9]  }
0x89: {  	s3 =	sld [smem:$0x3FFE];
	_ =	sdelay $0x1  }
0x8a: {  	s1 =	srdreg.scid  }
0x8b: {  	s0 =	sand.u32 $0x1, s1  }
0x8c: {  	s16 =	sshll.u32 s0, $0xA;
	s2 =	sadd.s32 s3, s2  }
0x8d: {  	s2 =	sadd.s32 s2, s16  }
0x8e: {  	[smem:$0x3FBF] =	sst s2  }
0x8f: {  	_ = 	snop  }
0x90: {  	(tm) =	ssettm $0x1  }
0x91: {  	s17 =	sld [smem:$0x3FFB];
	_ =	sdelay $0x3  }
0x92: {  	_ =	strace s17  }
0x93: {  	s2 =	sld [smem:$0x3FFC];
	_ =	sdelay $0x3  }
0x94: {  	_ =	strace s2  }
0x95: {  	s2 =	sld [smem:$0x3FFD];
	_ =	sdelay $0x3  }
0x96: {  	_ =	strace s2  }
0x97: {  	_ =	strace $0x8FFFFFFF  }
0x98: {  	s18 =	sld [smem:$0x3FDB];
	_ =	sdelay $0x1  }
0x99: {  	s19 =	simm.s32 $_scs_section_size  }
0x9a: {  	s4 =	simm.s32 $_size__tile_overlayer_lowered;
	s5 =	simm.s32 $_tile_overlayer_lowered  }
0x9b: {  	s22 =	simm.s32 $0x1BFF;
	s21 =	sshll.u32 s5, $0x1;
	s2 =	sadd.s32 s19, s18  }
0x9c: {  	s6 =	simm.s32 $0x0;
	s20 =	sshll.u32 s4, $0x1;
	s4 =	sadd.s32 s21, s2  }
0x9d: {  	[timem:s6], [sflag:s22] =	dma.local [hbm:s4], s20  }
0x9e: {  	_ =	swait.ge [sflag:s22], s20  }
0x9f: {  	s3 =	ssub.s32 $0x0, s20;
	[sflag:s22] =	ssyncset.done $0x0  }
0xa0: {  	[sflag:s22] =	ssyncadd.s32 s3;
	_ =	sdelay $0x1  }
0xa1: {  	s23 =	simm.s32 $0x1B8B  }
0xa2: {  	_ =	swait.ge [sflag:s23], $0x1  }
0xa3: {  	[sflag:s23] =	ssyncset.done $0x0  }
0xa4: {  	s25 =	simm.s32 $0x1B8E;
	s24 =	sld [smem:$0x3FFE];
	[sflag:s23] =	ssyncadd.s32 $0xFFFFFFFF  }
0xa5: {  	s26 =	simm.s32 $execute0_lowered;
	[smem:$0x3FD2] =	sst s25  }
0xa6: {  	s4 =	sshll.u32 s26, $0x1;
	_ =	strace $0x80000049;
	[dreg:$0x1] =	wrdreg $0xFFFFFFFF  }
0xa7: {  	s28 =	simm.s32 $_size_execute0_lowered;
	s2 =	sadd.s32 s2, s4;
	[dreg:$0x0] =	wrdreg $0x0  }
0xa8: {  	s4 =	sshll.u32 s28, $0x1;
	[dreg:$0x2] =	wrdreg s2  }
0xa9: {  	[dreg:$0x3] =	wrdreg s4  }
0xaa: {  	[dreg:$0x4] =	wrdreg $0xC0  }
0xab: {  	_ =	task [dreg:s6], $0x5FFFF  }
0xac: {  	[dreg:$0x1] =	wrdreg $0xFFFFFFFF  }
0xad: {  	[dreg:$0x0] =	wrdreg $0x60  }
0xae: {  	[dreg:$0x2] =	wrdreg s24  }
0xaf: {  	[dreg:$0x3] =	wrdreg $0xAC000  }
0xb0: {  	[dreg:$0x4] =	wrdreg $0x9  }
0xb1: {  	_ =	task.clear_ibuf [dreg:s6], $0x5FFFF;
	_ =	strace $0x90000049  }
0xb2: {  	s29 =	simm.s32 $0x9;
	_ =	strace $0x8000004B  }
0xb3: {  	_ =	swait.ge [sflag:s29], $0x1  }
0xb4: {  	[sflag:s29] =	ssyncadd.s32 $0xFFFFFFFF  }
0xb5: {  	_ =	strace $0x9000004B  }
0xb6: {  	_ =	sfence  }
0xb7: {  	s30 =	sld [smem:$0x0];
	_ =	sdelay $0x2  }
0xb8: {  	s31 =	sshll.u32 s1, $0xD;
	s1 =	sshrl.u32 s1, $0x2  }
0xb9: {  	s3 =	sand.u32 $0x4000, s31;
	s1 =	sadd.s32 s1, s30  }
0xba: {  	s0 =	sor.u32 s3, s0;
	s1 =	sshll.u32 s1, $0x11  }
0xbb: {  	s0 =	sor.u32 s1, s0  }
0xbc: {  	s0 =	sadd.s32 $0x8F2B, s0  }
0xbd: {  	[sflag:s0] =	ssyncadd.remote.s32 $0x1  }
0xbe: {  	_ =	sfence.sel $0xFFFF  }
0xbf: {  	[dreg:$0x0] =	wrdreg $0xFFFFFFFF;
	(pc) =	sbr.abs _section_cstart, $3  }
0xc0: {  	[dreg:$0x1] =	wrdreg $0xFFFFFFFF  }
0xc1: {  	_ =	task.clear_ibuf [dreg:s6], $0x2FFFF;
	_ =	strace $0x9FFFFFFF  }
0xc2: {  	(tm) =	ssettm $0x7FFFFFFF  }
0xc3: {  	_ =	shalt  }
tec
execute0_lowered:
.L_overlay_start_1:
0x0: {  	(tag) =	ssettag $0x1  }
0x1: {  	s0 =	rddreg [dreg:$0x0]  }
0x2: {  	s1 =	rddreg [dreg:$0x1];
	s2 =	simm.s32 $0x0  }
0x3: {  	s19 =	stileid.u32;
	s3 =	srdreg.scid;
	s11 =	simm.s32 $0x9  }
0x4: {  	s18 =	simm.s32 $0x40;
	s28 =	simm.s32 $0x1;
	s29 =	simm.s32 $0x2A00  }
0x5: {  	s30 =	simm.s32 $0x5;
	s31 =	simm.s32 $0x2;
	s13 =	simm.s32 $0x4  }
0x6: {  	s16 =	simm.s32 $0x2B80;
	[smem:$0x7FF] =	sst s2;
	s4 =	smul.u32 $0x280, s19  }
0x7: {  	s3 =	sand.u32 $0x1, s3;
	s5 =	sadd.s32 $0xC600, s0;
	s7 =	smul.u32 $0x4E000, s19  }
0x8: {  	s12 =	smul.u32 $0x2700, s19;
	p0 =	sne.s32 s19, $0x0;
	s25 =	sshll.u32 s19, $0x6  }
0x9: {  	s19 =	simm.s32 $0x2800;
	_ =	strace $0x8000004A;
	s9 =	smul.u32 $0x4E300, s3  }
0xa: {  	s6 =	ssub.s32 $0x2, s3;
	s21 =	smul.u32 $0x4E200, s3;
	s3 =	sshllo.u32 s3, $0x1  }
0xb: {  	s14 =	sor.u32 $0x1C09, s25;
	s25 =	simm.s32 $0x2980;
	s4 =	sadd.s32 s4, s0  }
0xc: {  	s8 =	sshrl.u32 s6, $0x1;
	s0 =	sadd.s32 $0xA8C00, s0;
	s23 =	smul.u32 $0x27180, s3  }
0xd: {  	s22 =	sshrl.u32 s7, $0x2;
	s3 =	smul.u32 $0x27100, s3;
	[dreg:$0x3] =	wrdreg s12  }
0xe: {  	s7 =	simm.s32 $0x8;
	s10 =	ssub.s32 s6, s8;
	s20 =	sadd.s32 $0x7600, s4  }
0xf: {  	s4 =	sadd.s32 $0x9E00, s4;
	s6 =	sadd.s32 s5, s9;
	[dreg:$0x4] =	wrdreg s20  }
0x10: {  	s9 =	sadd.s32 $0x138000, s1;
	s8 =	sadd.s32 s0, s21;
	[dreg:$0x5] =	wrdreg s4  }
0x11: {  	s21 =	simm.s32 $0x2880;
	s4 =	sadd.s32 s22, s1;
	[dreg:$0x6] =	wrdreg s8  }
0x12: {  	s8 =	sadd.s32 s5, s23;
	s0 =	sadd.s32 s0, s3;
	s24 =	smax.u32 s10, $0x1  }
0x13: {  	s26 =	sadd.s32 s12, s6;
	s3 =	sshrl.u32 @!p0 s9, $0x3;
	s20 =	simm.s32 $0x2C00  }
0x14: {  	s22 =	simm.s32 $0x4C00;
	s23 =	simm.s32 $0x2900;
	[dreg:$0x7] =	wrdreg s0  }
0x15: {  	s12 =	simm.s32 $0x6;
	s5 =	simm.s32 $0x2B00;
	[dreg:$0x8] =	wrdreg s24  }
0x16: {  	s10 =	simm.s32 $0x7;
	s9 =	simm.s32 $0x0;
	[dreg:$0x9] =	wrdreg s26  }
0x17: {  	s17 =	sshrl.u32 s4, $0x3;
	s0 =	sadd.s32 @!p0 $0x27000, s6;
	[dreg:$0xc] =	wrdreg s3  }
0x18: {  	s24 =	simm.s32 $0x6C00;
	s26 =	simm.s32 $0x8C00;
	[dreg:$0xb] =	wrdreg s0  }
0x19: {  	s4 =	simm.s32 $0x3;
	s0 =	simm.s32 $0x2A80;
	[dreg:$0xa] =	wrdreg s17  }
.LBB2_1:
0x1a: {  	[dreg:$0xd] =	wrdreg s9  }
0x1b: {  	s15 =	simm.s32 $0x0;
	s2 =	rddreg [dreg:$0x4]  }
0x1c: {  	[tilespmem:s15], [sflag:$0x9] =	stream.linear.gather [hbm4b:s2+s15], $0x1400, $0x38;
	[tilespmem:$0x1E4C0] =	vst v63  }
0x1d: {  	_ =	swait.ge [sflag:s11], $0x1400  }
0x1e: {  	s9 =	smov.u32 s3;
	[sflag:s11] =	ssyncset.done $0x0  }
0x1f: {  	s3 =	simm.s32 $0x1400;
	s2 =	rddreg [dreg:$0x5];
	[sflag:s11] =	ssyncadd.s32 $0xFFFFEC00  }
0x20: {  	[tilespmem:s3], [sflag:$0x9] =	stream.linear.gather [hbm4b:s2+s15], $0x1400, $0x38;
	[tilespmem:$0x1E4C0] =	vst v63  }
0x21: {  	_ =	swait.ge [sflag:s11], $0x1400  }
0x22: {  	[sflag:s11] =	ssyncset.done $0x0  }
0x23: {  	s3 =	rddreg [dreg:$0x9];
	[sflag:s11] =	ssyncadd.s32 $0xFFFFEC00  }
0x24: {  	[spmem:s17], [sflag:s14] =	dma.local [hbm:s3], $0x2700  }
0x25: {  	_ =	swait.ge [sflag:s11], $0x2700  }
0x26: {  	[sflag:s11] =	ssyncset.done $0x0  }
0x27: {  	s2 =	rddreg [dreg:$0xb];
	[sflag:s11] =	ssyncadd.s32 $0xFFFFD900  }
0x28: {  	[spmem:s9], [sflag:s14] =	dma.local @!p0 [hbm:s2], $0x100  }
0x29: {  	s2 =	simm.s32 @!p0 $0x9  }
0x2a: {  	_ =	swait.ge @!p0 [sflag:s2], $0x100  }
0x2b: {  	[sflag:s2] =	ssyncset.done @!p0 $0x0  }
0x2c: {  	[sflag:s2] =	ssyncadd.s32 @!p0 $0xFFFFFF00  }
0x2d: {  	[bflag:$0x0] =	sbarrier.arrive $0xFFFF  }
0x2e: {  	v0 =	vld [tilespmem:$0x0];
	_ =	sdelay $0x1  }
0x2f: {  	v1 =	vld [tilespmem:$0x10];
	_ =	sdelay $0x2  }
0x30: {  	v2 =	vand.u32 $0xFFFF, v0  }
0x31: {  	v0 =	vshrl.u32 v0, $0x10;
	[tilespmem:$0x2800] =	vst v2  }
0x32: {  	[tilespmem:$0x2820] =	vst v0;
	v0 =	vand.u32 $0xFFFF, v1  }
0x33: {  	[tilespmem:$0x2810] =	vst v0;
	v0 =	vshrl.u32 v1, $0x10  }
0x34: {  	[tilespmem:$0x2830] =	vst v0  }
0x35: {  	[tilespmem:s20], [sflag:$0x1] =	stream.indirect.gather [hbm4b:s6+s18], $0x80, s19, s18, $0xb8;
	[tilespmem:$0x1E4C0] =	vst v63  }
0x36: {  	v0 =	vld [tilespmem:$0x20];
	_ =	sdelay $0x1  }
0x37: {  	v1 =	vld [tilespmem:$0x30];
	_ =	sdelay $0x2  }
0x38: {  	v2 =	vand.u32 $0xFFFF, v0  }
0x39: {  	v0 =	vshrl.u32 v0, $0x10;
	[tilespmem:$0x2880] =	vst v2  }
0x3a: {  	[tilespmem:$0x28A0] =	vst v0;
	v0 =	vand.u32 $0xFFFF, v1  }
0x3b: {  	[tilespmem:$0x2890] =	vst v0;
	v0 =	vshrl.u32 v1, $0x10  }
0x3c: {  	[tilespmem:$0x28B0] =	vst v0  }
0x3d: {  	[tilespmem:s22], [sflag:$0x2] =	stream.indirect.gather [hbm4b:s6+s18], $0x80, s21, s18, $0xb8;
	[tilespmem:$0x1E4C0] =	vst v63  }
0x3e: {  	v0 =	vld [tilespmem:$0x40];
	_ =	sdelay $0x1  }
0x3f: {  	v1 =	vld [tilespmem:$0x50];
	_ =	sdelay $0x2  }
0x40: {  	v2 =	vand.u32 $0xFFFF, v0  }
0x41: {  	v0 =	vshrl.u32 v0, $0x10;
	[tilespmem:$0x2900] =	vst v2  }
0x42: {  	[tilespmem:$0x2920] =	vst v0;
	v0 =	vand.u32 $0xFFFF, v1  }
0x43: {  	[tilespmem:$0x2910] =	vst v0;
	v0 =	vshrl.u32 v1, $0x10  }
0x44: {  	[tilespmem:$0x2930] =	vst v0  }
0x45: {  	[tilespmem:s24], [sflag:$0x3] =	stream.indirect.gather [hbm4b:s6+s18], $0x80, s23, s18, $0xb8;
	[tilespmem:$0x1E4C0] =	vst v63  }
0x46: {  	v0 =	vld [tilespmem:$0x60];
	_ =	sdelay $0x1  }
0x47: {  	v1 =	vld [tilespmem:$0x70];
	_ =	sdelay $0x2  }
0x48: {  	v2 =	vand.u32 $0xFFFF, v0  }
0x49: {  	v0 =	vshrl.u32 v0, $0x10;
	[tilespmem:$0x2980] =	vst v2  }
0x4a: {  	[tilespmem:$0x29A0] =	vst v0;
	v0 =	vand.u32 $0xFFFF, v1  }
0x4b: {  	[tilespmem:$0x2990] =	vst v0;
	v0 =	vshrl.u32 v1, $0x10  }
0x4c: {  	s2 =	simm.s32 $0x1440;
	[tilespmem:$0x29B0] =	vst v0  }
0x4d: {  	[tilespmem:s26], [sflag:$0x4] =	stream.indirect.gather [hbm4b:s6+s18], $0x80, s25, s18, $0xb8;
	[tilespmem:$0x1E4C0] =	vst v63  }
0x4e: {  	v0 =	vld [tilespmem:s2+$0xFFFFFFC0];
	_ =	sdelay $0x4  }
0x4f: {  	v1 =	vand.u32 $0xFFFF, v0  }
0x50: {  	v0 =	vshrl.u32 v0, $0x10;
	[tilespmem:$0x2A00] =	vst v1  }
0x51: {  	[tilespmem:$0x2A20] =	vst v0  }
0x52: {  	v0 =	vld [tilespmem:s2+$0xFFFFFFD0];
	_ =	sdelay $0x4  }
0x53: {  	v1 =	vand.u32 $0xFFFF, v0  }
0x54: {  	v0 =	vshrl.u32 v0, $0x10;
	[tilespmem:$0x2A10] =	vst v1  }
0x55: {  	[tilespmem:$0x2A30] =	vst v0  }
0x56: {  	_ =	swait.ge [sflag:s28], $0x2000  }
0x57: {  	s9 =	smin.u32 s15, $0x9B;
	[sflag:s28] =	ssyncset.done $0x0  }
0x58: {  	s3 =	sshll.u32 s9, $0x5;
	[sflag:s28] =	ssyncadd.s32 $0xFFFFE000  }
0x59: {  	[spmem:s1] =	stream.indirect.scatter.add.f32 [tilespmem:s20], [sflag:$0x5], $0x80, s29, s18, $0xb8;
	[tilespmem:$0x1E4C0] =	vst v63  }
0x5a: {  	v0 =	vld [tilespmem:s3+$0x80];
	_ =	sdelay $0x4  }
0x5b: {  	v1 =	vand.u32 $0xFFFF, v0  }
0x5c: {  	v0 =	vshrl.u32 v0, $0x10;
	[tilespmem:$0x2800] =	vst v1  }
0x5d: {  	[tilespmem:$0x2820] =	vst v0  }
0x5e: {  	v0 =	vld [tilespmem:s3+$0x90];
	_ =	sdelay $0x4  }
0x5f: {  	v1 =	vand.u32 $0xFFFF, v0  }
0x60: {  	v0 =	vshrl.u32 v0, $0x10;
	[tilespmem:$0x2810] =	vst v1  }
0x61: {  	[tilespmem:$0x2830] =	vst v0  }
0x62: {  	_ =	swait.ge [sflag:s30], $0x2000  }
0x63: {  	[sflag:s30] =	ssyncset.done $0x0  }
0x64: {  	[sflag:s30] =	ssyncadd.s32 $0xFFFFE000  }
0x65: {  	[tilespmem:s20], [sflag:$0x1] =	stream.indirect.gather [hbm4b:s6+s18], $0x80, s19, s18, $0xb8;
	[tilespmem:$0x1E4C0] =	vst v63  }
0x66: {  	v0 =	vld [tilespmem:s2+$0xFFFFFFE0];
	_ =	sdelay $0x4  }
0x67: {  	v1 =	vand.u32 $0xFFFF, v0  }
0x68: {  	v0 =	vshrl.u32 v0, $0x10;
	[tilespmem:$0x2A80] =	vst v1  }
0x69: {  	[tilespmem:$0x2AA0] =	vst v0  }
0x6a: {  	v0 =	vld [tilespmem:s2+$0xFFFFFFF0];
	_ =	sdelay $0x4  }
0x6b: {  	v1 =	vand.u32 $0xFFFF, v0  }
0x6c: {  	v0 =	vshrl.u32 v0, $0x10;
	[tilespmem:$0x2A90] =	vst v1  }
0x6d: {  	[tilespmem:$0x2AB0] =	vst v0  }
0x6e: {  	_ =	swait.ge [sflag:s31], $0x2000  }
0x6f: {  	s17 =	smin.u32 s15, $0x9A;
	[sflag:s31] =	ssyncset.done $0x0  }
0x70: {  	s3 =	sshll.u32 s17, $0x5;
	[sflag:s31] =	ssyncadd.s32 $0xFFFFE000  }
0x71: {  	[spmem:s1] =	stream.indirect.scatter.add.f32 [tilespmem:s22], [sflag:$0x6], $0x80, s0, s18, $0xb8;
	[tilespmem:$0x1E4C0] =	vst v63  }
0x72: {  	v0 =	vld [tilespmem:s3+$0xA0];
	_ =	sdelay $0x4  }
0x73: {  	v1 =	vand.u32 $0xFFFF, v0  }
0x74: {  	v0 =	vshrl.u32 v0, $0x10;
	[tilespmem:$0x2880] =	vst v1  }
0x75: {  	[tilespmem:$0x28A0] =	vst v0  }
0x76: {  	v0 =	vld [tilespmem:s3+$0xB0];
	_ =	sdelay $0x4  }
0x77: {  	v1 =	vand.u32 $0xFFFF, v0  }
0x78: {  	v0 =	vshrl.u32 v0, $0x10;
	[tilespmem:$0x2890] =	vst v1  }
0x79: {  	[tilespmem:$0x28B0] =	vst v0  }
0x7a: {  	_ =	swait.ge [sflag:s12], $0x2000  }
0x7b: {  	[sflag:s12] =	ssyncset.done $0x0  }
0x7c: {  	[sflag:s12] =	ssyncadd.s32 $0xFFFFE000  }
0x7d: {  	[tilespmem:s22], [sflag:$0x2] =	stream.indirect.gather [hbm4b:s6+s18], $0x80, s21, s18, $0xb8;
	[tilespmem:$0x1E4C0] =	vst v63  }
0x7e: {  	v0 =	vld [tilespmem:s2+$0x0];
	_ =	sdelay $0x4  }
0x7f: {  	v1 =	vand.u32 $0xFFFF, v0  }
0x80: {  	v0 =	vshrl.u32 v0, $0x10;
	[tilespmem:$0x2B00] =	vst v1  }
0x81: {  	[tilespmem:$0x2B20] =	vst v0  }
0x82: {  	v0 =	vld [tilespmem:s2+$0x10];
	_ =	sdelay $0x4  }
0x83: {  	v1 =	vand.u32 $0xFFFF, v0  }
0x84: {  	v0 =	vshrl.u32 v0, $0x10;
	[tilespmem:$0x2B10] =	vst v1  }
0x85: {  	[tilespmem:$0x2B30] =	vst v0  }
0x86: {  	_ =	swait.ge [sflag:s4], $0x2000  }
0x87: {  	s9 =	smin.u32 s15, $0x99;
	[sflag:s4] =	ssyncset.done $0x0  }
0x88: {  	s3 =	sshll.u32 s9, $0x5;
	[sflag:s4] =	ssyncadd.s32 $0xFFFFE000  }
0x89: {  	[spmem:s1] =	stream.indirect.scatter.add.f32 [tilespmem:s24], [sflag:$0x7], $0x80, s5, s18, $0xb8;
	[tilespmem:$0x1E4C0] =	vst v63  }
0x8a: {  	v0 =	vld [tilespmem:s3+$0xC0];
	_ =	sdelay $0x4  }
0x8b: {  	v1 =	vand.u32 $0xFFFF, v0  }
0x8c: {  	v0 =	vshrl.u32 v0, $0x10;
	[tilespmem:$0x2900] =	vst v1  }
0x8d: {  	[tilespmem:$0x2920] =	vst v0  }
0x8e: {  	v0 =	vld [tilespmem:s3+$0xD0];
	_ =	sdelay $0x4  }
0x8f: {  	v1 =	vand.u32 $0xFFFF, v0  }
0x90: {  	v0 =	vshrl.u32 v0, $0x10;
	[tilespmem:$0x2910] =	vst v1  }
0x91: {  	[tilespmem:$0x2930] =	vst v0  }
0x92: {  	_ =	swait.ge [sflag:s10], $0x2000  }
0x93: {  	[sflag:s10] =	ssyncset.done $0x0  }
0x94: {  	[sflag:s10] =	ssyncadd.s32 $0xFFFFE000  }
0x95: {  	[tilespmem:s24], [sflag:$0x3] =	stream.indirect.gather [hbm4b:s6+s18], $0x80, s23, s18, $0xb8;
	[tilespmem:$0x1E4C0] =	vst v63  }
0x96: {  	v0 =	vld [tilespmem:s2+$0x20];
	_ =	sdelay $0x4  }
0x97: {  	v1 =	vand.u32 $0xFFFF, v0  }
0x98: {  	v0 =	vshrl.u32 v0, $0x10;
	[tilespmem:$0x2B80] =	vst v1  }
0x99: {  	[tilespmem:$0x2BA0] =	vst v0  }
0x9a: {  	v0 =	vld [tilespmem:s2+$0x30];
	_ =	sdelay $0x4  }
0x9b: {  	v1 =	vand.u32 $0xFFFF, v0  }
0x9c: {  	v0 =	vshrl.u32 v0, $0x10;
	[tilespmem:$0x2B90] =	vst v1  }
0x9d: {  	[tilespmem:$0x2BB0] =	vst v0  }
0x9e: {  	s15 =	smin.u32 s15, $0x98;
	_ =	swait.ge [sflag:s13], $0x2000  }
0x9f: {  	s3 =	sshll.u32 s15, $0x5;
	[sflag:s13] =	ssyncset.done $0x0  }
0xa0: {  	s17 =	sadd.s32 $0xE0, s3;
	[sflag:s13] =	ssyncadd.s32 $0xFFFFE000  }
0xa1: {  	[spmem:s1] =	stream.indirect.scatter.add.f32 [tilespmem:s26], [sflag:$0x8], $0x80, s16, s18, $0xb8;
	[tilespmem:$0x1E4C0] =	vst v63  }
0xa2: {  	s17 =	sor.u32 $0x70, s17;
	v0 =	vld [tilespmem:s3+$0xE0];
	s3 =	simm.s32 $0x4  }
.LBB2_2:
0xa3: {  	_ = 	snop  }
0xa4: {  	p1 =	sne.s32 s3, $0x9C  }
0xa5: {  	s2 =	sadd.s32 $0x80, s2;
	s15 =	smov.u32 s3;
	s3 =	sadd.s32 $0x4, s3  }
0xa6: {  	_ = 	snop  }
0xa7: {  	v1 =	vand.u32 $0xFFFF, v0;
	v0 =	vshrl.u32 v0, $0x10  }
0xa8: {  	[tilespmem:$0x2980] =	vst v1  }
0xa9: {  	[tilespmem:$0x29A0] =	vst v0  }
0xaa: {  	v0 =	vld [tilespmem:s17+$0x0];
	_ =	sdelay $0x4  }
0xab: {  	v1 =	vand.u32 $0xFFFF, v0;
	v0 =	vshrl.u32 v0, $0x10  }
0xac: {  	[tilespmem:$0x2990] =	vst v1  }
0xad: {  	[tilespmem:$0x29B0] =	vst v0  }
0xae: {  	_ =	swait.ge [sflag:s7], $0x2000  }
0xaf: {  	[sflag:s7] =	ssyncset.done $0x0  }
0xb0: {  	[sflag:s7] =	ssyncadd.s32 $0xFFFFE000  }
0xb1: {  	[tilespmem:s26], [sflag:$0x4] =	stream.indirect.gather [hbm4b:s6+s18], $0x80, s25, s18, $0xb8;
	[tilespmem:$0x1E4C0] =	vst v63  }
0xb2: {  	v0 =	vld [tilespmem:s2+$0xFFFFFFC0];
	_ =	sdelay $0x4  }
0xb3: {  	v1 =	vand.u32 $0xFFFF, v0;
	v0 =	vshrl.u32 v0, $0x10  }
0xb4: {  	[tilespmem:$0x2A00] =	vst v1  }
0xb5: {  	[tilespmem:$0x2A20] =	vst v0  }
0xb6: {  	v0 =	vld [tilespmem:s2+$0xFFFFFFD0];
	_ =	sdelay $0x4  }
0xb7: {  	v1 =	vand.u32 $0xFFFF, v0;
	v0 =	vshrl.u32 v0, $0x10  }
0xb8: {  	[tilespmem:$0x2A10] =	vst v1  }
0xb9: {  	[tilespmem:$0x2A30] =	vst v0  }
0xba: {  	s17 =	smin.u32 s15, $0x9B;
	_ =	swait.ge [sflag:s28], $0x2000  }
0xbb: {  	s17 =	sshll.u32 s17, $0x5;
	[sflag:s28] =	ssyncset.done $0x0  }
0xbc: {  	[sflag:s28] =	ssyncadd.s32 $0xFFFFE000  }
0xbd: {  	[spmem:s1] =	stream.indirect.scatter.add.f32 [tilespmem:s20], [sflag:$0x5], $0x80, s29, s18, $0xb8;
	[tilespmem:$0x1E4C0] =	vst v63  }
0xbe: {  	v0 =	vld [tilespmem:s17+$0x80];
	_ =	sdelay $0x4  }
0xbf: {  	v1 =	vand.u32 $0xFFFF, v0;
	v0 =	vshrl.u32 v0, $0x10  }
0xc0: {  	[tilespmem:$0x2800] =	vst v1  }
0xc1: {  	[tilespmem:$0x2820] =	vst v0  }
0xc2: {  	v0 =	vld [tilespmem:s17+$0x90];
	_ =	sdelay $0x4  }
0xc3: {  	v1 =	vand.u32 $0xFFFF, v0;
	v0 =	vshrl.u32 v0, $0x10  }
0xc4: {  	[tilespmem:$0x2810] =	vst v1  }
0xc5: {  	[tilespmem:$0x2830] =	vst v0  }
0xc6: {  	_ =	swait.ge [sflag:s30], $0x2000  }
0xc7: {  	[sflag:s30] =	ssyncset.done $0x0  }
0xc8: {  	[sflag:s30] =	ssyncadd.s32 $0xFFFFE000  }
0xc9: {  	[tilespmem:s20], [sflag:$0x1] =	stream.indirect.gather [hbm4b:s6+s18], $0x80, s19, s18, $0xb8;
	[tilespmem:$0x1E4C0] =	vst v63  }
0xca: {  	v0 =	vld [tilespmem:s2+$0xFFFFFFE0];
	_ =	sdelay $0x4  }
0xcb: {  	v1 =	vand.u32 $0xFFFF, v0;
	v0 =	vshrl.u32 v0, $0x10  }
0xcc: {  	[tilespmem:$0x2A80] =	vst v1  }
0xcd: {  	[tilespmem:$0x2AA0] =	vst v0  }
0xce: {  	v0 =	vld [tilespmem:s2+$0xFFFFFFF0];
	_ =	sdelay $0x3  }
0xcf: {  	s17 =	smin.u32 s15, $0x9A  }
0xd0: {  	s17 =	sshll.u32 s17, $0x5;
	v1 =	vand.u32 $0xFFFF, v0;
	v0 =	vshrl.u32 v0, $0x10  }
0xd1: {  	[tilespmem:$0x2A90] =	vst v1  }
0xd2: {  	[tilespmem:$0x2AB0] =	vst v0  }
0xd3: {  	_ =	swait.ge [sflag:s31], $0x2000  }
0xd4: {  	[sflag:s31] =	ssyncset.done $0x0  }
0xd5: {  	[sflag:s31] =	ssyncadd.s32 $0xFFFFE000  }
0xd6: {  	[spmem:s1] =	stream.indirect.scatter.add.f32 [tilespmem:s22], [sflag:$0x6], $0x80, s0, s18, $0xb8;
	[tilespmem:$0x1E4C0] =	vst v63  }
0xd7: {  	v0 =	vld [tilespmem:s17+$0xA0];
	_ =	sdelay $0x4  }
0xd8: {  	v1 =	vand.u32 $0xFFFF, v0;
	v0 =	vshrl.u32 v0, $0x10  }
0xd9: {  	[tilespmem:$0x2880] =	vst v1  }
0xda: {  	[tilespmem:$0x28A0] =	vst v0  }
0xdb: {  	v0 =	vld [tilespmem:s17+$0xB0];
	_ =	sdelay $0x4  }
0xdc: {  	v1 =	vand.u32 $0xFFFF, v0;
	v0 =	vshrl.u32 v0, $0x10  }
0xdd: {  	[tilespmem:$0x2890] =	vst v1  }
0xde: {  	[tilespmem:$0x28B0] =	vst v0  }
0xdf: {  	_ =	swait.ge [sflag:s12], $0x2000  }
0xe0: {  	[sflag:s12] =	ssyncset.done $0x0  }
0xe1: {  	[sflag:s12] =	ssyncadd.s32 $0xFFFFE000  }
0xe2: {  	[tilespmem:s22], [sflag:$0x2] =	stream.indirect.gather [hbm4b:s6+s18], $0x80, s21, s18, $0xb8;
	[tilespmem:$0x1E4C0] =	vst v63  }
0xe3: {  	v0 =	vld [tilespmem:s2+$0x0];
	_ =	sdelay $0x4  }
0xe4: {  	v1 =	vand.u32 $0xFFFF, v0;
	v0 =	vshrl.u32 v0, $0x10  }
0xe5: {  	[tilespmem:$0x2B00] =	vst v1  }
0xe6: {  	[tilespmem:$0x2B20] =	vst v0  }
0xe7: {  	s17 =	smin.u32 s15, $0x99;
	v0 =	vld [tilespmem:s2+$0x10]  }
0xe8: {  	s17 =	sshll.u32 s17, $0x5;
	_ =	sdelay $0x3  }
0xe9: {  	v1 =	vand.u32 $0xFFFF, v0;
	v0 =	vshrl.u32 v0, $0x10  }
0xea: {  	[tilespmem:$0x2B10] =	vst v1  }
0xeb: {  	[tilespmem:$0x2B30] =	vst v0  }
0xec: {  	_ =	swait.ge [sflag:s4], $0x2000  }
0xed: {  	[sflag:s4] =	ssyncset.done $0x0  }
0xee: {  	[sflag:s4] =	ssyncadd.s32 $0xFFFFE000  }
0xef: {  	[spmem:s1] =	stream.indirect.scatter.add.f32 [tilespmem:s24], [sflag:$0x7], $0x80, s5, s18, $0xb8;
	[tilespmem:$0x1E4C0] =	vst v63  }
0xf0: {  	v0 =	vld [tilespmem:s17+$0xC0];
	_ =	sdelay $0x4  }
0xf1: {  	v1 =	vand.u32 $0xFFFF, v0;
	v0 =	vshrl.u32 v0, $0x10  }
0xf2: {  	[tilespmem:$0x2900] =	vst v1  }
0xf3: {  	[tilespmem:$0x2920] =	vst v0  }
0xf4: {  	v0 =	vld [tilespmem:s17+$0xD0];
	_ =	sdelay $0x4  }
0xf5: {  	v1 =	vand.u32 $0xFFFF, v0;
	v0 =	vshrl.u32 v0, $0x10  }
0xf6: {  	[tilespmem:$0x2910] =	vst v1  }
0xf7: {  	[tilespmem:$0x2930] =	vst v0  }
0xf8: {  	_ =	swait.ge [sflag:s10], $0x2000  }
0xf9: {  	[sflag:s10] =	ssyncset.done $0x0  }
0xfa: {  	[sflag:s10] =	ssyncadd.s32 $0xFFFFE000  }
0xfb: {  	[tilespmem:s24], [sflag:$0x3] =	stream.indirect.gather [hbm4b:s6+s18], $0x80, s23, s18, $0xb8;
	[tilespmem:$0x1E4C0] =	vst v63  }
0xfc: {  	v0 =	vld [tilespmem:s2+$0x20];
	_ =	sdelay $0x3  }
0xfd: {  	s15 =	smin.u32 s15, $0x98  }
0xfe: {  	s15 =	sshll.u32 s15, $0x5;
	v1 =	vand.u32 $0xFFFF, v0;
	v0 =	vshrl.u32 v0, $0x10  }
0xff: {  	s17 =	sadd.s32 $0xE0, s15;
	[tilespmem:$0x2B80] =	vst v1  }
0x100: {  	[tilespmem:$0x2BA0] =	vst v0  }
0x101: {  	v0 =	vld [tilespmem:s2+$0x30];
	_ =	sdelay $0x3  }
0x102: {  	s17 =	sor.u32 $0x70, s17  }
0x103: {  	v1 =	vand.u32 $0xFFFF, v0;
	v0 =	vshrl.u32 v0, $0x10  }
0x104: {  	[tilespmem:$0x2B90] =	vst v1  }
0x105: {  	[tilespmem:$0x2BB0] =	vst v0  }
.Ltmp0:
0x106: {  	_ =	swait.ge [sflag:s13], $0x2000;
	(pc) =	sbr.rel @p1 .LBB2_2-.Ltmp0, $4  }
0x107: {  	[sflag:s13] =	ssyncset.done $0x0  }
0x108: {  	[sflag:s13] =	ssyncadd.s32 $0xFFFFE000  }
0x109: {  	[spmem:s1] =	stream.indirect.scatter.add.f32 [tilespmem:s26], [sflag:$0x8], $0x80, s16, s18, $0xb8;
	[tilespmem:$0x1E4C0] =	vst v63  }
0x10a: {  	v0 =	vld [tilespmem:s15+$0xE0]  }
0x10b: {  	_ =	sdelay $0x3  }
0x10c: {  	v1 =	vand.u32 $0xFFFF, v0  }
0x10d: {  	v0 =	vshrl.u32 v0, $0x10;
	[tilespmem:$0x2980] =	vst v1  }
0x10e: {  	[tilespmem:$0x29A0] =	vst v0  }
0x10f: {  	v0 =	vld [tilespmem:s17+$0x0];
	_ =	sdelay $0x4  }
0x110: {  	v1 =	vand.u32 $0xFFFF, v0  }
0x111: {  	v0 =	vshrl.u32 v0, $0x10;
	[tilespmem:$0x2990] =	vst v1  }
0x112: {  	[tilespmem:$0x29B0] =	vst v0  }
0x113: {  	_ =	swait.ge [sflag:s7], $0x2000  }
0x114: {  	[sflag:s7] =	ssyncset.done $0x0  }
0x115: {  	[sflag:s7] =	ssyncadd.s32 $0xFFFFE000  }
0x116: {  	[tilespmem:s26], [sflag:$0x4] =	stream.indirect.gather [hbm4b:s6+s18], $0x80, s25, s18, $0xb8;
	[tilespmem:$0x1E4C0] =	vst v63  }
0x117: {  	_ =	swait.ge [sflag:s28], $0x2000  }
0x118: {  	[sflag:s28] =	ssyncset.done $0x0  }
0x119: {  	[sflag:s28] =	ssyncadd.s32 $0xFFFFE000  }
0x11a: {  	_ =	swait.ge [sflag:s31], $0x2000  }
0x11b: {  	[sflag:s31] =	ssyncset.done $0x0  }
0x11c: {  	[sflag:s31] =	ssyncadd.s32 $0xFFFFE000  }
0x11d: {  	_ =	swait.ge [sflag:s4], $0x2000  }
0x11e: {  	[sflag:s4] =	ssyncset.done $0x0  }
0x11f: {  	[sflag:s4] =	ssyncadd.s32 $0xFFFFE000  }
0x120: {  	_ =	swait.ge [sflag:s13], $0x2000  }
0x121: {  	[sflag:s13] =	ssyncset.done $0x0  }
0x122: {  	[sflag:s13] =	ssyncadd.s32 $0xFFFFE000  }
0x123: {  	[bflag:$0x0] =	sbarrier.arrive $0xFFFF  }
0x124: {  	s3 =	rddreg [dreg:$0x3]  }
0x125: {  	s15 =	rddreg [dreg:$0x6]  }
0x126: {  	s17 =	rddreg [dreg:$0xa];
	s2 =	sadd.s32 s3, s15  }
0x127: {  	[hbm:s2], [sflag:s14] =	dma.local [spmem:s17], $0x2700  }
0x128: {  	_ =	swait.ge [sflag:s11], $0x2700  }
0x129: {  	[sflag:s11] =	ssyncset.done $0x0  }
0x12a: {  	s2 =	sadd.s32 @!p0 $0x27000, s15;
	s9 =	rddreg [dreg:$0xc];
	[sflag:s11] =	ssyncadd.s32 $0xFFFFD900  }
0x12b: {  	[hbm:s2], [sflag:s14] =	dma.local @!p0 [spmem:s9], $0x100  }
0x12c: {  	s2 =	simm.s32 @!p0 $0x9  }
0x12d: {  	_ =	swait.ge @!p0 [sflag:s2], $0x100  }
0x12e: {  	[sflag:s2] =	ssyncset.done @!p0 $0x0  }
0x12f: {  	[sflag:s2] =	ssyncadd.s32 @!p0 $0xFFFFFF00  }
0x130: {  	s3 =	sadd.s32 s3, s8;
	[bflag:$0x0] =	sbarrier.arrive $0xFFFF  }
0x131: {  	[spmem:s17], [sflag:s14] =	dma.local [hbm:s3], $0x2700  }
0x132: {  	_ =	swait.ge [sflag:s11], $0x2700  }
0x133: {  	[sflag:s11] =	ssyncset.done $0x0  }
0x134: {  	s3 =	sadd.s32 @!p0 $0x27000, s8;
	[sflag:s11] =	ssyncadd.s32 $0xFFFFD900  }
0x135: {  	[spmem:s9], [sflag:s14] =	dma.local @!p0 [hbm:s3], $0x100  }
0x136: {  	_ =	swait.ge @!p0 [sflag:s2], $0x100  }
0x137: {  	[sflag:s2] =	ssyncset.done @!p0 $0x0  }
0x138: {  	[sflag:s2] =	ssyncadd.s32 @!p0 $0xFFFFFF00  }
0x139: {  	[bflag:$0x0] =	sbarrier.arrive $0xFFFF  }
0x13a: {  	v0 =	vld [tilespmem:$0x0];
	_ =	sdelay $0x1  }
0x13b: {  	v1 =	vld [tilespmem:$0x10];
	_ =	sdelay $0x2  }
0x13c: {  	v2 =	vand.u32 $0xFFFF, v0  }
0x13d: {  	v0 =	vshrl.u32 v0, $0x10;
	[tilespmem:$0x2800] =	vst v2  }
0x13e: {  	[tilespmem:$0x2820] =	vst v0;
	v0 =	vand.u32 $0xFFFF, v1  }
0x13f: {  	[tilespmem:$0x2810] =	vst v0;
	v0 =	vshrl.u32 v1, $0x10  }
0x140: {  	[tilespmem:$0x2830] =	vst v0  }
0x141: {  	[tilespmem:s20], [sflag:$0x1] =	stream.indirect.gather [hbm4b:s8+s18], $0x80, s19, s18, $0xb8;
	[tilespmem:$0x1E4C0] =	vst v63  }
0x142: {  	v0 =	vld [tilespmem:$0x20];
	_ =	sdelay $0x1  }
0x143: {  	v1 =	vld [tilespmem:$0x30];
	_ =	sdelay $0x2  }
0x144: {  	v2 =	vand.u32 $0xFFFF, v0  }
0x145: {  	v0 =	vshrl.u32 v0, $0x10;
	[tilespmem:$0x2880] =	vst v2  }
0x146: {  	[tilespmem:$0x28A0] =	vst v0;
	v0 =	vand.u32 $0xFFFF, v1  }
0x147: {  	[tilespmem:$0x2890] =	vst v0;
	v0 =	vshrl.u32 v1, $0x10  }
0x148: {  	[tilespmem:$0x28B0] =	vst v0  }
0x149: {  	[tilespmem:s22], [sflag:$0x2] =	stream.indirect.gather [hbm4b:s8+s18], $0x80, s21, s18, $0xb8;
	[tilespmem:$0x1E4C0] =	vst v63  }
0x14a: {  	v0 =	vld [tilespmem:$0x40];
	_ =	sdelay $0x1  }
0x14b: {  	v1 =	vld [tilespmem:$0x50];
	_ =	sdelay $0x2  }
0x14c: {  	v2 =	vand.u32 $0xFFFF, v0  }
0x14d: {  	v0 =	vshrl.u32 v0, $0x10;
	[tilespmem:$0x2900] =	vst v2  }
0x14e: {  	[tilespmem:$0x2920] =	vst v0;
	v0 =	vand.u32 $0xFFFF, v1  }
0x14f: {  	[tilespmem:$0x2910] =	vst v0;
	v0 =	vshrl.u32 v1, $0x10  }
0x150: {  	[tilespmem:$0x2930] =	vst v0  }
0x151: {  	[tilespmem:s24], [sflag:$0x3] =	stream.indirect.gather [hbm4b:s8+s18], $0x80, s23, s18, $0xb8;
	[tilespmem:$0x1E4C0] =	vst v63  }
0x152: {  	v0 =	vld [tilespmem:$0x60];
	_ =	sdelay $0x1  }
0x153: {  	v1 =	vld [tilespmem:$0x70];
	_ =	sdelay $0x2  }
0x154: {  	v2 =	vand.u32 $0xFFFF, v0  }
0x155: {  	v0 =	vshrl.u32 v0, $0x10;
	[tilespmem:$0x2980] =	vst v2  }
0x156: {  	[tilespmem:$0x29A0] =	vst v0;
	v0 =	vand.u32 $0xFFFF, v1  }
0x157: {  	[tilespmem:$0x2990] =	vst v0;
	v0 =	vshrl.u32 v1, $0x10  }
0x158: {  	s2 =	simm.s32 $0x1440;
	[tilespmem:$0x29B0] =	vst v0  }
0x159: {  	[tilespmem:s26], [sflag:$0x4] =	stream.indirect.gather [hbm4b:s8+s18], $0x80, s25, s18, $0xb8;
	[tilespmem:$0x1E4C0] =	vst v63  }
0x15a: {  	v0 =	vld [tilespmem:s2+$0xFFFFFFC0];
	_ =	sdelay $0x4  }
0x15b: {  	v1 =	vand.u32 $0xFFFF, v0  }
0x15c: {  	v0 =	vshrl.u32 v0, $0x10;
	[tilespmem:$0x2A00] =	vst v1  }
0x15d: {  	[tilespmem:$0x2A20] =	vst v0  }
0x15e: {  	v0 =	vld [tilespmem:s2+$0xFFFFFFD0];
	_ =	sdelay $0x4  }
0x15f: {  	v1 =	vand.u32 $0xFFFF, v0  }
0x160: {  	v0 =	vshrl.u32 v0, $0x10;
	[tilespmem:$0x2A10] =	vst v1  }
0x161: {  	[tilespmem:$0x2A30] =	vst v0  }
0x162: {  	s3 =	simm.s32 $0x0;
	_ =	swait.ge [sflag:s28], $0x2000  }
0x163: {  	s9 =	smin.u32 s3, $0x9B;
	[sflag:s28] =	ssyncset.done $0x0  }
0x164: {  	s15 =	sshll.u32 s9, $0x5;
	[sflag:s28] =	ssyncadd.s32 $0xFFFFE000  }
0x165: {  	[spmem:s1] =	stream.indirect.scatter.add.f32 [tilespmem:s20], [sflag:$0x5], $0x80, s29, s18, $0xb8;
	[tilespmem:$0x1E4C0] =	vst v63  }
0x166: {  	v0 =	vld [tilespmem:s15+$0x80];
	_ =	sdelay $0x4  }
0x167: {  	v1 =	vand.u32 $0xFFFF, v0  }
0x168: {  	v0 =	vshrl.u32 v0, $0x10;
	[tilespmem:$0x2800] =	vst v1  }
0x169: {  	[tilespmem:$0x2820] =	vst v0  }
0x16a: {  	v0 =	vld [tilespmem:s15+$0x90];
	_ =	sdelay $0x4  }
0x16b: {  	v1 =	vand.u32 $0xFFFF, v0  }
0x16c: {  	v0 =	vshrl.u32 v0, $0x10;
	[tilespmem:$0x2810] =	vst v1  }
0x16d: {  	[tilespmem:$0x2830] =	vst v0  }
0x16e: {  	_ =	swait.ge [sflag:s30], $0x2000  }
0x16f: {  	[sflag:s30] =	ssyncset.done $0x0  }
0x170: {  	[sflag:s30] =	ssyncadd.s32 $0xFFFFE000  }
0x171: {  	[tilespmem:s20], [sflag:$0x1] =	stream.indirect.gather [hbm4b:s8+s18], $0x80, s19, s18, $0xb8;
	[tilespmem:$0x1E4C0] =	vst v63  }
0x172: {  	v0 =	vld [tilespmem:s2+$0xFFFFFFE0];
	_ =	sdelay $0x4  }
0x173: {  	v1 =	vand.u32 $0xFFFF, v0  }
0x174: {  	v0 =	vshrl.u32 v0, $0x10;
	[tilespmem:$0x2A80] =	vst v1  }
0x175: {  	[tilespmem:$0x2AA0] =	vst v0  }
0x176: {  	v0 =	vld [tilespmem:s2+$0xFFFFFFF0];
	_ =	sdelay $0x4  }
0x177: {  	v1 =	vand.u32 $0xFFFF, v0  }
0x178: {  	v0 =	vshrl.u32 v0, $0x10;
	[tilespmem:$0x2A90] =	vst v1  }
0x179: {  	[tilespmem:$0x2AB0] =	vst v0  }
0x17a: {  	_ =	swait.ge [sflag:s31], $0x2000  }
0x17b: {  	s17 =	smin.u32 s3, $0x9A;
	[sflag:s31] =	ssyncset.done $0x0  }
0x17c: {  	s15 =	sshll.u32 s17, $0x5;
	[sflag:s31] =	ssyncadd.s32 $0xFFFFE000  }
0x17d: {  	[spmem:s1] =	stream.indirect.scatter.add.f32 [tilespmem:s22], [sflag:$0x6], $0x80, s0, s18, $0xb8;
	[tilespmem:$0x1E4C0] =	vst v63  }
0x17e: {  	v0 =	vld [tilespmem:s15+$0xA0];
	_ =	sdelay $0x4  }
0x17f: {  	v1 =	vand.u32 $0xFFFF, v0  }
0x180: {  	v0 =	vshrl.u32 v0, $0x10;
	[tilespmem:$0x2880] =	vst v1  }
0x181: {  	[tilespmem:$0x28A0] =	vst v0  }
0x182: {  	v0 =	vld [tilespmem:s15+$0xB0];
	_ =	sdelay $0x4  }
0x183: {  	v1 =	vand.u32 $0xFFFF, v0  }
0x184: {  	v0 =	vshrl.u32 v0, $0x10;
	[tilespmem:$0x2890] =	vst v1  }
0x185: {  	[tilespmem:$0x28B0] =	vst v0  }
0x186: {  	_ =	swait.ge [sflag:s12], $0x2000  }
0x187: {  	[sflag:s12] =	ssyncset.done $0x0  }
0x188: {  	[sflag:s12] =	ssyncadd.s32 $0xFFFFE000  }
0x189: {  	[tilespmem:s22], [sflag:$0x2] =	stream.indirect.gather [hbm4b:s8+s18], $0x80, s21, s18, $0xb8;
	[tilespmem:$0x1E4C0] =	vst v63  }
0x18a: {  	v0 =	vld [tilespmem:s2+$0x0];
	_ =	sdelay $0x4  }
0x18b: {  	v1 =	vand.u32 $0xFFFF, v0  }
0x18c: {  	v0 =	vshrl.u32 v0, $0x10;
	[tilespmem:$0x2B00] =	vst v1  }
0x18d: {  	[tilespmem:$0x2B20] =	vst v0  }
0x18e: {  	v0 =	vld [tilespmem:s2+$0x10];
	_ =	sdelay $0x4  }
0x18f: {  	v1 =	vand.u32 $0xFFFF, v0  }
0x190: {  	v0 =	vshrl.u32 v0, $0x10;
	[tilespmem:$0x2B10] =	vst v1  }
0x191: {  	[tilespmem:$0x2B30] =	vst v0  }
0x192: {  	_ =	swait.ge [sflag:s4], $0x2000  }
0x193: {  	s9 =	smin.u32 s3, $0x99;
	[sflag:s4] =	ssyncset.done $0x0  }
0x194: {  	s15 =	sshll.u32 s9, $0x5;
	[sflag:s4] =	ssyncadd.s32 $0xFFFFE000  }
0x195: {  	[spmem:s1] =	stream.indirect.scatter.add.f32 [tilespmem:s24], [sflag:$0x7], $0x80, s5, s18, $0xb8;
	[tilespmem:$0x1E4C0] =	vst v63  }
0x196: {  	v0 =	vld [tilespmem:s15+$0xC0];
	_ =	sdelay $0x4  }
0x197: {  	v1 =	vand.u32 $0xFFFF, v0  }
0x198: {  	v0 =	vshrl.u32 v0, $0x10;
	[tilespmem:$0x2900] =	vst v1  }
0x199: {  	[tilespmem:$0x2920] =	vst v0  }
0x19a: {  	v0 =	vld [tilespmem:s15+$0xD0];
	_ =	sdelay $0x4  }
0x19b: {  	v1 =	vand.u32 $0xFFFF, v0  }
0x19c: {  	v0 =	vshrl.u32 v0, $0x10;
	[tilespmem:$0x2910] =	vst v1  }
0x19d: {  	[tilespmem:$0x2930] =	vst v0  }
0x19e: {  	_ =	swait.ge [sflag:s10], $0x2000  }
0x19f: {  	[sflag:s10] =	ssyncset.done $0x0  }
0x1a0: {  	[sflag:s10] =	ssyncadd.s32 $0xFFFFE000  }
0x1a1: {  	[tilespmem:s24], [sflag:$0x3] =	stream.indirect.gather [hbm4b:s8+s18], $0x80, s23, s18, $0xb8;
	[tilespmem:$0x1E4C0] =	vst v63  }
0x1a2: {  	v0 =	vld [tilespmem:s2+$0x20];
	_ =	sdelay $0x4  }
0x1a3: {  	v1 =	vand.u32 $0xFFFF, v0  }
0x1a4: {  	v0 =	vshrl.u32 v0, $0x10;
	[tilespmem:$0x2B80] =	vst v1  }
0x1a5: {  	[tilespmem:$0x2BA0] =	vst v0  }
0x1a6: {  	v0 =	vld [tilespmem:s2+$0x30];
	_ =	sdelay $0x4  }
0x1a7: {  	v1 =	vand.u32 $0xFFFF, v0  }
0x1a8: {  	v0 =	vshrl.u32 v0, $0x10;
	[tilespmem:$0x2B90] =	vst v1  }
0x1a9: {  	[tilespmem:$0x2BB0] =	vst v0  }
0x1aa: {  	s3 =	smin.u32 s3, $0x98;
	_ =	swait.ge [sflag:s13], $0x2000  }
0x1ab: {  	s3 =	sshll.u32 s3, $0x5;
	[sflag:s13] =	ssyncset.done $0x0  }
0x1ac: {  	s17 =	sadd.s32 $0xE0, s3;
	[sflag:s13] =	ssyncadd.s32 $0xFFFFE000  }
0x1ad: {  	[spmem:s1] =	stream.indirect.scatter.add.f32 [tilespmem:s26], [sflag:$0x8], $0x80, s16, s18, $0xb8;
	[tilespmem:$0x1E4C0] =	vst v63  }
0x1ae: {  	s17 =	sor.u32 $0x70, s17;
	v0 =	vld [tilespmem:s3+$0xE0];
	s3 =	simm.s32 $0x4  }
.LBB2_4:
0x1af: {  	_ = 	snop  }
0x1b0: {  	p1 =	sne.s32 s3, $0x9C  }
0x1b1: {  	s2 =	sadd.s32 $0x80, s2;
	s15 =	smov.u32 s3;
	s3 =	sadd.s32 $0x4, s3  }
0x1b2: {  	_ = 	snop  }
0x1b3: {  	v1 =	vand.u32 $0xFFFF, v0;
	v0 =	vshrl.u32 v0, $0x10  }
0x1b4: {  	[tilespmem:$0x2980] =	vst v1  }
0x1b5: {  	[tilespmem:$0x29A0] =	vst v0  }
0x1b6: {  	v0 =	vld [tilespmem:s17+$0x0];
	_ =	sdelay $0x4  }
0x1b7: {  	v1 =	vand.u32 $0xFFFF, v0;
	v0 =	vshrl.u32 v0, $0x10  }
0x1b8: {  	[tilespmem:$0x2990] =	vst v1  }
0x1b9: {  	[tilespmem:$0x29B0] =	vst v0  }
0x1ba: {  	_ =	swait.ge [sflag:s7], $0x2000  }
0x1bb: {  	[sflag:s7] =	ssyncset.done $0x0  }
0x1bc: {  	[sflag:s7] =	ssyncadd.s32 $0xFFFFE000  }
0x1bd: {  	[tilespmem:s26], [sflag:$0x4] =	stream.indirect.gather [hbm4b:s8+s18], $0x80, s25, s18, $0xb8;
	[tilespmem:$0x1E4C0] =	vst v63  }
0x1be: {  	v0 =	vld [tilespmem:s2+$0xFFFFFFC0];
	_ =	sdelay $0x4  }
0x1bf: {  	v1 =	vand.u32 $0xFFFF, v0;
	v0 =	vshrl.u32 v0, $0x10  }
0x1c0: {  	[tilespmem:$0x2A00] =	vst v1  }
0x1c1: {  	[tilespmem:$0x2A20] =	vst v0  }
0x1c2: {  	v0 =	vld [tilespmem:s2+$0xFFFFFFD0];
	_ =	sdelay $0x4  }
0x1c3: {  	v1 =	vand.u32 $0xFFFF, v0;
	v0 =	vshrl.u32 v0, $0x10  }
0x1c4: {  	[tilespmem:$0x2A10] =	vst v1  }
0x1c5: {  	[tilespmem:$0x2A30] =	vst v0  }
0x1c6: {  	s17 =	smin.u32 s15, $0x9B;
	_ =	swait.ge [sflag:s28], $0x2000  }
0x1c7: {  	s17 =	sshll.u32 s17, $0x5;
	[sflag:s28] =	ssyncset.done $0x0  }
0x1c8: {  	[sflag:s28] =	ssyncadd.s32 $0xFFFFE000  }
0x1c9: {  	[spmem:s1] =	stream.indirect.scatter.add.f32 [tilespmem:s20], [sflag:$0x5], $0x80, s29, s18, $0xb8;
	[tilespmem:$0x1E4C0] =	vst v63  }
0x1ca: {  	v0 =	vld [tilespmem:s17+$0x80];
	_ =	sdelay $0x4  }
0x1cb: {  	v1 =	vand.u32 $0xFFFF, v0;
	v0 =	vshrl.u32 v0, $0x10  }
0x1cc: {  	[tilespmem:$0x2800] =	vst v1  }
0x1cd: {  	[tilespmem:$0x2820] =	vst v0  }
0x1ce: {  	v0 =	vld [tilespmem:s17+$0x90];
	_ =	sdelay $0x4  }
0x1cf: {  	v1 =	vand.u32 $0xFFFF, v0;
	v0 =	vshrl.u32 v0, $0x10  }
0x1d0: {  	[tilespmem:$0x2810] =	vst v1  }
0x1d1: {  	[tilespmem:$0x2830] =	vst v0  }
0x1d2: {  	_ =	swait.ge [sflag:s30], $0x2000  }
0x1d3: {  	[sflag:s30] =	ssyncset.done $0x0  }
0x1d4: {  	[sflag:s30] =	ssyncadd.s32 $0xFFFFE000  }
0x1d5: {  	[tilespmem:s20], [sflag:$0x1] =	stream.indirect.gather [hbm4b:s8+s18], $0x80, s19, s18, $0xb8;
	[tilespmem:$0x1E4C0] =	vst v63  }
0x1d6: {  	v0 =	vld [tilespmem:s2+$0xFFFFFFE0];
	_ =	sdelay $0x4  }
0x1d7: {  	v1 =	vand.u32 $0xFFFF, v0;
	v0 =	vshrl.u32 v0, $0x10  }
0x1d8: {  	[tilespmem:$0x2A80] =	vst v1  }
0x1d9: {  	[tilespmem:$0x2AA0] =	vst v0  }
0x1da: {  	v0 =	vld [tilespmem:s2+$0xFFFFFFF0];
	_ =	sdelay $0x3  }
0x1db: {  	s17 =	smin.u32 s15, $0x9A  }
0x1dc: {  	s17 =	sshll.u32 s17, $0x5;
	v1 =	vand.u32 $0xFFFF, v0;
	v0 =	vshrl.u32 v0, $0x10  }
0x1dd: {  	[tilespmem:$0x2A90] =	vst v1  }
0x1de: {  	[tilespmem:$0x2AB0] =	vst v0  }
0x1df: {  	_ =	swait.ge [sflag:s31], $0x2000  }
0x1e0: {  	[sflag:s31] =	ssyncset.done $0x0  }
0x1e1: {  	[sflag:s31] =	ssyncadd.s32 $0xFFFFE000  }
0x1e2: {  	[spmem:s1] =	stream.indirect.scatter.add.f32 [tilespmem:s22], [sflag:$0x6], $0x80, s0, s18, $0xb8;
	[tilespmem:$0x1E4C0] =	vst v63  }
0x1e3: {  	v0 =	vld [tilespmem:s17+$0xA0];
	_ =	sdelay $0x4  }
0x1e4: {  	v1 =	vand.u32 $0xFFFF, v0;
	v0 =	vshrl.u32 v0, $0x10  }
0x1e5: {  	[tilespmem:$0x2880] =	vst v1  }
0x1e6: {  	[tilespmem:$0x28A0] =	vst v0  }
0x1e7: {  	v0 =	vld [tilespmem:s17+$0xB0];
	_ =	sdelay $0x4  }
0x1e8: {  	v1 =	vand.u32 $0xFFFF, v0;
	v0 =	vshrl.u32 v0, $0x10  }
0x1e9: {  	[tilespmem:$0x2890] =	vst v1  }
0x1ea: {  	[tilespmem:$0x28B0] =	vst v0  }
0x1eb: {  	_ =	swait.ge [sflag:s12], $0x2000  }
0x1ec: {  	[sflag:s12] =	ssyncset.done $0x0  }
0x1ed: {  	[sflag:s12] =	ssyncadd.s32 $0xFFFFE000  }
0x1ee: {  	[tilespmem:s22], [sflag:$0x2] =	stream.indirect.gather [hbm4b:s8+s18], $0x80, s21, s18, $0xb8;
	[tilespmem:$0x1E4C0] =	vst v63  }
0x1ef: {  	v0 =	vld [tilespmem:s2+$0x0];
	_ =	sdelay $0x4  }
0x1f0: {  	v1 =	vand.u32 $0xFFFF, v0;
	v0 =	vshrl.u32 v0, $0x10  }
0x1f1: {  	[tilespmem:$0x2B00] =	vst v1  }
0x1f2: {  	[tilespmem:$0x2B20] =	vst v0  }
0x1f3: {  	s17 =	smin.u32 s15, $0x99;
	v0 =	vld [tilespmem:s2+$0x10]  }
0x1f4: {  	s17 =	sshll.u32 s17, $0x5;
	_ =	sdelay $0x3  }
0x1f5: {  	v1 =	vand.u32 $0xFFFF, v0;
	v0 =	vshrl.u32 v0, $0x10  }
0x1f6: {  	[tilespmem:$0x2B10] =	vst v1  }
0x1f7: {  	[tilespmem:$0x2B30] =	vst v0  }
0x1f8: {  	_ =	swait.ge [sflag:s4], $0x2000  }
0x1f9: {  	[sflag:s4] =	ssyncset.done $0x0  }
0x1fa: {  	[sflag:s4] =	ssyncadd.s32 $0xFFFFE000  }
0x1fb: {  	[spmem:s1] =	stream.indirect.scatter.add.f32 [tilespmem:s24], [sflag:$0x7], $0x80, s5, s18, $0xb8;
	[tilespmem:$0x1E4C0] =	vst v63  }
0x1fc: {  	v0 =	vld [tilespmem:s17+$0xC0];
	_ =	sdelay $0x4  }
0x1fd: {  	v1 =	vand.u32 $0xFFFF, v0;
	v0 =	vshrl.u32 v0, $0x10  }
0x1fe: {  	[tilespmem:$0x2900] =	vst v1  }
0x1ff: {  	[tilespmem:$0x2920] =	vst v0  }
0x200: {  	v0 =	vld [tilespmem:s17+$0xD0];
	_ =	sdelay $0x4  }
0x201: {  	v1 =	vand.u32 $0xFFFF, v0;
	v0 =	vshrl.u32 v0, $0x10  }
0x202: {  	[tilespmem:$0x2910] =	vst v1  }
0x203: {  	[tilespmem:$0x2930] =	vst v0  }
0x204: {  	_ =	swait.ge [sflag:s10], $0x2000  }
0x205: {  	[sflag:s10] =	ssyncset.done $0x0  }
0x206: {  	[sflag:s10] =	ssyncadd.s32 $0xFFFFE000  }
0x207: {  	[tilespmem:s24], [sflag:$0x3] =	stream.indirect.gather [hbm4b:s8+s18], $0x80, s23, s18, $0xb8;
	[tilespmem:$0x1E4C0] =	vst v63  }
0x208: {  	v0 =	vld [tilespmem:s2+$0x20];
	_ =	sdelay $0x3  }
0x209: {  	s15 =	smin.u32 s15, $0x98  }
0x20a: {  	s15 =	sshll.u32 s15, $0x5;
	v1 =	vand.u32 $0xFFFF, v0;
	v0 =	vshrl.u32 v0, $0x10  }
0x20b: {  	s17 =	sadd.s32 $0xE0, s15;
	[tilespmem:$0x2B80] =	vst v1  }
0x20c: {  	[tilespmem:$0x2BA0] =	vst v0  }
0x20d: {  	v0 =	vld [tilespmem:s2+$0x30];
	_ =	sdelay $0x3  }
0x20e: {  	s17 =	sor.u32 $0x70, s17  }
0x20f: {  	v1 =	vand.u32 $0xFFFF, v0;
	v0 =	vshrl.u32 v0, $0x10  }
0x210: {  	[tilespmem:$0x2B90] =	vst v1  }
0x211: {  	[tilespmem:$0x2BB0] =	vst v0  }
.Ltmp1:
0x212: {  	_ =	swait.ge [sflag:s13], $0x2000;
	(pc) =	sbr.rel @p1 .LBB2_4-.Ltmp1, $4  }
0x213: {  	[sflag:s13] =	ssyncset.done $0x0  }
0x214: {  	[sflag:s13] =	ssyncadd.s32 $0xFFFFE000  }
0x215: {  	[spmem:s1] =	stream.indirect.scatter.add.f32 [tilespmem:s26], [sflag:$0x8], $0x80, s16, s18, $0xb8;
	[tilespmem:$0x1E4C0] =	vst v63  }
0x216: {  	v0 =	vld [tilespmem:s15+$0xE0]  }
0x217: {  	_ =	sdelay $0x3  }
0x218: {  	v1 =	vand.u32 $0xFFFF, v0  }
0x219: {  	v62 =	vshrl.u32 v0, $0x10;
	[tilespmem:$0x2980] =	vst v1  }
0x21a: {  	[tilespmem:$0x29A0] =	vst v62  }
0x21b: {  	v0 =	vld [tilespmem:s17+$0x0];
	_ =	sdelay $0x4  }
0x21c: {  	v63 =	vand.u32 $0xFFFF, v0  }
0x21d: {  	v0 =	vshrl.u32 v0, $0x10;
	[tilespmem:$0x2990] =	vst v63  }
0x21e: {  	[tilespmem:$0x29B0] =	vst v0  }
0x21f: {  	_ =	swait.ge [sflag:s7], $0x2000  }
0x220: {  	[sflag:s7] =	ssyncset.done $0x0  }
0x221: {  	[sflag:s7] =	ssyncadd.s32 $0xFFFFE000  }
0x222: {  	[tilespmem:s26], [sflag:$0x4] =	stream.indirect.gather [hbm4b:s8+s18], $0x80, s25, s18, $0xb8;
	[tilespmem:$0x1E4C0] =	vst v63  }
0x223: {  	_ =	swait.ge [sflag:s28], $0x2000  }
0x224: {  	[sflag:s28] =	ssyncset.done $0x0  }
0x225: {  	[sflag:s28] =	ssyncadd.s32 $0xFFFFE000  }
0x226: {  	_ =	swait.ge [sflag:s31], $0x2000  }
0x227: {  	[sflag:s31] =	ssyncset.done $0x0  }
0x228: {  	[sflag:s31] =	ssyncadd.s32 $0xFFFFE000  }
0x229: {  	_ =	swait.ge [sflag:s4], $0x2000  }
0x22a: {  	[sflag:s4] =	ssyncset.done $0x0  }
0x22b: {  	[sflag:s4] =	ssyncadd.s32 $0xFFFFE000  }
0x22c: {  	_ =	swait.ge [sflag:s13], $0x2000  }
0x22d: {  	[sflag:s13] =	ssyncset.done $0x0  }
0x22e: {  	[sflag:s13] =	ssyncadd.s32 $0xFFFFE000  }
0x22f: {  	[bflag:$0x0] =	sbarrier.arrive $0xFFFF  }
0x230: {  	s2 =	rddreg [dreg:$0x3]  }
0x231: {  	s3 =	rddreg [dreg:$0x7]  }
0x232: {  	s17 =	rddreg [dreg:$0xa];
	s2 =	sadd.s32 s2, s3  }
0x233: {  	[hbm:s2], [sflag:s14] =	dma.local [spmem:s17], $0x2700  }
0x234: {  	_ =	swait.ge [sflag:s11], $0x2700  }
0x235: {  	[sflag:s11] =	ssyncset.done $0x0  }
0x236: {  	s2 =	sadd.s32 @!p0 $0x27000, s3;
	s3 =	rddreg [dreg:$0xc];
	[sflag:s11] =	ssyncadd.s32 $0xFFFFD900  }
0x237: {  	[hbm:s2], [sflag:s14] =	dma.local @!p0 [spmem:s3], $0x100  }
0x238: {  	s2 =	simm.s32 @!p0 $0x9  }
0x239: {  	_ =	swait.ge @!p0 [sflag:s2], $0x100  }
0x23a: {  	s9 =	rddreg [dreg:$0xd]  }
0x23b: {  	s15 =	rddreg [dreg:$0x8];
	s9 =	sadd.s32 $0x1, s9  }
0x23c: {  	p1 =	sne.s32 s9, s15  }
.Ltmp2:
0x23d: {  	_ = 	snop;
	(pc) =	sbr.rel @p1 .LBB2_1-.Ltmp2, $3  }
0x23e: {  	[sflag:s2] =	ssyncset.done @!p0 $0x0  }
0x23f: {  	[sflag:s2] =	ssyncadd.s32 @!p0 $0xFFFFFF00  }
0x240: {  	[bflag:$0x0] =	sbarrier.arrive $0xFFFF;
	_ =	sdelay $0x1  }
0x241: {  	_ =	sfence.sel $0x180000  }
0x242: {  	[bflag:$0x0] =	sbarrier.arrive $0xFFFF  }
0x243: {  	_ =	strace $0x9000004A  }
0x244: {  	[bflag:$0x2] =	sbarrier.arrive $0xFFFF  }
0x245: {  	s0 =	rddreg [dreg:$0x2]  }
0x246: {  	s0 =	sadd.s32 @!p0 $0x100000, s0  }
0x247: {  	[sflag:s0] =	ssyncadd.tile.s32 @!p0 $0x1;
	_ =	shalt  }
.Lfunc_end2:
_tile_overlayer_lowered:
.L_overlay_start_2:
0x248: {  	(tag) =	ssettag $0x2  }
0x249: {  	s0 =	rddreg [dreg:$0x0];
	s2 =	stileid.u32  }
0x24a: {  	s1 =	rddreg [dreg:$0x1];
	p0 =	sne.s32 s2, $0x0  }
0x24b: {  	s3 =	rddreg [dreg:$0x2];
	[bflag:$0x3] =	sbarrier.arrive $0xFFFF;
	s2 =	simm.s32 @!p0 $0x1C09  }
0x24c: {  	[timem:s3], [sflag:s2] =	dma.local @!p0 [hbm:s0], s1  }
0x24d: {  	s0 =	simm.s32 @!p0 $0x9  }
0x24e: {  	_ =	swait.ge @!p0 [sflag:s0], s1  }
0x24f: {  	s1 =	ssub.s32 @!p0 $0x0, s1;
	[sflag:s0] =	ssyncset.done @!p0 $0x0  }
0x250: {  	[sflag:s0] =	ssyncadd.s32 @!p0 s1  }
0x251: {  	[bflag:$0x3] =	sbarrier.arrive $0xFFFF  }
0x252: {  	_ =	shalt  }

// kernel: kernel.14.cloned.1.call-start
scs
__scs_entry_jumppad:
0x0: {  	(pc) =	sbr.rel $0x88, $3  }
0x1: {  	(tag) =	ssettag $0x0;
	lr =	simm.s32 $0x1  }
0x2: {  	[smem:$0x3F98] =	sst lr;
	_ =	strace $0xD0000000  }
0x3: {  	_ = 	snop  }
0x4: {  	_ = 	snop  }
0x5: {  	_ = 	snop  }
0x6: {  	_ = 	snop  }
0x7: {  	_ = 	snop  }
__scs_overlays_trampoline_lowered:
0x8: {  	[smem:$0x3FA7] =	sst s0  }
0x9: {  	[smem:$0x3FA8] =	sst s1  }
0xa: {  	[smem:$0x3FA9] =	sst s2  }
0xb: {  	[smem:$0x3FAA] =	sst s3  }
0xc: {  	[smem:$0x3FAB] =	sst s4  }
0xd: {  	[smem:$0x3FAC] =	sst s5  }
0xe: {  	[smem:$0x3FAD] =	sst s6  }
0xf: {  	[smem:$0x3FAE] =	sst s7  }
0x10: {  	[smem:$0x3FAF] =	sst s8  }
0x11: {  	[smem:$0x3FB0] =	sst s9;
	s0 =	simm.s32 @!p0 $0x0  }
0x12: {  	s1 =	sld [smem:$0x3F96];
	s0 =	simm.s32 @p0 $0x1  }
0x13: {  	[smem:$0x3FB1] =	sst s0;
	s0 =	simm.s32 @!p1 $0x0  }
0x14: {  	s2 =	sld [smem:$0x3F95];
	s0 =	simm.s32 @p1 $0x1  }
0x15: {  	[smem:$0x3FB2] =	sst s0;
	s0 =	simm.s32 @!p2 $0x0  }
0x16: {  	s3 =	sld [smem:$0x3FDB];
	s0 =	simm.s32 @p2 $0x1  }
0x17: {  	s4 =	simm.s32 $0x1BF5;
	[smem:$0x3FB4] =	sst s0  }
0x18: {  	s0 =	sld [smem:$0x3F97];
	_ =	swait.ge [sflag:s4], $0x0  }
0x19: {  	s7 =	sld [smem:$0x3F98]  }
0x1a: {  	s8 =	sadd.s32 $0xFFFFE003, lr  }
0x1b: {  	s9 =	sadd.s32 $0xFFFFFEF7, lr;
	s5 =	simm.s32 $0xFFFFFFFF;
	p2 =	slt.u32 s8, $0xFFFFF086  }
0x1c: {  	p1 =	slt.u32 s9, $0xF7A;
	s5 =	simm.s32 @!p2 $0x0  }
0x1d: {  	s5 =	simm.s32 @p1 $0x1;
	p0 =	seq.s32 s7, s2  }
0x1e: {  	s7 =	smul.u32 @!p0 $0xF7A, s2;
	p2 =	seq.s32 @!p0 s5, $0x0  }
0x1f: {  	s9 =	smul.u32 $0xF7A, s1;
	s8 =	simm.s32 @!p0 $0x1BF5;
	p2 =	por !p2, p0  }
0x20: {  	[sflag:s8] =	ssyncset.s32 @!p0 $0xFFFFF086;
	s6 =	sadd.s32 @!p0 s3, s7;
	s7 =	simm.s32 @!p0 $0x108  }
0x21: {  	s3 =	sadd.s32 s3, s9;
	s6 =	sadd.s32 @!p0 $0x88, s6;
	s7 =	simm.s32 @p2 $0x1082  }
0x22: {  	[simem:s7], [sflag:s8] =	dma.local @!p0 [hbm:s6], $0xF7A  }
0x23: {  	s9 =	sor.u32 $0xD0000000, s2;
	s6 =	simm.s32 $0x108;
	_ =	swait.ge @!p0 [sflag:s8], $0x0  }
0x24: {  	s3 =	sadd.s32 $0x88, s3;
	s6 =	simm.s32 @!p1 $0x1082;
	[sflag:s4] =	ssyncset.s32 $0xFFFFF086  }
0x25: {  	[simem:s6], [sflag:s4] =	dma.local [hbm:s3], $0xF7A  }
0x26: {  	[smem:$0x3F98] =	sst s1;
	(tag) =	ssettag s2;
	_ =	strace s9  }
0x27: {  	s1 =	sld [smem:$0x3FA8]  }
0x28: {  	s2 =	sld [smem:$0x3FA9]  }
0x29: {  	s4 =	sld [smem:$0x3FAB]  }
0x2a: {  	p0 =	seq.s32 s5, $0x0;
	s5 =	sld [smem:$0x3FAC]  }
0x2b: {  	s6 =	sld [smem:$0x3FAD]  }
0x2c: {  	s7 =	sld [smem:$0x3FAE]  }
0x2d: {  	s3 =	simm.s32 $0x108;
	s8 =	sld [smem:$0x3FAF]  }
0x2e: {  	s3 =	simm.s32 @!p0 $0x1082;
	s9 =	sld [smem:$0x3FB0]  }
0x2f: {  	lr =	sadd.s32 s0, s3;
	s0 =	sld [smem:$0x3FA7]  }
0x30: {  	s3 =	sld [smem:$0x3FAA]  }
0x31: {  	[smem:$0x3FB3] =	sst s10  }
0x32: {  	s10 =	sld [smem:$0x3FB1];
	_ =	sdelay $0x3  }
0x33: {  	p0 =	seq.s32 s10, $0x1;
	s10 =	sld [smem:$0x3FB3];
	_ =	sdelay $0x3  }
0x34: {  	[smem:$0x3FB3] =	sst s10  }
0x35: {  	s10 =	sld [smem:$0x3FB2];
	_ =	sdelay $0x3  }
0x36: {  	p1 =	seq.s32 s10, $0x1;
	s10 =	sld [smem:$0x3FB3];
	_ =	sdelay $0x3  }
0x37: {  	[smem:$0x3FB3] =	sst s10  }
0x38: {  	s10 =	sld [smem:$0x3FB4]  }
0x39: {  	_ = 	snop;
	(pc) =	sbr.ind lr, $3  }
0x3a: {  	_ = 	snop  }
0x3b: {  	_ = 	snop  }
0x3c: {  	p2 =	seq.s32 s10, $0x1;
	s10 =	sld [smem:$0x3FB3]  }
0x3d: {  	_ =	shalt  }
0x3e: {  	_ =	shalt  }
0x3f: {  	_ =	shalt  }
0x40: {  	_ =	shalt  }
0x41: {  	_ =	shalt  }
0x42: {  	_ =	shalt  }
0x43: {  	_ =	shalt  }
0x44: {  	_ =	shalt  }
0x45: {  	_ =	shalt  }
0x46: {  	_ =	shalt  }
0x47: {  	_ =	shalt  }
0x48: {  	_ =	shalt  }
0x49: {  	_ =	shalt  }
0x4a: {  	_ =	shalt  }
0x4b: {  	_ =	shalt  }
0x4c: {  	_ =	shalt  }
0x4d: {  	_ =	shalt  }
0x4e: {  	_ =	shalt  }
0x4f: {  	_ =	shalt  }
0x50: {  	_ =	shalt  }
0x51: {  	_ =	shalt  }
0x52: {  	_ =	shalt  }
0x53: {  	_ =	shalt  }
0x54: {  	_ =	shalt  }
0x55: {  	_ =	shalt  }
0x56: {  	_ =	shalt  }
0x57: {  	_ =	shalt  }
0x58: {  	_ =	shalt  }
0x59: {  	_ =	shalt  }
0x5a: {  	_ =	shalt  }
0x5b: {  	_ =	shalt  }
0x5c: {  	_ =	shalt  }
0x5d: {  	_ =	shalt  }
0x5e: {  	_ =	shalt  }
0x5f: {  	_ =	shalt  }
0x60: {  	_ =	shalt  }
0x61: {  	_ =	shalt  }
0x62: {  	_ =	shalt  }
0x63: {  	_ =	shalt  }
0x64: {  	_ =	shalt  }
0x65: {  	_ =	shalt  }
0x66: {  	_ =	shalt  }
0x67: {  	_ =	shalt  }
0x68: {  	_ =	shalt  }
0x69: {  	_ =	shalt  }
0x6a: {  	_ =	shalt  }
0x6b: {  	_ =	shalt  }
0x6c: {  	_ =	shalt  }
0x6d: {  	_ =	shalt  }
0x6e: {  	_ =	shalt  }
0x6f: {  	_ =	shalt  }
0x70: {  	_ =	shalt  }
0x71: {  	_ =	shalt  }
0x72: {  	_ =	shalt  }
0x73: {  	_ =	shalt  }
0x74: {  	_ =	shalt  }
0x75: {  	_ =	shalt  }
0x76: {  	_ =	shalt  }
0x77: {  	_ =	shalt  }
0x78: {  	_ =	shalt  }
0x79: {  	_ =	shalt  }
0x7a: {  	_ =	shalt  }
0x7b: {  	_ =	shalt  }
0x7c: {  	_ =	shalt  }
0x7d: {  	_ =	shalt  }
0x7e: {  	_ =	shalt  }
0x7f: {  	_ =	shalt  }
0x80: {  	_ =	shalt  }
0x81: {  	_ =	shalt  }
0x82: {  	_ =	shalt  }
0x83: {  	_ =	shalt  }
0x84: {  	_ =	shalt  }
0x85: {  	_ =	shalt  }
0x86: {  	_ =	shalt  }
0x87: {  	_ =	shalt  }
.Lfunc_end0:
.L_simem_size_0:
called_computation.2_lowered:
.L_overlay_start_0:
0x88: {  	s2 =	sld [smem:$0x3FD9]  }
0x89: {  	s3 =	sld [smem:$0x3FFE];
	_ =	sdelay $0x1  }
0x8a: {  	s1 =	srdreg.scid  }
0x8b: {  	s0 =	sand.u32 $0x1, s1  }
0x8c: {  	s16 =	sshll.u32 s0, $0xA;
	s2 =	sadd.s32 s3, s2  }
0x8d: {  	s2 =	sadd.s32 s2, s16  }
0x8e: {  	[smem:$0x3FBF] =	sst s2  }
0x8f: {  	_ = 	snop  }
0x90: {  	(tm) =	ssettm $0x1  }
0x91: {  	s17 =	sld [smem:$0x3FFB];
	_ =	sdelay $0x3  }
0x92: {  	_ =	strace s17  }
0x93: {  	s2 =	sld [smem:$0x3FFC];
	_ =	sdelay $0x3  }
0x94: {  	_ =	strace s2  }
0x95: {  	s2 =	sld [smem:$0x3FFD];
	_ =	sdelay $0x3  }
0x96: {  	_ =	strace s2  }
0x97: {  	_ =	strace $0x8FFFFFFF  }
0x98: {  	s18 =	sld [smem:$0x3FDB];
	_ =	sdelay $0x1  }
0x99: {  	s19 =	simm.s32 $_scs_section_size  }
0x9a: {  	s4 =	simm.s32 $_size__tile_overlayer_lowered;
	s5 =	simm.s32 $_tile_overlayer_lowered  }
0x9b: {  	s22 =	simm.s32 $0x1BFF;
	s21 =	sshll.u32 s5, $0x1;
	s2 =	sadd.s32 s19, s18  }
0x9c: {  	s6 =	simm.s32 $0x0;
	s20 =	sshll.u32 s4, $0x1;
	s4 =	sadd.s32 s21, s2  }
0x9d: {  	[timem:s6], [sflag:s22] =	dma.local [hbm:s4], s20  }
0x9e: {  	_ =	swait.ge [sflag:s22], s20  }
0x9f: {  	s3 =	ssub.s32 $0x0, s20;
	[sflag:s22] =	ssyncset.done $0x0  }
0xa0: {  	[sflag:s22] =	ssyncadd.s32 s3;
	_ =	sdelay $0x1  }
0xa1: {  	s23 =	simm.s32 $0x1B8B  }
0xa2: {  	_ =	swait.ge [sflag:s23], $0x1  }
0xa3: {  	[sflag:s23] =	ssyncset.done $0x0  }
0xa4: {  	s25 =	simm.s32 $0x1B8E;
	s24 =	sld [smem:$0x3FFE];
	[sflag:s23] =	ssyncadd.s32 $0xFFFFFFFF  }
0xa5: {  	s26 =	simm.s32 $execute0_lowered;
	[smem:$0x3FD2] =	sst s25  }
0xa6: {  	s4 =	sshll.u32 s26, $0x1;
	_ =	strace $0x8000004C;
	[dreg:$0x1] =	wrdreg $0xFFFFFFFF  }
0xa7: {  	s28 =	simm.s32 $_size_execute0_lowered;
	s2 =	sadd.s32 s2, s4;
	[dreg:$0x0] =	wrdreg $0x0  }
0xa8: {  	s4 =	sshll.u32 s28, $0x1;
	[dreg:$0x2] =	wrdreg s2  }
0xa9: {  	[dreg:$0x3] =	wrdreg s4  }
0xaa: {  	[dreg:$0x4] =	wrdreg $0xC0  }
0xab: {  	_ =	task [dreg:s6], $0x5FFFF  }
0xac: {  	[dreg:$0x1] =	wrdreg $0xFFFFFFFF  }
0xad: {  	[dreg:$0x0] =	wrdreg $0x60  }
0xae: {  	[dreg:$0x2] =	wrdreg s24  }
0xaf: {  	[dreg:$0x3] =	wrdreg $0xAC000  }
0xb0: {  	[dreg:$0x4] =	wrdreg $0x9  }
0xb1: {  	_ =	task.clear_ibuf [dreg:s6], $0x5FFFF;
	_ =	strace $0x9000004C  }
0xb2: {  	s29 =	simm.s32 $0x9;
	_ =	strace $0x8000004E  }
0xb3: {  	_ =	swait.ge [sflag:s29], $0x1  }
0xb4: {  	[sflag:s29] =	ssyncadd.s32 $0xFFFFFFFF  }
0xb5: {  	_ =	strace $0x9000004E  }
0xb6: {  	_ =	sfence  }
0xb7: {  	s30 =	sld [smem:$0x0];
	_ =	sdelay $0x2  }
0xb8: {  	s31 =	sshll.u32 s1, $0xD;
	s1 =	sshrl.u32 s1, $0x2  }
0xb9: {  	s3 =	sand.u32 $0x4000, s31;
	s1 =	sadd.s32 s1, s30  }
0xba: {  	s0 =	sor.u32 s3, s0;
	s1 =	sshll.u32 s1, $0x11  }
0xbb: {  	s0 =	sor.u32 s1, s0  }
0xbc: {  	s0 =	sadd.s32 $0x8F2B, s0  }
0xbd: {  	[sflag:s0] =	ssyncadd.remote.s32 $0x1  }
0xbe: {  	_ =	sfence.sel $0xFFFF  }
0xbf: {  	[dreg:$0x0] =	wrdreg $0xFFFFFFFF;
	(pc) =	sbr.abs _section_cstart, $3  }
0xc0: {  	[dreg:$0x1] =	wrdreg $0xFFFFFFFF  }
0xc1: {  	_ =	task.clear_ibuf [dreg:s6], $0x2FFFF;
	_ =	strace $0x9FFFFFFF  }
0xc2: {  	(tm) =	ssettm $0x7FFFFFFF  }
0xc3: {  	_ =	shalt  }
tec
execute0_lowered:
.L_overlay_start_1:
0x0: {  	(tag) =	ssettag $0x1  }
0x1: {  	s0 =	rddreg [dreg:$0x0]  }
0x2: {  	s1 =	rddreg [dreg:$0x1];
	s2 =	simm.s32 $0x0  }
0x3: {  	s19 =	stileid.u32;
	s3 =	srdreg.scid;
	s11 =	simm.s32 $0x9  }
0x4: {  	s18 =	simm.s32 $0x40;
	s28 =	simm.s32 $0x1;
	s29 =	simm.s32 $0x2A00  }
0x5: {  	s30 =	simm.s32 $0x5;
	s31 =	simm.s32 $0x2;
	s13 =	simm.s32 $0x4  }
0x6: {  	s16 =	simm.s32 $0x2B80;
	[smem:$0x7FF] =	sst s2;
	s4 =	smul.u32 $0x280, s19  }
0x7: {  	s3 =	sand.u32 $0x1, s3;
	s5 =	sadd.s32 $0xC600, s0;
	s7 =	smul.u32 $0x4E000, s19  }
0x8: {  	s12 =	smul.u32 $0x2700, s19;
	p0 =	sne.s32 s19, $0x0;
	s25 =	sshll.u32 s19, $0x6  }
0x9: {  	s19 =	simm.s32 $0x2800;
	_ =	strace $0x8000004D;
	s9 =	smul.u32 $0x4E300, s3  }
0xa: {  	s6 =	ssub.s32 $0x2, s3;
	s21 =	smul.u32 $0x4E200, s3;
	s3 =	sshllo.u32 s3, $0x1  }
0xb: {  	s14 =	sor.u32 $0x1C09, s25;
	s25 =	simm.s32 $0x2980;
	s4 =	sadd.s32 s4, s0  }
0xc: {  	s8 =	sshrl.u32 s6, $0x1;
	s0 =	sadd.s32 $0xA8C00, s0;
	s23 =	smul.u32 $0x27180, s3  }
0xd: {  	s22 =	sshrl.u32 s7, $0x2;
	s3 =	smul.u32 $0x27100, s3;
	[dreg:$0x3] =	wrdreg s12  }
0xe: {  	s7 =	simm.s32 $0x8;
	s10 =	ssub.s32 s6, s8;
	s20 =	sadd.s32 $0x7600, s4  }
0xf: {  	s4 =	sadd.s32 $0x9E00, s4;
	s6 =	sadd.s32 s5, s9;
	[dreg:$0x4] =	wrdreg s20  }
0x10: {  	s9 =	sadd.s32 $0x138000, s1;
	s8 =	sadd.s32 s0, s21;
	[dreg:$0x5] =	wrdreg s4  }
0x11: {  	s21 =	simm.s32 $0x2880;
	s4 =	sadd.s32 s22, s1;
	[dreg:$0x6] =	wrdreg s8  }
0x12: {  	s8 =	sadd.s32 s5, s23;
	s0 =	sadd.s32 s0, s3;
	s24 =	smax.u32 s10, $0x1  }
0x13: {  	s26 =	sadd.s32 s12, s6;
	s3 =	sshrl.u32 @!p0 s9, $0x3;
	s20 =	simm.s32 $0x2C00  }
0x14: {  	s22 =	simm.s32 $0x4C00;
	s23 =	simm.s32 $0x2900;
	[dreg:$0x7] =	wrdreg s0  }
0x15: {  	s12 =	simm.s32 $0x6;
	s5 =	simm.s32 $0x2B00;
	[dreg:$0x8] =	wrdreg s24  }
0x16: {  	s10 =	simm.s32 $0x7;
	s9 =	simm.s32 $0x0;
	[dreg:$0x9] =	wrdreg s26  }
0x17: {  	s17 =	sshrl.u32 s4, $0x3;
	s0 =	sadd.s32 @!p0 $0x27000, s6;
	[dreg:$0xc] =	wrdreg s3  }
0x18: {  	s24 =	simm.s32 $0x6C00;
	s26 =	simm.s32 $0x8C00;
	[dreg:$0xb] =	wrdreg s0  }
0x19: {  	s4 =	simm.s32 $0x3;
	s0 =	simm.s32 $0x2A80;
	[dreg:$0xa] =	wrdreg s17  }
.LBB2_1:
0x1a: {  	[dreg:$0xd] =	wrdreg s9  }
0x1b: {  	s15 =	simm.s32 $0x0;
	s2 =	rddreg [dreg:$0x4]  }
0x1c: {  	[tilespmem:s15], [sflag:$0x9] =	stream.linear.gather [hbm4b:s2+s15], $0x1400, $0x38;
	[tilespmem:$0x1E4C0] =	vst v63  }
0x1d: {  	_ =	swait.ge [sflag:s11], $0x1400  }
0x1e: {  	s9 =	smov.u32 s3;
	[sflag:s11] =	ssyncset.done $0x0  }
0x1f: {  	s3 =	simm.s32 $0x1400;
	s2 =	rddreg [dreg:$0x5];
	[sflag:s11] =	ssyncadd.s32 $0xFFFFEC00  }
0x20: {  	[tilespmem:s3], [sflag:$0x9] =	stream.linear.gather [hbm4b:s2+s15], $0x1400, $0x38;
	[tilespmem:$0x1E4C0] =	vst v63  }
0x21: {  	_ =	swait.ge [sflag:s11], $0x1400  }
0x22: {  	[sflag:s11] =	ssyncset.done $0x0  }
0x23: {  	s3 =	rddreg [dreg:$0x9];
	[sflag:s11] =	ssyncadd.s32 $0xFFFFEC00  }
0x24: {  	[spmem:s17], [sflag:s14] =	dma.local [hbm:s3], $0x2700  }
0x25: {  	_ =	swait.ge [sflag:s11], $0x2700  }
0x26: {  	[sflag:s11] =	ssyncset.done $0x0  }
0x27: {  	s2 =	rddreg [dreg:$0xb];
	[sflag:s11] =	ssyncadd.s32 $0xFFFFD900  }
0x28: {  	[spmem:s9], [sflag:s14] =	dma.local @!p0 [hbm:s2], $0x100  }
0x29: {  	s2 =	simm.s32 @!p0 $0x9  }
0x2a: {  	_ =	swait.ge @!p0 [sflag:s2], $0x100  }
0x2b: {  	[sflag:s2] =	ssyncset.done @!p0 $0x0  }
0x2c: {  	[sflag:s2] =	ssyncadd.s32 @!p0 $0xFFFFFF00  }
0x2d: {  	[bflag:$0x0] =	sbarrier.arrive $0xFFFF  }
0x2e: {  	v0 =	vld [tilespmem:$0x0];
	_ =	sdelay $0x1  }
0x2f: {  	v1 =	vld [tilespmem:$0x10];
	_ =	sdelay $0x2  }
0x30: {  	v2 =	vand.u32 $0xFFFF, v0  }
0x31: {  	v0 =	vshrl.u32 v0, $0x10;
	[tilespmem:$0x2800] =	vst v2  }
0x32: {  	[tilespmem:$0x2820] =	vst v0;
	v0 =	vand.u32 $0xFFFF, v1  }
0x33: {  	[tilespmem:$0x2810] =	vst v0;
	v0 =	vshrl.u32 v1, $0x10  }
0x34: {  	[tilespmem:$0x2830] =	vst v0  }
0x35: {  	[tilespmem:s20], [sflag:$0x1] =	stream.indirect.gather [hbm4b:s6+s18], $0x80, s19, s18, $0xb8;
	[tilespmem:$0x1E4C0] =	vst v63  }
0x36: {  	v0 =	vld [tilespmem:$0x20];
	_ =	sdelay $0x1  }
0x37: {  	v1 =	vld [tilespmem:$0x30];
	_ =	sdelay $0x2  }
0x38: {  	v2 =	vand.u32 $0xFFFF, v0  }
0x39: {  	v0 =	vshrl.u32 v0, $0x10;
	[tilespmem:$0x2880] =	vst v2  }
0x3a: {  	[tilespmem:$0x28A0] =	vst v0;
	v0 =	vand.u32 $0xFFFF, v1  }
0x3b: {  	[tilespmem:$0x2890] =	vst v0;
	v0 =	vshrl.u32 v1, $0x10  }
0x3c: {  	[tilespmem:$0x28B0] =	vst v0  }
0x3d: {  	[tilespmem:s22], [sflag:$0x2] =	stream.indirect.gather [hbm4b:s6+s18], $0x80, s21, s18, $0xb8;
	[tilespmem:$0x1E4C0] =	vst v63  }
0x3e: {  	v0 =	vld [tilespmem:$0x40];
	_ =	sdelay $0x1  }
0x3f: {  	v1 =	vld [tilespmem:$0x50];
	_ =	sdelay $0x2  }
0x40: {  	v2 =	vand.u32 $0xFFFF, v0  }
0x41: {  	v0 =	vshrl.u32 v0, $0x10;
	[tilespmem:$0x2900] =	vst v2  }
0x42: {  	[tilespmem:$0x2920] =	vst v0;
	v0 =	vand.u32 $0xFFFF, v1  }
0x43: {  	[tilespmem:$0x2910] =	vst v0;
	v0 =	vshrl.u32 v1, $0x10  }
0x44: {  	[tilespmem:$0x2930] =	vst v0  }
0x45: {  	[tilespmem:s24], [sflag:$0x3] =	stream.indirect.gather [hbm4b:s6+s18], $0x80, s23, s18, $0xb8;
	[tilespmem:$0x1E4C0] =	vst v63  }
0x46: {  	v0 =	vld [tilespmem:$0x60];
	_ =	sdelay $0x1  }
0x47: {  	v1 =	vld [tilespmem:$0x70];
	_ =	sdelay $0x2  }
0x48: {  	v2 =	vand.u32 $0xFFFF, v0  }
0x49: {  	v0 =	vshrl.u32 v0, $0x10;
	[tilespmem:$0x2980] =	vst v2  }
0x4a: {  	[tilespmem:$0x29A0] =	vst v0;
	v0 =	vand.u32 $0xFFFF, v1  }
0x4b: {  	[tilespmem:$0x2990] =	vst v0;
	v0 =	vshrl.u32 v1, $0x10  }
0x4c: {  	s2 =	simm.s32 $0x1440;
	[tilespmem:$0x29B0] =	vst v0  }
0x4d: {  	[tilespmem:s26], [sflag:$0x4] =	stream.indirect.gather [hbm4b:s6+s18], $0x80, s25, s18, $0xb8;
	[tilespmem:$0x1E4C0] =	vst v63  }
0x4e: {  	v0 =	vld [tilespmem:s2+$0xFFFFFFC0];
	_ =	sdelay $0x4  }
0x4f: {  	v1 =	vand.u32 $0xFFFF, v0  }
0x50: {  	v0 =	vshrl.u32 v0, $0x10;
	[tilespmem:$0x2A00] =	vst v1  }
0x51: {  	[tilespmem:$0x2A20] =	vst v0  }
0x52: {  	v0 =	vld [tilespmem:s2+$0xFFFFFFD0];
	_ =	sdelay $0x4  }
0x53: {  	v1 =	vand.u32 $0xFFFF, v0  }
0x54: {  	v0 =	vshrl.u32 v0, $0x10;
	[tilespmem:$0x2A10] =	vst v1  }
0x55: {  	[tilespmem:$0x2A30] =	vst v0  }
0x56: {  	_ =	swait.ge [sflag:s28], $0x2000  }
0x57: {  	s9 =	smin.u32 s15, $0x9B;
	[sflag:s28] =	ssyncset.done $0x0  }
0x58: {  	s3 =	sshll.u32 s9, $0x5;
	[sflag:s28] =	ssyncadd.s32 $0xFFFFE000  }
0x59: {  	[spmem:s1] =	stream.indirect.scatter.add.f32 [tilespmem:s20], [sflag:$0x5], $0x80, s29, s18, $0xb8;
	[tilespmem:$0x1E4C0] =	vst v63  }
0x5a: {  	v0 =	vld [tilespmem:s3+$0x80];
	_ =	sdelay $0x4  }
0x5b: {  	v1 =	vand.u32 $0xFFFF, v0  }
0x5c: {  	v0 =	vshrl.u32 v0, $0x10;
	[tilespmem:$0x2800] =	vst v1  }
0x5d: {  	[tilespmem:$0x2820] =	vst v0  }
0x5e: {  	v0 =	vld [tilespmem:s3+$0x90];
	_ =	sdelay $0x4  }
0x5f: {  	v1 =	vand.u32 $0xFFFF, v0  }
0x60: {  	v0 =	vshrl.u32 v0, $0x10;
	[tilespmem:$0x2810] =	vst v1  }
0x61: {  	[tilespmem:$0x2830] =	vst v0  }
0x62: {  	_ =	swait.ge [sflag:s30], $0x2000  }
0x63: {  	[sflag:s30] =	ssyncset.done $0x0  }
0x64: {  	[sflag:s30] =	ssyncadd.s32 $0xFFFFE000  }
0x65: {  	[tilespmem:s20], [sflag:$0x1] =	stream.indirect.gather [hbm4b:s6+s18], $0x80, s19, s18, $0xb8;
	[tilespmem:$0x1E4C0] =	vst v63  }
0x66: {  	v0 =	vld [tilespmem:s2+$0xFFFFFFE0];
	_ =	sdelay $0x4  }
0x67: {  	v1 =	vand.u32 $0xFFFF, v0  }
0x68: {  	v0 =	vshrl.u32 v0, $0x10;
	[tilespmem:$0x2A80] =	vst v1  }
0x69: {  	[tilespmem:$0x2AA0] =	vst v0  }
0x6a: {  	v0 =	vld [tilespmem:s2+$0xFFFFFFF0];
	_ =	sdelay $0x4  }
0x6b: {  	v1 =	vand.u32 $0xFFFF, v0  }
0x6c: {  	v0 =	vshrl.u32 v0, $0x10;
	[tilespmem:$0x2A90] =	vst v1  }
0x6d: {  	[tilespmem:$0x2AB0] =	vst v0  }
0x6e: {  	_ =	swait.ge [sflag:s31], $0x2000  }
0x6f: {  	s17 =	smin.u32 s15, $0x9A;
	[sflag:s31] =	ssyncset.done $0x0  }
0x70: {  	s3 =	sshll.u32 s17, $0x5;
	[sflag:s31] =	ssyncadd.s32 $0xFFFFE000  }
0x71: {  	[spmem:s1] =	stream.indirect.scatter.add.f32 [tilespmem:s22], [sflag:$0x6], $0x80, s0, s18, $0xb8;
	[tilespmem:$0x1E4C0] =	vst v63  }
0x72: {  	v0 =	vld [tilespmem:s3+$0xA0];
	_ =	sdelay $0x4  }
0x73: {  	v1 =	vand.u32 $0xFFFF, v0  }
0x74: {  	v0 =	vshrl.u32 v0, $0x10;
	[tilespmem:$0x2880] =	vst v1  }
0x75: {  	[tilespmem:$0x28A0] =	vst v0  }
0x76: {  	v0 =	vld [tilespmem:s3+$0xB0];
	_ =	sdelay $0x4  }
0x77: {  	v1 =	vand.u32 $0xFFFF, v0  }
0x78: {  	v0 =	vshrl.u32 v0, $0x10;
	[tilespmem:$0x2890] =	vst v1  }
0x79: {  	[tilespmem:$0x28B0] =	vst v0  }
0x7a: {  	_ =	swait.ge [sflag:s12], $0x2000  }
0x7b: {  	[sflag:s12] =	ssyncset.done $0x0  }
0x7c: {  	[sflag:s12] =	ssyncadd.s32 $0xFFFFE000  }
0x7d: {  	[tilespmem:s22], [sflag:$0x2] =	stream.indirect.gather [hbm4b:s6+s18], $0x80, s21, s18, $0xb8;
	[tilespmem:$0x1E4C0] =	vst v63  }
0x7e: {  	v0 =	vld [tilespmem:s2+$0x0];
	_ =	sdelay $0x4  }
0x7f: {  	v1 =	vand.u32 $0xFFFF, v0  }
0x80: {  	v0 =	vshrl.u32 v0, $0x10;
	[tilespmem:$0x2B00] =	vst v1  }
0x81: {  	[tilespmem:$0x2B20] =	vst v0  }
0x82: {  	v0 =	vld [tilespmem:s2+$0x10];
	_ =	sdelay $0x4  }
0x83: {  	v1 =	vand.u32 $0xFFFF, v0  }
0x84: {  	v0 =	vshrl.u32 v0, $0x10;
	[tilespmem:$0x2B10] =	vst v1  }
0x85: {  	[tilespmem:$0x2B30] =	vst v0  }
0x86: {  	_ =	swait.ge [sflag:s4], $0x2000  }
0x87: {  	s9 =	smin.u32 s15, $0x99;
	[sflag:s4] =	ssyncset.done $0x0  }
0x88: {  	s3 =	sshll.u32 s9, $0x5;
	[sflag:s4] =	ssyncadd.s32 $0xFFFFE000  }
0x89: {  	[spmem:s1] =	stream.indirect.scatter.add.f32 [tilespmem:s24], [sflag:$0x7], $0x80, s5, s18, $0xb8;
	[tilespmem:$0x1E4C0] =	vst v63  }
0x8a: {  	v0 =	vld [tilespmem:s3+$0xC0];
	_ =	sdelay $0x4  }
0x8b: {  	v1 =	vand.u32 $0xFFFF, v0  }
0x8c: {  	v0 =	vshrl.u32 v0, $0x10;
	[tilespmem:$0x2900] =	vst v1  }
0x8d: {  	[tilespmem:$0x2920] =	vst v0  }
0x8e: {  	v0 =	vld [tilespmem:s3+$0xD0];
	_ =	sdelay $0x4  }
0x8f: {  	v1 =	vand.u32 $0xFFFF, v0  }
0x90: {  	v0 =	vshrl.u32 v0, $0x10;
	[tilespmem:$0x2910] =	vst v1  }
0x91: {  	[tilespmem:$0x2930] =	vst v0  }
0x92: {  	_ =	swait.ge [sflag:s10], $0x2000  }
0x93: {  	[sflag:s10] =	ssyncset.done $0x0  }
0x94: {  	[sflag:s10] =	ssyncadd.s32 $0xFFFFE000  }
0x95: {  	[tilespmem:s24], [sflag:$0x3] =	stream.indirect.gather [hbm4b:s6+s18], $0x80, s23, s18, $0xb8;
	[tilespmem:$0x1E4C0] =	vst v63  }
0x96: {  	v0 =	vld [tilespmem:s2+$0x20];
	_ =	sdelay $0x4  }
0x97: {  	v1 =	vand.u32 $0xFFFF, v0  }
0x98: {  	v0 =	vshrl.u32 v0, $0x10;
	[tilespmem:$0x2B80] =	vst v1  }
0x99: {  	[tilespmem:$0x2BA0] =	vst v0  }
0x9a: {  	v0 =	vld [tilespmem:s2+$0x30];
	_ =	sdelay $0x4  }
0x9b: {  	v1 =	vand.u32 $0xFFFF, v0  }
0x9c: {  	v0 =	vshrl.u32 v0, $0x10;
	[tilespmem:$0x2B90] =	vst v1  }
0x9d: {  	[tilespmem:$0x2BB0] =	vst v0  }
0x9e: {  	s15 =	smin.u32 s15, $0x98;
	_ =	swait.ge [sflag:s13], $0x2000  }
0x9f: {  	s3 =	sshll.u32 s15, $0x5;
	[sflag:s13] =	ssyncset.done $0x0  }
0xa0: {  	s17 =	sadd.s32 $0xE0, s3;
	[sflag:s13] =	ssyncadd.s32 $0xFFFFE000  }
0xa1: {  	[spmem:s1] =	stream.indirect.scatter.add.f32 [tilespmem:s26], [sflag:$0x8], $0x80, s16, s18, $0xb8;
	[tilespmem:$0x1E4C0] =	vst v63  }
0xa2: {  	s17 =	sor.u32 $0x70, s17;
	v0 =	vld [tilespmem:s3+$0xE0];
	s3 =	simm.s32 $0x4  }
.LBB2_2:
0xa3: {  	_ = 	snop  }
0xa4: {  	p1 =	sne.s32 s3, $0x9C  }
0xa5: {  	s2 =	sadd.s32 $0x80, s2;
	s15 =	smov.u32 s3;
	s3 =	sadd.s32 $0x4, s3  }
0xa6: {  	_ = 	snop  }
0xa7: {  	v1 =	vand.u32 $0xFFFF, v0;
	v0 =	vshrl.u32 v0, $0x10  }
0xa8: {  	[tilespmem:$0x2980] =	vst v1  }
0xa9: {  	[tilespmem:$0x29A0] =	vst v0  }
0xaa: {  	v0 =	vld [tilespmem:s17+$0x0];
	_ =	sdelay $0x4  }
0xab: {  	v1 =	vand.u32 $0xFFFF, v0;
	v0 =	vshrl.u32 v0, $0x10  }
0xac: {  	[tilespmem:$0x2990] =	vst v1  }
0xad: {  	[tilespmem:$0x29B0] =	vst v0  }
0xae: {  	_ =	swait.ge [sflag:s7], $0x2000  }
0xaf: {  	[sflag:s7] =	ssyncset.done $0x0  }
0xb0: {  	[sflag:s7] =	ssyncadd.s32 $0xFFFFE000  }
0xb1: {  	[tilespmem:s26], [sflag:$0x4] =	stream.indirect.gather [hbm4b:s6+s18], $0x80, s25, s18, $0xb8;
	[tilespmem:$0x1E4C0] =	vst v63  }
0xb2: {  	v0 =	vld [tilespmem:s2+$0xFFFFFFC0];
	_ =	sdelay $0x4  }
0xb3: {  	v1 =	vand.u32 $0xFFFF, v0;
	v0 =	vshrl.u32 v0, $0x10  }
0xb4: {  	[tilespmem:$0x2A00] =	vst v1  }
0xb5: {  	[tilespmem:$0x2A20] =	vst v0  }
0xb6: {  	v0 =	vld [tilespmem:s2+$0xFFFFFFD0];
	_ =	sdelay $0x4  }
0xb7: {  	v1 =	vand.u32 $0xFFFF, v0;
	v0 =	vshrl.u32 v0, $0x10  }
0xb8: {  	[tilespmem:$0x2A10] =	vst v1  }
0xb9: {  	[tilespmem:$0x2A30] =	vst v0  }
0xba: {  	s17 =	smin.u32 s15, $0x9B;
	_ =	swait.ge [sflag:s28], $0x2000  }
0xbb: {  	s17 =	sshll.u32 s17, $0x5;
	[sflag:s28] =	ssyncset.done $0x0  }
0xbc: {  	[sflag:s28] =	ssyncadd.s32 $0xFFFFE000  }
0xbd: {  	[spmem:s1] =	stream.indirect.scatter.add.f32 [tilespmem:s20], [sflag:$0x5], $0x80, s29, s18, $0xb8;
	[tilespmem:$0x1E4C0] =	vst v63  }
0xbe: {  	v0 =	vld [tilespmem:s17+$0x80];
	_ =	sdelay $0x4  }
0xbf: {  	v1 =	vand.u32 $0xFFFF, v0;
	v0 =	vshrl.u32 v0, $0x10  }
0xc0: {  	[tilespmem:$0x2800] =	vst v1  }
0xc1: {  	[tilespmem:$0x2820] =	vst v0  }
0xc2: {  	v0 =	vld [tilespmem:s17+$0x90];
	_ =	sdelay $0x4  }
0xc3: {  	v1 =	vand.u32 $0xFFFF, v0;
	v0 =	vshrl.u32 v0, $0x10  }
0xc4: {  	[tilespmem:$0x2810] =	vst v1  }
0xc5: {  	[tilespmem:$0x2830] =	vst v0  }
0xc6: {  	_ =	swait.ge [sflag:s30], $0x2000  }
0xc7: {  	[sflag:s30] =	ssyncset.done $0x0  }
0xc8: {  	[sflag:s30] =	ssyncadd.s32 $0xFFFFE000  }
0xc9: {  	[tilespmem:s20], [sflag:$0x1] =	stream.indirect.gather [hbm4b:s6+s18], $0x80, s19, s18, $0xb8;
	[tilespmem:$0x1E4C0] =	vst v63  }
0xca: {  	v0 =	vld [tilespmem:s2+$0xFFFFFFE0];
	_ =	sdelay $0x4  }
0xcb: {  	v1 =	vand.u32 $0xFFFF, v0;
	v0 =	vshrl.u32 v0, $0x10  }
0xcc: {  	[tilespmem:$0x2A80] =	vst v1  }
0xcd: {  	[tilespmem:$0x2AA0] =	vst v0  }
0xce: {  	v0 =	vld [tilespmem:s2+$0xFFFFFFF0];
	_ =	sdelay $0x3  }
0xcf: {  	s17 =	smin.u32 s15, $0x9A  }
0xd0: {  	s17 =	sshll.u32 s17, $0x5;
	v1 =	vand.u32 $0xFFFF, v0;
	v0 =	vshrl.u32 v0, $0x10  }
0xd1: {  	[tilespmem:$0x2A90] =	vst v1  }
0xd2: {  	[tilespmem:$0x2AB0] =	vst v0  }
0xd3: {  	_ =	swait.ge [sflag:s31], $0x2000  }
0xd4: {  	[sflag:s31] =	ssyncset.done $0x0  }
0xd5: {  	[sflag:s31] =	ssyncadd.s32 $0xFFFFE000  }
0xd6: {  	[spmem:s1] =	stream.indirect.scatter.add.f32 [tilespmem:s22], [sflag:$0x6], $0x80, s0, s18, $0xb8;
	[tilespmem:$0x1E4C0] =	vst v63  }
0xd7: {  	v0 =	vld [tilespmem:s17+$0xA0];
	_ =	sdelay $0x4  }
0xd8: {  	v1 =	vand.u32 $0xFFFF, v0;
	v0 =	vshrl.u32 v0, $0x10  }
0xd9: {  	[tilespmem:$0x2880] =	vst v1  }
0xda: {  	[tilespmem:$0x28A0] =	vst v0  }
0xdb: {  	v0 =	vld [tilespmem:s17+$0xB0];
	_ =	sdelay $0x4  }
0xdc: {  	v1 =	vand.u32 $0xFFFF, v0;
	v0 =	vshrl.u32 v0, $0x10  }
0xdd: {  	[tilespmem:$0x2890] =	vst v1  }
0xde: {  	[tilespmem:$0x28B0] =	vst v0  }
0xdf: {  	_ =	swait.ge [sflag:s12], $0x2000  }
0xe0: {  	[sflag:s12] =	ssyncset.done $0x0  }
0xe1: {  	[sflag:s12] =	ssyncadd.s32 $0xFFFFE000  }
0xe2: {  	[tilespmem:s22], [sflag:$0x2] =	stream.indirect.gather [hbm4b:s6+s18], $0x80, s21, s18, $0xb8;
	[tilespmem:$0x1E4C0] =	vst v63  }
0xe3: {  	v0 =	vld [tilespmem:s2+$0x0];
	_ =	sdelay $0x4  }
0xe4: {  	v1 =	vand.u32 $0xFFFF, v0;
	v0 =	vshrl.u32 v0, $0x10  }
0xe5: {  	[tilespmem:$0x2B00] =	vst v1  }
0xe6: {  	[tilespmem:$0x2B20] =	vst v0  }
0xe7: {  	s17 =	smin.u32 s15, $0x99;
	v0 =	vld [tilespmem:s2+$0x10]  }
0xe8: {  	s17 =	sshll.u32 s17, $0x5;
	_ =	sdelay $0x3  }
0xe9: {  	v1 =	vand.u32 $0xFFFF, v0;
	v0 =	vshrl.u32 v0, $0x10  }
0xea: {  	[tilespmem:$0x2B10] =	vst v1  }
0xeb: {  	[tilespmem:$0x2B30] =	vst v0  }
0xec: {  	_ =	swait.ge [sflag:s4], $0x2000  }
0xed: {  	[sflag:s4] =	ssyncset.done $0x0  }
0xee: {  	[sflag:s4] =	ssyncadd.s32 $0xFFFFE000  }
0xef: {  	[spmem:s1] =	stream.indirect.scatter.add.f32 [tilespmem:s24], [sflag:$0x7], $0x80, s5, s18, $0xb8;
	[tilespmem:$0x1E4C0] =	vst v63  }
0xf0: {  	v0 =	vld [tilespmem:s17+$0xC0];
	_ =	sdelay $0x4  }
0xf1: {  	v1 =	vand.u32 $0xFFFF, v0;
	v0 =	vshrl.u32 v0, $0x10  }
0xf2: {  	[tilespmem:$0x2900] =	vst v1  }
0xf3: {  	[tilespmem:$0x2920] =	vst v0  }
0xf4: {  	v0 =	vld [tilespmem:s17+$0xD0];
	_ =	sdelay $0x4  }
0xf5: {  	v1 =	vand.u32 $0xFFFF, v0;
	v0 =	vshrl.u32 v0, $0x10  }
0xf6: {  	[tilespmem:$0x2910] =	vst v1  }
0xf7: {  	[tilespmem:$0x2930] =	vst v0  }
0xf8: {  	_ =	swait.ge [sflag:s10], $0x2000  }
0xf9: {  	[sflag:s10] =	ssyncset.done $0x0  }
0xfa: {  	[sflag:s10] =	ssyncadd.s32 $0xFFFFE000  }
0xfb: {  	[tilespmem:s24], [sflag:$0x3] =	stream.indirect.gather [hbm4b:s6+s18], $0x80, s23, s18, $0xb8;
	[tilespmem:$0x1E4C0] =	vst v63  }
0xfc: {  	v0 =	vld [tilespmem:s2+$0x20];
	_ =	sdelay $0x3  }
0xfd: {  	s15 =	smin.u32 s15, $0x98  }
0xfe: {  	s15 =	sshll.u32 s15, $0x5;
	v1 =	vand.u32 $0xFFFF, v0;
	v0 =	vshrl.u32 v0, $0x10  }
0xff: {  	s17 =	sadd.s32 $0xE0, s15;
	[tilespmem:$0x2B80] =	vst v1  }
0x100: {  	[tilespmem:$0x2BA0] =	vst v0  }
0x101: {  	v0 =	vld [tilespmem:s2+$0x30];
	_ =	sdelay $0x3  }
0x102: {  	s17 =	sor.u32 $0x70, s17  }
0x103: {  	v1 =	vand.u32 $0xFFFF, v0;
	v0 =	vshrl.u32 v0, $0x10  }
0x104: {  	[tilespmem:$0x2B90] =	vst v1  }
0x105: {  	[tilespmem:$0x2BB0] =	vst v0  }
.Ltmp0:
0x106: {  	_ =	swait.ge [sflag:s13], $0x2000;
	(pc) =	sbr.rel @p1 .LBB2_2-.Ltmp0, $4  }
0x107: {  	[sflag:s13] =	ssyncset.done $0x0  }
0x108: {  	[sflag:s13] =	ssyncadd.s32 $0xFFFFE000  }
0x109: {  	[spmem:s1] =	stream.indirect.scatter.add.f32 [tilespmem:s26], [sflag:$0x8], $0x80, s16, s18, $0xb8;
	[tilespmem:$0x1E4C0] =	vst v63  }
0x10a: {  	v0 =	vld [tilespmem:s15+$0xE0]  }
0x10b: {  	_ =	sdelay $0x3  }
0x10c: {  	v1 =	vand.u32 $0xFFFF, v0  }
0x10d: {  	v0 =	vshrl.u32 v0, $0x10;
	[tilespmem:$0x2980] =	vst v1  }
0x10e: {  	[tilespmem:$0x29A0] =	vst v0  }
0x10f: {  	v0 =	vld [tilespmem:s17+$0x0];
	_ =	sdelay $0x4  }
0x110: {  	v1 =	vand.u32 $0xFFFF, v0  }
0x111: {  	v0 =	vshrl.u32 v0, $0x10;
	[tilespmem:$0x2990] =	vst v1  }
0x112: {  	[tilespmem:$0x29B0] =	vst v0  }
0x113: {  	_ =	swait.ge [sflag:s7], $0x2000  }
0x114: {  	[sflag:s7] =	ssyncset.done $0x0  }
0x115: {  	[sflag:s7] =	ssyncadd.s32 $0xFFFFE000  }
0x116: {  	[tilespmem:s26], [sflag:$0x4] =	stream.indirect.gather [hbm4b:s6+s18], $0x80, s25, s18, $0xb8;
	[tilespmem:$0x1E4C0] =	vst v63  }
0x117: {  	_ =	swait.ge [sflag:s28], $0x2000  }
0x118: {  	[sflag:s28] =	ssyncset.done $0x0  }
0x119: {  	[sflag:s28] =	ssyncadd.s32 $0xFFFFE000  }
0x11a: {  	_ =	swait.ge [sflag:s31], $0x2000  }
0x11b: {  	[sflag:s31] =	ssyncset.done $0x0  }
0x11c: {  	[sflag:s31] =	ssyncadd.s32 $0xFFFFE000  }
0x11d: {  	_ =	swait.ge [sflag:s4], $0x2000  }
0x11e: {  	[sflag:s4] =	ssyncset.done $0x0  }
0x11f: {  	[sflag:s4] =	ssyncadd.s32 $0xFFFFE000  }
0x120: {  	_ =	swait.ge [sflag:s13], $0x2000  }
0x121: {  	[sflag:s13] =	ssyncset.done $0x0  }
0x122: {  	[sflag:s13] =	ssyncadd.s32 $0xFFFFE000  }
0x123: {  	[bflag:$0x0] =	sbarrier.arrive $0xFFFF  }
0x124: {  	s3 =	rddreg [dreg:$0x3]  }
0x125: {  	s15 =	rddreg [dreg:$0x6]  }
0x126: {  	s17 =	rddreg [dreg:$0xa];
	s2 =	sadd.s32 s3, s15  }
0x127: {  	[hbm:s2], [sflag:s14] =	dma.local [spmem:s17], $0x2700  }
0x128: {  	_ =	swait.ge [sflag:s11], $0x2700  }
0x129: {  	[sflag:s11] =	ssyncset.done $0x0  }
0x12a: {  	s2 =	sadd.s32 @!p0 $0x27000, s15;
	s9 =	rddreg [dreg:$0xc];
	[sflag:s11] =	ssyncadd.s32 $0xFFFFD900  }
0x12b: {  	[hbm:s2], [sflag:s14] =	dma.local @!p0 [spmem:s9], $0x100  }
0x12c: {  	s2 =	simm.s32 @!p0 $0x9  }
0x12d: {  	_ =	swait.ge @!p0 [sflag:s2], $0x100  }
0x12e: {  	[sflag:s2] =	ssyncset.done @!p0 $0x0  }
0x12f: {  	[sflag:s2] =	ssyncadd.s32 @!p0 $0xFFFFFF00  }
0x130: {  	s3 =	sadd.s32 s3, s8;
	[bflag:$0x0] =	sbarrier.arrive $0xFFFF  }
0x131: {  	[spmem:s17], [sflag:s14] =	dma.local [hbm:s3], $0x2700  }
0x132: {  	_ =	swait.ge [sflag:s11], $0x2700  }
0x133: {  	[sflag:s11] =	ssyncset.done $0x0  }
0x134: {  	s3 =	sadd.s32 @!p0 $0x27000, s8;
	[sflag:s11] =	ssyncadd.s32 $0xFFFFD900  }
0x135: {  	[spmem:s9], [sflag:s14] =	dma.local @!p0 [hbm:s3], $0x100  }
0x136: {  	_ =	swait.ge @!p0 [sflag:s2], $0x100  }
0x137: {  	[sflag:s2] =	ssyncset.done @!p0 $0x0  }
0x138: {  	[sflag:s2] =	ssyncadd.s32 @!p0 $0xFFFFFF00  }
0x139: {  	[bflag:$0x0] =	sbarrier.arrive $0xFFFF  }
0x13a: {  	v0 =	vld [tilespmem:$0x0];
	_ =	sdelay $0x1  }
0x13b: {  	v1 =	vld [tilespmem:$0x10];
	_ =	sdelay $0x2  }
0x13c: {  	v2 =	vand.u32 $0xFFFF, v0  }
0x13d: {  	v0 =	vshrl.u32 v0, $0x10;
	[tilespmem:$0x2800] =	vst v2  }
0x13e: {  	[tilespmem:$0x2820] =	vst v0;
	v0 =	vand.u32 $0xFFFF, v1  }
0x13f: {  	[tilespmem:$0x2810] =	vst v0;
	v0 =	vshrl.u32 v1, $0x10  }
0x140: {  	[tilespmem:$0x2830] =	vst v0  }
0x141: {  	[tilespmem:s20], [sflag:$0x1] =	stream.indirect.gather [hbm4b:s8+s18], $0x80, s19, s18, $0xb8;
	[tilespmem:$0x1E4C0] =	vst v63  }
0x142: {  	v0 =	vld [tilespmem:$0x20];
	_ =	sdelay $0x1  }
0x143: {  	v1 =	vld [tilespmem:$0x30];
	_ =	sdelay $0x2  }
0x144: {  	v2 =	vand.u32 $0xFFFF, v0  }
0x145: {  	v0 =	vshrl.u32 v0, $0x10;
	[tilespmem:$0x2880] =	vst v2  }
0x146: {  	[tilespmem:$0x28A0] =	vst v0;
	v0 =	vand.u32 $0xFFFF, v1  }
0x147: {  	[tilespmem:$0x2890] =	vst v0;
	v0 =	vshrl.u32 v1, $0x10  }
0x148: {  	[tilespmem:$0x28B0] =	vst v0  }
0x149: {  	[tilespmem:s22], [sflag:$0x2] =	stream.indirect.gather [hbm4b:s8+s18], $0x80, s21, s18, $0xb8;
	[tilespmem:$0x1E4C0] =	vst v63  }
0x14a: {  	v0 =	vld [tilespmem:$0x40];
	_ =	sdelay $0x1  }
0x14b: {  	v1 =	vld [tilespmem:$0x50];
	_ =	sdelay $0x2  }
0x14c: {  	v2 =	vand.u32 $0xFFFF, v0  }
0x14d: {  	v0 =	vshrl.u32 v0, $0x10;
	[tilespmem:$0x2900] =	vst v2  }
0x14e: {  	[tilespmem:$0x2920] =	vst v0;
	v0 =	vand.u32 $0xFFFF, v1  }
0x14f: {  	[tilespmem:$0x2910] =	vst v0;
	v0 =	vshrl.u32 v1, $0x10  }
0x150: {  	[tilespmem:$0x2930] =	vst v0  }
0x151: {  	[tilespmem:s24], [sflag:$0x3] =	stream.indirect.gather [hbm4b:s8+s18], $0x80, s23, s18, $0xb8;
	[tilespmem:$0x1E4C0] =	vst v63  }
0x152: {  	v0 =	vld [tilespmem:$0x60];
	_ =	sdelay $0x1  }
0x153: {  	v1 =	vld [tilespmem:$0x70];
	_ =	sdelay $0x2  }
0x154: {  	v2 =	vand.u32 $0xFFFF, v0  }
0x155: {  	v0 =	vshrl.u32 v0, $0x10;
	[tilespmem:$0x2980] =	vst v2  }
0x156: {  	[tilespmem:$0x29A0] =	vst v0;
	v0 =	vand.u32 $0xFFFF, v1  }
0x157: {  	[tilespmem:$0x2990] =	vst v0;
	v0 =	vshrl.u32 v1, $0x10  }
0x158: {  	s2 =	simm.s32 $0x1440;
	[tilespmem:$0x29B0] =	vst v0  }
0x159: {  	[tilespmem:s26], [sflag:$0x4] =	stream.indirect.gather [hbm4b:s8+s18], $0x80, s25, s18, $0xb8;
	[tilespmem:$0x1E4C0] =	vst v63  }
0x15a: {  	v0 =	vld [tilespmem:s2+$0xFFFFFFC0];
	_ =	sdelay $0x4  }
0x15b: {  	v1 =	vand.u32 $0xFFFF, v0  }
0x15c: {  	v0 =	vshrl.u32 v0, $0x10;
	[tilespmem:$0x2A00] =	vst v1  }
0x15d: {  	[tilespmem:$0x2A20] =	vst v0  }
0x15e: {  	v0 =	vld [tilespmem:s2+$0xFFFFFFD0];
	_ =	sdelay $0x4  }
0x15f: {  	v1 =	vand.u32 $0xFFFF, v0  }
0x160: {  	v0 =	vshrl.u32 v0, $0x10;
	[tilespmem:$0x2A10] =	vst v1  }
0x161: {  	[tilespmem:$0x2A30] =	vst v0  }
0x162: {  	s3 =	simm.s32 $0x0;
	_ =	swait.ge [sflag:s28], $0x2000  }
0x163: {  	s9 =	smin.u32 s3, $0x9B;
	[sflag:s28] =	ssyncset.done $0x0  }
0x164: {  	s15 =	sshll.u32 s9, $0x5;
	[sflag:s28] =	ssyncadd.s32 $0xFFFFE000  }
0x165: {  	[spmem:s1] =	stream.indirect.scatter.add.f32 [tilespmem:s20], [sflag:$0x5], $0x80, s29, s18, $0xb8;
	[tilespmem:$0x1E4C0] =	vst v63  }
0x166: {  	v0 =	vld [tilespmem:s15+$0x80];
	_ =	sdelay $0x4  }
0x167: {  	v1 =	vand.u32 $0xFFFF, v0  }
0x168: {  	v0 =	vshrl.u32 v0, $0x10;
	[tilespmem:$0x2800] =	vst v1  }
0x169: {  	[tilespmem:$0x2820] =	vst v0  }
0x16a: {  	v0 =	vld [tilespmem:s15+$0x90];
	_ =	sdelay $0x4  }
0x16b: {  	v1 =	vand.u32 $0xFFFF, v0  }
0x16c: {  	v0 =	vshrl.u32 v0, $0x10;
	[tilespmem:$0x2810] =	vst v1  }
0x16d: {  	[tilespmem:$0x2830] =	vst v0  }
0x16e: {  	_ =	swait.ge [sflag:s30], $0x2000  }
0x16f: {  	[sflag:s30] =	ssyncset.done $0x0  }
0x170: {  	[sflag:s30] =	ssyncadd.s32 $0xFFFFE000  }
0x171: {  	[tilespmem:s20], [sflag:$0x1] =	stream.indirect.gather [hbm4b:s8+s18], $0x80, s19, s18, $0xb8;
	[tilespmem:$0x1E4C0] =	vst v63  }
0x172: {  	v0 =	vld [tilespmem:s2+$0xFFFFFFE0];
	_ =	sdelay $0x4  }
0x173: {  	v1 =	vand.u32 $0xFFFF, v0  }
0x174: {  	v0 =	vshrl.u32 v0, $0x10;
	[tilespmem:$0x2A80] =	vst v1  }
0x175: {  	[tilespmem:$0x2AA0] =	vst v0  }
0x176: {  	v0 =	vld [tilespmem:s2+$0xFFFFFFF0];
	_ =	sdelay $0x4  }
0x177: {  	v1 =	vand.u32 $0xFFFF, v0  }
0x178: {  	v0 =	vshrl.u32 v0, $0x10;
	[tilespmem:$0x2A90] =	vst v1  }
0x179: {  	[tilespmem:$0x2AB0] =	vst v0  }
0x17a: {  	_ =	swait.ge [sflag:s31], $0x2000  }
0x17b: {  	s17 =	smin.u32 s3, $0x9A;
	[sflag:s31] =	ssyncset.done $0x0  }
0x17c: {  	s15 =	sshll.u32 s17, $0x5;
	[sflag:s31] =	ssyncadd.s32 $0xFFFFE000  }
0x17d: {  	[spmem:s1] =	stream.indirect.scatter.add.f32 [tilespmem:s22], [sflag:$0x6], $0x80, s0, s18, $0xb8;
	[tilespmem:$0x1E4C0] =	vst v63  }
0x17e: {  	v0 =	vld [tilespmem:s15+$0xA0];
	_ =	sdelay $0x4  }
0x17f: {  	v1 =	vand.u32 $0xFFFF, v0  }
0x180: {  	v0 =	vshrl.u32 v0, $0x10;
	[tilespmem:$0x2880] =	vst v1  }
0x181: {  	[tilespmem:$0x28A0] =	vst v0  }
0x182: {  	v0 =	vld [tilespmem:s15+$0xB0];
	_ =	sdelay $0x4  }
0x183: {  	v1 =	vand.u32 $0xFFFF, v0  }
0x184: {  	v0 =	vshrl.u32 v0, $0x10;
	[tilespmem:$0x2890] =	vst v1  }
0x185: {  	[tilespmem:$0x28B0] =	vst v0  }
0x186: {  	_ =	swait.ge [sflag:s12], $0x2000  }
0x187: {  	[sflag:s12] =	ssyncset.done $0x0  }
0x188: {  	[sflag:s12] =	ssyncadd.s32 $0xFFFFE000  }
0x189: {  	[tilespmem:s22], [sflag:$0x2] =	stream.indirect.gather [hbm4b:s8+s18], $0x80, s21, s18, $0xb8;
	[tilespmem:$0x1E4C0] =	vst v63  }
0x18a: {  	v0 =	vld [tilespmem:s2+$0x0];
	_ =	sdelay $0x4  }
0x18b: {  	v1 =	vand.u32 $0xFFFF, v0  }
0x18c: {  	v0 =	vshrl.u32 v0, $0x10;
	[tilespmem:$0x2B00] =	vst v1  }
0x18d: {  	[tilespmem:$0x2B20] =	vst v0  }
0x18e: {  	v0 =	vld [tilespmem:s2+$0x10];
	_ =	sdelay $0x4  }
0x18f: {  	v1 =	vand.u32 $0xFFFF, v0  }
0x190: {  	v0 =	vshrl.u32 v0, $0x10;
	[tilespmem:$0x2B10] =	vst v1  }
0x191: {  	[tilespmem:$0x2B30] =	vst v0  }
0x192: {  	_ =	swait.ge [sflag:s4], $0x2000  }
0x193: {  	s9 =	smin.u32 s3, $0x99;
	[sflag:s4] =	ssyncset.done $0x0  }
0x194: {  	s15 =	sshll.u32 s9, $0x5;
	[sflag:s4] =	ssyncadd.s32 $0xFFFFE000  }
0x195: {  	[spmem:s1] =	stream.indirect.scatter.add.f32 [tilespmem:s24], [sflag:$0x7], $0x80, s5, s18, $0xb8;
	[tilespmem:$0x1E4C0] =	vst v63  }
0x196: {  	v0 =	vld [tilespmem:s15+$0xC0];
	_ =	sdelay $0x4  }
0x197: {  	v1 =	vand.u32 $0xFFFF, v0  }
0x198: {  	v0 =	vshrl.u32 v0, $0x10;
	[tilespmem:$0x2900] =	vst v1  }
0x199: {  	[tilespmem:$0x2920] =	vst v0  }
0x19a: {  	v0 =	vld [tilespmem:s15+$0xD0];
	_ =	sdelay $0x4  }
0x19b: {  	v1 =	vand.u32 $0xFFFF, v0  }
0x19c: {  	v0 =	vshrl.u32 v0, $0x10;
	[tilespmem:$0x2910] =	vst v1  }
0x19d: {  	[tilespmem:$0x2930] =	vst v0  }
0x19e: {  	_ =	swait.ge [sflag:s10], $0x2000  }
0x19f: {  	[sflag:s10] =	ssyncset.done $0x0  }
0x1a0: {  	[sflag:s10] =	ssyncadd.s32 $0xFFFFE000  }
0x1a1: {  	[tilespmem:s24], [sflag:$0x3] =	stream.indirect.gather [hbm4b:s8+s18], $0x80, s23, s18, $0xb8;
	[tilespmem:$0x1E4C0] =	vst v63  }
0x1a2: {  	v0 =	vld [tilespmem:s2+$0x20];
	_ =	sdelay $0x4  }
0x1a3: {  	v1 =	vand.u32 $0xFFFF, v0  }
0x1a4: {  	v0 =	vshrl.u32 v0, $0x10;
	[tilespmem:$0x2B80] =	vst v1  }
0x1a5: {  	[tilespmem:$0x2BA0] =	vst v0  }
0x1a6: {  	v0 =	vld [tilespmem:s2+$0x30];
	_ =	sdelay $0x4  }
0x1a7: {  	v1 =	vand.u32 $0xFFFF, v0  }
0x1a8: {  	v0 =	vshrl.u32 v0, $0x10;
	[tilespmem:$0x2B90] =	vst v1  }
0x1a9: {  	[tilespmem:$0x2BB0] =	vst v0  }
0x1aa: {  	s3 =	smin.u32 s3, $0x98;
	_ =	swait.ge [sflag:s13], $0x2000  }
0x1ab: {  	s3 =	sshll.u32 s3, $0x5;
	[sflag:s13] =	ssyncset.done $0x0  }
0x1ac: {  	s17 =	sadd.s32 $0xE0, s3;
	[sflag:s13] =	ssyncadd.s32 $0xFFFFE000  }
0x1ad: {  	[spmem:s1] =	stream.indirect.scatter.add.f32 [tilespmem:s26], [sflag:$0x8], $0x80, s16, s18, $0xb8;
	[tilespmem:$0x1E4C0] =	vst v63  }
0x1ae: {  	s17 =	sor.u32 $0x70, s17;
	v0 =	vld [tilespmem:s3+$0xE0];
	s3 =	simm.s32 $0x4  }
.LBB2_4:
0x1af: {  	_ = 	snop  }
0x1b0: {  	p1 =	sne.s32 s3, $0x9C  }
0x1b1: {  	s2 =	sadd.s32 $0x80, s2;
	s15 =	smov.u32 s3;
	s3 =	sadd.s32 $0x4, s3  }
0x1b2: {  	_ = 	snop  }
0x1b3: {  	v1 =	vand.u32 $0xFFFF, v0;
	v0 =	vshrl.u32 v0, $0x10  }
0x1b4: {  	[tilespmem:$0x2980] =	vst v1  }
0x1b5: {  	[tilespmem:$0x29A0] =	vst v0  }
0x1b6: {  	v0 =	vld [tilespmem:s17+$0x0];
	_ =	sdelay $0x4  }
0x1b7: {  	v1 =	vand.u32 $0xFFFF, v0;
	v0 =	vshrl.u32 v0, $0x10  }
0x1b8: {  	[tilespmem:$0x2990] =	vst v1  }
0x1b9: {  	[tilespmem:$0x29B0] =	vst v0  }
0x1ba: {  	_ =	swait.ge [sflag:s7], $0x2000  }
0x1bb: {  	[sflag:s7] =	ssyncset.done $0x0  }
0x1bc: {  	[sflag:s7] =	ssyncadd.s32 $0xFFFFE000  }
0x1bd: {  	[tilespmem:s26], [sflag:$0x4] =	stream.indirect.gather [hbm4b:s8+s18], $0x80, s25, s18, $0xb8;
	[tilespmem:$0x1E4C0] =	vst v63  }
0x1be: {  	v0 =	vld [tilespmem:s2+$0xFFFFFFC0];
	_ =	sdelay $0x4  }
0x1bf: {  	v1 =	vand.u32 $0xFFFF, v0;
	v0 =	vshrl.u32 v0, $0x10  }
0x1c0: {  	[tilespmem:$0x2A00] =	vst v1  }
0x1c1: {  	[tilespmem:$0x2A20] =	vst v0  }
0x1c2: {  	v0 =	vld [tilespmem:s2+$0xFFFFFFD0];
	_ =	sdelay $0x4  }
0x1c3: {  	v1 =	vand.u32 $0xFFFF, v0;
	v0 =	vshrl.u32 v0, $0x10  }
0x1c4: {  	[tilespmem:$0x2A10] =	vst v1  }
0x1c5: {  	[tilespmem:$0x2A30] =	vst v0  }
0x1c6: {  	s17 =	smin.u32 s15, $0x9B;
	_ =	swait.ge [sflag:s28], $0x2000  }
0x1c7: {  	s17 =	sshll.u32 s17, $0x5;
	[sflag:s28] =	ssyncset.done $0x0  }
0x1c8: {  	[sflag:s28] =	ssyncadd.s32 $0xFFFFE000  }
0x1c9: {  	[spmem:s1] =	stream.indirect.scatter.add.f32 [tilespmem:s20], [sflag:$0x5], $0x80, s29, s18, $0xb8;
	[tilespmem:$0x1E4C0] =	vst v63  }
0x1ca: {  	v0 =	vld [tilespmem:s17+$0x80];
	_ =	sdelay $0x4  }
0x1cb: {  	v1 =	vand.u32 $0xFFFF, v0;
	v0 =	vshrl.u32 v0, $0x10  }
0x1cc: {  	[tilespmem:$0x2800] =	vst v1  }
0x1cd: {  	[tilespmem:$0x2820] =	vst v0  }
0x1ce: {  	v0 =	vld [tilespmem:s17+$0x90];
	_ =	sdelay $0x4  }
0x1cf: {  	v1 =	vand.u32 $0xFFFF, v0;
	v0 =	vshrl.u32 v0, $0x10  }
0x1d0: {  	[tilespmem:$0x2810] =	vst v1  }
0x1d1: {  	[tilespmem:$0x2830] =	vst v0  }
0x1d2: {  	_ =	swait.ge [sflag:s30], $0x2000  }
0x1d3: {  	[sflag:s30] =	ssyncset.done $0x0  }
0x1d4: {  	[sflag:s30] =	ssyncadd.s32 $0xFFFFE000  }
0x1d5: {  	[tilespmem:s20], [sflag:$0x1] =	stream.indirect.gather [hbm4b:s8+s18], $0x80, s19, s18, $0xb8;
	[tilespmem:$0x1E4C0] =	vst v63  }
0x1d6: {  	v0 =	vld [tilespmem:s2+$0xFFFFFFE0];
	_ =	sdelay $0x4  }
0x1d7: {  	v1 =	vand.u32 $0xFFFF, v0;
	v0 =	vshrl.u32 v0, $0x10  }
0x1d8: {  	[tilespmem:$0x2A80] =	vst v1  }
0x1d9: {  	[tilespmem:$0x2AA0] =	vst v0  }
0x1da: {  	v0 =	vld [tilespmem:s2+$0xFFFFFFF0];
	_ =	sdelay $0x3  }
0x1db: {  	s17 =	smin.u32 s15, $0x9A  }
0x1dc: {  	s17 =	sshll.u32 s17, $0x5;
	v1 =	vand.u32 $0xFFFF, v0;
	v0 =	vshrl.u32 v0, $0x10  }
0x1dd: {  	[tilespmem:$0x2A90] =	vst v1  }
0x1de: {  	[tilespmem:$0x2AB0] =	vst v0  }
0x1df: {  	_ =	swait.ge [sflag:s31], $0x2000  }
0x1e0: {  	[sflag:s31] =	ssyncset.done $0x0  }
0x1e1: {  	[sflag:s31] =	ssyncadd.s32 $0xFFFFE000  }
0x1e2: {  	[spmem:s1] =	stream.indirect.scatter.add.f32 [tilespmem:s22], [sflag:$0x6], $0x80, s0, s18, $0xb8;
	[tilespmem:$0x1E4C0] =	vst v63  }
0x1e3: {  	v0 =	vld [tilespmem:s17+$0xA0];
	_ =	sdelay $0x4  }
0x1e4: {  	v1 =	vand.u32 $0xFFFF, v0;
	v0 =	vshrl.u32 v0, $0x10  }
0x1e5: {  	[tilespmem:$0x2880] =	vst v1  }
0x1e6: {  	[tilespmem:$0x28A0] =	vst v0  }
0x1e7: {  	v0 =	vld [tilespmem:s17+$0xB0];
	_ =	sdelay $0x4  }
0x1e8: {  	v1 =	vand.u32 $0xFFFF, v0;
	v0 =	vshrl.u32 v0, $0x10  }
0x1e9: {  	[tilespmem:$0x2890] =	vst v1  }
0x1ea: {  	[tilespmem:$0x28B0] =	vst v0  }
0x1eb: {  	_ =	swait.ge [sflag:s12], $0x2000  }
0x1ec: {  	[sflag:s12] =	ssyncset.done $0x0  }
0x1ed: {  	[sflag:s12] =	ssyncadd.s32 $0xFFFFE000  }
0x1ee: {  	[tilespmem:s22], [sflag:$0x2] =	stream.indirect.gather [hbm4b:s8+s18], $0x80, s21, s18, $0xb8;
	[tilespmem:$0x1E4C0] =	vst v63  }
0x1ef: {  	v0 =	vld [tilespmem:s2+$0x0];
	_ =	sdelay $0x4  }
0x1f0: {  	v1 =	vand.u32 $0xFFFF, v0;
	v0 =	vshrl.u32 v0, $0x10  }
0x1f1: {  	[tilespmem:$0x2B00] =	vst v1  }
0x1f2: {  	[tilespmem:$0x2B20] =	vst v0  }
0x1f3: {  	s17 =	smin.u32 s15, $0x99;
	v0 =	vld [tilespmem:s2+$0x10]  }
0x1f4: {  	s17 =	sshll.u32 s17, $0x5;
	_ =	sdelay $0x3  }
0x1f5: {  	v1 =	vand.u32 $0xFFFF, v0;
	v0 =	vshrl.u32 v0, $0x10  }
0x1f6: {  	[tilespmem:$0x2B10] =	vst v1  }
0x1f7: {  	[tilespmem:$0x2B30] =	vst v0  }
0x1f8: {  	_ =	swait.ge [sflag:s4], $0x2000  }
0x1f9: {  	[sflag:s4] =	ssyncset.done $0x0  }
0x1fa: {  	[sflag:s4] =	ssyncadd.s32 $0xFFFFE000  }
0x1fb: {  	[spmem:s1] =	stream.indirect.scatter.add.f32 [tilespmem:s24], [sflag:$0x7], $0x80, s5, s18, $0xb8;
	[tilespmem:$0x1E4C0] =	vst v63  }
0x1fc: {  	v0 =	vld [tilespmem:s17+$0xC0];
	_ =	sdelay $0x4  }
0x1fd: {  	v1 =	vand.u32 $0xFFFF, v0;
	v0 =	vshrl.u32 v0, $0x10  }
0x1fe: {  	[tilespmem:$0x2900] =	vst v1  }
0x1ff: {  	[tilespmem:$0x2920] =	vst v0  }
0x200: {  	v0 =	vld [tilespmem:s17+$0xD0];
	_ =	sdelay $0x4  }
0x201: {  	v1 =	vand.u32 $0xFFFF, v0;
	v0 =	vshrl.u32 v0, $0x10  }
0x202: {  	[tilespmem:$0x2910] =	vst v1  }
0x203: {  	[tilespmem:$0x2930] =	vst v0  }
0x204: {  	_ =	swait.ge [sflag:s10], $0x2000  }
0x205: {  	[sflag:s10] =	ssyncset.done $0x0  }
0x206: {  	[sflag:s10] =	ssyncadd.s32 $0xFFFFE000  }
0x207: {  	[tilespmem:s24], [sflag:$0x3] =	stream.indirect.gather [hbm4b:s8+s18], $0x80, s23, s18, $0xb8;
	[tilespmem:$0x1E4C0] =	vst v63  }
0x208: {  	v0 =	vld [tilespmem:s2+$0x20];
	_ =	sdelay $0x3  }
0x209: {  	s15 =	smin.u32 s15, $0x98  }
0x20a: {  	s15 =	sshll.u32 s15, $0x5;
	v1 =	vand.u32 $0xFFFF, v0;
	v0 =	vshrl.u32 v0, $0x10  }
0x20b: {  	s17 =	sadd.s32 $0xE0, s15;
	[tilespmem:$0x2B80] =	vst v1  }
0x20c: {  	[tilespmem:$0x2BA0] =	vst v0  }
0x20d: {  	v0 =	vld [tilespmem:s2+$0x30];
	_ =	sdelay $0x3  }
0x20e: {  	s17 =	sor.u32 $0x70, s17  }
0x20f: {  	v1 =	vand.u32 $0xFFFF, v0;
	v0 =	vshrl.u32 v0, $0x10  }
0x210: {  	[tilespmem:$0x2B90] =	vst v1  }
0x211: {  	[tilespmem:$0x2BB0] =	vst v0  }
.Ltmp1:
0x212: {  	_ =	swait.ge [sflag:s13], $0x2000;
	(pc) =	sbr.rel @p1 .LBB2_4-.Ltmp1, $4  }
0x213: {  	[sflag:s13] =	ssyncset.done $0x0  }
0x214: {  	[sflag:s13] =	ssyncadd.s32 $0xFFFFE000  }
0x215: {  	[spmem:s1] =	stream.indirect.scatter.add.f32 [tilespmem:s26], [sflag:$0x8], $0x80, s16, s18, $0xb8;
	[tilespmem:$0x1E4C0] =	vst v63  }
0x216: {  	v0 =	vld [tilespmem:s15+$0xE0]  }
0x217: {  	_ =	sdelay $0x3  }
0x218: {  	v1 =	vand.u32 $0xFFFF, v0  }
0x219: {  	v62 =	vshrl.u32 v0, $0x10;
	[tilespmem:$0x2980] =	vst v1  }
0x21a: {  	[tilespmem:$0x29A0] =	vst v62  }
0x21b: {  	v0 =	vld [tilespmem:s17+$0x0];
	_ =	sdelay $0x4  }
0x21c: {  	v63 =	vand.u32 $0xFFFF, v0  }
0x21d: {  	v0 =	vshrl.u32 v0, $0x10;
	[tilespmem:$0x2990] =	vst v63  }
0x21e: {  	[tilespmem:$0x29B0] =	vst v0  }
0x21f: {  	_ =	swait.ge [sflag:s7], $0x2000  }
0x220: {  	[sflag:s7] =	ssyncset.done $0x0  }
0x221: {  	[sflag:s7] =	ssyncadd.s32 $0xFFFFE000  }
0x222: {  	[tilespmem:s26], [sflag:$0x4] =	stream.indirect.gather [hbm4b:s8+s18], $0x80, s25, s18, $0xb8;
	[tilespmem:$0x1E4C0] =	vst v63  }
0x223: {  	_ =	swait.ge [sflag:s28], $0x2000  }
0x224: {  	[sflag:s28] =	ssyncset.done $0x0  }
0x225: {  	[sflag:s28] =	ssyncadd.s32 $0xFFFFE000  }
0x226: {  	_ =	swait.ge [sflag:s31], $0x2000  }
0x227: {  	[sflag:s31] =	ssyncset.done $0x0  }
0x228: {  	[sflag:s31] =	ssyncadd.s32 $0xFFFFE000  }
0x229: {  	_ =	swait.ge [sflag:s4], $0x2000  }
0x22a: {  	[sflag:s4] =	ssyncset.done $0x0  }
0x22b: {  	[sflag:s4] =	ssyncadd.s32 $0xFFFFE000  }
0x22c: {  	_ =	swait.ge [sflag:s13], $0x2000  }
0x22d: {  	[sflag:s13] =	ssyncset.done $0x0  }
0x22e: {  	[sflag:s13] =	ssyncadd.s32 $0xFFFFE000  }
0x22f: {  	[bflag:$0x0] =	sbarrier.arrive $0xFFFF  }
0x230: {  	s2 =	rddreg [dreg:$0x3]  }
0x231: {  	s3 =	rddreg [dreg:$0x7]  }
0x232: {  	s17 =	rddreg [dreg:$0xa];
	s2 =	sadd.s32 s2, s3  }
0x233: {  	[hbm:s2], [sflag:s14] =	dma.local [spmem:s17], $0x2700  }
0x234: {  	_ =	swait.ge [sflag:s11], $0x2700  }
0x235: {  	[sflag:s11] =	ssyncset.done $0x0  }
0x236: {  	s2 =	sadd.s32 @!p0 $0x27000, s3;
	s3 =	rddreg [dreg:$0xc];
	[sflag:s11] =	ssyncadd.s32 $0xFFFFD900  }
0x237: {  	[hbm:s2], [sflag:s14] =	dma.local @!p0 [spmem:s3], $0x100  }
0x238: {  	s2 =	simm.s32 @!p0 $0x9  }
0x239: {  	_ =	swait.ge @!p0 [sflag:s2], $0x100  }
0x23a: {  	s9 =	rddreg [dreg:$0xd]  }
0x23b: {  	s15 =	rddreg [dreg:$0x8];
	s9 =	sadd.s32 $0x1, s9  }
0x23c: {  	p1 =	sne.s32 s9, s15  }
.Ltmp2:
0x23d: {  	_ = 	snop;
	(pc) =	sbr.rel @p1 .LBB2_1-.Ltmp2, $3  }
0x23e: {  	[sflag:s2] =	ssyncset.done @!p0 $0x0  }
0x23f: {  	[sflag:s2] =	ssyncadd.s32 @!p0 $0xFFFFFF00  }
0x240: {  	[bflag:$0x0] =	sbarrier.arrive $0xFFFF;
	_ =	sdelay $0x1  }
0x241: {  	_ =	sfence.sel $0x180000  }
0x242: {  	[bflag:$0x0] =	sbarrier.arrive $0xFFFF  }
0x243: {  	_ =	strace $0x9000004D  }
0x244: {  	[bflag:$0x2] =	sbarrier.arrive $0xFFFF  }
0x245: {  	s0 =	rddreg [dreg:$0x2]  }
0x246: {  	s0 =	sadd.s32 @!p0 $0x100000, s0  }
0x247: {  	[sflag:s0] =	ssyncadd.tile.s32 @!p0 $0x1;
	_ =	shalt  }
.Lfunc_end2:
_tile_overlayer_lowered:
.L_overlay_start_2:
0x248: {  	(tag) =	ssettag $0x2  }
0x249: {  	s0 =	rddreg [dreg:$0x0];
	s2 =	stileid.u32  }
0x24a: {  	s1 =	rddreg [dreg:$0x1];
	p0 =	sne.s32 s2, $0x0  }
0x24b: {  	s3 =	rddreg [dreg:$0x2];
	[bflag:$0x3] =	sbarrier.arrive $0xFFFF;
	s2 =	simm.s32 @!p0 $0x1C09  }
0x24c: {  	[timem:s3], [sflag:s2] =	dma.local @!p0 [hbm:s0], s1  }
0x24d: {  	s0 =	simm.s32 @!p0 $0x9  }
0x24e: {  	_ =	swait.ge @!p0 [sflag:s0], s1  }
0x24f: {  	s1 =	ssub.s32 @!p0 $0x0, s1;
	[sflag:s0] =	ssyncset.done @!p0 $0x0  }
0x250: {  	[sflag:s0] =	ssyncadd.s32 @!p0 s1  }
0x251: {  	[bflag:$0x3] =	sbarrier.arrive $0xFFFF  }
0x252: {  	_ =	shalt  }

// kernel: kernel.8.cloned.1.call-start
scs
__scs_entry_jumppad:
0x0: {  	(pc) =	sbr.rel $0x88, $3  }
0x1: {  	(tag) =	ssettag $0x0;
	lr =	simm.s32 $0x1  }
0x2: {  	[smem:$0x3F98] =	sst lr;
	_ =	strace $0xD0000000  }
0x3: {  	_ = 	snop  }
0x4: {  	_ = 	snop  }
0x5: {  	_ = 	snop  }
0x6: {  	_ = 	snop  }
0x7: {  	_ = 	snop  }
__scs_overlays_trampoline_lowered:
0x8: {  	[smem:$0x3FA7] =	sst s0  }
0x9: {  	[smem:$0x3FA8] =	sst s1  }
0xa: {  	[smem:$0x3FA9] =	sst s2  }
0xb: {  	[smem:$0x3FAA] =	sst s3  }
0xc: {  	[smem:$0x3FAB] =	sst s4  }
0xd: {  	[smem:$0x3FAC] =	sst s5  }
0xe: {  	[smem:$0x3FAD] =	sst s6  }
0xf: {  	[smem:$0x3FAE] =	sst s7  }
0x10: {  	[smem:$0x3FAF] =	sst s8  }
0x11: {  	[smem:$0x3FB0] =	sst s9;
	s0 =	simm.s32 @!p0 $0x0  }
0x12: {  	s1 =	sld [smem:$0x3F96];
	s0 =	simm.s32 @p0 $0x1  }
0x13: {  	[smem:$0x3FB1] =	sst s0;
	s0 =	simm.s32 @!p1 $0x0  }
0x14: {  	s2 =	sld [smem:$0x3F95];
	s0 =	simm.s32 @p1 $0x1  }
0x15: {  	[smem:$0x3FB2] =	sst s0;
	s0 =	simm.s32 @!p2 $0x0  }
0x16: {  	s3 =	sld [smem:$0x3FDB];
	s0 =	simm.s32 @p2 $0x1  }
0x17: {  	s4 =	simm.s32 $0x1BF5;
	[smem:$0x3FB4] =	sst s0  }
0x18: {  	s0 =	sld [smem:$0x3F97];
	_ =	swait.ge [sflag:s4], $0x0  }
0x19: {  	s7 =	sld [smem:$0x3F98]  }
0x1a: {  	s8 =	sadd.s32 $0xFFFFE003, lr  }
0x1b: {  	s9 =	sadd.s32 $0xFFFFFEF7, lr;
	s5 =	simm.s32 $0xFFFFFFFF;
	p2 =	slt.u32 s8, $0xFFFFF086  }
0x1c: {  	p1 =	slt.u32 s9, $0xF7A;
	s5 =	simm.s32 @!p2 $0x0  }
0x1d: {  	s5 =	simm.s32 @p1 $0x1;
	p0 =	seq.s32 s7, s2  }
0x1e: {  	s7 =	smul.u32 @!p0 $0xF7A, s2;
	p2 =	seq.s32 @!p0 s5, $0x0  }
0x1f: {  	s9 =	smul.u32 $0xF7A, s1;
	s8 =	simm.s32 @!p0 $0x1BF5;
	p2 =	por !p2, p0  }
0x20: {  	[sflag:s8] =	ssyncset.s32 @!p0 $0xFFFFF086;
	s6 =	sadd.s32 @!p0 s3, s7;
	s7 =	simm.s32 @!p0 $0x108  }
0x21: {  	s3 =	sadd.s32 s3, s9;
	s6 =	sadd.s32 @!p0 $0x88, s6;
	s7 =	simm.s32 @p2 $0x1082  }
0x22: {  	[simem:s7], [sflag:s8] =	dma.local @!p0 [hbm:s6], $0xF7A  }
0x23: {  	s9 =	sor.u32 $0xD0000000, s2;
	s6 =	simm.s32 $0x108;
	_ =	swait.ge @!p0 [sflag:s8], $0x0  }
0x24: {  	s3 =	sadd.s32 $0x88, s3;
	s6 =	simm.s32 @!p1 $0x1082;
	[sflag:s4] =	ssyncset.s32 $0xFFFFF086  }
0x25: {  	[simem:s6], [sflag:s4] =	dma.local [hbm:s3], $0xF7A  }
0x26: {  	[smem:$0x3F98] =	sst s1;
	(tag) =	ssettag s2;
	_ =	strace s9  }
0x27: {  	s1 =	sld [smem:$0x3FA8]  }
0x28: {  	s2 =	sld [smem:$0x3FA9]  }
0x29: {  	s4 =	sld [smem:$0x3FAB]  }
0x2a: {  	p0 =	seq.s32 s5, $0x0;
	s5 =	sld [smem:$0x3FAC]  }
0x2b: {  	s6 =	sld [smem:$0x3FAD]  }
0x2c: {  	s7 =	sld [smem:$0x3FAE]  }
0x2d: {  	s3 =	simm.s32 $0x108;
	s8 =	sld [smem:$0x3FAF]  }
0x2e: {  	s3 =	simm.s32 @!p0 $0x1082;
	s9 =	sld [smem:$0x3FB0]  }
0x2f: {  	lr =	sadd.s32 s0, s3;
	s0 =	sld [smem:$0x3FA7]  }
0x30: {  	s3 =	sld [smem:$0x3FAA]  }
0x31: {  	[smem:$0x3FB3] =	sst s10  }
0x32: {  	s10 =	sld [smem:$0x3FB1];
	_ =	sdelay $0x3  }
0x33: {  	p0 =	seq.s32 s10, $0x1;
	s10 =	sld [smem:$0x3FB3];
	_ =	sdelay $0x3  }
0x34: {  	[smem:$0x3FB3] =	sst s10  }
0x35: {  	s10 =	sld [smem:$0x3FB2];
	_ =	sdelay $0x3  }
0x36: {  	p1 =	seq.s32 s10, $0x1;
	s10 =	sld [smem:$0x3FB3];
	_ =	sdelay $0x3  }
0x37: {  	[smem:$0x3FB3] =	sst s10  }
0x38: {  	s10 =	sld [smem:$0x3FB4]  }
0x39: {  	_ = 	snop;
	(pc) =	sbr.ind lr, $3  }
0x3a: {  	_ = 	snop  }
0x3b: {  	_ = 	snop  }
0x3c: {  	p2 =	seq.s32 s10, $0x1;
	s10 =	sld [smem:$0x3FB3]  }
0x3d: {  	_ =	shalt  }
0x3e: {  	_ =	shalt  }
0x3f: {  	_ =	shalt  }
0x40: {  	_ =	shalt  }
0x41: {  	_ =	shalt  }
0x42: {  	_ =	shalt  }
0x43: {  	_ =	shalt  }
0x44: {  	_ =	shalt  }
0x45: {  	_ =	shalt  }
0x46: {  	_ =	shalt  }
0x47: {  	_ =	shalt  }
0x48: {  	_ =	shalt  }
0x49: {  	_ =	shalt  }
0x4a: {  	_ =	shalt  }
0x4b: {  	_ =	shalt  }
0x4c: {  	_ =	shalt  }
0x4d: {  	_ =	shalt  }
0x4e: {  	_ =	shalt  }
0x4f: {  	_ =	shalt  }
0x50: {  	_ =	shalt  }
0x51: {  	_ =	shalt  }
0x52: {  	_ =	shalt  }
0x53: {  	_ =	shalt  }
0x54: {  	_ =	shalt  }
0x55: {  	_ =	shalt  }
0x56: {  	_ =	shalt  }
0x57: {  	_ =	shalt  }
0x58: {  	_ =	shalt  }
0x59: {  	_ =	shalt  }
0x5a: {  	_ =	shalt  }
0x5b: {  	_ =	shalt  }
0x5c: {  	_ =	shalt  }
0x5d: {  	_ =	shalt  }
0x5e: {  	_ =	shalt  }
0x5f: {  	_ =	shalt  }
0x60: {  	_ =	shalt  }
0x61: {  	_ =	shalt  }
0x62: {  	_ =	shalt  }
0x63: {  	_ =	shalt  }
0x64: {  	_ =	shalt  }
0x65: {  	_ =	shalt  }
0x66: {  	_ =	shalt  }
0x67: {  	_ =	shalt  }
0x68: {  	_ =	shalt  }
0x69: {  	_ =	shalt  }
0x6a: {  	_ =	shalt  }
0x6b: {  	_ =	shalt  }
0x6c: {  	_ =	shalt  }
0x6d: {  	_ =	shalt  }
0x6e: {  	_ =	shalt  }
0x6f: {  	_ =	shalt  }
0x70: {  	_ =	shalt  }
0x71: {  	_ =	shalt  }
0x72: {  	_ =	shalt  }
0x73: {  	_ =	shalt  }
0x74: {  	_ =	shalt  }
0x75: {  	_ =	shalt  }
0x76: {  	_ =	shalt  }
0x77: {  	_ =	shalt  }
0x78: {  	_ =	shalt  }
0x79: {  	_ =	shalt  }
0x7a: {  	_ =	shalt  }
0x7b: {  	_ =	shalt  }
0x7c: {  	_ =	shalt  }
0x7d: {  	_ =	shalt  }
0x7e: {  	_ =	shalt  }
0x7f: {  	_ =	shalt  }
0x80: {  	_ =	shalt  }
0x81: {  	_ =	shalt  }
0x82: {  	_ =	shalt  }
0x83: {  	_ =	shalt  }
0x84: {  	_ =	shalt  }
0x85: {  	_ =	shalt  }
0x86: {  	_ =	shalt  }
0x87: {  	_ =	shalt  }
.Lfunc_end0:
.L_simem_size_0:
called_computation_lowered:
.L_overlay_start_0:
0x88: {  	s2 =	sld [smem:$0x3FD9]  }
0x89: {  	s3 =	sld [smem:$0x3FFE];
	_ =	sdelay $0x1  }
0x8a: {  	s1 =	srdreg.scid  }
0x8b: {  	s0 =	sand.u32 $0x1, s1  }
0x8c: {  	s17 =	sshll.u32 s0, $0xA;
	s2 =	sadd.s32 s3, s2  }
0x8d: {  	s2 =	sadd.s32 s2, s17  }
0x8e: {  	[smem:$0x3FBF] =	sst s2  }
0x8f: {  	_ = 	snop  }
0x90: {  	s2 =	sld [smem:$0x3FD0];
	(tm) =	ssettm $0x1  }
0x91: {  	s18 =	sld [smem:$0x3FFB];
	_ =	sdelay $0x3  }
0x92: {  	_ =	strace s18  }
0x93: {  	s3 =	sld [smem:$0x3FFC];
	_ =	sdelay $0x3  }
0x94: {  	_ =	strace s3  }
0x95: {  	s3 =	sld [smem:$0x3FFD];
	_ =	sdelay $0x3  }
0x96: {  	_ =	strace s3  }
0x97: {  	_ =	strace $0x8FFFFFFF  }
0x98: {  	s19 =	sld [smem:$0x3FDB];
	_ =	sdelay $0x1  }
0x99: {  	s4 =	simm.s32 $_scs_section_size  }
0x9a: {  	s5 =	simm.s32 $_size__tile_overlayer_lowered;
	s6 =	simm.s32 $_tile_overlayer_lowered  }
0x9b: {  	s22 =	simm.s32 $0x1BFF;
	s21 =	sshll.u32 s6, $0x1;
	s3 =	sadd.s32 s4, s19  }
0x9c: {  	s7 =	simm.s32 $0x0;
	s20 =	sshll.u32 s5, $0x1;
	s5 =	sadd.s32 s21, s3  }
0x9d: {  	[timem:s7], [sflag:s22] =	dma.local [hbm:s5], s20  }
0x9e: {  	_ =	swait.ge [sflag:s22], s20  }
0x9f: {  	s4 =	ssub.s32 $0x0, s20;
	[sflag:s22] =	ssyncset.done $0x0  }
0xa0: {  	[sflag:s22] =	ssyncadd.s32 s4;
	_ =	sdelay $0x1  }
0xa1: {  	s23 =	simm.s32 $0x1B8B  }
0xa2: {  	_ =	swait.ge [sflag:s23], $0x1  }
0xa3: {  	[sflag:s23] =	ssyncset.done $0x0  }
0xa4: {  	s25 =	simm.s32 $0x1B8E;
	s24 =	sld [smem:$0x3FFE];
	[sflag:s23] =	ssyncadd.s32 $0xFFFFFFFF  }
0xa5: {  	s26 =	simm.s32 $execute0_lowered;
	[smem:$0x3FD2] =	sst s25  }
0xa6: {  	s5 =	sshll.u32 s26, $0x1;
	_ =	strace $0x80000046;
	[dreg:$0x1] =	wrdreg $0xFFFFFFFF  }
0xa7: {  	s28 =	simm.s32 $_size_execute0_lowered;
	s3 =	sadd.s32 s3, s5;
	[dreg:$0x0] =	wrdreg $0x0  }
0xa8: {  	s5 =	sshll.u32 s28, $0x1;
	[dreg:$0x2] =	wrdreg s3  }
0xa9: {  	[dreg:$0x3] =	wrdreg s5  }
0xaa: {  	[dreg:$0x4] =	wrdreg $0xC0  }
0xab: {  	_ =	task [dreg:s7], $0x5FFFF  }
0xac: {  	[dreg:$0x1] =	wrdreg $0xFFFFFFFF  }
0xad: {  	[dreg:$0x0] =	wrdreg $0x60  }
0xae: {  	[dreg:$0x2] =	wrdreg s24  }
0xaf: {  	[dreg:$0x3] =	wrdreg s2  }
0xb0: {  	[dreg:$0x4] =	wrdreg $0x1000  }
0xb1: {  	[dreg:$0x5] =	wrdreg $0x9  }
0xb2: {  	_ =	task.clear_ibuf [dreg:s7], $0x6FFFF;
	_ =	strace $0x90000046  }
0xb3: {  	s29 =	simm.s32 $0x9;
	_ =	strace $0x80000048  }
0xb4: {  	_ =	swait.ge [sflag:s29], $0x1  }
0xb5: {  	[sflag:s29] =	ssyncadd.s32 $0xFFFFFFFF  }
0xb6: {  	_ =	strace $0x90000048  }
0xb7: {  	_ =	sfence  }
0xb8: {  	s30 =	sld [smem:$0x0];
	_ =	sdelay $0x2  }
0xb9: {  	s31 =	sshll.u32 s1, $0xD;
	s1 =	sshrl.u32 s1, $0x2  }
0xba: {  	s3 =	sand.u32 $0x4000, s31;
	s1 =	sadd.s32 s1, s30  }
0xbb: {  	s0 =	sor.u32 s3, s0;
	s1 =	sshll.u32 s1, $0x11  }
0xbc: {  	s0 =	sor.u32 s1, s0  }
0xbd: {  	s0 =	sadd.s32 $0x8F2B, s0  }
0xbe: {  	[sflag:s0] =	ssyncadd.remote.s32 $0x1  }
0xbf: {  	_ =	sfence.sel $0xFFFF  }
0xc0: {  	[dreg:$0x0] =	wrdreg $0xFFFFFFFF;
	(pc) =	sbr.abs _section_cstart, $3  }
0xc1: {  	[dreg:$0x1] =	wrdreg $0xFFFFFFFF  }
0xc2: {  	_ =	task.clear_ibuf [dreg:s7], $0x2FFFF;
	_ =	strace $0x9FFFFFFF  }
0xc3: {  	(tm) =	ssettm $0x7FFFFFFF  }
tec
execute0_lowered:
.L_overlay_start_1:
0x0: {  	(tag) =	ssettag $0x1  }
0x1: {  	s5 =	rddreg [dreg:$0x0]  }
0x2: {  	s1 =	rddreg [dreg:$0x1]  }
0x3: {  	s2 =	rddreg [dreg:$0x2]  }
0x4: {  	s0 =	rddreg [dreg:$0x3]  }
0x5: {  	s3 =	simm.s32 $0x0;
	s4 =	srdreg.scid;
	s8 =	stileid.u32  }
0x6: {  	[smem:$0x7FF] =	sst s3;
	s4 =	sand.u32 $0x1, s4;
	s11 =	smul.u32 $0x280, s8  }
0x7: {  	p0 =	sne.s32 s8, $0x0;
	_ =	strace $0x80000047;
	s6 =	smul.u32 $0x2800, s4  }
0x8: {  	s7 =	smul.u32 $0x4F0, s4;
	s9 =	ssub.s32 $0x2, s4;
	s4 =	sadd.s32 $0x6600, s5  }
0x9: {  	s8 =	sshrl.u32 @!p0 s2, $0x3;
	s10 =	sshrl.u32 s9, $0x1;
	s6 =	sadd.s32 s6, s5  }
0xa: {  	s5 =	sadd.s32 s7, s5;
	s30 =	ssub.s32 s9, s10;
	s9 =	simm.s32 $0x80  }
0xb: {  	s10 =	simm.s32 $0x1;
	s5 =	sadd.s32 $0x6C00, s5;
	s31 =	sadd.s32 s11, s6  }
0xc: {  	s6 =	smax.u32 s30, $0x1;
	s11 =	simm.s32 $0x0;
	s7 =	sadd.s32 $0x1600, s31  }
.LBB2_1:
0xd: {  	s12 =	simm.s32 @!p0 $0x1C01  }
0xe: {  	[spmem:s8], [sflag:s12] =	dma.local @!p0 [hbm:s4], $0x4F0  }
0xf: {  	s12 =	simm.s32 @!p0 $0x1  }
0x10: {  	_ =	swait.ge @!p0 [sflag:s12], $0x4F0  }
0x11: {  	[sflag:s12] =	ssyncset.done @!p0 $0x0  }
0x12: {  	[sflag:s12] =	ssyncadd.s32 @!p0 $0xFFFFFB10  }
0x13: {  	[tilespmem:s9], [sflag:$0x1] =	stream.linear.gather [hbm4b:s1+s3], $0x80, $0x38;
	[tilespmem:$0x378] =	vst v63  }
0x14: {  	_ =	swait.ge [sflag:s10], $0x80  }
0x15: {  	[sflag:s10] =	ssyncset.done $0x0  }
0x16: {  	[sflag:s10] =	ssyncadd.s32 $0xFFFFFF80  }
0x17: {  	s31 =	sadd.s32 $0x0, s7;
	[bflag:$0x0] =	sbarrier.arrive $0xFFFF  }
0x18: {  	[tilespmem:s3], [sflag:$0x1] =	stream.linear.gather [hbm4b:s31+s3], $0x80, $0x38;
	[tilespmem:$0x378] =	vst v63  }
0x19: {  	_ =	swait.ge [sflag:s10], $0x80  }
0x1a: {  	[sflag:s10] =	ssyncset.done $0x0  }
0x1b: {  	[sflag:s10] =	ssyncadd.s32 $0xFFFFFF80  }
0x1c: {  	[spmem:s2] =	stream.indirect.scatter.add.f32 [tilespmem:s9], [sflag:$0x1], $0x1, s3, s9, $0xb8;
	[tilespmem:$0x378] =	vst v63  }
0x1d: {  	_ =	swait.ge [sflag:s10], $0x80  }
0x1e: {  	s13 =	simm.s32 $0x20;
	s12 =	simm.s32 $0x10;
	[sflag:s10] =	ssyncset.done $0x0  }
.LBB2_2:
0x1f: {  	s14 =	sadd.s32 s12, s7  }
0x20: {  	[sflag:s10] =	ssyncadd.s32 $0xFFFFFF80;
	s12 =	smov.u32 s13;
	s15 =	sadd.s32 $0x10, s13  }
0x21: {  	[tilespmem:s3], [sflag:$0x1] =	stream.linear.gather [hbm4b:s14+s3], $0x80, $0x38;
	[tilespmem:$0x378] =	vst v63  }
0x22: {  	p1 =	sne.s32 s13, $0x270;
	_ =	swait.ge [sflag:s10], $0x80  }
.Ltmp0:
0x23: {  	[sflag:s10] =	ssyncset.done $0x0;
	(pc) =	sbr.rel @p1 .LBB2_2-.Ltmp0, $4  }
0x24: {  	[sflag:s10] =	ssyncadd.s32 $0xFFFFFF80  }
0x25: {  	[spmem:s2] =	stream.indirect.scatter.add.f32 [tilespmem:s9], [sflag:$0x1], $0x1, s3, s9, $0xb8;
	[tilespmem:$0x378] =	vst v63  }
0x26: {  	_ =	swait.ge [sflag:s10], $0x80  }
0x27: {  	s13 =	smov.u32 s15;
	[sflag:s10] =	ssyncset.done $0x0  }
0x28: {  	s12 =	sadd.s32 s12, s7;
	[sflag:s10] =	ssyncadd.s32 $0xFFFFFF80  }
0x29: {  	[tilespmem:s3], [sflag:$0x1] =	stream.linear.gather [hbm4b:s12+s3], $0x80, $0x38;
	[tilespmem:$0x378] =	vst v63  }
0x2a: {  	_ =	swait.ge [sflag:s10], $0x80  }
0x2b: {  	[sflag:s10] =	ssyncset.done $0x0  }
0x2c: {  	[sflag:s10] =	ssyncadd.s32 $0xFFFFFF80  }
0x2d: {  	[spmem:s2] =	stream.indirect.scatter.add.f32 [tilespmem:s9], [sflag:$0x1], $0x1, s3, s9, $0xb8;
	[tilespmem:$0x378] =	vst v63  }
0x2e: {  	_ =	swait.ge [sflag:s10], $0x80  }
0x2f: {  	[sflag:s10] =	ssyncset.done $0x0  }
0x30: {  	s11 =	sadd.s32 $0x1, s11;
	[sflag:s10] =	ssyncadd.s32 $0xFFFFFF80  }
0x31: {  	s12 =	simm.s32 @!p0 $0x1C01;
	p1 =	sne.s32 s11, s6;
	[bflag:$0x0] =	sbarrier.arrive $0xFFFF  }
0x32: {  	[hbm:s5], [sflag:s12] =	dma.local @!p0 [spmem:s8], $0x4F0  }
.Ltmp1:
0x33: {  	_ = 	snop;
	(pc) =	sbr.rel @p1 .LBB2_1-.Ltmp1, $4  }
0x34: {  	s12 =	simm.s32 @!p0 $0x1  }
0x35: {  	_ =	swait.ge @!p0 [sflag:s12], $0x4F0  }
0x36: {  	[sflag:s12] =	ssyncset.done @!p0 $0x0  }
0x37: {  	[sflag:s12] =	ssyncadd.s32 @!p0 $0xFFFFFB10  }
0x38: {  	_ =	sfence.sel $0x180000  }
0x39: {  	[bflag:$0x0] =	sbarrier.arrive $0xFFFF  }
0x3a: {  	_ =	strace $0x90000047  }
0x3b: {  	s0 =	sadd.s32 @!p0 $0x100000, s0;
	[bflag:$0x2] =	sbarrier.arrive $0xFFFF  }
0x3c: {  	[sflag:s0] =	ssyncadd.tile.s32 @!p0 $0x1;
	_ =	shalt  }
.Lfunc_end2:
_tile_overlayer_lowered:
.L_overlay_start_2:
0x3d: {  	(tag) =	ssettag $0x2  }
0x3e: {  	s0 =	rddreg [dreg:$0x0];
	s2 =	stileid.u32  }
0x3f: {  	s1 =	rddreg [dreg:$0x1];
	p0 =	sne.s32 s2, $0x0  }
0x40: {  	s3 =	rddreg [dreg:$0x2];
	[bflag:$0x3] =	sbarrier.arrive $0xFFFF;
	s2 =	simm.s32 @!p0 $0x1C01  }
0x41: {  	[timem:s3], [sflag:s2] =	dma.local @!p0 [hbm:s0], s1  }
0x42: {  	s0 =	simm.s32 @!p0 $0x1  }
0x43: {  	_ =	swait.ge @!p0 [sflag:s0], s1  }
0x44: {  	s1 =	ssub.s32 @!p0 $0x0, s1;
	[sflag:s0] =	ssyncset.done @!p0 $0x0  }
0x45: {  	[sflag:s0] =	ssyncadd.s32 @!p0 s1  }
0x46: {  	[bflag:$0x3] =	sbarrier.arrive $0xFFFF  }
0x47: {  	_ =	shalt  }

</sc_bundles>
